<compile_context>
chip_gen: v7x
topology: tpu7x:2x2x1
jax: 0.10.2.dev20260603
libtpu: 0.0.44.dev20260713+nightly
codegen_flags: <defaults>
</compile_context>

<pallas_src>
import functools

import jax
import jax.numpy as jnp
from jax import lax
from jax.experimental import pallas as pl
from jax.experimental.pallas import tpu as pltpu
from jax.experimental.pallas import tpu_sc as plsc

N_NODES = 10000
N_EDGES = 320000
IN_DIM = 128
HID_DIM = 256
OUT_DIM = 128
NUM_GRAPHS = 64

NC = 2
NS = 16

E_PER_TILE = 10240
E_PAD = E_PER_TILE * NC * NS
CHUNK = 256
IR = CHUNK // 128
N_CHUNKS = E_PER_TILE // CHUNK
N_ACC = 10240
ROWS_PER_TILE = N_ACC // NS
FW = 128
NBUF = 4
AHEAD = 2

ROW_TILE = 1000
GRID = N_NODES // ROW_TILE

_HIGH = lax.Precision.HIGHEST


def _sc_degree(dst3, e016, zero16):
    mesh = plsc.VectorSubcoreMesh(core_axis_name="c", subcore_axis_name="s")

    @functools.partial(
        pl.kernel,
        mesh=mesh,
        compiler_params=pltpu.CompilerParams(use_tc_tiling_on_sc=False),
        out_type=jax.ShapeDtypeStruct((NC, N_ACC, 16), jnp.float32),
        scratch_types=[
            pltpu.VMEM((E_PER_TILE,), jnp.int32),
            pltpu.VMEM((CHUNK, 16), jnp.float32),
            pltpu.VMEM_SHARED((N_ACC, 16), jnp.float32),
            pltpu.SemaphoreType.DMA,
        ],
    )
    def body(dst_hbm, e0_hbm, z_hbm, out_hbm, dst_v, val, acc, sem):
        c = lax.axis_index("c")
        s = lax.axis_index("s")
        t = c * NS + s

        base = s * ROWS_PER_TILE
        pltpu.sync_copy(z_hbm, val)

        @pl.loop(0, ROWS_PER_TILE // 128)
        def _(j):
            pltpu.sync_copy(val.at[pl.ds(0, 128)],
                            acc.at[pl.ds(base + j * 128, 128)])

        pltpu.sync_copy(e0_hbm, val)
        pltpu.sync_copy(dst_hbm.at[pl.ds(t * E_PER_TILE, E_PER_TILE)], dst_v)
        plsc.subcore_barrier()

        @pl.loop(0, N_CHUNKS)
        def _(i):
            pltpu.async_copy(val, acc.at[dst_v.at[pl.ds(i * CHUNK, CHUNK)]],
                             sem, add=True)

        @pl.loop(0, N_CHUNKS)
        def _(i):
            pltpu.make_async_copy(
                val, acc.at[dst_v.at[pl.ds(i * CHUNK, CHUNK)]], sem).wait()

        plsc.subcore_barrier()

        @pl.loop(0, ROWS_PER_TILE // 128)
        def _(j):
            off = base + j * 128
            pltpu.sync_copy(acc.at[pl.ds(off, 128)], val.at[pl.ds(0, 128)])
            pltpu.sync_copy(val.at[pl.ds(0, 128)],
                            out_hbm.at[c, pl.ds(off, 128)])

    return body(dst3, e016, zero16)


def _sc_edge_pass(g, src2, dst3, zeroF):
    mesh = plsc.VectorSubcoreMesh(core_axis_name="c", subcore_axis_name="s")

    @functools.partial(
        pl.kernel,
        mesh=mesh,
        compiler_params=pltpu.CompilerParams(use_tc_tiling_on_sc=False),
        out_type=jax.ShapeDtypeStruct((NC, N_ACC, FW), jnp.bfloat16),
        scratch_types=[
            pltpu.VMEM((E_PER_TILE,), jnp.int32),
            pltpu.VMEM((E_PER_TILE,), jnp.int32),
            [pltpu.VMEM((CHUNK, FW), jnp.bfloat16) for _ in range(NBUF)],
            [pltpu.SemaphoreType.DMA for _ in range(NBUF)],
            [pltpu.SemaphoreType.DMA for _ in range(NBUF)],
            pltpu.VMEM_SHARED((N_ACC, FW), jnp.bfloat16),
        ],
    )
    def body(g_hbm, src_hbm, dst_hbm, z_hbm, out_hbm,
             src_v, dst_v, rows, sem_g, sem_s, acc):
        c = lax.axis_index("c")
        s = lax.axis_index("s")
        t = c * NS + s

        pltpu.sync_copy(z_hbm, rows[0])
        base = s * ROWS_PER_TILE

        @pl.loop(0, ROWS_PER_TILE // 128)
        def _(j):
            pltpu.sync_copy(rows[0].at[pl.ds(0, 128)],
                            acc.at[pl.ds(base + j * 128, 128)])

        pltpu.sync_copy(src_hbm.at[pl.ds(t * E_PER_TILE, E_PER_TILE)], src_v)
        pltpu.sync_copy(dst_hbm.at[pl.ds(t * E_PER_TILE, E_PER_TILE)], dst_v)
        plsc.subcore_barrier()

        for b in range(AHEAD):
            pltpu.async_copy(g_hbm.at[src_v.at[pl.ds(b * CHUNK, CHUNK)]], rows[b], sem_g[b])

        @pl.loop(0, N_CHUNKS // NBUF)
        def _(o):
            for b in range(NBUF):
                i = o * NBUF + b
                j_b = (b + AHEAD) % NBUF

                def prefetch(i=i, b=b, j_b=j_b):
                    j = i + AHEAD

                    def drain():
                        pltpu.make_async_copy(
                            rows[j_b], acc.at[dst_v.at[pl.ds((j - NBUF) * CHUNK, CHUNK)]],
                            sem_s[j_b]).wait()

                    if b + AHEAD >= NBUF:
                        drain()
                    else:
                        @pl.when(o >= 1)
                        def _():
                            drain()
                    pltpu.async_copy(
                        g_hbm.at[src_v.at[pl.ds(j * CHUNK, CHUNK)]],
                        rows[j_b], sem_g[j_b])

                if b + AHEAD < NBUF:
                    prefetch()
                else:
                    @pl.when(o < N_CHUNKS // NBUF - 1)
                    def _():
                        prefetch()

                pltpu.make_async_copy(
                    g_hbm.at[src_v.at[pl.ds(i * CHUNK, CHUNK)]],
                    rows[b], sem_g[b]).wait()
                pltpu.async_copy(rows[b],
                                 acc.at[dst_v.at[pl.ds(i * CHUNK, CHUNK)]],
                                 sem_s[b], add=True)

        for k in range(NBUF):
            i = N_CHUNKS - NBUF + k
            pltpu.make_async_copy(
                rows[i % NBUF], acc.at[dst_v.at[pl.ds(i * CHUNK, CHUNK)]],
                sem_s[i % NBUF]).wait()

        plsc.subcore_barrier()

        @pl.loop(0, ROWS_PER_TILE // 128)
        def _(j):
            off = base + j * 128
            pltpu.sync_copy(acc.at[pl.ds(off, 128)], rows[0].at[pl.ds(0, 128)])
            pltpu.sync_copy(rows[0].at[pl.ds(0, 128)],
                            out_hbm.at[c, pl.ds(off, 128)])

    return body(g, src2, dst3, zeroF)


def _dot(a, b):
    return lax.dot_general(a, b, (((1,), (0,)), ((), ())),
                           precision=_HIGH, preferred_element_type=jnp.float32)


def _acc_spec():
    return pl.BlockSpec((NC, ROW_TILE, FW), lambda i: (0, i, 0))


def _full_spec():
    return pl.BlockSpec((ROW_TILE, FW), lambda i: (i, 0))


def _psum(p_ref):
    return (p_ref[0].astype(jnp.float32) + p_ref[1].astype(jnp.float32))


def _k_prep(degp, x):
    def body(degp_ref, x_ref, dinv_ref, g0_ref):
        deg = degp_ref[0, :, 0:1] + degp_ref[1, :, 0:1] + 1.0
        dinv = lax.rsqrt(deg)
        dinv_ref[...] = dinv
        g0_ref[...] = (dinv * x_ref[...]).astype(jnp.bfloat16)

    return pl.pallas_call(
        body,
        grid=(GRID,),
        in_specs=[
            pl.BlockSpec((NC, ROW_TILE, 16), lambda i: (0, i, 0)),
            pl.BlockSpec((ROW_TILE, IN_DIM), lambda i: (i, 0)),
        ],
        out_specs=[
            pl.BlockSpec((ROW_TILE, 1), lambda i: (i, 0)),
            _full_spec(),
        ],
        out_shape=[
            jax.ShapeDtypeStruct((N_NODES, 1), jnp.float32),
            jax.ShapeDtypeStruct((N_NODES, FW), jnp.bfloat16),
        ],
    )(degp, x)


def _k_layer1(p, x, dinv, W1, b1):
    def body(p_ref, x_ref, dinv_ref, W1_ref, b1_ref,
             h1_ref, g1a_ref, g1b_ref):
        dinv = dinv_ref[...]
        z = dinv * _psum(p_ref) + (dinv * dinv) * x_ref[...]
        h = jax.nn.relu(_dot(z, W1_ref[...]) + b1_ref[...])
        h1_ref[...] = h
        g1a_ref[...] = (dinv * h[:, :FW]).astype(jnp.bfloat16)
        g1b_ref[...] = (dinv * h[:, FW:]).astype(jnp.bfloat16)

    return pl.pallas_call(
        body,
        grid=(GRID,),
        in_specs=[
            _acc_spec(),
            pl.BlockSpec((ROW_TILE, IN_DIM), lambda i: (i, 0)),
            pl.BlockSpec((ROW_TILE, 1), lambda i: (i, 0)),
            pl.BlockSpec((IN_DIM, HID_DIM), lambda i: (0, 0)),
            pl.BlockSpec((1, HID_DIM), lambda i: (0, 0)),
        ],
        out_specs=[
            pl.BlockSpec((ROW_TILE, HID_DIM), lambda i: (i, 0)),
            _full_spec(),
            _full_spec(),
        ],
        out_shape=[
            jax.ShapeDtypeStruct((N_NODES, HID_DIM), jnp.float32),
            jax.ShapeDtypeStruct((N_NODES, FW), jnp.bfloat16),
            jax.ShapeDtypeStruct((N_NODES, FW), jnp.bfloat16),
        ],
    )(p, x, dinv, W1, b1)


def _k_layer23(qa, qb, h1, dinv, W2, b2, W3):
    def body(qa_ref, qb_ref, h1_ref, dinv_ref, W2_ref, b2_ref, W3_ref,
             m_ref, g2_ref):
        dinv = dinv_ref[...]
        d2 = dinv * dinv
        h1 = h1_ref[...]
        z0 = dinv * _psum(qa_ref) + d2 * h1[:, :FW]
        z1 = dinv * _psum(qb_ref) + d2 * h1[:, FW:]
        h2 = jax.nn.relu(_dot(z0, W2_ref[:FW, :]) + _dot(z1, W2_ref[FW:, :])
                         + b2_ref[...])
        m = _dot(h2, W3_ref[...])
        m_ref[...] = m
        g2_ref[...] = (dinv * m).astype(jnp.bfloat16)

    return pl.pallas_call(
        body,
        grid=(GRID,),
        in_specs=[
            _acc_spec(), _acc_spec(),
            pl.BlockSpec((ROW_TILE, HID_DIM), lambda i: (i, 0)),
            pl.BlockSpec((ROW_TILE, 1), lambda i: (i, 0)),
            pl.BlockSpec((HID_DIM, HID_DIM), lambda i: (0, 0)),
            pl.BlockSpec((1, HID_DIM), lambda i: (0, 0)),
            pl.BlockSpec((HID_DIM, OUT_DIM), lambda i: (0, 0)),
        ],
        out_specs=[
            pl.BlockSpec((ROW_TILE, OUT_DIM), lambda i: (i, 0)),
            _full_spec(),
        ],
        out_shape=[
            jax.ShapeDtypeStruct((N_NODES, OUT_DIM), jnp.float32),
            jax.ShapeDtypeStruct((N_NODES, FW), jnp.bfloat16),
        ],
    )(qa, qb, h1, dinv, W2, b2, W3)


def _k_final(r, m, dinv, b3, batch2, We, be):
    def body(r_ref, m_ref, dinv_ref, b3_ref, batch_ref,
             We_ref, be_ref, h_ref, emb_ref, pool_acc, cnt_acc):
        i = pl.program_id(0)
        dinv = dinv_ref[...]
        h3 = dinv * _psum(r_ref) + (dinv * dinv) * m_ref[...] + b3_ref[...]
        h_ref[...] = h3

        seg = lax.broadcasted_iota(jnp.int32, (ROW_TILE, NUM_GRAPHS), 1)
        oh = (batch_ref[...] == seg).astype(jnp.float32)

        @pl.when(i == 0)
        def _():
            pool_acc[...] = jnp.zeros_like(pool_acc)
            cnt_acc[...] = jnp.zeros_like(cnt_acc)

        contract = (((0,), (0,)), ((), ()))
        pool_acc[...] += lax.dot_general(
            oh, h3, contract, precision=_HIGH,
            preferred_element_type=jnp.float32)
        cnt_acc[...] += lax.dot_general(
            oh, jnp.ones((ROW_TILE, OUT_DIM), jnp.float32), contract,
            precision=_HIGH, preferred_element_type=jnp.float32)

        @pl.when(i == GRID - 1)
        def _():
            mean = pool_acc[...] / jnp.maximum(cnt_acc[...], 1.0)
            emb_ref[...] = _dot(mean, We_ref[...]) + be_ref[...]

    return pl.pallas_call(
        body,
        grid=(GRID,),
        in_specs=[
            _acc_spec(),
            pl.BlockSpec((ROW_TILE, OUT_DIM), lambda i: (i, 0)),
            pl.BlockSpec((ROW_TILE, 1), lambda i: (i, 0)),
            pl.BlockSpec((1, OUT_DIM), lambda i: (0, 0)),
            pl.BlockSpec((ROW_TILE, 1), lambda i: (i, 0)),
            pl.BlockSpec((OUT_DIM, OUT_DIM), lambda i: (0, 0)),
            pl.BlockSpec((1, OUT_DIM), lambda i: (0, 0)),
        ],
        out_specs=[
            pl.BlockSpec((ROW_TILE, OUT_DIM), lambda i: (i, 0)),
            pl.BlockSpec((NUM_GRAPHS, OUT_DIM), lambda i: (0, 0)),
        ],
        out_shape=[
            jax.ShapeDtypeStruct((N_NODES, OUT_DIM), jnp.float32),
            jax.ShapeDtypeStruct((NUM_GRAPHS, OUT_DIM), jnp.float32),
        ],
        scratch_shapes=[
            pltpu.VMEM((NUM_GRAPHS, OUT_DIM), jnp.float32),
            pltpu.VMEM((NUM_GRAPHS, OUT_DIM), jnp.float32),
        ],
    )(r, m, dinv, b3, batch2, We, be)


def kernel(x, edge_index, batch, W1, b1, W2, b2, W3, b3, We, be):
    src = edge_index[0].astype(jnp.int32)
    dst = edge_index[1].astype(jnp.int32)
    npad = E_PAD - N_EDGES
    src2 = jnp.concatenate([src, jnp.zeros((npad,), jnp.int32)])
    dst3 = jnp.concatenate(
        [dst, jnp.full((npad,), N_NODES, jnp.int32)])
    batch2 = batch.astype(jnp.int32).reshape(N_NODES, 1)
    b1r = b1.reshape(1, HID_DIM)
    b2r = b2.reshape(1, HID_DIM)
    b3r = b3.reshape(1, OUT_DIM)
    ber = be.reshape(1, OUT_DIM)
    e016 = jnp.tile((jnp.arange(16) == 0).astype(jnp.float32), (CHUNK, 1))
    zero16 = jnp.zeros((CHUNK, 16), jnp.float32)
    zeroF = jnp.zeros((CHUNK, FW), jnp.bfloat16)

    degp = _sc_degree(dst3, e016, zero16)
    dinv, g0 = _k_prep(degp, x)
    p = _sc_edge_pass(g0, src2, dst3, zeroF)
    h1, g1a, g1b = _k_layer1(p, x, dinv, W1, b1r)
    qa = _sc_edge_pass(g1a, src2, dst3, zeroF)
    qb = _sc_edge_pass(g1b, src2, dst3, zeroF)
    m, g2 = _k_layer23(qa, qb, h1, dinv, W2, b2r, W3)
    r = _sc_edge_pass(g2, src2, dst3, zeroF)
    h, emb = _k_final(r, m, dinv, b3r, batch2, We, ber)
    return (emb, h)

# --- scband reference (transcript-rebuilt; emitter-appended) ---
"""Pipeline reference for scband-graph-embedding-net-30949534335011 (READ-ONLY COPY).

The authoritative reference and input builder live on the scoring server;
editing this copy changes nothing except your own understanding.
"""

import jax, jax.numpy as jnp
import numpy as np

N_NODES = 10000
N_EDGES = 320000
IN_DIM = 128
HID_DIM = 256
OUT_DIM = 128
NUM_GRAPHS = 64


def gcn_conv(x, edge_index, W, b):
    # PyG-style GCNConv: linear transform, add self-loops, symmetric normalization, scatter-add
    N = x.shape[0]
    src = jnp.concatenate([edge_index[0], jnp.arange(N, dtype=edge_index.dtype)])
    dst = jnp.concatenate([edge_index[1], jnp.arange(N, dtype=edge_index.dtype)])
    h = x @ W
    deg = jnp.zeros((N,), dtype=x.dtype).at[dst].add(1.0)
    dinv = jax.lax.rsqrt(jnp.maximum(deg, 1.0))
    norm = dinv[src] * dinv[dst]
    msg = jnp.take(h, src, axis=0) * norm[:, None]
    out = jnp.zeros_like(h).at[dst].add(msg)
    return out + b


def setup_inputs(seed: int = 0) -> dict:
    key = jax.random.key(seed)
    ks = jax.random.split(key, 12)
    x = jax.random.normal(ks[0], (N_NODES, IN_DIM), dtype=jnp.float32)
    edge_index = jax.random.randint(ks[1], (2, N_EDGES), 0, N_NODES, dtype=jnp.int64 if jax.config.jax_enable_x64 else jnp.int32).astype(jnp.int32)
    batch = jnp.sort(jax.random.randint(ks[2], (N_NODES,), 0, NUM_GRAPHS)).astype(jnp.int32)

    def glorot(k, fan_in, fan_out):
        s = np.sqrt(2.0 / (fan_in + fan_out))
        return jax.random.normal(k, (fan_in, fan_out), dtype=jnp.float32) * s

    W1 = glorot(ks[3], IN_DIM, HID_DIM)
    b1 = jnp.zeros((HID_DIM,), dtype=jnp.float32)
    W2 = glorot(ks[4], HID_DIM, HID_DIM)
    b2 = jnp.zeros((HID_DIM,), dtype=jnp.float32)
    W3 = glorot(ks[5], HID_DIM, OUT_DIM)
    b3 = jnp.zeros((OUT_DIM,), dtype=jnp.float32)
    We = glorot(ks[6], OUT_DIM, OUT_DIM)
    be = jnp.zeros((OUT_DIM,), dtype=jnp.float32)
    return {"x": x, "edge_index": edge_index, "batch": batch,
            "W1": W1, "b1": b1, "W2": W2, "b2": b2, "W3": W3, "b3": b3,
            "We": We, "be": be}


def reference(x, edge_index, batch, W1, b1, W2, b2, W3, b3, We, be):
    h = jax.nn.relu(gcn_conv(x, edge_index, W1, b1))
    # dropout is identity in eval mode
    h = jax.nn.relu(gcn_conv(h, edge_index, W2, b2))
    h = gcn_conv(h, edge_index, W3, b3)
    # global_mean_pool over `batch` segment ids
    sums = jax.ops.segment_sum(h, batch, num_segments=NUM_GRAPHS)
    counts = jax.ops.segment_sum(jnp.ones((h.shape[0],), dtype=h.dtype), batch, num_segments=NUM_GRAPHS)
    graph_embedding = sums / jnp.maximum(counts, 1.0)[:, None]
    embedding = graph_embedding @ We + be
    return (embedding, h)

if __name__ == "__main__":
    import jax
    _d = setup_inputs()
    print(jax.jit(kernel)(*tuple(_d.values())))

</pallas_src>

<mosaic_0001>
#map = affine_map<(d0, d1) -> (0, 0)>
#map1 = affine_map<(d0, d1) -> (0)>
#map2 = affine_map<(d0, d1) -> (0, 0, 0)>
module attributes {stable_mosaic.version = 14 : i64} {
  func.func @body(%arg0: i32, %arg1: i32, %arg2: memref<10000x128xbf16, #tpu.memory_space<hbm>>, %arg3: memref<327680xi32, #tpu.memory_space<hbm>>, %arg4: memref<327680xi32, #tpu.memory_space<hbm>>, %arg5: memref<256x128xbf16, #tpu.memory_space<hbm>>, %arg6: memref<2x10240x128xbf16, #tpu.memory_space<hbm>>, %arg7: memref<10240xi32, #tpu.memory_space<vmem>>, %arg8: memref<10240xi32, #tpu.memory_space<vmem>>, %arg9: memref<256x128xbf16, #tpu.memory_space<vmem>>, %arg10: memref<256x128xbf16, #tpu.memory_space<vmem>>, %arg11: memref<256x128xbf16, #tpu.memory_space<vmem>>, %arg12: memref<256x128xbf16, #tpu.memory_space<vmem>>, %arg13: memref<!tpu.dma_semaphore, #tpu.memory_space<semaphore_mem>>, %arg14: memref<!tpu.dma_semaphore, #tpu.memory_space<semaphore_mem>>, %arg15: memref<!tpu.dma_semaphore, #tpu.memory_space<semaphore_mem>>, %arg16: memref<!tpu.dma_semaphore, #tpu.memory_space<semaphore_mem>>, %arg17: memref<!tpu.dma_semaphore, #tpu.memory_space<semaphore_mem>>, %arg18: memref<!tpu.dma_semaphore, #tpu.memory_space<semaphore_mem>>, %arg19: memref<!tpu.dma_semaphore, #tpu.memory_space<semaphore_mem>>, %arg20: memref<!tpu.dma_semaphore, #tpu.memory_space<semaphore_mem>>, %arg21: memref<10240x128xbf16, #tpu.memory_space<vmem_shared>>) attributes {dimension_semantics = [#tpu.dimension_semantics<core_parallel>, #tpu.dimension_semantics<subcore_parallel>], iteration_bounds = array<i64: 2, 16>, scalar_prefetch = 0 : i64, scratch_operands = 15 : i64, tpu.core_type = #tpu.core_type<sc_vector_subcore>, window_params = [{transform_indices = #map}, {transform_indices = #map1}, {transform_indices = #map1}, {transform_indices = #map}, {transform_indices = #map2}]} {
    %mul3A = arith.constant 16 : i32
    %mul3A_0 = arith.muli %arg0, %mul3A : i32
    %add3A = arith.addi %mul3A_0, %arg1 : i32
    "tpu.region"() ({
      %run_scoped3A = tpu.sem_alloc : memref<!tpu.dma_semaphore, #tpu.memory_space<semaphore_mem>>
      tpu.enqueue_dma source(%arg5 : memref<256x128xbf16, #tpu.memory_space<hbm>>) target(%arg9 : memref<256x128xbf16, #tpu.memory_space<vmem>>) target_semaphore(%run_scoped3A : memref<!tpu.dma_semaphore, #tpu.memory_space<semaphore_mem>>)
      tpu.wait_dma2 semaphore(%run_scoped3A : memref<!tpu.dma_semaphore, #tpu.memory_space<semaphore_mem>>) src(%arg5 : memref<256x128xbf16, #tpu.memory_space<hbm>>) dst(%arg9 : memref<256x128xbf16, #tpu.memory_space<vmem>>)
      tpu.yield
    }) : () -> ()
    %mul3A_1 = arith.constant 640 : i32
    %mul3A_2 = arith.muli %arg1, %mul3A_1 : i32
    %scan3A = arith.constant 0 : i32
    %scan3A_3 = arith.constant 5 : i32
    %scan3A_4 = arith.addi %scan3A, %scan3A_3 : i32
    %scan3A_5 = arith.constant 1 : i32
    scf.for %scan3A_50 = %scan3A to %scan3A_4 step %scan3A_5  : i32 {
      %mul3A_51 = arith.constant 1 : i32
      %mul3A_52 = arith.muli %scan3A_50, %mul3A_51 : i32
      %add3A_53 = arith.constant 0 : i32
      %add3A_54 = arith.addi %add3A_53, %mul3A_52 : i32
      %mul3A_55 = arith.constant 128 : i32
      %mul3A_56 = arith.muli %add3A_54, %mul3A_55 : i32
      %add3A_57 = arith.addi %mul3A_2, %mul3A_56 : i32
      "tpu.region"() ({
        %run_scoped3A = tpu.sem_alloc : memref<!tpu.dma_semaphore, #tpu.memory_space<semaphore_mem>>
        %dma_start3A_58 = arith.constant 0 : i32
        %dma_start3A_59 = arith.constant 0 : i32
        %dma_start3A_60 = tpu.memref_slice %arg9[%dma_start3A_58, %dma_start3A_59] : memref<256x128xbf16, #tpu.memory_space<vmem>> -> memref<128x128xbf16, #tpu.memory_space<vmem>>
        %dma_start3A_61 = arith.constant 0 : i32
        %dma_start3A_62 = tpu.memref_slice %arg21[%add3A_57, %dma_start3A_61] : memref<10240x128xbf16, #tpu.memory_space<vmem_shared>> -> memref<128x128xbf16, #tpu.memory_space<vmem_shared>>
        %dma_start3A_63 = arith.constant 0 : i32
        %dma_start3A_64 = tpu.memref_slice %arg21[%add3A_57, %dma_start3A_63] : memref<10240x128xbf16, #tpu.memory_space<vmem_shared>> -> memref<128x128xbf16, #tpu.memory_space<vmem_shared>>
        %dma_start3A_65 = arith.constant 0 : i32
        %dma_start3A_66 = arith.constant 0 : i32
        %dma_start3A_67 = tpu.memref_slice %arg9[%dma_start3A_65, %dma_start3A_66] : memref<256x128xbf16, #tpu.memory_space<vmem>> -> memref<128x128xbf16, #tpu.memory_space<vmem>>
        tpu.enqueue_dma source(%dma_start3A_67 : memref<128x128xbf16, #tpu.memory_space<vmem>>) target(%dma_start3A_64 : memref<128x128xbf16, #tpu.memory_space<vmem_shared>>) target_semaphore(%run_scoped3A : memref<!tpu.dma_semaphore, #tpu.memory_space<semaphore_mem>>)
        %dma_wait3A_68 = arith.constant 0 : i32
        %dma_wait3A_69 = arith.constant 0 : i32
        %dma_wait3A_70 = tpu.memref_slice %arg9[%dma_wait3A_68, %dma_wait3A_69] : memref<256x128xbf16, #tpu.memory_space<vmem>> -> memref<128x128xbf16, #tpu.memory_space<vmem>>
        %dma_wait3A_71 = arith.constant 0 : i32
        %dma_wait3A_72 = tpu.memref_slice %arg21[%add3A_57, %dma_wait3A_71] : memref<10240x128xbf16, #tpu.memory_space<vmem_shared>> -> memref<128x128xbf16, #tpu.memory_space<vmem_shared>>
        %dma_wait3A_73 = arith.constant 0 : i32
        %dma_wait3A_74 = tpu.memref_slice %arg21[%add3A_57, %dma_wait3A_73] : memref<10240x128xbf16, #tpu.memory_space<vmem_shared>> -> memref<128x128xbf16, #tpu.memory_space<vmem_shared>>
        %dma_wait3A_75 = arith.constant 0 : i32
        %dma_wait3A_76 = arith.constant 0 : i32
        %dma_wait3A_77 = tpu.memref_slice %arg9[%dma_wait3A_75, %dma_wait3A_76] : memref<256x128xbf16, #tpu.memory_space<vmem>> -> memref<128x128xbf16, #tpu.memory_space<vmem>>
        tpu.wait_dma2 semaphore(%run_scoped3A : memref<!tpu.dma_semaphore, #tpu.memory_space<semaphore_mem>>) src(%dma_wait3A_77 : memref<128x128xbf16, #tpu.memory_space<vmem>>) dst(%dma_wait3A_74 : memref<128x128xbf16, #tpu.memory_space<vmem_shared>>)
        tpu.yield
      }) : () -> ()
    }
    %scan3A_6 = arith.constant 5 : i32
    %mul3A_7 = arith.constant 10240 : i32
    %mul3A_8 = arith.muli %add3A, %mul3A_7 : i32
    "tpu.region"() ({
      %run_scoped3A = tpu.sem_alloc : memref<!tpu.dma_semaphore, #tpu.memory_space<semaphore_mem>>
      %dma_start3A_50 = tpu.memref_slice %arg3[%mul3A_8] : memref<327680xi32, #tpu.memory_space<hbm>> -> memref<10240xi32, #tpu.memory_space<hbm>>
      %dma_start3A_51 = tpu.memref_slice %arg3[%mul3A_8] : memref<327680xi32, #tpu.memory_space<hbm>> -> memref<10240xi32, #tpu.memory_space<hbm>>
      tpu.enqueue_dma source(%dma_start3A_51 : memref<10240xi32, #tpu.memory_space<hbm>>) target(%arg7 : memref<10240xi32, #tpu.memory_space<vmem>>) target_semaphore(%run_scoped3A : memref<!tpu.dma_semaphore, #tpu.memory_space<semaphore_mem>>)
      %dma_wait3A_52 = tpu.memref_slice %arg3[%mul3A_8] : memref<327680xi32, #tpu.memory_space<hbm>> -> memref<10240xi32, #tpu.memory_space<hbm>>
      %dma_wait3A_53 = tpu.memref_slice %arg3[%mul3A_8] : memref<327680xi32, #tpu.memory_space<hbm>> -> memref<10240xi32, #tpu.memory_space<hbm>>
      tpu.wait_dma2 semaphore(%run_scoped3A : memref<!tpu.dma_semaphore, #tpu.memory_space<semaphore_mem>>) src(%dma_wait3A_53 : memref<10240xi32, #tpu.memory_space<hbm>>) dst(%arg7 : memref<10240xi32, #tpu.memory_space<vmem>>)
      tpu.yield
    }) : () -> ()
    %mul3A_9 = arith.constant 10240 : i32
    %mul3A_10 = arith.muli %add3A, %mul3A_9 : i32
    "tpu.region"() ({
      %run_scoped3A = tpu.sem_alloc : memref<!tpu.dma_semaphore, #tpu.memory_space<semaphore_mem>>
      %dma_start3A_50 = tpu.memref_slice %arg4[%mul3A_10] : memref<327680xi32, #tpu.memory_space<hbm>> -> memref<10240xi32, #tpu.memory_space<hbm>>
      %dma_start3A_51 = tpu.memref_slice %arg4[%mul3A_10] : memref<327680xi32, #tpu.memory_space<hbm>> -> memref<10240xi32, #tpu.memory_space<hbm>>
      tpu.enqueue_dma source(%dma_start3A_51 : memref<10240xi32, #tpu.memory_space<hbm>>) target(%arg8 : memref<10240xi32, #tpu.memory_space<vmem>>) target_semaphore(%run_scoped3A : memref<!tpu.dma_semaphore, #tpu.memory_space<semaphore_mem>>)
      %dma_wait3A_52 = tpu.memref_slice %arg4[%mul3A_10] : memref<327680xi32, #tpu.memory_space<hbm>> -> memref<10240xi32, #tpu.memory_space<hbm>>
      %dma_wait3A_53 = tpu.memref_slice %arg4[%mul3A_10] : memref<327680xi32, #tpu.memory_space<hbm>> -> memref<10240xi32, #tpu.memory_space<hbm>>
      tpu.wait_dma2 semaphore(%run_scoped3A : memref<!tpu.dma_semaphore, #tpu.memory_space<semaphore_mem>>) src(%dma_wait3A_53 : memref<10240xi32, #tpu.memory_space<hbm>>) dst(%arg8 : memref<10240xi32, #tpu.memory_space<vmem>>)
      tpu.yield
    }) : () -> ()
    %barrier3A = arith.constant 0 : index
    tpu.barrier barrier_id(%barrier3A)
    %dma_start3A = arith.constant 0 : i32
    %dma_start3A_11 = tpu.memref_slice %arg7[%dma_start3A] : memref<10240xi32, #tpu.memory_space<vmem>> -> memref<256xi32, #tpu.memory_space<vmem>>
    %dma_start3A_12 = arith.constant 0 : i32
    %dma_start3A_13 = arith.constant 0 : i32
    %dma_start3A_14 = tpu.memref_slice %arg2[%dma_start3A_12, %dma_start3A_13] : memref<10000x128xbf16, #tpu.memory_space<hbm>> -> memref<10000x128xbf16, #tpu.memory_space<hbm>>
    tpu.enqueue_indirect_dma source(%dma_start3A_14 : memref<10000x128xbf16, #tpu.memory_space<hbm>>) target(%arg9 : memref<256x128xbf16, #tpu.memory_space<vmem>>) offsets(%dma_start3A_11 : memref<256xi32, #tpu.memory_space<vmem>>) semaphore(%arg13 : memref<!tpu.dma_semaphore, #tpu.memory_space<semaphore_mem>>)
    %dma_start3A_15 = arith.constant 256 : i32
    %dma_start3A_16 = tpu.memref_slice %arg7[%dma_start3A_15] : memref<10240xi32, #tpu.memory_space<vmem>> -> memref<256xi32, #tpu.memory_space<vmem>>
    %dma_start3A_17 = arith.constant 0 : i32
    %dma_start3A_18 = arith.constant 0 : i32
    %dma_start3A_19 = tpu.memref_slice %arg2[%dma_start3A_17, %dma_start3A_18] : memref<10000x128xbf16, #tpu.memory_space<hbm>> -> memref<10000x128xbf16, #tpu.memory_space<hbm>>
    tpu.enqueue_indirect_dma source(%dma_start3A_19 : memref<10000x128xbf16, #tpu.memory_space<hbm>>) target(%arg10 : memref<256x128xbf16, #tpu.memory_space<vmem>>) offsets(%dma_start3A_16 : memref<256xi32, #tpu.memory_space<vmem>>) semaphore(%arg14 : memref<!tpu.dma_semaphore, #tpu.memory_space<semaphore_mem>>)
    %scan3A_20 = arith.constant 0 : i32
    %scan3A_21 = arith.constant 10 : i32
    %scan3A_22 = arith.addi %scan3A_20, %scan3A_21 : i32
    %scan3A_23 = arith.constant 1 : i32
    scf.for %scan3A_50 = %scan3A_20 to %scan3A_22 step %scan3A_23  : i32 {
      %mul3A_51 = arith.constant 1 : i32
      %mul3A_52 = arith.muli %scan3A_50, %mul3A_51 : i32
      %add3A_53 = arith.constant 0 : i32
      %add3A_54 = arith.addi %add3A_53, %mul3A_52 : i32
      %mul3A_55 = arith.constant 4 : i32
      %mul3A_56 = arith.muli %add3A_54, %mul3A_55 : i32
      %add3A_57 = arith.constant 0 : i32
      %add3A_58 = arith.addi %mul3A_56, %add3A_57 : i32
      %add3A_59 = arith.constant 2 : i32
      %add3A_60 = arith.addi %add3A_58, %add3A_59 : i32
      %ge3A = arith.constant 1 : i32
      %ge3A_61 = arith.cmpi sge, %add3A_54, %ge3A : i32
      %convert_element_type3A = arith.extui %ge3A_61 : i1 to i32
      %cond3A = arith.constant 0 : i32
      %cond3A_62 = arith.cmpi ne, %convert_element_type3A, %cond3A : i32
      scf.if %cond3A_62 {
        %sub3A = arith.constant 4 : i32
        %sub3A_151 = arith.subi %add3A_60, %sub3A : i32
        %mul3A_152 = arith.constant 256 : i32
        %mul3A_153 = arith.muli %sub3A_151, %mul3A_152 : i32
        %dma_wait3A_154 = tpu.memref_slice %arg8[%mul3A_153] : memref<10240xi32, #tpu.memory_space<vmem>> -> memref<256xi32, #tpu.memory_space<vmem>>
        %dma_wait3A_155 = arith.constant 0 : i32
        %dma_wait3A_156 = arith.constant 0 : i32
        %dma_wait3A_157 = tpu.memref_slice %arg21[%dma_wait3A_155, %dma_wait3A_156] : memref<10240x128xbf16, #tpu.memory_space<vmem_shared>> -> memref<10240x128xbf16, #tpu.memory_space<vmem_shared>>
        tpu.wait_indirect_dma semaphore(%arg19 : memref<!tpu.dma_semaphore, #tpu.memory_space<semaphore_mem>>) src(%arg11 : memref<256x128xbf16, #tpu.memory_space<vmem>>) dst(%dma_wait3A_157 : memref<10240x128xbf16, #tpu.memory_space<vmem_shared>>)
      } else {
      }
      %mul3A_63 = arith.constant 256 : i32
      %mul3A_64 = arith.muli %add3A_60, %mul3A_63 : i32
      %dma_start3A_65 = tpu.memref_slice %arg7[%mul3A_64] : memref<10240xi32, #tpu.memory_space<vmem>> -> memref<256xi32, #tpu.memory_space<vmem>>
      %dma_start3A_66 = arith.constant 0 : i32
      %dma_start3A_67 = arith.constant 0 : i32
      %dma_start3A_68 = tpu.memref_slice %arg2[%dma_start3A_66, %dma_start3A_67] : memref<10000x128xbf16, #tpu.memory_space<hbm>> -> memref<10000x128xbf16, #tpu.memory_space<hbm>>
      tpu.enqueue_indirect_dma source(%dma_start3A_68 : memref<10000x128xbf16, #tpu.memory_space<hbm>>) target(%arg11 : memref<256x128xbf16, #tpu.memory_space<vmem>>) offsets(%dma_start3A_65 : memref<256xi32, #tpu.memory_space<vmem>>) semaphore(%arg15 : memref<!tpu.dma_semaphore, #tpu.memory_space<semaphore_mem>>)
      %mul3A_69 = arith.constant 256 : i32
      %mul3A_70 = arith.muli %add3A_58, %mul3A_69 : i32
      %dma_wait3A_71 = tpu.memref_slice %arg7[%mul3A_70] : memref<10240xi32, #tpu.memory_space<vmem>> -> memref<256xi32, #tpu.memory_space<vmem>>
      %dma_wait3A_72 = arith.constant 0 : i32
      %dma_wait3A_73 = arith.constant 0 : i32
      %dma_wait3A_74 = tpu.memref_slice %arg2[%dma_wait3A_72, %dma_wait3A_73] : memref<10000x128xbf16, #tpu.memory_space<hbm>> -> memref<10000x128xbf16, #tpu.memory_space<hbm>>
      tpu.wait_indirect_dma semaphore(%arg13 : memref<!tpu.dma_semaphore, #tpu.memory_space<semaphore_mem>>) src(%dma_wait3A_74 : memref<10000x128xbf16, #tpu.memory_space<hbm>>) dst(%arg9 : memref<256x128xbf16, #tpu.memory_space<vmem>>)
      %mul3A_75 = arith.constant 256 : i32
      %mul3A_76 = arith.muli %add3A_58, %mul3A_75 : i32
      %dma_start3A_77 = tpu.memref_slice %arg8[%mul3A_76] : memref<10240xi32, #tpu.memory_space<vmem>> -> memref<256xi32, #tpu.memory_space<vmem>>
      %dma_start3A_78 = arith.constant 0 : i32
      %dma_start3A_79 = arith.constant 0 : i32
      %dma_start3A_80 = tpu.memref_slice %arg21[%dma_start3A_78, %dma_start3A_79] : memref<10240x128xbf16, #tpu.memory_space<vmem_shared>> -> memref<10240x128xbf16, #tpu.memory_space<vmem_shared>>
      tpu.enqueue_indirect_dma source(%arg9 : memref<256x128xbf16, #tpu.memory_space<vmem>>) target(%dma_start3A_80 : memref<10240x128xbf16, #tpu.memory_space<vmem_shared>>) offsets(%dma_start3A_77 : memref<256xi32, #tpu.memory_space<vmem>>) semaphore(%arg17 : memref<!tpu.dma_semaphore, #tpu.memory_space<semaphore_mem>>) {add = true}
      %mul3A_81 = arith.constant 4 : i32
      %mul3A_82 = arith.muli %add3A_54, %mul3A_81 : i32
      %add3A_83 = arith.constant 1 : i32
      %add3A_84 = arith.addi %mul3A_82, %add3A_83 : i32
      %add3A_85 = arith.constant 2 : i32
      %add3A_86 = arith.addi %add3A_84, %add3A_85 : i32
      %ge3A_87 = arith.constant 1 : i32
      %ge3A_88 = arith.cmpi sge, %add3A_54, %ge3A_87 : i32
      %convert_element_type3A_89 = arith.extui %ge3A_88 : i1 to i32
      %cond3A_90 = arith.constant 0 : i32
      %cond3A_91 = arith.cmpi ne, %convert_element_type3A_89, %cond3A_90 : i32
      scf.if %cond3A_91 {
        %sub3A = arith.constant 4 : i32
        %sub3A_151 = arith.subi %add3A_86, %sub3A : i32
        %mul3A_152 = arith.constant 256 : i32
        %mul3A_153 = arith.muli %sub3A_151, %mul3A_152 : i32
        %dma_wait3A_154 = tpu.memref_slice %arg8[%mul3A_153] : memref<10240xi32, #tpu.memory_space<vmem>> -> memref<256xi32, #tpu.memory_space<vmem>>
        %dma_wait3A_155 = arith.constant 0 : i32
        %dma_wait3A_156 = arith.constant 0 : i32
        %dma_wait3A_157 = tpu.memref_slice %arg21[%dma_wait3A_155, %dma_wait3A_156] : memref<10240x128xbf16, #tpu.memory_space<vmem_shared>> -> memref<10240x128xbf16, #tpu.memory_space<vmem_shared>>
        tpu.wait_indirect_dma semaphore(%arg20 : memref<!tpu.dma_semaphore, #tpu.memory_space<semaphore_mem>>) src(%arg12 : memref<256x128xbf16, #tpu.memory_space<vmem>>) dst(%dma_wait3A_157 : memref<10240x128xbf16, #tpu.memory_space<vmem_shared>>)
      } else {
      }
      %mul3A_92 = arith.constant 256 : i32
      %mul3A_93 = arith.muli %add3A_86, %mul3A_92 : i32
      %dma_start3A_94 = tpu.memref_slice %arg7[%mul3A_93] : memref<10240xi32, #tpu.memory_space<vmem>> -> memref<256xi32, #tpu.memory_space<vmem>>
      %dma_start3A_95 = arith.constant 0 : i32
      %dma_start3A_96 = arith.constant 0 : i32
      %dma_start3A_97 = tpu.memref_slice %arg2[%dma_start3A_95, %dma_start3A_96] : memref<10000x128xbf16, #tpu.memory_space<hbm>> -> memref<10000x128xbf16, #tpu.memory_space<hbm>>
      tpu.enqueue_indirect_dma source(%dma_start3A_97 : memref<10000x128xbf16, #tpu.memory_space<hbm>>) target(%arg12 : memref<256x128xbf16, #tpu.memory_space<vmem>>) offsets(%dma_start3A_94 : memref<256xi32, #tpu.memory_space<vmem>>) semaphore(%arg16 : memref<!tpu.dma_semaphore, #tpu.memory_space<semaphore_mem>>)
      %mul3A_98 = arith.constant 256 : i32
      %mul3A_99 = arith.muli %add3A_84, %mul3A_98 : i32
      %dma_wait3A_100 = tpu.memref_slice %arg7[%mul3A_99] : memref<10240xi32, #tpu.memory_space<vmem>> -> memref<256xi32, #tpu.memory_space<vmem>>
      %dma_wait3A_101 = arith.constant 0 : i32
      %dma_wait3A_102 = arith.constant 0 : i32
      %dma_wait3A_103 = tpu.memref_slice %arg2[%dma_wait3A_101, %dma_wait3A_102] : memref<10000x128xbf16, #tpu.memory_space<hbm>> -> memref<10000x128xbf16, #tpu.memory_space<hbm>>
      tpu.wait_indirect_dma semaphore(%arg14 : memref<!tpu.dma_semaphore, #tpu.memory_space<semaphore_mem>>) src(%dma_wait3A_103 : memref<10000x128xbf16, #tpu.memory_space<hbm>>) dst(%arg10 : memref<256x128xbf16, #tpu.memory_space<vmem>>)
      %mul3A_104 = arith.constant 256 : i32
      %mul3A_105 = arith.muli %add3A_84, %mul3A_104 : i32
      %dma_start3A_106 = tpu.memref_slice %arg8[%mul3A_105] : memref<10240xi32, #tpu.memory_space<vmem>> -> memref<256xi32, #tpu.memory_space<vmem>>
      %dma_start3A_107 = arith.constant 0 : i32
      %dma_start3A_108 = arith.constant 0 : i32
      %dma_start3A_109 = tpu.memref_slice %arg21[%dma_start3A_107, %dma_start3A_108] : memref<10240x128xbf16, #tpu.memory_space<vmem_shared>> -> memref<10240x128xbf16, #tpu.memory_space<vmem_shared>>
      tpu.enqueue_indirect_dma source(%arg10 : memref<256x128xbf16, #tpu.memory_space<vmem>>) target(%dma_start3A_109 : memref<10240x128xbf16, #tpu.memory_space<vmem_shared>>) offsets(%dma_start3A_106 : memref<256xi32, #tpu.memory_space<vmem>>) semaphore(%arg18 : memref<!tpu.dma_semaphore, #tpu.memory_space<semaphore_mem>>) {add = true}
      %mul3A_110 = arith.constant 4 : i32
      %mul3A_111 = arith.muli %add3A_54, %mul3A_110 : i32
      %add3A_112 = arith.constant 2 : i32
      %add3A_113 = arith.addi %mul3A_111, %add3A_112 : i32
      %lt3A = arith.constant 9 : i32
      %lt3A_114 = arith.cmpi slt, %add3A_54, %lt3A : i32
      %convert_element_type3A_115 = arith.extui %lt3A_114 : i1 to i32
      %cond3A_116 = arith.constant 0 : i32
      %cond3A_117 = arith.cmpi ne, %convert_element_type3A_115, %cond3A_116 : i32
      scf.if %cond3A_117 {
        %add3A_151 = arith.constant 2 : i32
        %add3A_152 = arith.addi %add3A_113, %add3A_151 : i32
        %sub3A = arith.constant 4 : i32
        %sub3A_153 = arith.subi %add3A_152, %sub3A : i32
        %mul3A_154 = arith.constant 256 : i32
        %mul3A_155 = arith.muli %sub3A_153, %mul3A_154 : i32
        %dma_wait3A_156 = tpu.memref_slice %arg8[%mul3A_155] : memref<10240xi32, #tpu.memory_space<vmem>> -> memref<256xi32, #tpu.memory_space<vmem>>
        %dma_wait3A_157 = arith.constant 0 : i32
        %dma_wait3A_158 = arith.constant 0 : i32
        %dma_wait3A_159 = tpu.memref_slice %arg21[%dma_wait3A_157, %dma_wait3A_158] : memref<10240x128xbf16, #tpu.memory_space<vmem_shared>> -> memref<10240x128xbf16, #tpu.memory_space<vmem_shared>>
        tpu.wait_indirect_dma semaphore(%arg17 : memref<!tpu.dma_semaphore, #tpu.memory_space<semaphore_mem>>) src(%arg9 : memref<256x128xbf16, #tpu.memory_space<vmem>>) dst(%dma_wait3A_159 : memref<10240x128xbf16, #tpu.memory_space<vmem_shared>>)
        %mul3A_160 = arith.constant 256 : i32
        %mul3A_161 = arith.muli %add3A_152, %mul3A_160 : i32
        %dma_start3A_162 = tpu.memref_slice %arg7[%mul3A_161] : memref<10240xi32, #tpu.memory_space<vmem>> -> memref<256xi32, #tpu.memory_space<vmem>>
        %dma_start3A_163 = arith.constant 0 : i32
        %dma_start3A_164 = arith.constant 0 : i32
        %dma_start3A_165 = tpu.memref_slice %arg2[%dma_start3A_163, %dma_start3A_164] : memref<10000x128xbf16, #tpu.memory_space<hbm>> -> memref<10000x128xbf16, #tpu.memory_space<hbm>>
        tpu.enqueue_indirect_dma source(%dma_start3A_165 : memref<10000x128xbf16, #tpu.memory_space<hbm>>) target(%arg9 : memref<256x128xbf16, #tpu.memory_space<vmem>>) offsets(%dma_start3A_162 : memref<256xi32, #tpu.memory_space<vmem>>) semaphore(%arg13 : memref<!tpu.dma_semaphore, #tpu.memory_space<semaphore_mem>>)
      } else {
      }
      %mul3A_118 = arith.constant 256 : i32
      %mul3A_119 = arith.muli %add3A_113, %mul3A_118 : i32
      %dma_wait3A_120 = tpu.memref_slice %arg7[%mul3A_119] : memref<10240xi32, #tpu.memory_space<vmem>> -> memref<256xi32, #tpu.memory_space<vmem>>
      %dma_wait3A_121 = arith.constant 0 : i32
      %dma_wait3A_122 = arith.constant 0 : i32
      %dma_wait3A_123 = tpu.memref_slice %arg2[%dma_wait3A_121, %dma_wait3A_122] : memref<10000x128xbf16, #tpu.memory_space<hbm>> -> memref<10000x128xbf16, #tpu.memory_space<hbm>>
      tpu.wait_indirect_dma semaphore(%arg15 : memref<!tpu.dma_semaphore, #tpu.memory_space<semaphore_mem>>) src(%dma_wait3A_123 : memref<10000x128xbf16, #tpu.memory_space<hbm>>) dst(%arg11 : memref<256x128xbf16, #tpu.memory_space<vmem>>)
      %mul3A_124 = arith.constant 256 : i32
      %mul3A_125 = arith.muli %add3A_113, %mul3A_124 : i32
      %dma_start3A_126 = tpu.memref_slice %arg8[%mul3A_125] : memref<10240xi32, #tpu.memory_space<vmem>> -> memref<256xi32, #tpu.memory_space<vmem>>
      %dma_start3A_127 = arith.constant 0 : i32
      %dma_start3A_128 = arith.constant 0 : i32
      %dma_start3A_129 = tpu.memref_slice %arg21[%dma_start3A_127, %dma_start3A_128] : memref<10240x128xbf16, #tpu.memory_space<vmem_shared>> -> memref<10240x128xbf16, #tpu.memory_space<vmem_shared>>
      tpu.enqueue_indirect_dma source(%arg11 : memref<256x128xbf16, #tpu.memory_space<vmem>>) target(%dma_start3A_129 : memref<10240x128xbf16, #tpu.memory_space<vmem_shared>>) offsets(%dma_start3A_126 : memref<256xi32, #tpu.memory_space<vmem>>) semaphore(%arg19 : memref<!tpu.dma_semaphore, #tpu.memory_space<semaphore_mem>>) {add = true}
      %mul3A_130 = arith.constant 4 : i32
      %mul3A_131 = arith.muli %add3A_54, %mul3A_130 : i32
      %add3A_132 = arith.constant 3 : i32
      %add3A_133 = arith.addi %mul3A_131, %add3A_132 : i32
      %lt3A_134 = arith.constant 9 : i32
      %lt3A_135 = arith.cmpi slt, %add3A_54, %lt3A_134 : i32
      %convert_element_type3A_136 = arith.extui %lt3A_135 : i1 to i32
      %cond3A_137 = arith.constant 0 : i32
      %cond3A_138 = arith.cmpi ne, %convert_element_type3A_136, %cond3A_137 : i32
      scf.if %cond3A_138 {
        %add3A_151 = arith.constant 2 : i32
        %add3A_152 = arith.addi %add3A_133, %add3A_151 : i32
        %sub3A = arith.constant 4 : i32
        %sub3A_153 = arith.subi %add3A_152, %sub3A : i32
        %mul3A_154 = arith.constant 256 : i32
        %mul3A_155 = arith.muli %sub3A_153, %mul3A_154 : i32
        %dma_wait3A_156 = tpu.memref_slice %arg8[%mul3A_155] : memref<10240xi32, #tpu.memory_space<vmem>> -> memref<256xi32, #tpu.memory_space<vmem>>
        %dma_wait3A_157 = arith.constant 0 : i32
        %dma_wait3A_158 = arith.constant 0 : i32
        %dma_wait3A_159 = tpu.memref_slice %arg21[%dma_wait3A_157, %dma_wait3A_158] : memref<10240x128xbf16, #tpu.memory_space<vmem_shared>> -> memref<10240x128xbf16, #tpu.memory_space<vmem_shared>>
        tpu.wait_indirect_dma semaphore(%arg18 : memref<!tpu.dma_semaphore, #tpu.memory_space<semaphore_mem>>) src(%arg10 : memref<256x128xbf16, #tpu.memory_space<vmem>>) dst(%dma_wait3A_159 : memref<10240x128xbf16, #tpu.memory_space<vmem_shared>>)
        %mul3A_160 = arith.constant 256 : i32
        %mul3A_161 = arith.muli %add3A_152, %mul3A_160 : i32
        %dma_start3A_162 = tpu.memref_slice %arg7[%mul3A_161] : memref<10240xi32, #tpu.memory_space<vmem>> -> memref<256xi32, #tpu.memory_space<vmem>>
        %dma_start3A_163 = arith.constant 0 : i32
        %dma_start3A_164 = arith.constant 0 : i32
        %dma_start3A_165 = tpu.memref_slice %arg2[%dma_start3A_163, %dma_start3A_164] : memref<10000x128xbf16, #tpu.memory_space<hbm>> -> memref<10000x128xbf16, #tpu.memory_space<hbm>>
        tpu.enqueue_indirect_dma source(%dma_start3A_165 : memref<10000x128xbf16, #tpu.memory_space<hbm>>) target(%arg10 : memref<256x128xbf16, #tpu.memory_space<vmem>>) offsets(%dma_start3A_162 : memref<256xi32, #tpu.memory_space<vmem>>) semaphore(%arg14 : memref<!tpu.dma_semaphore, #tpu.memory_space<semaphore_mem>>)
      } else {
      }
      %mul3A_139 = arith.constant 256 : i32
      %mul3A_140 = arith.muli %add3A_133, %mul3A_139 : i32
      %dma_wait3A_141 = tpu.memref_slice %arg7[%mul3A_140] : memref<10240xi32, #tpu.memory_space<vmem>> -> memref<256xi32, #tpu.memory_space<vmem>>
      %dma_wait3A_142 = arith.constant 0 : i32
      %dma_wait3A_143 = arith.constant 0 : i32
      %dma_wait3A_144 = tpu.memref_slice %arg2[%dma_wait3A_142, %dma_wait3A_143] : memref<10000x128xbf16, #tpu.memory_space<hbm>> -> memref<10000x128xbf16, #tpu.memory_space<hbm>>
      tpu.wait_indirect_dma semaphore(%arg16 : memref<!tpu.dma_semaphore, #tpu.memory_space<semaphore_mem>>) src(%dma_wait3A_144 : memref<10000x128xbf16, #tpu.memory_space<hbm>>) dst(%arg12 : memref<256x128xbf16, #tpu.memory_space<vmem>>)
      %mul3A_145 = arith.constant 256 : i32
      %mul3A_146 = arith.muli %add3A_133, %mul3A_145 : i32
      %dma_start3A_147 = tpu.memref_slice %arg8[%mul3A_146] : memref<10240xi32, #tpu.memory_space<vmem>> -> memref<256xi32, #tpu.memory_space<vmem>>
      %dma_start3A_148 = arith.constant 0 : i32
      %dma_start3A_149 = arith.constant 0 : i32
      %dma_start3A_150 = tpu.memref_slice %arg21[%dma_start3A_148, %dma_start3A_149] : memref<10240x128xbf16, #tpu.memory_space<vmem_shared>> -> memref<10240x128xbf16, #tpu.memory_space<vmem_shared>>
      tpu.enqueue_indirect_dma source(%arg12 : memref<256x128xbf16, #tpu.memory_space<vmem>>) target(%dma_start3A_150 : memref<10240x128xbf16, #tpu.memory_space<vmem_shared>>) offsets(%dma_start3A_147 : memref<256xi32, #tpu.memory_space<vmem>>) semaphore(%arg20 : memref<!tpu.dma_semaphore, #tpu.memory_space<semaphore_mem>>) {add = true}
    }
    %scan3A_24 = arith.constant 10 : i32
    %dma_wait3A = arith.constant 9216 : i32
    %dma_wait3A_25 = tpu.memref_slice %arg8[%dma_wait3A] : memref<10240xi32, #tpu.memory_space<vmem>> -> memref<256xi32, #tpu.memory_space<vmem>>
    %dma_wait3A_26 = arith.constant 0 : i32
    %dma_wait3A_27 = arith.constant 0 : i32
    %dma_wait3A_28 = tpu.memref_slice %arg21[%dma_wait3A_26, %dma_wait3A_27] : memref<10240x128xbf16, #tpu.memory_space<vmem_shared>> -> memref<10240x128xbf16, #tpu.memory_space<vmem_shared>>
    tpu.wait_indirect_dma semaphore(%arg17 : memref<!tpu.dma_semaphore, #tpu.memory_space<semaphore_mem>>) src(%arg9 : memref<256x128xbf16, #tpu.memory_space<vmem>>) dst(%dma_wait3A_28 : memref<10240x128xbf16, #tpu.memory_space<vmem_shared>>)
    %dma_wait3A_29 = arith.constant 9472 : i32
    %dma_wait3A_30 = tpu.memref_slice %arg8[%dma_wait3A_29] : memref<10240xi32, #tpu.memory_space<vmem>> -> memref<256xi32, #tpu.memory_space<vmem>>
    %dma_wait3A_31 = arith.constant 0 : i32
    %dma_wait3A_32 = arith.constant 0 : i32
    %dma_wait3A_33 = tpu.memref_slice %arg21[%dma_wait3A_31, %dma_wait3A_32] : memref<10240x128xbf16, #tpu.memory_space<vmem_shared>> -> memref<10240x128xbf16, #tpu.memory_space<vmem_shared>>
    tpu.wait_indirect_dma semaphore(%arg18 : memref<!tpu.dma_semaphore, #tpu.memory_space<semaphore_mem>>) src(%arg10 : memref<256x128xbf16, #tpu.memory_space<vmem>>) dst(%dma_wait3A_33 : memref<10240x128xbf16, #tpu.memory_space<vmem_shared>>)
    %dma_wait3A_34 = arith.constant 9728 : i32
    %dma_wait3A_35 = tpu.memref_slice %arg8[%dma_wait3A_34] : memref<10240xi32, #tpu.memory_space<vmem>> -> memref<256xi32, #tpu.memory_space<vmem>>
    %dma_wait3A_36 = arith.constant 0 : i32
    %dma_wait3A_37 = arith.constant 0 : i32
    %dma_wait3A_38 = tpu.memref_slice %arg21[%dma_wait3A_36, %dma_wait3A_37] : memref<10240x128xbf16, #tpu.memory_space<vmem_shared>> -> memref<10240x128xbf16, #tpu.memory_space<vmem_shared>>
    tpu.wait_indirect_dma semaphore(%arg19 : memref<!tpu.dma_semaphore, #tpu.memory_space<semaphore_mem>>) src(%arg11 : memref<256x128xbf16, #tpu.memory_space<vmem>>) dst(%dma_wait3A_38 : memref<10240x128xbf16, #tpu.memory_space<vmem_shared>>)
    %dma_wait3A_39 = arith.constant 9984 : i32
    %dma_wait3A_40 = tpu.memref_slice %arg8[%dma_wait3A_39] : memref<10240xi32, #tpu.memory_space<vmem>> -> memref<256xi32, #tpu.memory_space<vmem>>
    %dma_wait3A_41 = arith.constant 0 : i32
    %dma_wait3A_42 = arith.constant 0 : i32
    %dma_wait3A_43 = tpu.memref_slice %arg21[%dma_wait3A_41, %dma_wait3A_42] : memref<10240x128xbf16, #tpu.memory_space<vmem_shared>> -> memref<10240x128xbf16, #tpu.memory_space<vmem_shared>>
    tpu.wait_indirect_dma semaphore(%arg20 : memref<!tpu.dma_semaphore, #tpu.memory_space<semaphore_mem>>) src(%arg12 : memref<256x128xbf16, #tpu.memory_space<vmem>>) dst(%dma_wait3A_43 : memref<10240x128xbf16, #tpu.memory_space<vmem_shared>>)
    %barrier3A_44 = arith.constant 0 : index
    tpu.barrier barrier_id(%barrier3A_44)
    %scan3A_45 = arith.constant 0 : i32
    %scan3A_46 = arith.constant 5 : i32
    %scan3A_47 = arith.addi %scan3A_45, %scan3A_46 : i32
    %scan3A_48 = arith.constant 1 : i32
    scf.for %scan3A_50 = %scan3A_45 to %scan3A_47 step %scan3A_48  : i32 {
      %mul3A_51 = arith.constant 1 : i32
      %mul3A_52 = arith.muli %scan3A_50, %mul3A_51 : i32
      %add3A_53 = arith.constant 0 : i32
      %add3A_54 = arith.addi %add3A_53, %mul3A_52 : i32
      %mul3A_55 = arith.constant 128 : i32
      %mul3A_56 = arith.muli %add3A_54, %mul3A_55 : i32
      %add3A_57 = arith.addi %mul3A_2, %mul3A_56 : i32
      "tpu.region"() ({
        %run_scoped3A = tpu.sem_alloc : memref<!tpu.dma_semaphore, #tpu.memory_space<semaphore_mem>>
        %dma_start3A_58 = arith.constant 0 : i32
        %dma_start3A_59 = arith.constant 0 : i32
        %dma_start3A_60 = tpu.memref_slice %arg9[%dma_start3A_58, %dma_start3A_59] : memref<256x128xbf16, #tpu.memory_space<vmem>> -> memref<128x128xbf16, #tpu.memory_space<vmem>>
        %dma_start3A_61 = arith.constant 0 : i32
        %dma_start3A_62 = tpu.memref_slice %arg21[%add3A_57, %dma_start3A_61] : memref<10240x128xbf16, #tpu.memory_space<vmem_shared>> -> memref<128x128xbf16, #tpu.memory_space<vmem_shared>>
        %dma_start3A_63 = arith.constant 0 : i32
        %dma_start3A_64 = arith.constant 0 : i32
        %dma_start3A_65 = tpu.memref_slice %arg9[%dma_start3A_63, %dma_start3A_64] : memref<256x128xbf16, #tpu.memory_space<vmem>> -> memref<128x128xbf16, #tpu.memory_space<vmem>>
        %dma_start3A_66 = arith.constant 0 : i32
        %dma_start3A_67 = tpu.memref_slice %arg21[%add3A_57, %dma_start3A_66] : memref<10240x128xbf16, #tpu.memory_space<vmem_shared>> -> memref<128x128xbf16, #tpu.memory_space<vmem_shared>>
        tpu.enqueue_dma source(%dma_start3A_67 : memref<128x128xbf16, #tpu.memory_space<vmem_shared>>) target(%dma_start3A_65 : memref<128x128xbf16, #tpu.memory_space<vmem>>) target_semaphore(%run_scoped3A : memref<!tpu.dma_semaphore, #tpu.memory_space<semaphore_mem>>)
        %dma_wait3A_68 = arith.constant 0 : i32
        %dma_wait3A_69 = arith.constant 0 : i32
        %dma_wait3A_70 = tpu.memref_slice %arg9[%dma_wait3A_68, %dma_wait3A_69] : memref<256x128xbf16, #tpu.memory_space<vmem>> -> memref<128x128xbf16, #tpu.memory_space<vmem>>
        %dma_wait3A_71 = arith.constant 0 : i32
        %dma_wait3A_72 = tpu.memref_slice %arg21[%add3A_57, %dma_wait3A_71] : memref<10240x128xbf16, #tpu.memory_space<vmem_shared>> -> memref<128x128xbf16, #tpu.memory_space<vmem_shared>>
        %dma_wait3A_73 = arith.constant 0 : i32
        %dma_wait3A_74 = arith.constant 0 : i32
        %dma_wait3A_75 = tpu.memref_slice %arg9[%dma_wait3A_73, %dma_wait3A_74] : memref<256x128xbf16, #tpu.memory_space<vmem>> -> memref<128x128xbf16, #tpu.memory_space<vmem>>
        %dma_wait3A_76 = arith.constant 0 : i32
        %dma_wait3A_77 = tpu.memref_slice %arg21[%add3A_57, %dma_wait3A_76] : memref<10240x128xbf16, #tpu.memory_space<vmem_shared>> -> memref<128x128xbf16, #tpu.memory_space<vmem_shared>>
        tpu.wait_dma2 semaphore(%run_scoped3A : memref<!tpu.dma_semaphore, #tpu.memory_space<semaphore_mem>>) src(%dma_wait3A_77 : memref<128x128xbf16, #tpu.memory_space<vmem_shared>>) dst(%dma_wait3A_75 : memref<128x128xbf16, #tpu.memory_space<vmem>>)
        tpu.yield
      }) : () -> ()
      "tpu.region"() ({
        %run_scoped3A = tpu.sem_alloc : memref<!tpu.dma_semaphore, #tpu.memory_space<semaphore_mem>>
        %dma_start3A_58 = arith.constant 0 : i32
        %dma_start3A_59 = arith.constant 0 : i32
        %dma_start3A_60 = tpu.memref_slice %arg9[%dma_start3A_58, %dma_start3A_59] : memref<256x128xbf16, #tpu.memory_space<vmem>> -> memref<128x128xbf16, #tpu.memory_space<vmem>>
        %dma_start3A_61 = arith.constant 0 : i32
        %dma_start3A_62 = tpu.memref_slice %arg6[%arg0, %add3A_57, %dma_start3A_61] : memref<2x10240x128xbf16, #tpu.memory_space<hbm>> -> memref<1x128x128xbf16, #tpu.memory_space<hbm>>
        %dma_start3A_63 = tpu.memref_squeeze %dma_start3A_62 : memref<1x128x128xbf16, #tpu.memory_space<hbm>> -> memref<128x128xbf16, #tpu.memory_space<hbm>>
        %dma_start3A_64 = arith.constant 0 : i32
        %dma_start3A_65 = tpu.memref_slice %arg6[%arg0, %add3A_57, %dma_start3A_64] : memref<2x10240x128xbf16, #tpu.memory_space<hbm>> -> memref<1x128x128xbf16, #tpu.memory_space<hbm>>
        %dma_start3A_66 = tpu.memref_squeeze %dma_start3A_65 : memref<1x128x128xbf16, #tpu.memory_space<hbm>> -> memref<128x128xbf16, #tpu.memory_space<hbm>>
        %dma_start3A_67 = arith.constant 0 : i32
        %dma_start3A_68 = arith.constant 0 : i32
        %dma_start3A_69 = tpu.memref_slice %arg9[%dma_start3A_67, %dma_start3A_68] : memref<256x128xbf16, #tpu.memory_space<vmem>> -> memref<128x128xbf16, #tpu.memory_space<vmem>>
        tpu.enqueue_dma source(%dma_start3A_69 : memref<128x128xbf16, #tpu.memory_space<vmem>>) target(%dma_start3A_66 : memref<128x128xbf16, #tpu.memory_space<hbm>>) target_semaphore(%run_scoped3A : memref<!tpu.dma_semaphore, #tpu.memory_space<semaphore_mem>>)
        %dma_wait3A_70 = arith.constant 0 : i32
        %dma_wait3A_71 = arith.constant 0 : i32
        %dma_wait3A_72 = tpu.memref_slice %arg9[%dma_wait3A_70, %dma_wait3A_71] : memref<256x128xbf16, #tpu.memory_space<vmem>> -> memref<128x128xbf16, #tpu.memory_space<vmem>>
        %dma_wait3A_73 = arith.constant 0 : i32
        %dma_wait3A_74 = tpu.memref_slice %arg6[%arg0, %add3A_57, %dma_wait3A_73] : memref<2x10240x128xbf16, #tpu.memory_space<hbm>> -> memref<1x128x128xbf16, #tpu.memory_space<hbm>>
        %dma_wait3A_75 = tpu.memref_squeeze %dma_wait3A_74 : memref<1x128x128xbf16, #tpu.memory_space<hbm>> -> memref<128x128xbf16, #tpu.memory_space<hbm>>
        %dma_wait3A_76 = arith.constant 0 : i32
        %dma_wait3A_77 = tpu.memref_slice %arg6[%arg0, %add3A_57, %dma_wait3A_76] : memref<2x10240x128xbf16, #tpu.memory_space<hbm>> -> memref<1x128x128xbf16, #tpu.memory_space<hbm>>
        %dma_wait3A_78 = tpu.memref_squeeze %dma_wait3A_77 : memref<1x128x128xbf16, #tpu.memory_space<hbm>> -> memref<128x128xbf16, #tpu.memory_space<hbm>>
        %dma_wait3A_79 = arith.constant 0 : i32
        %dma_wait3A_80 = arith.constant 0 : i32
        %dma_wait3A_81 = tpu.memref_slice %arg9[%dma_wait3A_79, %dma_wait3A_80] : memref<256x128xbf16, #tpu.memory_space<vmem>> -> memref<128x128xbf16, #tpu.memory_space<vmem>>
        tpu.wait_dma2 semaphore(%run_scoped3A : memref<!tpu.dma_semaphore, #tpu.memory_space<semaphore_mem>>) src(%dma_wait3A_81 : memref<128x128xbf16, #tpu.memory_space<vmem>>) dst(%dma_wait3A_78 : memref<128x128xbf16, #tpu.memory_space<hbm>>)
        tpu.yield
      }) : () -> ()
    }
    %scan3A_49 = arith.constant 5 : i32
    return
  }
}

#map = affine_map<(d0, d1) -> (0, 0)>
#map1 = affine_map<(d0, d1) -> (0)>
#map2 = affine_map<(d0, d1) -> (0, 0, 0)>
module attributes {stable_mosaic.version = 14 : i64} {
  func.func @body(%arg0: i32, %arg1: i32, %arg2: memref<10000x128xbf16, #tpu.memory_space<hbm>>, %arg3: memref<327680xi32, #tpu.memory_space<hbm>>, %arg4: memref<327680xi32, #tpu.memory_space<hbm>>, %arg5: memref<256x128xbf16, #tpu.memory_space<hbm>>, %arg6: memref<2x10240x128xbf16, #tpu.memory_space<hbm>>, %arg7: memref<10240xi32, #tpu.memory_space<vmem>>, %arg8: memref<10240xi32, #tpu.memory_space<vmem>>, %arg9: memref<256x128xbf16, #tpu.memory_space<vmem>>, %arg10: memref<256x128xbf16, #tpu.memory_space<vmem>>, %arg11: memref<256x128xbf16, #tpu.memory_space<vmem>>, %arg12: memref<256x128xbf16, #tpu.memory_space<vmem>>, %arg13: memref<!tpu.dma_semaphore, #tpu.memory_space<semaphore_mem>>, %arg14: memref<!tpu.dma_semaphore, #tpu.memory_space<semaphore_mem>>, %arg15: memref<!tpu.dma_semaphore, #tpu.memory_space<semaphore_mem>>, %arg16: memref<!tpu.dma_semaphore, #tpu.memory_space<semaphore_mem>>, %arg17: memref<!tpu.dma_semaphore, #tpu.memory_space<semaphore_mem>>, %arg18: memref<!tpu.dma_semaphore, #tpu.memory_space<semaphore_mem>>, %arg19: memref<!tpu.dma_semaphore, #tpu.memory_space<semaphore_mem>>, %arg20: memref<!tpu.dma_semaphore, #tpu.memory_space<semaphore_mem>>, %arg21: memref<10240x128xbf16, #tpu.memory_space<vmem_shared>>) attributes {dimension_semantics = [#tpu.dimension_semantics<core_parallel>, #tpu.dimension_semantics<subcore_parallel>], iteration_bounds = array<i64: 2, 16>, scalar_prefetch = 0 : i64, scratch_operands = 15 : i64, tpu.core_type = #tpu.core_type<sc_vector_subcore>, window_params = [{transform_indices = #map}, {transform_indices = #map1}, {transform_indices = #map1}, {transform_indices = #map}, {transform_indices = #map2}]} {
    %mul3A = arith.constant 16 : i32
    %mul3A_0 = arith.muli %arg0, %mul3A : i32
    %add3A = arith.addi %mul3A_0, %arg1 : i32
    "tpu.region"() ({
      %run_scoped3A = tpu.sem_alloc : memref<!tpu.dma_semaphore, #tpu.memory_space<semaphore_mem>>
      tpu.enqueue_dma source(%arg5 : memref<256x128xbf16, #tpu.memory_space<hbm>>) target(%arg9 : memref<256x128xbf16, #tpu.memory_space<vmem>>) target_semaphore(%run_scoped3A : memref<!tpu.dma_semaphore, #tpu.memory_space<semaphore_mem>>)
      tpu.wait_dma2 semaphore(%run_scoped3A : memref<!tpu.dma_semaphore, #tpu.memory_space<semaphore_mem>>) src(%arg5 : memref<256x128xbf16, #tpu.memory_space<hbm>>) dst(%arg9 : memref<256x128xbf16, #tpu.memory_space<vmem>>)
      tpu.yield
    }) : () -> ()
    %mul3A_1 = arith.constant 640 : i32
    %mul3A_2 = arith.muli %arg1, %mul3A_1 : i32
    %scan3A = arith.constant 0 : i32
    %scan3A_3 = arith.constant 5 : i32
    %scan3A_4 = arith.addi %scan3A, %scan3A_3 : i32
    %scan3A_5 = arith.constant 1 : i32
    scf.for %scan3A_50 = %scan3A to %scan3A_4 step %scan3A_5  : i32 {
      %mul3A_51 = arith.constant 1 : i32
      %mul3A_52 = arith.muli %scan3A_50, %mul3A_51 : i32
      %add3A_53 = arith.constant 0 : i32
      %add3A_54 = arith.addi %add3A_53, %mul3A_52 : i32
      %mul3A_55 = arith.constant 128 : i32
      %mul3A_56 = arith.muli %add3A_54, %mul3A_55 : i32
      %add3A_57 = arith.addi %mul3A_2, %mul3A_56 : i32
      "tpu.region"() ({
        %run_scoped3A = tpu.sem_alloc : memref<!tpu.dma_semaphore, #tpu.memory_space<semaphore_mem>>
        %dma_start3A_58 = arith.constant 0 : i32
        %dma_start3A_59 = arith.constant 0 : i32
        %dma_start3A_60 = tpu.memref_slice %arg9[%dma_start3A_58, %dma_start3A_59] : memref<256x128xbf16, #tpu.memory_space<vmem>> -> memref<128x128xbf16, #tpu.memory_space<vmem>>
        %dma_start3A_61 = arith.constant 0 : i32
        %dma_start3A_62 = tpu.memref_slice %arg21[%add3A_57, %dma_start3A_61] : memref<10240x128xbf16, #tpu.memory_space<vmem_shared>> -> memref<128x128xbf16, #tpu.memory_space<vmem_shared>>
        %dma_start3A_63 = arith.constant 0 : i32
        %dma_start3A_64 = tpu.memref_slice %arg21[%add3A_57, %dma_start3A_63] : memref<10240x128xbf16, #tpu.memory_space<vmem_shared>> -> memref<128x128xbf16, #tpu.memory_space<vmem_shared>>
        %dma_start3A_65 = arith.constant 0 : i32
        %dma_start3A_66 = arith.constant 0 : i32
        %dma_start3A_67 = tpu.memref_slice %arg9[%dma_start3A_65, %dma_start3A_66] : memref<256x128xbf16, #tpu.memory_space<vmem>> -> memref<128x128xbf16, #tpu.memory_space<vmem>>
        tpu.enqueue_dma source(%dma_start3A_67 : memref<128x128xbf16, #tpu.memory_space<vmem>>) target(%dma_start3A_64 : memref<128x128xbf16, #tpu.memory_space<vmem_shared>>) target_semaphore(%run_scoped3A : memref<!tpu.dma_semaphore, #tpu.memory_space<semaphore_mem>>)
        %dma_wait3A_68 = arith.constant 0 : i32
        %dma_wait3A_69 = arith.constant 0 : i32
        %dma_wait3A_70 = tpu.memref_slice %arg9[%dma_wait3A_68, %dma_wait3A_69] : memref<256x128xbf16, #tpu.memory_space<vmem>> -> memref<128x128xbf16, #tpu.memory_space<vmem>>
        %dma_wait3A_71 = arith.constant 0 : i32
        %dma_wait3A_72 = tpu.memref_slice %arg21[%add3A_57, %dma_wait3A_71] : memref<10240x128xbf16, #tpu.memory_space<vmem_shared>> -> memref<128x128xbf16, #tpu.memory_space<vmem_shared>>
        %dma_wait3A_73 = arith.constant 0 : i32
        %dma_wait3A_74 = tpu.memref_slice %arg21[%add3A_57, %dma_wait3A_73] : memref<10240x128xbf16, #tpu.memory_space<vmem_shared>> -> memref<128x128xbf16, #tpu.memory_space<vmem_shared>>
        %dma_wait3A_75 = arith.constant 0 : i32
        %dma_wait3A_76 = arith.constant 0 : i32
        %dma_wait3A_77 = tpu.memref_slice %arg9[%dma_wait3A_75, %dma_wait3A_76] : memref<256x128xbf16, #tpu.memory_space<vmem>> -> memref<128x128xbf16, #tpu.memory_space<vmem>>
        tpu.wait_dma2 semaphore(%run_scoped3A : memref<!tpu.dma_semaphore, #tpu.memory_space<semaphore_mem>>) src(%dma_wait3A_77 : memref<128x128xbf16, #tpu.memory_space<vmem>>) dst(%dma_wait3A_74 : memref<128x128xbf16, #tpu.memory_space<vmem_shared>>)
        tpu.yield
      }) : () -> ()
    }
    %scan3A_6 = arith.constant 5 : i32
    %mul3A_7 = arith.constant 10240 : i32
    %mul3A_8 = arith.muli %add3A, %mul3A_7 : i32
    "tpu.region"() ({
      %run_scoped3A = tpu.sem_alloc : memref<!tpu.dma_semaphore, #tpu.memory_space<semaphore_mem>>
      %dma_start3A_50 = tpu.memref_slice %arg3[%mul3A_8] : memref<327680xi32, #tpu.memory_space<hbm>> -> memref<10240xi32, #tpu.memory_space<hbm>>
      %dma_start3A_51 = tpu.memref_slice %arg3[%mul3A_8] : memref<327680xi32, #tpu.memory_space<hbm>> -> memref<10240xi32, #tpu.memory_space<hbm>>
      tpu.enqueue_dma source(%dma_start3A_51 : memref<10240xi32, #tpu.memory_space<hbm>>) target(%arg7 : memref<10240xi32, #tpu.memory_space<vmem>>) target_semaphore(%run_scoped3A : memref<!tpu.dma_semaphore, #tpu.memory_space<semaphore_mem>>)
      %dma_wait3A_52 = tpu.memref_slice %arg3[%mul3A_8] : memref<327680xi32, #tpu.memory_space<hbm>> -> memref<10240xi32, #tpu.memory_space<hbm>>
      %dma_wait3A_53 = tpu.memref_slice %arg3[%mul3A_8] : memref<327680xi32, #tpu.memory_space<hbm>> -> memref<10240xi32, #tpu.memory_space<hbm>>
      tpu.wait_dma2 semaphore(%run_scoped3A : memref<!tpu.dma_semaphore, #tpu.memory_space<semaphore_mem>>) src(%dma_wait3A_53 : memref<10240xi32, #tpu.memory_space<hbm>>) dst(%arg7 : memref<10240xi32, #tpu.memory_space<vmem>>)
      tpu.yield
    }) : () -> ()
    %mul3A_9 = arith.constant 10240 : i32
    %mul3A_10 = arith.muli %add3A, %mul3A_9 : i32
    "tpu.region"() ({
      %run_scoped3A = tpu.sem_alloc : memref<!tpu.dma_semaphore, #tpu.memory_space<semaphore_mem>>
      %dma_start3A_50 = tpu.memref_slice %arg4[%mul3A_10] : memref<327680xi32, #tpu.memory_space<hbm>> -> memref<10240xi32, #tpu.memory_space<hbm>>
      %dma_start3A_51 = tpu.memref_slice %arg4[%mul3A_10] : memref<327680xi32, #tpu.memory_space<hbm>> -> memref<10240xi32, #tpu.memory_space<hbm>>
      tpu.enqueue_dma source(%dma_start3A_51 : memref<10240xi32, #tpu.memory_space<hbm>>) target(%arg8 : memref<10240xi32, #tpu.memory_space<vmem>>) target_semaphore(%run_scoped3A : memref<!tpu.dma_semaphore, #tpu.memory_space<semaphore_mem>>)
      %dma_wait3A_52 = tpu.memref_slice %arg4[%mul3A_10] : memref<327680xi32, #tpu.memory_space<hbm>> -> memref<10240xi32, #tpu.memory_space<hbm>>
      %dma_wait3A_53 = tpu.memref_slice %arg4[%mul3A_10] : memref<327680xi32, #tpu.memory_space<hbm>> -> memref<10240xi32, #tpu.memory_space<hbm>>
      tpu.wait_dma2 semaphore(%run_scoped3A : memref<!tpu.dma_semaphore, #tpu.memory_space<semaphore_mem>>) src(%dma_wait3A_53 : memref<10240xi32, #tpu.memory_space<hbm>>) dst(%arg8 : memref<10240xi32, #tpu.memory_space<vmem>>)
      tpu.yield
    }) : () -> ()
    %barrier3A = arith.constant 0 : index
    tpu.barrier barrier_id(%barrier3A)
    %dma_start3A = arith.constant 0 : i32
    %dma_start3A_11 = tpu.memref_slice %arg7[%dma_start3A] : memref<10240xi32, #tpu.memory_space<vmem>> -> memref<256xi32, #tpu.memory_space<vmem>>
    %dma_start3A_12 = arith.constant 0 : i32
    %dma_start3A_13 = arith.constant 0 : i32
    %dma_start3A_14 = tpu.memref_slice %arg2[%dma_start3A_12, %dma_start3A_13] : memref<10000x128xbf16, #tpu.memory_space<hbm>> -> memref<10000x128xbf16, #tpu.memory_space<hbm>>
    tpu.enqueue_indirect_dma source(%dma_start3A_14 : memref<10000x128xbf16, #tpu.memory_space<hbm>>) target(%arg9 : memref<256x128xbf16, #tpu.memory_space<vmem>>) offsets(%dma_start3A_11 : memref<256xi32, #tpu.memory_space<vmem>>) semaphore(%arg13 : memref<!tpu.dma_semaphore, #tpu.memory_space<semaphore_mem>>)
    %dma_start3A_15 = arith.constant 256 : i32
    %dma_start3A_16 = tpu.memref_slice %arg7[%dma_start3A_15] : memref<10240xi32, #tpu.memory_space<vmem>> -> memref<256xi32, #tpu.memory_space<vmem>>
    %dma_start3A_17 = arith.constant 0 : i32
    %dma_start3A_18 = arith.constant 0 : i32
    %dma_start3A_19 = tpu.memref_slice %arg2[%dma_start3A_17, %dma_start3A_18] : memref<10000x128xbf16, #tpu.memory_space<hbm>> -> memref<10000x128xbf16, #tpu.memory_space<hbm>>
    tpu.enqueue_indirect_dma source(%dma_start3A_19 : memref<10000x128xbf16, #tpu.memory_space<hbm>>) target(%arg10 : memref<256x128xbf16, #tpu.memory_space<vmem>>) offsets(%dma_start3A_16 : memref<256xi32, #tpu.memory_space<vmem>>) semaphore(%arg14 : memref<!tpu.dma_semaphore, #tpu.memory_space<semaphore_mem>>)
    %scan3A_20 = arith.constant 0 : i32
    %scan3A_21 = arith.constant 10 : i32
    %scan3A_22 = arith.addi %scan3A_20, %scan3A_21 : i32
    %scan3A_23 = arith.constant 1 : i32
    scf.for %scan3A_50 = %scan3A_20 to %scan3A_22 step %scan3A_23  : i32 {
      %mul3A_51 = arith.constant 1 : i32
      %mul3A_52 = arith.muli %scan3A_50, %mul3A_51 : i32
      %add3A_53 = arith.constant 0 : i32
      %add3A_54 = arith.addi %add3A_53, %mul3A_52 : i32
      %mul3A_55 = arith.constant 4 : i32
      %mul3A_56 = arith.muli %add3A_54, %mul3A_55 : i32
      %add3A_57 = arith.constant 0 : i32
      %add3A_58 = arith.addi %mul3A_56, %add3A_57 : i32
      %add3A_59 = arith.constant 2 : i32
      %add3A_60 = arith.addi %add3A_58, %add3A_59 : i32
      %ge3A = arith.constant 1 : i32
      %ge3A_61 = arith.cmpi sge, %add3A_54, %ge3A : i32
      %convert_element_type3A = arith.extui %ge3A_61 : i1 to i32
      %cond3A = arith.constant 0 : i32
      %cond3A_62 = arith.cmpi ne, %convert_element_type3A, %cond3A : i32
      scf.if %cond3A_62 {
        %sub3A = arith.constant 4 : i32
        %sub3A_151 = arith.subi %add3A_60, %sub3A : i32
        %mul3A_152 = arith.constant 256 : i32
        %mul3A_153 = arith.muli %sub3A_151, %mul3A_152 : i32
        %dma_wait3A_154 = tpu.memref_slice %arg8[%mul3A_153] : memref<10240xi32, #tpu.memory_space<vmem>> -> memref<256xi32, #tpu.memory_space<vmem>>
        %dma_wait3A_155 = arith.constant 0 : i32
        %dma_wait3A_156 = arith.constant 0 : i32
        %dma_wait3A_157 = tpu.memref_slice %arg21[%dma_wait3A_155, %dma_wait3A_156] : memref<10240x128xbf16, #tpu.memory_space<vmem_shared>> -> memref<10240x128xbf16, #tpu.memory_space<vmem_shared>>
        tpu.wait_indirect_dma semaphore(%arg19 : memref<!tpu.dma_semaphore, #tpu.memory_space<semaphore_mem>>) src(%arg11 : memref<256x128xbf16, #tpu.memory_space<vmem>>) dst(%dma_wait3A_157 : memref<10240x128xbf16, #tpu.memory_space<vmem_shared>>)
      } else {
      }
      %mul3A_63 = arith.constant 256 : i32
      %mul3A_64 = arith.muli %add3A_60, %mul3A_63 : i32
      %dma_start3A_65 = tpu.memref_slice %arg7[%mul3A_64] : memref<10240xi32, #tpu.memory_space<vmem>> -> memref<256xi32, #tpu.memory_space<vmem>>
      %dma_start3A_66 = arith.constant 0 : i32
      %dma_start3A_67 = arith.constant 0 : i32
      %dma_start3A_68 = tpu.memref_slice %arg2[%dma_start3A_66, %dma_start3A_67] : memref<10000x128xbf16, #tpu.memory_space<hbm>> -> memref<10000x128xbf16, #tpu.memory_space<hbm>>
      tpu.enqueue_indirect_dma source(%dma_start3A_68 : memref<10000x128xbf16, #tpu.memory_space<hbm>>) target(%arg11 : memref<256x128xbf16, #tpu.memory_space<vmem>>) offsets(%dma_start3A_65 : memref<256xi32, #tpu.memory_space<vmem>>) semaphore(%arg15 : memref<!tpu.dma_semaphore, #tpu.memory_space<semaphore_mem>>)
      %mul3A_69 = arith.constant 256 : i32
      %mul3A_70 = arith.muli %add3A_58, %mul3A_69 : i32
      %dma_wait3A_71 = tpu.memref_slice %arg7[%mul3A_70] : memref<10240xi32, #tpu.memory_space<vmem>> -> memref<256xi32, #tpu.memory_space<vmem>>
      %dma_wait3A_72 = arith.constant 0 : i32
      %dma_wait3A_73 = arith.constant 0 : i32
      %dma_wait3A_74 = tpu.memref_slice %arg2[%dma_wait3A_72, %dma_wait3A_73] : memref<10000x128xbf16, #tpu.memory_space<hbm>> -> memref<10000x128xbf16, #tpu.memory_space<hbm>>
      tpu.wait_indirect_dma semaphore(%arg13 : memref<!tpu.dma_semaphore, #tpu.memory_space<semaphore_mem>>) src(%dma_wait3A_74 : memref<10000x128xbf16, #tpu.memory_space<hbm>>) dst(%arg9 : memref<256x128xbf16, #tpu.memory_space<vmem>>)
      %mul3A_75 = arith.constant 256 : i32
      %mul3A_76 = arith.muli %add3A_58, %mul3A_75 : i32
      %dma_start3A_77 = tpu.memref_slice %arg8[%mul3A_76] : memref<10240xi32, #tpu.memory_space<vmem>> -> memref<256xi32, #tpu.memory_space<vmem>>
      %dma_start3A_78 = arith.constant 0 : i32
      %dma_start3A_79 = arith.constant 0 : i32
      %dma_start3A_80 = tpu.memref_slice %arg21[%dma_start3A_78, %dma_start3A_79] : memref<10240x128xbf16, #tpu.memory_space<vmem_shared>> -> memref<10240x128xbf16, #tpu.memory_space<vmem_shared>>
      tpu.enqueue_indirect_dma source(%arg9 : memref<256x128xbf16, #tpu.memory_space<vmem>>) target(%dma_start3A_80 : memref<10240x128xbf16, #tpu.memory_space<vmem_shared>>) offsets(%dma_start3A_77 : memref<256xi32, #tpu.memory_space<vmem>>) semaphore(%arg17 : memref<!tpu.dma_semaphore, #tpu.memory_space<semaphore_mem>>) {add = true}
      %mul3A_81 = arith.constant 4 : i32
      %mul3A_82 = arith.muli %add3A_54, %mul3A_81 : i32
      %add3A_83 = arith.constant 1 : i32
      %add3A_84 = arith.addi %mul3A_82, %add3A_83 : i32
      %add3A_85 = arith.constant 2 : i32
      %add3A_86 = arith.addi %add3A_84, %add3A_85 : i32
      %ge3A_87 = arith.constant 1 : i32
      %ge3A_88 = arith.cmpi sge, %add3A_54, %ge3A_87 : i32
      %convert_element_type3A_89 = arith.extui %ge3A_88 : i1 to i32
      %cond3A_90 = arith.constant 0 : i32
      %cond3A_91 = arith.cmpi ne, %convert_element_type3A_89, %cond3A_90 : i32
      scf.if %cond3A_91 {
        %sub3A = arith.constant 4 : i32
        %sub3A_151 = arith.subi %add3A_86, %sub3A : i32
        %mul3A_152 = arith.constant 256 : i32
        %mul3A_153 = arith.muli %sub3A_151, %mul3A_152 : i32
        %dma_wait3A_154 = tpu.memref_slice %arg8[%mul3A_153] : memref<10240xi32, #tpu.memory_space<vmem>> -> memref<256xi32, #tpu.memory_space<vmem>>
        %dma_wait3A_155 = arith.constant 0 : i32
        %dma_wait3A_156 = arith.constant 0 : i32
        %dma_wait3A_157 = tpu.memref_slice %arg21[%dma_wait3A_155, %dma_wait3A_156] : memref<10240x128xbf16, #tpu.memory_space<vmem_shared>> -> memref<10240x128xbf16, #tpu.memory_space<vmem_shared>>
        tpu.wait_indirect_dma semaphore(%arg20 : memref<!tpu.dma_semaphore, #tpu.memory_space<semaphore_mem>>) src(%arg12 : memref<256x128xbf16, #tpu.memory_space<vmem>>) dst(%dma_wait3A_157 : memref<10240x128xbf16, #tpu.memory_space<vmem_shared>>)
      } else {
      }
      %mul3A_92 = arith.constant 256 : i32
      %mul3A_93 = arith.muli %add3A_86, %mul3A_92 : i32
      %dma_start3A_94 = tpu.memref_slice %arg7[%mul3A_93] : memref<10240xi32, #tpu.memory_space<vmem>> -> memref<256xi32, #tpu.memory_space<vmem>>
      %dma_start3A_95 = arith.constant 0 : i32
      %dma_start3A_96 = arith.constant 0 : i32
      %dma_start3A_97 = tpu.memref_slice %arg2[%dma_start3A_95, %dma_start3A_96] : memref<10000x128xbf16, #tpu.memory_space<hbm>> -> memref<10000x128xbf16, #tpu.memory_space<hbm>>
      tpu.enqueue_indirect_dma source(%dma_start3A_97 : memref<10000x128xbf16, #tpu.memory_space<hbm>>) target(%arg12 : memref<256x128xbf16, #tpu.memory_space<vmem>>) offsets(%dma_start3A_94 : memref<256xi32, #tpu.memory_space<vmem>>) semaphore(%arg16 : memref<!tpu.dma_semaphore, #tpu.memory_space<semaphore_mem>>)
      %mul3A_98 = arith.constant 256 : i32
      %mul3A_99 = arith.muli %add3A_84, %mul3A_98 : i32
      %dma_wait3A_100 = tpu.memref_slice %arg7[%mul3A_99] : memref<10240xi32, #tpu.memory_space<vmem>> -> memref<256xi32, #tpu.memory_space<vmem>>
      %dma_wait3A_101 = arith.constant 0 : i32
      %dma_wait3A_102 = arith.constant 0 : i32
      %dma_wait3A_103 = tpu.memref_slice %arg2[%dma_wait3A_101, %dma_wait3A_102] : memref<10000x128xbf16, #tpu.memory_space<hbm>> -> memref<10000x128xbf16, #tpu.memory_space<hbm>>
      tpu.wait_indirect_dma semaphore(%arg14 : memref<!tpu.dma_semaphore, #tpu.memory_space<semaphore_mem>>) src(%dma_wait3A_103 : memref<10000x128xbf16, #tpu.memory_space<hbm>>) dst(%arg10 : memref<256x128xbf16, #tpu.memory_space<vmem>>)
      %mul3A_104 = arith.constant 256 : i32
      %mul3A_105 = arith.muli %add3A_84, %mul3A_104 : i32
      %dma_start3A_106 = tpu.memref_slice %arg8[%mul3A_105] : memref<10240xi32, #tpu.memory_space<vmem>> -> memref<256xi32, #tpu.memory_space<vmem>>
      %dma_start3A_107 = arith.constant 0 : i32
      %dma_start3A_108 = arith.constant 0 : i32
      %dma_start3A_109 = tpu.memref_slice %arg21[%dma_start3A_107, %dma_start3A_108] : memref<10240x128xbf16, #tpu.memory_space<vmem_shared>> -> memref<10240x128xbf16, #tpu.memory_space<vmem_shared>>
      tpu.enqueue_indirect_dma source(%arg10 : memref<256x128xbf16, #tpu.memory_space<vmem>>) target(%dma_start3A_109 : memref<10240x128xbf16, #tpu.memory_space<vmem_shared>>) offsets(%dma_start3A_106 : memref<256xi32, #tpu.memory_space<vmem>>) semaphore(%arg18 : memref<!tpu.dma_semaphore, #tpu.memory_space<semaphore_mem>>) {add = true}
      %mul3A_110 = arith.constant 4 : i32
      %mul3A_111 = arith.muli %add3A_54, %mul3A_110 : i32
      %add3A_112 = arith.constant 2 : i32
      %add3A_113 = arith.addi %mul3A_111, %add3A_112 : i32
      %lt3A = arith.constant 9 : i32
      %lt3A_114 = arith.cmpi slt, %add3A_54, %lt3A : i32
      %convert_element_type3A_115 = arith.extui %lt3A_114 : i1 to i32
      %cond3A_116 = arith.constant 0 : i32
      %cond3A_117 = arith.cmpi ne, %convert_element_type3A_115, %cond3A_116 : i32
      scf.if %cond3A_117 {
        %add3A_151 = arith.constant 2 : i32
        %add3A_152 = arith.addi %add3A_113, %add3A_151 : i32
        %sub3A = arith.constant 4 : i32
        %sub3A_153 = arith.subi %add3A_152, %sub3A : i32
        %mul3A_154 = arith.constant 256 : i32
        %mul3A_155 = arith.muli %sub3A_153, %mul3A_154 : i32
        %dma_wait3A_156 = tpu.memref_slice %arg8[%mul3A_155] : memref<10240xi32, #tpu.memory_space<vmem>> -> memref<256xi32, #tpu.memory_space<vmem>>
        %dma_wait3A_157 = arith.constant 0 : i32
        %dma_wait3A_158 = arith.constant 0 : i32
        %dma_wait3A_159 = tpu.memref_slice %arg21[%dma_wait3A_157, %dma_wait3A_158] : memref<10240x128xbf16, #tpu.memory_space<vmem_shared>> -> memref<10240x128xbf16, #tpu.memory_space<vmem_shared>>
        tpu.wait_indirect_dma semaphore(%arg17 : memref<!tpu.dma_semaphore, #tpu.memory_space<semaphore_mem>>) src(%arg9 : memref<256x128xbf16, #tpu.memory_space<vmem>>) dst(%dma_wait3A_159 : memref<10240x128xbf16, #tpu.memory_space<vmem_shared>>)
        %mul3A_160 = arith.constant 256 : i32
        %mul3A_161 = arith.muli %add3A_152, %mul3A_160 : i32
        %dma_start3A_162 = tpu.memref_slice %arg7[%mul3A_161] : memref<10240xi32, #tpu.memory_space<vmem>> -> memref<256xi32, #tpu.memory_space<vmem>>
        %dma_start3A_163 = arith.constant 0 : i32
        %dma_start3A_164 = arith.constant 0 : i32
        %dma_start3A_165 = tpu.memref_slice %arg2[%dma_start3A_163, %dma_start3A_164] : memref<10000x128xbf16, #tpu.memory_space<hbm>> -> memref<10000x128xbf16, #tpu.memory_space<hbm>>
        tpu.enqueue_indirect_dma source(%dma_start3A_165 : memref<10000x128xbf16, #tpu.memory_space<hbm>>) target(%arg9 : memref<256x128xbf16, #tpu.memory_space<vmem>>) offsets(%dma_start3A_162 : memref<256xi32, #tpu.memory_space<vmem>>) semaphore(%arg13 : memref<!tpu.dma_semaphore, #tpu.memory_space<semaphore_mem>>)
      } else {
      }
      %mul3A_118 = arith.constant 256 : i32
      %mul3A_119 = arith.muli %add3A_113, %mul3A_118 : i32
      %dma_wait3A_120 = tpu.memref_slice %arg7[%mul3A_119] : memref<10240xi32, #tpu.memory_space<vmem>> -> memref<256xi32, #tpu.memory_space<vmem>>
      %dma_wait3A_121 = arith.constant 0 : i32
      %dma_wait3A_122 = arith.constant 0 : i32
      %dma_wait3A_123 = tpu.memref_slice %arg2[%dma_wait3A_121, %dma_wait3A_122] : memref<10000x128xbf16, #tpu.memory_space<hbm>> -> memref<10000x128xbf16, #tpu.memory_space<hbm>>
      tpu.wait_indirect_dma semaphore(%arg15 : memref<!tpu.dma_semaphore, #tpu.memory_space<semaphore_mem>>) src(%dma_wait3A_123 : memref<10000x128xbf16, #tpu.memory_space<hbm>>) dst(%arg11 : memref<256x128xbf16, #tpu.memory_space<vmem>>)
      %mul3A_124 = arith.constant 256 : i32
      %mul3A_125 = arith.muli %add3A_113, %mul3A_124 : i32
      %dma_start3A_126 = tpu.memref_slice %arg8[%mul3A_125] : memref<10240xi32, #tpu.memory_space<vmem>> -> memref<256xi32, #tpu.memory_space<vmem>>
      %dma_start3A_127 = arith.constant 0 : i32
      %dma_start3A_128 = arith.constant 0 : i32
      %dma_start3A_129 = tpu.memref_slice %arg21[%dma_start3A_127, %dma_start3A_128] : memref<10240x128xbf16, #tpu.memory_space<vmem_shared>> -> memref<10240x128xbf16, #tpu.memory_space<vmem_shared>>
      tpu.enqueue_indirect_dma source(%arg11 : memref<256x128xbf16, #tpu.memory_space<vmem>>) target(%dma_start3A_129 : memref<10240x128xbf16, #tpu.memory_space<vmem_shared>>) offsets(%dma_start3A_126 : memref<256xi32, #tpu.memory_space<vmem>>) semaphore(%arg19 : memref<!tpu.dma_semaphore, #tpu.memory_space<semaphore_mem>>) {add = true}
      %mul3A_130 = arith.constant 4 : i32
      %mul3A_131 = arith.muli %add3A_54, %mul3A_130 : i32
      %add3A_132 = arith.constant 3 : i32
      %add3A_133 = arith.addi %mul3A_131, %add3A_132 : i32
      %lt3A_134 = arith.constant 9 : i32
      %lt3A_135 = arith.cmpi slt, %add3A_54, %lt3A_134 : i32
      %convert_element_type3A_136 = arith.extui %lt3A_135 : i1 to i32
      %cond3A_137 = arith.constant 0 : i32
      %cond3A_138 = arith.cmpi ne, %convert_element_type3A_136, %cond3A_137 : i32
      scf.if %cond3A_138 {
        %add3A_151 = arith.constant 2 : i32
        %add3A_152 = arith.addi %add3A_133, %add3A_151 : i32
        %sub3A = arith.constant 4 : i32
        %sub3A_153 = arith.subi %add3A_152, %sub3A : i32
        %mul3A_154 = arith.constant 256 : i32
        %mul3A_155 = arith.muli %sub3A_153, %mul3A_154 : i32
        %dma_wait3A_156 = tpu.memref_slice %arg8[%mul3A_155] : memref<10240xi32, #tpu.memory_space<vmem>> -> memref<256xi32, #tpu.memory_space<vmem>>
        %dma_wait3A_157 = arith.constant 0 : i32
        %dma_wait3A_158 = arith.constant 0 : i32
        %dma_wait3A_159 = tpu.memref_slice %arg21[%dma_wait3A_157, %dma_wait3A_158] : memref<10240x128xbf16, #tpu.memory_space<vmem_shared>> -> memref<10240x128xbf16, #tpu.memory_space<vmem_shared>>
        tpu.wait_indirect_dma semaphore(%arg18 : memref<!tpu.dma_semaphore, #tpu.memory_space<semaphore_mem>>) src(%arg10 : memref<256x128xbf16, #tpu.memory_space<vmem>>) dst(%dma_wait3A_159 : memref<10240x128xbf16, #tpu.memory_space<vmem_shared>>)
        %mul3A_160 = arith.constant 256 : i32
        %mul3A_161 = arith.muli %add3A_152, %mul3A_160 : i32
        %dma_start3A_162 = tpu.memref_slice %arg7[%mul3A_161] : memref<10240xi32, #tpu.memory_space<vmem>> -> memref<256xi32, #tpu.memory_space<vmem>>
        %dma_start3A_163 = arith.constant 0 : i32
        %dma_start3A_164 = arith.constant 0 : i32
        %dma_start3A_165 = tpu.memref_slice %arg2[%dma_start3A_163, %dma_start3A_164] : memref<10000x128xbf16, #tpu.memory_space<hbm>> -> memref<10000x128xbf16, #tpu.memory_space<hbm>>
        tpu.enqueue_indirect_dma source(%dma_start3A_165 : memref<10000x128xbf16, #tpu.memory_space<hbm>>) target(%arg10 : memref<256x128xbf16, #tpu.memory_space<vmem>>) offsets(%dma_start3A_162 : memref<256xi32, #tpu.memory_space<vmem>>) semaphore(%arg14 : memref<!tpu.dma_semaphore, #tpu.memory_space<semaphore_mem>>)
      } else {
      }
      %mul3A_139 = arith.constant 256 : i32
      %mul3A_140 = arith.muli %add3A_133, %mul3A_139 : i32
      %dma_wait3A_141 = tpu.memref_slice %arg7[%mul3A_140] : memref<10240xi32, #tpu.memory_space<vmem>> -> memref<256xi32, #tpu.memory_space<vmem>>
      %dma_wait3A_142 = arith.constant 0 : i32
      %dma_wait3A_143 = arith.constant 0 : i32
      %dma_wait3A_144 = tpu.memref_slice %arg2[%dma_wait3A_142, %dma_wait3A_143] : memref<10000x128xbf16, #tpu.memory_space<hbm>> -> memref<10000x128xbf16, #tpu.memory_space<hbm>>
      tpu.wait_indirect_dma semaphore(%arg16 : memref<!tpu.dma_semaphore, #tpu.memory_space<semaphore_mem>>) src(%dma_wait3A_144 : memref<10000x128xbf16, #tpu.memory_space<hbm>>) dst(%arg12 : memref<256x128xbf16, #tpu.memory_space<vmem>>)
      %mul3A_145 = arith.constant 256 : i32
      %mul3A_146 = arith.muli %add3A_133, %mul3A_145 : i32
      %dma_start3A_147 = tpu.memref_slice %arg8[%mul3A_146] : memref<10240xi32, #tpu.memory_space<vmem>> -> memref<256xi32, #tpu.memory_space<vmem>>
      %dma_start3A_148 = arith.constant 0 : i32
      %dma_start3A_149 = arith.constant 0 : i32
      %dma_start3A_150 = tpu.memref_slice %arg21[%dma_start3A_148, %dma_start3A_149] : memref<10240x128xbf16, #tpu.memory_space<vmem_shared>> -> memref<10240x128xbf16, #tpu.memory_space<vmem_shared>>
      tpu.enqueue_indirect_dma source(%arg12 : memref<256x128xbf16, #tpu.memory_space<vmem>>) target(%dma_start3A_150 : memref<10240x128xbf16, #tpu.memory_space<vmem_shared>>) offsets(%dma_start3A_147 : memref<256xi32, #tpu.memory_space<vmem>>) semaphore(%arg20 : memref<!tpu.dma_semaphore, #tpu.memory_space<semaphore_mem>>) {add = true}
    }
    %scan3A_24 = arith.constant 10 : i32
    %dma_wait3A = arith.constant 9216 : i32
    %dma_wait3A_25 = tpu.memref_slice %arg8[%dma_wait3A] : memref<10240xi32, #tpu.memory_space<vmem>> -> memref<256xi32, #tpu.memory_space<vmem>>
    %dma_wait3A_26 = arith.constant 0 : i32
    %dma_wait3A_27 = arith.constant 0 : i32
    %dma_wait3A_28 = tpu.memref_slice %arg21[%dma_wait3A_26, %dma_wait3A_27] : memref<10240x128xbf16, #tpu.memory_space<vmem_shared>> -> memref<10240x128xbf16, #tpu.memory_space<vmem_shared>>
    tpu.wait_indirect_dma semaphore(%arg17 : memref<!tpu.dma_semaphore, #tpu.memory_space<semaphore_mem>>) src(%arg9 : memref<256x128xbf16, #tpu.memory_space<vmem>>) dst(%dma_wait3A_28 : memref<10240x128xbf16, #tpu.memory_space<vmem_shared>>)
    %dma_wait3A_29 = arith.constant 9472 : i32
    %dma_wait3A_30 = tpu.memref_slice %arg8[%dma_wait3A_29] : memref<10240xi32, #tpu.memory_space<vmem>> -> memref<256xi32, #tpu.memory_space<vmem>>
    %dma_wait3A_31 = arith.constant 0 : i32
    %dma_wait3A_32 = arith.constant 0 : i32
    %dma_wait3A_33 = tpu.memref_slice %arg21[%dma_wait3A_31, %dma_wait3A_32] : memref<10240x128xbf16, #tpu.memory_space<vmem_shared>> -> memref<10240x128xbf16, #tpu.memory_space<vmem_shared>>
    tpu.wait_indirect_dma semaphore(%arg18 : memref<!tpu.dma_semaphore, #tpu.memory_space<semaphore_mem>>) src(%arg10 : memref<256x128xbf16, #tpu.memory_space<vmem>>) dst(%dma_wait3A_33 : memref<10240x128xbf16, #tpu.memory_space<vmem_shared>>)
    %dma_wait3A_34 = arith.constant 9728 : i32
    %dma_wait3A_35 = tpu.memref_slice %arg8[%dma_wait3A_34] : memref<10240xi32, #tpu.memory_space<vmem>> -> memref<256xi32, #tpu.memory_space<vmem>>
    %dma_wait3A_36 = arith.constant 0 : i32
    %dma_wait3A_37 = arith.constant 0 : i32
    %dma_wait3A_38 = tpu.memref_slice %arg21[%dma_wait3A_36, %dma_wait3A_37] : memref<10240x128xbf16, #tpu.memory_space<vmem_shared>> -> memref<10240x128xbf16, #tpu.memory_space<vmem_shared>>
    tpu.wait_indirect_dma semaphore(%arg19 : memref<!tpu.dma_semaphore, #tpu.memory_space<semaphore_mem>>) src(%arg11 : memref<256x128xbf16, #tpu.memory_space<vmem>>) dst(%dma_wait3A_38 : memref<10240x128xbf16, #tpu.memory_space<vmem_shared>>)
    %dma_wait3A_39 = arith.constant 9984 : i32
    %dma_wait3A_40 = tpu.memref_slice %arg8[%dma_wait3A_39] : memref<10240xi32, #tpu.memory_space<vmem>> -> memref<256xi32, #tpu.memory_space<vmem>>
    %dma_wait3A_41 = arith.constant 0 : i32
    %dma_wait3A_42 = arith.constant 0 : i32
    %dma_wait3A_43 = tpu.memref_slice %arg21[%dma_wait3A_41, %dma_wait3A_42] : memref<10240x128xbf16, #tpu.memory_space<vmem_shared>> -> memref<10240x128xbf16, #tpu.memory_space<vmem_shared>>
    tpu.wait_indirect_dma semaphore(%arg20 : memref<!tpu.dma_semaphore, #tpu.memory_space<semaphore_mem>>) src(%arg12 : memref<256x128xbf16, #tpu.memory_space<vmem>>) dst(%dma_wait3A_43 : memref<10240x128xbf16, #tpu.memory_space<vmem_shared>>)
    %barrier3A_44 = arith.constant 0 : index
    tpu.barrier barrier_id(%barrier3A_44)
    %scan3A_45 = arith.constant 0 : i32
    %scan3A_46 = arith.constant 5 : i32
    %scan3A_47 = arith.addi %scan3A_45, %scan3A_46 : i32
    %scan3A_48 = arith.constant 1 : i32
    scf.for %scan3A_50 = %scan3A_45 to %scan3A_47 step %scan3A_48  : i32 {
      %mul3A_51 = arith.constant 1 : i32
      %mul3A_52 = arith.muli %scan3A_50, %mul3A_51 : i32
      %add3A_53 = arith.constant 0 : i32
      %add3A_54 = arith.addi %add3A_53, %mul3A_52 : i32
      %mul3A_55 = arith.constant 128 : i32
      %mul3A_56 = arith.muli %add3A_54, %mul3A_55 : i32
      %add3A_57 = arith.addi %mul3A_2, %mul3A_56 : i32
      "tpu.region"() ({
        %run_scoped3A = tpu.sem_alloc : memref<!tpu.dma_semaphore, #tpu.memory_space<semaphore_mem>>
        %dma_start3A_58 = arith.constant 0 : i32
        %dma_start3A_59 = arith.constant 0 : i32
        %dma_start3A_60 = tpu.memref_slice %arg9[%dma_start3A_58, %dma_start3A_59] : memref<256x128xbf16, #tpu.memory_space<vmem>> -> memref<128x128xbf16, #tpu.memory_space<vmem>>
        %dma_start3A_61 = arith.constant 0 : i32
        %dma_start3A_62 = tpu.memref_slice %arg21[%add3A_57, %dma_start3A_61] : memref<10240x128xbf16, #tpu.memory_space<vmem_shared>> -> memref<128x128xbf16, #tpu.memory_space<vmem_shared>>
        %dma_start3A_63 = arith.constant 0 : i32
        %dma_start3A_64 = arith.constant 0 : i32
        %dma_start3A_65 = tpu.memref_slice %arg9[%dma_start3A_63, %dma_start3A_64] : memref<256x128xbf16, #tpu.memory_space<vmem>> -> memref<128x128xbf16, #tpu.memory_space<vmem>>
        %dma_start3A_66 = arith.constant 0 : i32
        %dma_start3A_67 = tpu.memref_slice %arg21[%add3A_57, %dma_start3A_66] : memref<10240x128xbf16, #tpu.memory_space<vmem_shared>> -> memref<128x128xbf16, #tpu.memory_space<vmem_shared>>
        tpu.enqueue_dma source(%dma_start3A_67 : memref<128x128xbf16, #tpu.memory_space<vmem_shared>>) target(%dma_start3A_65 : memref<128x128xbf16, #tpu.memory_space<vmem>>) target_semaphore(%run_scoped3A : memref<!tpu.dma_semaphore, #tpu.memory_space<semaphore_mem>>)
        %dma_wait3A_68 = arith.constant 0 : i32
        %dma_wait3A_69 = arith.constant 0 : i32
        %dma_wait3A_70 = tpu.memref_slice %arg9[%dma_wait3A_68, %dma_wait3A_69] : memref<256x128xbf16, #tpu.memory_space<vmem>> -> memref<128x128xbf16, #tpu.memory_space<vmem>>
        %dma_wait3A_71 = arith.constant 0 : i32
        %dma_wait3A_72 = tpu.memref_slice %arg21[%add3A_57, %dma_wait3A_71] : memref<10240x128xbf16, #tpu.memory_space<vmem_shared>> -> memref<128x128xbf16, #tpu.memory_space<vmem_shared>>
        %dma_wait3A_73 = arith.constant 0 : i32
        %dma_wait3A_74 = arith.constant 0 : i32
        %dma_wait3A_75 = tpu.memref_slice %arg9[%dma_wait3A_73, %dma_wait3A_74] : memref<256x128xbf16, #tpu.memory_space<vmem>> -> memref<128x128xbf16, #tpu.memory_space<vmem>>
        %dma_wait3A_76 = arith.constant 0 : i32
        %dma_wait3A_77 = tpu.memref_slice %arg21[%add3A_57, %dma_wait3A_76] : memref<10240x128xbf16, #tpu.memory_space<vmem_shared>> -> memref<128x128xbf16, #tpu.memory_space<vmem_shared>>
        tpu.wait_dma2 semaphore(%run_scoped3A : memref<!tpu.dma_semaphore, #tpu.memory_space<semaphore_mem>>) src(%dma_wait3A_77 : memref<128x128xbf16, #tpu.memory_space<vmem_shared>>) dst(%dma_wait3A_75 : memref<128x128xbf16, #tpu.memory_space<vmem>>)
        tpu.yield
      }) : () -> ()
      "tpu.region"() ({
        %run_scoped3A = tpu.sem_alloc : memref<!tpu.dma_semaphore, #tpu.memory_space<semaphore_mem>>
        %dma_start3A_58 = arith.constant 0 : i32
        %dma_start3A_59 = arith.constant 0 : i32
        %dma_start3A_60 = tpu.memref_slice %arg9[%dma_start3A_58, %dma_start3A_59] : memref<256x128xbf16, #tpu.memory_space<vmem>> -> memref<128x128xbf16, #tpu.memory_space<vmem>>
        %dma_start3A_61 = arith.constant 0 : i32
        %dma_start3A_62 = tpu.memref_slice %arg6[%arg0, %add3A_57, %dma_start3A_61] : memref<2x10240x128xbf16, #tpu.memory_space<hbm>> -> memref<1x128x128xbf16, #tpu.memory_space<hbm>>
        %dma_start3A_63 = tpu.memref_squeeze %dma_start3A_62 : memref<1x128x128xbf16, #tpu.memory_space<hbm>> -> memref<128x128xbf16, #tpu.memory_space<hbm>>
        %dma_start3A_64 = arith.constant 0 : i32
        %dma_start3A_65 = tpu.memref_slice %arg6[%arg0, %add3A_57, %dma_start3A_64] : memref<2x10240x128xbf16, #tpu.memory_space<hbm>> -> memref<1x128x128xbf16, #tpu.memory_space<hbm>>
        %dma_start3A_66 = tpu.memref_squeeze %dma_start3A_65 : memref<1x128x128xbf16, #tpu.memory_space<hbm>> -> memref<128x128xbf16, #tpu.memory_space<hbm>>
        %dma_start3A_67 = arith.constant 0 : i32
        %dma_start3A_68 = arith.constant 0 : i32
        %dma_start3A_69 = tpu.memref_slice %arg9[%dma_start3A_67, %dma_start3A_68] : memref<256x128xbf16, #tpu.memory_space<vmem>> -> memref<128x128xbf16, #tpu.memory_space<vmem>>
        tpu.enqueue_dma source(%dma_start3A_69 : memref<128x128xbf16, #tpu.memory_space<vmem>>) target(%dma_start3A_66 : memref<128x128xbf16, #tpu.memory_space<hbm>>) target_semaphore(%run_scoped3A : memref<!tpu.dma_semaphore, #tpu.memory_space<semaphore_mem>>)
        %dma_wait3A_70 = arith.constant 0 : i32
        %dma_wait3A_71 = arith.constant 0 : i32
        %dma_wait3A_72 = tpu.memref_slice %arg9[%dma_wait3A_70, %dma_wait3A_71] : memref<256x128xbf16, #tpu.memory_space<vmem>> -> memref<128x128xbf16, #tpu.memory_space<vmem>>
        %dma_wait3A_73 = arith.constant 0 : i32
        %dma_wait3A_74 = tpu.memref_slice %arg6[%arg0, %add3A_57, %dma_wait3A_73] : memref<2x10240x128xbf16, #tpu.memory_space<hbm>> -> memref<1x128x128xbf16, #tpu.memory_space<hbm>>
        %dma_wait3A_75 = tpu.memref_squeeze %dma_wait3A_74 : memref<1x128x128xbf16, #tpu.memory_space<hbm>> -> memref<128x128xbf16, #tpu.memory_space<hbm>>
        %dma_wait3A_76 = arith.constant 0 : i32
        %dma_wait3A_77 = tpu.memref_slice %arg6[%arg0, %add3A_57, %dma_wait3A_76] : memref<2x10240x128xbf16, #tpu.memory_space<hbm>> -> memref<1x128x128xbf16, #tpu.memory_space<hbm>>
        %dma_wait3A_78 = tpu.memref_squeeze %dma_wait3A_77 : memref<1x128x128xbf16, #tpu.memory_space<hbm>> -> memref<128x128xbf16, #tpu.memory_space<hbm>>
        %dma_wait3A_79 = arith.constant 0 : i32
        %dma_wait3A_80 = arith.constant 0 : i32
        %dma_wait3A_81 = tpu.memref_slice %arg9[%dma_wait3A_79, %dma_wait3A_80] : memref<256x128xbf16, #tpu.memory_space<vmem>> -> memref<128x128xbf16, #tpu.memory_space<vmem>>
        tpu.wait_dma2 semaphore(%run_scoped3A : memref<!tpu.dma_semaphore, #tpu.memory_space<semaphore_mem>>) src(%dma_wait3A_81 : memref<128x128xbf16, #tpu.memory_space<vmem>>) dst(%dma_wait3A_78 : memref<128x128xbf16, #tpu.memory_space<hbm>>)
        tpu.yield
      }) : () -> ()
    }
    %scan3A_49 = arith.constant 5 : i32
    return
  }
}

#map = affine_map<(d0, d1) -> (0)>
#map1 = affine_map<(d0, d1) -> (0, 0)>
#map2 = affine_map<(d0, d1) -> (0, 0, 0)>
module attributes {stable_mosaic.version = 14 : i64} {
  func.func @body(%arg0: i32, %arg1: i32, %arg2: memref<327680xi32, #tpu.memory_space<hbm>>, %arg3: memref<256x16xf32, #tpu.memory_space<hbm>>, %arg4: memref<256x16xf32, #tpu.memory_space<hbm>>, %arg5: memref<2x10240x16xf32, #tpu.memory_space<hbm>>, %arg6: memref<10240xi32, #tpu.memory_space<vmem>>, %arg7: memref<256x16xf32, #tpu.memory_space<vmem>>, %arg8: memref<10240x16xf32, #tpu.memory_space<vmem_shared>>, %arg9: memref<!tpu.dma_semaphore, #tpu.memory_space<semaphore_mem>>) attributes {dimension_semantics = [#tpu.dimension_semantics<core_parallel>, #tpu.dimension_semantics<subcore_parallel>], iteration_bounds = array<i64: 2, 16>, scalar_prefetch = 0 : i64, scratch_operands = 4 : i64, tpu.core_type = #tpu.core_type<sc_vector_subcore>, window_params = [{transform_indices = #map}, {transform_indices = #map1}, {transform_indices = #map1}, {transform_indices = #map2}]} {
    %mul3A = arith.constant 16 : i32
    %mul3A_0 = arith.muli %arg0, %mul3A : i32
    %add3A = arith.addi %mul3A_0, %arg1 : i32
    %mul3A_1 = arith.constant 640 : i32
    %mul3A_2 = arith.muli %arg1, %mul3A_1 : i32
    "tpu.region"() ({
      %run_scoped3A = tpu.sem_alloc : memref<!tpu.dma_semaphore, #tpu.memory_space<semaphore_mem>>
      tpu.enqueue_dma source(%arg4 : memref<256x16xf32, #tpu.memory_space<hbm>>) target(%arg7 : memref<256x16xf32, #tpu.memory_space<vmem>>) target_semaphore(%run_scoped3A : memref<!tpu.dma_semaphore, #tpu.memory_space<semaphore_mem>>)
      tpu.wait_dma2 semaphore(%run_scoped3A : memref<!tpu.dma_semaphore, #tpu.memory_space<semaphore_mem>>) src(%arg4 : memref<256x16xf32, #tpu.memory_space<hbm>>) dst(%arg7 : memref<256x16xf32, #tpu.memory_space<vmem>>)
      tpu.yield
    }) : () -> ()
    %scan3A = arith.constant 0 : i32
    %scan3A_3 = arith.constant 5 : i32
    %scan3A_4 = arith.addi %scan3A, %scan3A_3 : i32
    %scan3A_5 = arith.constant 1 : i32
    scf.for %scan3A_25 = %scan3A to %scan3A_4 step %scan3A_5  : i32 {
      %mul3A_26 = arith.constant 1 : i32
      %mul3A_27 = arith.muli %scan3A_25, %mul3A_26 : i32
      %add3A_28 = arith.constant 0 : i32
      %add3A_29 = arith.addi %add3A_28, %mul3A_27 : i32
      %mul3A_30 = arith.constant 128 : i32
      %mul3A_31 = arith.muli %add3A_29, %mul3A_30 : i32
      %add3A_32 = arith.addi %mul3A_2, %mul3A_31 : i32
      "tpu.region"() ({
        %run_scoped3A = tpu.sem_alloc : memref<!tpu.dma_semaphore, #tpu.memory_space<semaphore_mem>>
        %dma_start3A = arith.constant 0 : i32
        %dma_start3A_33 = arith.constant 0 : i32
        %dma_start3A_34 = tpu.memref_slice %arg7[%dma_start3A, %dma_start3A_33] : memref<256x16xf32, #tpu.memory_space<vmem>> -> memref<128x16xf32, #tpu.memory_space<vmem>>
        %dma_start3A_35 = arith.constant 0 : i32
        %dma_start3A_36 = tpu.memref_slice %arg8[%add3A_32, %dma_start3A_35] : memref<10240x16xf32, #tpu.memory_space<vmem_shared>> -> memref<128x16xf32, #tpu.memory_space<vmem_shared>>
        %dma_start3A_37 = arith.constant 0 : i32
        %dma_start3A_38 = tpu.memref_slice %arg8[%add3A_32, %dma_start3A_37] : memref<10240x16xf32, #tpu.memory_space<vmem_shared>> -> memref<128x16xf32, #tpu.memory_space<vmem_shared>>
        %dma_start3A_39 = arith.constant 0 : i32
        %dma_start3A_40 = arith.constant 0 : i32
        %dma_start3A_41 = tpu.memref_slice %arg7[%dma_start3A_39, %dma_start3A_40] : memref<256x16xf32, #tpu.memory_space<vmem>> -> memref<128x16xf32, #tpu.memory_space<vmem>>
        tpu.enqueue_dma source(%dma_start3A_41 : memref<128x16xf32, #tpu.memory_space<vmem>>) target(%dma_start3A_38 : memref<128x16xf32, #tpu.memory_space<vmem_shared>>) target_semaphore(%run_scoped3A : memref<!tpu.dma_semaphore, #tpu.memory_space<semaphore_mem>>)
        %dma_wait3A = arith.constant 0 : i32
        %dma_wait3A_42 = arith.constant 0 : i32
        %dma_wait3A_43 = tpu.memref_slice %arg7[%dma_wait3A, %dma_wait3A_42] : memref<256x16xf32, #tpu.memory_space<vmem>> -> memref<128x16xf32, #tpu.memory_space<vmem>>
        %dma_wait3A_44 = arith.constant 0 : i32
        %dma_wait3A_45 = tpu.memref_slice %arg8[%add3A_32, %dma_wait3A_44] : memref<10240x16xf32, #tpu.memory_space<vmem_shared>> -> memref<128x16xf32, #tpu.memory_space<vmem_shared>>
        %dma_wait3A_46 = arith.constant 0 : i32
        %dma_wait3A_47 = tpu.memref_slice %arg8[%add3A_32, %dma_wait3A_46] : memref<10240x16xf32, #tpu.memory_space<vmem_shared>> -> memref<128x16xf32, #tpu.memory_space<vmem_shared>>
        %dma_wait3A_48 = arith.constant 0 : i32
        %dma_wait3A_49 = arith.constant 0 : i32
        %dma_wait3A_50 = tpu.memref_slice %arg7[%dma_wait3A_48, %dma_wait3A_49] : memref<256x16xf32, #tpu.memory_space<vmem>> -> memref<128x16xf32, #tpu.memory_space<vmem>>
        tpu.wait_dma2 semaphore(%run_scoped3A : memref<!tpu.dma_semaphore, #tpu.memory_space<semaphore_mem>>) src(%dma_wait3A_50 : memref<128x16xf32, #tpu.memory_space<vmem>>) dst(%dma_wait3A_47 : memref<128x16xf32, #tpu.memory_space<vmem_shared>>)
        tpu.yield
      }) : () -> ()
    }
    %scan3A_6 = arith.constant 5 : i32
    "tpu.region"() ({
      %run_scoped3A = tpu.sem_alloc : memref<!tpu.dma_semaphore, #tpu.memory_space<semaphore_mem>>
      tpu.enqueue_dma source(%arg3 : memref<256x16xf32, #tpu.memory_space<hbm>>) target(%arg7 : memref<256x16xf32, #tpu.memory_space<vmem>>) target_semaphore(%run_scoped3A : memref<!tpu.dma_semaphore, #tpu.memory_space<semaphore_mem>>)
      tpu.wait_dma2 semaphore(%run_scoped3A : memref<!tpu.dma_semaphore, #tpu.memory_space<semaphore_mem>>) src(%arg3 : memref<256x16xf32, #tpu.memory_space<hbm>>) dst(%arg7 : memref<256x16xf32, #tpu.memory_space<vmem>>)
      tpu.yield
    }) : () -> ()
    %mul3A_7 = arith.constant 10240 : i32
    %mul3A_8 = arith.muli %add3A, %mul3A_7 : i32
    "tpu.region"() ({
      %run_scoped3A = tpu.sem_alloc : memref<!tpu.dma_semaphore, #tpu.memory_space<semaphore_mem>>
      %dma_start3A = tpu.memref_slice %arg2[%mul3A_8] : memref<327680xi32, #tpu.memory_space<hbm>> -> memref<10240xi32, #tpu.memory_space<hbm>>
      %dma_start3A_25 = tpu.memref_slice %arg2[%mul3A_8] : memref<327680xi32, #tpu.memory_space<hbm>> -> memref<10240xi32, #tpu.memory_space<hbm>>
      tpu.enqueue_dma source(%dma_start3A_25 : memref<10240xi32, #tpu.memory_space<hbm>>) target(%arg6 : memref<10240xi32, #tpu.memory_space<vmem>>) target_semaphore(%run_scoped3A : memref<!tpu.dma_semaphore, #tpu.memory_space<semaphore_mem>>)
      %dma_wait3A = tpu.memref_slice %arg2[%mul3A_8] : memref<327680xi32, #tpu.memory_space<hbm>> -> memref<10240xi32, #tpu.memory_space<hbm>>
      %dma_wait3A_26 = tpu.memref_slice %arg2[%mul3A_8] : memref<327680xi32, #tpu.memory_space<hbm>> -> memref<10240xi32, #tpu.memory_space<hbm>>
      tpu.wait_dma2 semaphore(%run_scoped3A : memref<!tpu.dma_semaphore, #tpu.memory_space<semaphore_mem>>) src(%dma_wait3A_26 : memref<10240xi32, #tpu.memory_space<hbm>>) dst(%arg6 : memref<10240xi32, #tpu.memory_space<vmem>>)
      tpu.yield
    }) : () -> ()
    %barrier3A = arith.constant 0 : index
    tpu.barrier barrier_id(%barrier3A)
    %scan3A_9 = arith.constant 0 : i32
    %scan3A_10 = arith.constant 40 : i32
    %scan3A_11 = arith.addi %scan3A_9, %scan3A_10 : i32
    %scan3A_12 = arith.constant 1 : i32
    scf.for %scan3A_25 = %scan3A_9 to %scan3A_11 step %scan3A_12  : i32 {
      %mul3A_26 = arith.constant 1 : i32
      %mul3A_27 = arith.muli %scan3A_25, %mul3A_26 : i32
      %add3A_28 = arith.constant 0 : i32
      %add3A_29 = arith.addi %add3A_28, %mul3A_27 : i32
      %mul3A_30 = arith.constant 256 : i32
      %mul3A_31 = arith.muli %add3A_29, %mul3A_30 : i32
      %dma_start3A = tpu.memref_slice %arg6[%mul3A_31] : memref<10240xi32, #tpu.memory_space<vmem>> -> memref<256xi32, #tpu.memory_space<vmem>>
      %dma_start3A_32 = arith.constant 0 : i32
      %dma_start3A_33 = arith.constant 0 : i32
      %dma_start3A_34 = tpu.memref_slice %arg8[%dma_start3A_32, %dma_start3A_33] : memref<10240x16xf32, #tpu.memory_space<vmem_shared>> -> memref<10240x16xf32, #tpu.memory_space<vmem_shared>>
      tpu.enqueue_indirect_dma source(%arg7 : memref<256x16xf32, #tpu.memory_space<vmem>>) target(%dma_start3A_34 : memref<10240x16xf32, #tpu.memory_space<vmem_shared>>) offsets(%dma_start3A : memref<256xi32, #tpu.memory_space<vmem>>) semaphore(%arg9 : memref<!tpu.dma_semaphore, #tpu.memory_space<semaphore_mem>>) {add = true}
    }
    %scan3A_13 = arith.constant 40 : i32
    %scan3A_14 = arith.constant 0 : i32
    %scan3A_15 = arith.constant 40 : i32
    %scan3A_16 = arith.addi %scan3A_14, %scan3A_15 : i32
    %scan3A_17 = arith.constant 1 : i32
    scf.for %scan3A_25 = %scan3A_14 to %scan3A_16 step %scan3A_17  : i32 {
      %mul3A_26 = arith.constant 1 : i32
      %mul3A_27 = arith.muli %scan3A_25, %mul3A_26 : i32
      %add3A_28 = arith.constant 0 : i32
      %add3A_29 = arith.addi %add3A_28, %mul3A_27 : i32
      %mul3A_30 = arith.constant 256 : i32
      %mul3A_31 = arith.muli %add3A_29, %mul3A_30 : i32
      %dma_wait3A = tpu.memref_slice %arg6[%mul3A_31] : memref<10240xi32, #tpu.memory_space<vmem>> -> memref<256xi32, #tpu.memory_space<vmem>>
      %dma_wait3A_32 = arith.constant 0 : i32
      %dma_wait3A_33 = arith.constant 0 : i32
      %dma_wait3A_34 = tpu.memref_slice %arg8[%dma_wait3A_32, %dma_wait3A_33] : memref<10240x16xf32, #tpu.memory_space<vmem_shared>> -> memref<10240x16xf32, #tpu.memory_space<vmem_shared>>
      tpu.wait_indirect_dma semaphore(%arg9 : memref<!tpu.dma_semaphore, #tpu.memory_space<semaphore_mem>>) src(%arg7 : memref<256x16xf32, #tpu.memory_space<vmem>>) dst(%dma_wait3A_34 : memref<10240x16xf32, #tpu.memory_space<vmem_shared>>)
    }
    %scan3A_18 = arith.constant 40 : i32
    %barrier3A_19 = arith.constant 0 : index
    tpu.barrier barrier_id(%barrier3A_19)
    %scan3A_20 = arith.constant 0 : i32
    %scan3A_21 = arith.constant 5 : i32
    %scan3A_22 = arith.addi %scan3A_20, %scan3A_21 : i32
    %scan3A_23 = arith.constant 1 : i32
    scf.for %scan3A_25 = %scan3A_20 to %scan3A_22 step %scan3A_23  : i32 {
      %mul3A_26 = arith.constant 1 : i32
      %mul3A_27 = arith.muli %scan3A_25, %mul3A_26 : i32
      %add3A_28 = arith.constant 0 : i32
      %add3A_29 = arith.addi %add3A_28, %mul3A_27 : i32
      %mul3A_30 = arith.constant 128 : i32
      %mul3A_31 = arith.muli %add3A_29, %mul3A_30 : i32
      %add3A_32 = arith.addi %mul3A_2, %mul3A_31 : i32
      "tpu.region"() ({
        %run_scoped3A = tpu.sem_alloc : memref<!tpu.dma_semaphore, #tpu.memory_space<semaphore_mem>>
        %dma_start3A = arith.constant 0 : i32
        %dma_start3A_33 = arith.constant 0 : i32
        %dma_start3A_34 = tpu.memref_slice %arg7[%dma_start3A, %dma_start3A_33] : memref<256x16xf32, #tpu.memory_space<vmem>> -> memref<128x16xf32, #tpu.memory_space<vmem>>
        %dma_start3A_35 = arith.constant 0 : i32
        %dma_start3A_36 = tpu.memref_slice %arg8[%add3A_32, %dma_start3A_35] : memref<10240x16xf32, #tpu.memory_space<vmem_shared>> -> memref<128x16xf32, #tpu.memory_space<vmem_shared>>
        %dma_start3A_37 = arith.constant 0 : i32
        %dma_start3A_38 = arith.constant 0 : i32
        %dma_start3A_39 = tpu.memref_slice %arg7[%dma_start3A_37, %dma_start3A_38] : memref<256x16xf32, #tpu.memory_space<vmem>> -> memref<128x16xf32, #tpu.memory_space<vmem>>
        %dma_start3A_40 = arith.constant 0 : i32
        %dma_start3A_41 = tpu.memref_slice %arg8[%add3A_32, %dma_start3A_40] : memref<10240x16xf32, #tpu.memory_space<vmem_shared>> -> memref<128x16xf32, #tpu.memory_space<vmem_shared>>
        tpu.enqueue_dma source(%dma_start3A_41 : memref<128x16xf32, #tpu.memory_space<vmem_shared>>) target(%dma_start3A_39 : memref<128x16xf32, #tpu.memory_space<vmem>>) target_semaphore(%run_scoped3A : memref<!tpu.dma_semaphore, #tpu.memory_space<semaphore_mem>>)
        %dma_wait3A = arith.constant 0 : i32
        %dma_wait3A_42 = arith.constant 0 : i32
        %dma_wait3A_43 = tpu.memref_slice %arg7[%dma_wait3A, %dma_wait3A_42] : memref<256x16xf32, #tpu.memory_space<vmem>> -> memref<128x16xf32, #tpu.memory_space<vmem>>
        %dma_wait3A_44 = arith.constant 0 : i32
        %dma_wait3A_45 = tpu.memref_slice %arg8[%add3A_32, %dma_wait3A_44] : memref<10240x16xf32, #tpu.memory_space<vmem_shared>> -> memref<128x16xf32, #tpu.memory_space<vmem_shared>>
        %dma_wait3A_46 = arith.constant 0 : i32
        %dma_wait3A_47 = arith.constant 0 : i32
        %dma_wait3A_48 = tpu.memref_slice %arg7[%dma_wait3A_46, %dma_wait3A_47] : memref<256x16xf32, #tpu.memory_space<vmem>> -> memref<128x16xf32, #tpu.memory_space<vmem>>
        %dma_wait3A_49 = arith.constant 0 : i32
        %dma_wait3A_50 = tpu.memref_slice %arg8[%add3A_32, %dma_wait3A_49] : memref<10240x16xf32, #tpu.memory_space<vmem_shared>> -> memref<128x16xf32, #tpu.memory_space<vmem_shared>>
        tpu.wait_dma2 semaphore(%run_scoped3A : memref<!tpu.dma_semaphore, #tpu.memory_space<semaphore_mem>>) src(%dma_wait3A_50 : memref<128x16xf32, #tpu.memory_space<vmem_shared>>) dst(%dma_wait3A_48 : memref<128x16xf32, #tpu.memory_space<vmem>>)
        tpu.yield
      }) : () -> ()
      "tpu.region"() ({
        %run_scoped3A = tpu.sem_alloc : memref<!tpu.dma_semaphore, #tpu.memory_space<semaphore_mem>>
        %dma_start3A = arith.constant 0 : i32
        %dma_start3A_33 = arith.constant 0 : i32
        %dma_start3A_34 = tpu.memref_slice %arg7[%dma_start3A, %dma_start3A_33] : memref<256x16xf32, #tpu.memory_space<vmem>> -> memref<128x16xf32, #tpu.memory_space<vmem>>
        %dma_start3A_35 = arith.constant 0 : i32
        %dma_start3A_36 = tpu.memref_slice %arg5[%arg0, %add3A_32, %dma_start3A_35] : memref<2x10240x16xf32, #tpu.memory_space<hbm>> -> memref<1x128x16xf32, #tpu.memory_space<hbm>>
        %dma_start3A_37 = tpu.memref_squeeze %dma_start3A_36 : memref<1x128x16xf32, #tpu.memory_space<hbm>> -> memref<128x16xf32, #tpu.memory_space<hbm>>
        %dma_start3A_38 = arith.constant 0 : i32
        %dma_start3A_39 = tpu.memref_slice %arg5[%arg0, %add3A_32, %dma_start3A_38] : memref<2x10240x16xf32, #tpu.memory_space<hbm>> -> memref<1x128x16xf32, #tpu.memory_space<hbm>>
        %dma_start3A_40 = tpu.memref_squeeze %dma_start3A_39 : memref<1x128x16xf32, #tpu.memory_space<hbm>> -> memref<128x16xf32, #tpu.memory_space<hbm>>
        %dma_start3A_41 = arith.constant 0 : i32
        %dma_start3A_42 = arith.constant 0 : i32
        %dma_start3A_43 = tpu.memref_slice %arg7[%dma_start3A_41, %dma_start3A_42] : memref<256x16xf32, #tpu.memory_space<vmem>> -> memref<128x16xf32, #tpu.memory_space<vmem>>
        tpu.enqueue_dma source(%dma_start3A_43 : memref<128x16xf32, #tpu.memory_space<vmem>>) target(%dma_start3A_40 : memref<128x16xf32, #tpu.memory_space<hbm>>) target_semaphore(%run_scoped3A : memref<!tpu.dma_semaphore, #tpu.memory_space<semaphore_mem>>)
        %dma_wait3A = arith.constant 0 : i32
        %dma_wait3A_44 = arith.constant 0 : i32
        %dma_wait3A_45 = tpu.memref_slice %arg7[%dma_wait3A, %dma_wait3A_44] : memref<256x16xf32, #tpu.memory_space<vmem>> -> memref<128x16xf32, #tpu.memory_space<vmem>>
        %dma_wait3A_46 = arith.constant 0 : i32
        %dma_wait3A_47 = tpu.memref_slice %arg5[%arg0, %add3A_32, %dma_wait3A_46] : memref<2x10240x16xf32, #tpu.memory_space<hbm>> -> memref<1x128x16xf32, #tpu.memory_space<hbm>>
        %dma_wait3A_48 = tpu.memref_squeeze %dma_wait3A_47 : memref<1x128x16xf32, #tpu.memory_space<hbm>> -> memref<128x16xf32, #tpu.memory_space<hbm>>
        %dma_wait3A_49 = arith.constant 0 : i32
        %dma_wait3A_50 = tpu.memref_slice %arg5[%arg0, %add3A_32, %dma_wait3A_49] : memref<2x10240x16xf32, #tpu.memory_space<hbm>> -> memref<1x128x16xf32, #tpu.memory_space<hbm>>
        %dma_wait3A_51 = tpu.memref_squeeze %dma_wait3A_50 : memref<1x128x16xf32, #tpu.memory_space<hbm>> -> memref<128x16xf32, #tpu.memory_space<hbm>>
        %dma_wait3A_52 = arith.constant 0 : i32
        %dma_wait3A_53 = arith.constant 0 : i32
        %dma_wait3A_54 = tpu.memref_slice %arg7[%dma_wait3A_52, %dma_wait3A_53] : memref<256x16xf32, #tpu.memory_space<vmem>> -> memref<128x16xf32, #tpu.memory_space<vmem>>
        tpu.wait_dma2 semaphore(%run_scoped3A : memref<!tpu.dma_semaphore, #tpu.memory_space<semaphore_mem>>) src(%dma_wait3A_54 : memref<128x16xf32, #tpu.memory_space<vmem>>) dst(%dma_wait3A_51 : memref<128x16xf32, #tpu.memory_space<hbm>>)
        tpu.yield
      }) : () -> ()
    }
    %scan3A_24 = arith.constant 5 : i32
    return
  }
}

#map = affine_map<(d0, d1) -> (0, 0)>
#map1 = affine_map<(d0, d1) -> (0)>
#map2 = affine_map<(d0, d1) -> (0, 0, 0)>
module attributes {stable_mosaic.version = 14 : i64} {
  func.func @body(%arg0: i32, %arg1: i32, %arg2: memref<10000x128xbf16, #tpu.memory_space<hbm>>, %arg3: memref<327680xi32, #tpu.memory_space<hbm>>, %arg4: memref<327680xi32, #tpu.memory_space<hbm>>, %arg5: memref<256x128xbf16, #tpu.memory_space<hbm>>, %arg6: memref<2x10240x128xbf16, #tpu.memory_space<hbm>>, %arg7: memref<10240xi32, #tpu.memory_space<vmem>>, %arg8: memref<10240xi32, #tpu.memory_space<vmem>>, %arg9: memref<256x128xbf16, #tpu.memory_space<vmem>>, %arg10: memref<256x128xbf16, #tpu.memory_space<vmem>>, %arg11: memref<256x128xbf16, #tpu.memory_space<vmem>>, %arg12: memref<256x128xbf16, #tpu.memory_space<vmem>>, %arg13: memref<!tpu.dma_semaphore, #tpu.memory_space<semaphore_mem>>, %arg14: memref<!tpu.dma_semaphore, #tpu.memory_space<semaphore_mem>>, %arg15: memref<!tpu.dma_semaphore, #tpu.memory_space<semaphore_mem>>, %arg16: memref<!tpu.dma_semaphore, #tpu.memory_space<semaphore_mem>>, %arg17: memref<!tpu.dma_semaphore, #tpu.memory_space<semaphore_mem>>, %arg18: memref<!tpu.dma_semaphore, #tpu.memory_space<semaphore_mem>>, %arg19: memref<!tpu.dma_semaphore, #tpu.memory_space<semaphore_mem>>, %arg20: memref<!tpu.dma_semaphore, #tpu.memory_space<semaphore_mem>>, %arg21: memref<10240x128xbf16, #tpu.memory_space<vmem_shared>>) attributes {dimension_semantics = [#tpu.dimension_semantics<core_parallel>, #tpu.dimension_semantics<subcore_parallel>], iteration_bounds = array<i64: 2, 16>, scalar_prefetch = 0 : i64, scratch_operands = 15 : i64, tpu.core_type = #tpu.core_type<sc_vector_subcore>, window_params = [{transform_indices = #map}, {transform_indices = #map1}, {transform_indices = #map1}, {transform_indices = #map}, {transform_indices = #map2}]} {
    %mul3A = arith.constant 16 : i32
    %mul3A_0 = arith.muli %arg0, %mul3A : i32
    %add3A = arith.addi %mul3A_0, %arg1 : i32
    "tpu.region"() ({
      %run_scoped3A = tpu.sem_alloc : memref<!tpu.dma_semaphore, #tpu.memory_space<semaphore_mem>>
      tpu.enqueue_dma source(%arg5 : memref<256x128xbf16, #tpu.memory_space<hbm>>) target(%arg9 : memref<256x128xbf16, #tpu.memory_space<vmem>>) target_semaphore(%run_scoped3A : memref<!tpu.dma_semaphore, #tpu.memory_space<semaphore_mem>>)
      tpu.wait_dma2 semaphore(%run_scoped3A : memref<!tpu.dma_semaphore, #tpu.memory_space<semaphore_mem>>) src(%arg5 : memref<256x128xbf16, #tpu.memory_space<hbm>>) dst(%arg9 : memref<256x128xbf16, #tpu.memory_space<vmem>>)
      tpu.yield
    }) : () -> ()
    %mul3A_1 = arith.constant 640 : i32
    %mul3A_2 = arith.muli %arg1, %mul3A_1 : i32
    %scan3A = arith.constant 0 : i32
    %scan3A_3 = arith.constant 5 : i32
    %scan3A_4 = arith.addi %scan3A, %scan3A_3 : i32
    %scan3A_5 = arith.constant 1 : i32
    scf.for %scan3A_50 = %scan3A to %scan3A_4 step %scan3A_5  : i32 {
      %mul3A_51 = arith.constant 1 : i32
      %mul3A_52 = arith.muli %scan3A_50, %mul3A_51 : i32
      %add3A_53 = arith.constant 0 : i32
      %add3A_54 = arith.addi %add3A_53, %mul3A_52 : i32
      %mul3A_55 = arith.constant 128 : i32
      %mul3A_56 = arith.muli %add3A_54, %mul3A_55 : i32
      %add3A_57 = arith.addi %mul3A_2, %mul3A_56 : i32
      "tpu.region"() ({
        %run_scoped3A = tpu.sem_alloc : memref<!tpu.dma_semaphore, #tpu.memory_space<semaphore_mem>>
        %dma_start3A_58 = arith.constant 0 : i32
        %dma_start3A_59 = arith.constant 0 : i32
        %dma_start3A_60 = tpu.memref_slice %arg9[%dma_start3A_58, %dma_start3A_59] : memref<256x128xbf16, #tpu.memory_space<vmem>> -> memref<128x128xbf16, #tpu.memory_space<vmem>>
        %dma_start3A_61 = arith.constant 0 : i32
        %dma_start3A_62 = tpu.memref_slice %arg21[%add3A_57, %dma_start3A_61] : memref<10240x128xbf16, #tpu.memory_space<vmem_shared>> -> memref<128x128xbf16, #tpu.memory_space<vmem_shared>>
        %dma_start3A_63 = arith.constant 0 : i32
        %dma_start3A_64 = tpu.memref_slice %arg21[%add3A_57, %dma_start3A_63] : memref<10240x128xbf16, #tpu.memory_space<vmem_shared>> -> memref<128x128xbf16, #tpu.memory_space<vmem_shared>>
        %dma_start3A_65 = arith.constant 0 : i32
        %dma_start3A_66 = arith.constant 0 : i32
        %dma_start3A_67 = tpu.memref_slice %arg9[%dma_start3A_65, %dma_start3A_66] : memref<256x128xbf16, #tpu.memory_space<vmem>> -> memref<128x128xbf16, #tpu.memory_space<vmem>>
        tpu.enqueue_dma source(%dma_start3A_67 : memref<128x128xbf16, #tpu.memory_space<vmem>>) target(%dma_start3A_64 : memref<128x128xbf16, #tpu.memory_space<vmem_shared>>) target_semaphore(%run_scoped3A : memref<!tpu.dma_semaphore, #tpu.memory_space<semaphore_mem>>)
        %dma_wait3A_68 = arith.constant 0 : i32
        %dma_wait3A_69 = arith.constant 0 : i32
        %dma_wait3A_70 = tpu.memref_slice %arg9[%dma_wait3A_68, %dma_wait3A_69] : memref<256x128xbf16, #tpu.memory_space<vmem>> -> memref<128x128xbf16, #tpu.memory_space<vmem>>
        %dma_wait3A_71 = arith.constant 0 : i32
        %dma_wait3A_72 = tpu.memref_slice %arg21[%add3A_57, %dma_wait3A_71] : memref<10240x128xbf16, #tpu.memory_space<vmem_shared>> -> memref<128x128xbf16, #tpu.memory_space<vmem_shared>>
        %dma_wait3A_73 = arith.constant 0 : i32
        %dma_wait3A_74 = tpu.memref_slice %arg21[%add3A_57, %dma_wait3A_73] : memref<10240x128xbf16, #tpu.memory_space<vmem_shared>> -> memref<128x128xbf16, #tpu.memory_space<vmem_shared>>
        %dma_wait3A_75 = arith.constant 0 : i32
        %dma_wait3A_76 = arith.constant 0 : i32
        %dma_wait3A_77 = tpu.memref_slice %arg9[%dma_wait3A_75, %dma_wait3A_76] : memref<256x128xbf16, #tpu.memory_space<vmem>> -> memref<128x128xbf16, #tpu.memory_space<vmem>>
        tpu.wait_dma2 semaphore(%run_scoped3A : memref<!tpu.dma_semaphore, #tpu.memory_space<semaphore_mem>>) src(%dma_wait3A_77 : memref<128x128xbf16, #tpu.memory_space<vmem>>) dst(%dma_wait3A_74 : memref<128x128xbf16, #tpu.memory_space<vmem_shared>>)
        tpu.yield
      }) : () -> ()
    }
    %scan3A_6 = arith.constant 5 : i32
    %mul3A_7 = arith.constant 10240 : i32
    %mul3A_8 = arith.muli %add3A, %mul3A_7 : i32
    "tpu.region"() ({
      %run_scoped3A = tpu.sem_alloc : memref<!tpu.dma_semaphore, #tpu.memory_space<semaphore_mem>>
      %dma_start3A_50 = tpu.memref_slice %arg3[%mul3A_8] : memref<327680xi32, #tpu.memory_space<hbm>> -> memref<10240xi32, #tpu.memory_space<hbm>>
      %dma_start3A_51 = tpu.memref_slice %arg3[%mul3A_8] : memref<327680xi32, #tpu.memory_space<hbm>> -> memref<10240xi32, #tpu.memory_space<hbm>>
      tpu.enqueue_dma source(%dma_start3A_51 : memref<10240xi32, #tpu.memory_space<hbm>>) target(%arg7 : memref<10240xi32, #tpu.memory_space<vmem>>) target_semaphore(%run_scoped3A : memref<!tpu.dma_semaphore, #tpu.memory_space<semaphore_mem>>)
      %dma_wait3A_52 = tpu.memref_slice %arg3[%mul3A_8] : memref<327680xi32, #tpu.memory_space<hbm>> -> memref<10240xi32, #tpu.memory_space<hbm>>
      %dma_wait3A_53 = tpu.memref_slice %arg3[%mul3A_8] : memref<327680xi32, #tpu.memory_space<hbm>> -> memref<10240xi32, #tpu.memory_space<hbm>>
      tpu.wait_dma2 semaphore(%run_scoped3A : memref<!tpu.dma_semaphore, #tpu.memory_space<semaphore_mem>>) src(%dma_wait3A_53 : memref<10240xi32, #tpu.memory_space<hbm>>) dst(%arg7 : memref<10240xi32, #tpu.memory_space<vmem>>)
      tpu.yield
    }) : () -> ()
    %mul3A_9 = arith.constant 10240 : i32
    %mul3A_10 = arith.muli %add3A, %mul3A_9 : i32
    "tpu.region"() ({
      %run_scoped3A = tpu.sem_alloc : memref<!tpu.dma_semaphore, #tpu.memory_space<semaphore_mem>>
      %dma_start3A_50 = tpu.memref_slice %arg4[%mul3A_10] : memref<327680xi32, #tpu.memory_space<hbm>> -> memref<10240xi32, #tpu.memory_space<hbm>>
      %dma_start3A_51 = tpu.memref_slice %arg4[%mul3A_10] : memref<327680xi32, #tpu.memory_space<hbm>> -> memref<10240xi32, #tpu.memory_space<hbm>>
      tpu.enqueue_dma source(%dma_start3A_51 : memref<10240xi32, #tpu.memory_space<hbm>>) target(%arg8 : memref<10240xi32, #tpu.memory_space<vmem>>) target_semaphore(%run_scoped3A : memref<!tpu.dma_semaphore, #tpu.memory_space<semaphore_mem>>)
      %dma_wait3A_52 = tpu.memref_slice %arg4[%mul3A_10] : memref<327680xi32, #tpu.memory_space<hbm>> -> memref<10240xi32, #tpu.memory_space<hbm>>
      %dma_wait3A_53 = tpu.memref_slice %arg4[%mul3A_10] : memref<327680xi32, #tpu.memory_space<hbm>> -> memref<10240xi32, #tpu.memory_space<hbm>>
      tpu.wait_dma2 semaphore(%run_scoped3A : memref<!tpu.dma_semaphore, #tpu.memory_space<semaphore_mem>>) src(%dma_wait3A_53 : memref<10240xi32, #tpu.memory_space<hbm>>) dst(%arg8 : memref<10240xi32, #tpu.memory_space<vmem>>)
      tpu.yield
    }) : () -> ()
    %barrier3A = arith.constant 0 : index
    tpu.barrier barrier_id(%barrier3A)
    %dma_start3A = arith.constant 0 : i32
    %dma_start3A_11 = tpu.memref_slice %arg7[%dma_start3A] : memref<10240xi32, #tpu.memory_space<vmem>> -> memref<256xi32, #tpu.memory_space<vmem>>
    %dma_start3A_12 = arith.constant 0 : i32
    %dma_start3A_13 = arith.constant 0 : i32
    %dma_start3A_14 = tpu.memref_slice %arg2[%dma_start3A_12, %dma_start3A_13] : memref<10000x128xbf16, #tpu.memory_space<hbm>> -> memref<10000x128xbf16, #tpu.memory_space<hbm>>
    tpu.enqueue_indirect_dma source(%dma_start3A_14 : memref<10000x128xbf16, #tpu.memory_space<hbm>>) target(%arg9 : memref<256x128xbf16, #tpu.memory_space<vmem>>) offsets(%dma_start3A_11 : memref<256xi32, #tpu.memory_space<vmem>>) semaphore(%arg13 : memref<!tpu.dma_semaphore, #tpu.memory_space<semaphore_mem>>)
    %dma_start3A_15 = arith.constant 256 : i32
    %dma_start3A_16 = tpu.memref_slice %arg7[%dma_start3A_15] : memref<10240xi32, #tpu.memory_space<vmem>> -> memref<256xi32, #tpu.memory_space<vmem>>
    %dma_start3A_17 = arith.constant 0 : i32
    %dma_start3A_18 = arith.constant 0 : i32
    %dma_start3A_19 = tpu.memref_slice %arg2[%dma_start3A_17, %dma_start3A_18] : memref<10000x128xbf16, #tpu.memory_space<hbm>> -> memref<10000x128xbf16, #tpu.memory_space<hbm>>
    tpu.enqueue_indirect_dma source(%dma_start3A_19 : memref<10000x128xbf16, #tpu.memory_space<hbm>>) target(%arg10 : memref<256x128xbf16, #tpu.memory_space<vmem>>) offsets(%dma_start3A_16 : memref<256xi32, #tpu.memory_space<vmem>>) semaphore(%arg14 : memref<!tpu.dma_semaphore, #tpu.memory_space<semaphore_mem>>)
    %scan3A_20 = arith.constant 0 : i32
    %scan3A_21 = arith.constant 10 : i32
    %scan3A_22 = arith.addi %scan3A_20, %scan3A_21 : i32
    %scan3A_23 = arith.constant 1 : i32
    scf.for %scan3A_50 = %scan3A_20 to %scan3A_22 step %scan3A_23  : i32 {
      %mul3A_51 = arith.constant 1 : i32
      %mul3A_52 = arith.muli %scan3A_50, %mul3A_51 : i32
      %add3A_53 = arith.constant 0 : i32
      %add3A_54 = arith.addi %add3A_53, %mul3A_52 : i32
      %mul3A_55 = arith.constant 4 : i32
      %mul3A_56 = arith.muli %add3A_54, %mul3A_55 : i32
      %add3A_57 = arith.constant 0 : i32
      %add3A_58 = arith.addi %mul3A_56, %add3A_57 : i32
      %add3A_59 = arith.constant 2 : i32
      %add3A_60 = arith.addi %add3A_58, %add3A_59 : i32
      %ge3A = arith.constant 1 : i32
      %ge3A_61 = arith.cmpi sge, %add3A_54, %ge3A : i32
      %convert_element_type3A = arith.extui %ge3A_61 : i1 to i32
      %cond3A = arith.constant 0 : i32
      %cond3A_62 = arith.cmpi ne, %convert_element_type3A, %cond3A : i32
      scf.if %cond3A_62 {
        %sub3A = arith.constant 4 : i32
        %sub3A_151 = arith.subi %add3A_60, %sub3A : i32
        %mul3A_152 = arith.constant 256 : i32
        %mul3A_153 = arith.muli %sub3A_151, %mul3A_152 : i32
        %dma_wait3A_154 = tpu.memref_slice %arg8[%mul3A_153] : memref<10240xi32, #tpu.memory_space<vmem>> -> memref<256xi32, #tpu.memory_space<vmem>>
        %dma_wait3A_155 = arith.constant 0 : i32
        %dma_wait3A_156 = arith.constant 0 : i32
        %dma_wait3A_157 = tpu.memref_slice %arg21[%dma_wait3A_155, %dma_wait3A_156] : memref<10240x128xbf16, #tpu.memory_space<vmem_shared>> -> memref<10240x128xbf16, #tpu.memory_space<vmem_shared>>
        tpu.wait_indirect_dma semaphore(%arg19 : memref<!tpu.dma_semaphore, #tpu.memory_space<semaphore_mem>>) src(%arg11 : memref<256x128xbf16, #tpu.memory_space<vmem>>) dst(%dma_wait3A_157 : memref<10240x128xbf16, #tpu.memory_space<vmem_shared>>)
      } else {
      }
      %mul3A_63 = arith.constant 256 : i32
      %mul3A_64 = arith.muli %add3A_60, %mul3A_63 : i32
      %dma_start3A_65 = tpu.memref_slice %arg7[%mul3A_64] : memref<10240xi32, #tpu.memory_space<vmem>> -> memref<256xi32, #tpu.memory_space<vmem>>
      %dma_start3A_66 = arith.constant 0 : i32
      %dma_start3A_67 = arith.constant 0 : i32
      %dma_start3A_68 = tpu.memref_slice %arg2[%dma_start3A_66, %dma_start3A_67] : memref<10000x128xbf16, #tpu.memory_space<hbm>> -> memref<10000x128xbf16, #tpu.memory_space<hbm>>
      tpu.enqueue_indirect_dma source(%dma_start3A_68 : memref<10000x128xbf16, #tpu.memory_space<hbm>>) target(%arg11 : memref<256x128xbf16, #tpu.memory_space<vmem>>) offsets(%dma_start3A_65 : memref<256xi32, #tpu.memory_space<vmem>>) semaphore(%arg15 : memref<!tpu.dma_semaphore, #tpu.memory_space<semaphore_mem>>)
      %mul3A_69 = arith.constant 256 : i32
      %mul3A_70 = arith.muli %add3A_58, %mul3A_69 : i32
      %dma_wait3A_71 = tpu.memref_slice %arg7[%mul3A_70] : memref<10240xi32, #tpu.memory_space<vmem>> -> memref<256xi32, #tpu.memory_space<vmem>>
      %dma_wait3A_72 = arith.constant 0 : i32
      %dma_wait3A_73 = arith.constant 0 : i32
      %dma_wait3A_74 = tpu.memref_slice %arg2[%dma_wait3A_72, %dma_wait3A_73] : memref<10000x128xbf16, #tpu.memory_space<hbm>> -> memref<10000x128xbf16, #tpu.memory_space<hbm>>
      tpu.wait_indirect_dma semaphore(%arg13 : memref<!tpu.dma_semaphore, #tpu.memory_space<semaphore_mem>>) src(%dma_wait3A_74 : memref<10000x128xbf16, #tpu.memory_space<hbm>>) dst(%arg9 : memref<256x128xbf16, #tpu.memory_space<vmem>>)
      %mul3A_75 = arith.constant 256 : i32
      %mul3A_76 = arith.muli %add3A_58, %mul3A_75 : i32
      %dma_start3A_77 = tpu.memref_slice %arg8[%mul3A_76] : memref<10240xi32, #tpu.memory_space<vmem>> -> memref<256xi32, #tpu.memory_space<vmem>>
      %dma_start3A_78 = arith.constant 0 : i32
      %dma_start3A_79 = arith.constant 0 : i32
      %dma_start3A_80 = tpu.memref_slice %arg21[%dma_start3A_78, %dma_start3A_79] : memref<10240x128xbf16, #tpu.memory_space<vmem_shared>> -> memref<10240x128xbf16, #tpu.memory_space<vmem_shared>>
      tpu.enqueue_indirect_dma source(%arg9 : memref<256x128xbf16, #tpu.memory_space<vmem>>) target(%dma_start3A_80 : memref<10240x128xbf16, #tpu.memory_space<vmem_shared>>) offsets(%dma_start3A_77 : memref<256xi32, #tpu.memory_space<vmem>>) semaphore(%arg17 : memref<!tpu.dma_semaphore, #tpu.memory_space<semaphore_mem>>) {add = true}
      %mul3A_81 = arith.constant 4 : i32
      %mul3A_82 = arith.muli %add3A_54, %mul3A_81 : i32
      %add3A_83 = arith.constant 1 : i32
      %add3A_84 = arith.addi %mul3A_82, %add3A_83 : i32
      %add3A_85 = arith.constant 2 : i32
      %add3A_86 = arith.addi %add3A_84, %add3A_85 : i32
      %ge3A_87 = arith.constant 1 : i32
      %ge3A_88 = arith.cmpi sge, %add3A_54, %ge3A_87 : i32
      %convert_element_type3A_89 = arith.extui %ge3A_88 : i1 to i32
      %cond3A_90 = arith.constant 0 : i32
      %cond3A_91 = arith.cmpi ne, %convert_element_type3A_89, %cond3A_90 : i32
      scf.if %cond3A_91 {
        %sub3A = arith.constant 4 : i32
        %sub3A_151 = arith.subi %add3A_86, %sub3A : i32
        %mul3A_152 = arith.constant 256 : i32
        %mul3A_153 = arith.muli %sub3A_151, %mul3A_152 : i32
        %dma_wait3A_154 = tpu.memref_slice %arg8[%mul3A_153] : memref<10240xi32, #tpu.memory_space<vmem>> -> memref<256xi32, #tpu.memory_space<vmem>>
        %dma_wait3A_155 = arith.constant 0 : i32
        %dma_wait3A_156 = arith.constant 0 : i32
        %dma_wait3A_157 = tpu.memref_slice %arg21[%dma_wait3A_155, %dma_wait3A_156] : memref<10240x128xbf16, #tpu.memory_space<vmem_shared>> -> memref<10240x128xbf16, #tpu.memory_space<vmem_shared>>
        tpu.wait_indirect_dma semaphore(%arg20 : memref<!tpu.dma_semaphore, #tpu.memory_space<semaphore_mem>>) src(%arg12 : memref<256x128xbf16, #tpu.memory_space<vmem>>) dst(%dma_wait3A_157 : memref<10240x128xbf16, #tpu.memory_space<vmem_shared>>)
      } else {
      }
      %mul3A_92 = arith.constant 256 : i32
      %mul3A_93 = arith.muli %add3A_86, %mul3A_92 : i32
      %dma_start3A_94 = tpu.memref_slice %arg7[%mul3A_93] : memref<10240xi32, #tpu.memory_space<vmem>> -> memref<256xi32, #tpu.memory_space<vmem>>
      %dma_start3A_95 = arith.constant 0 : i32
      %dma_start3A_96 = arith.constant 0 : i32
      %dma_start3A_97 = tpu.memref_slice %arg2[%dma_start3A_95, %dma_start3A_96] : memref<10000x128xbf16, #tpu.memory_space<hbm>> -> memref<10000x128xbf16, #tpu.memory_space<hbm>>
      tpu.enqueue_indirect_dma source(%dma_start3A_97 : memref<10000x128xbf16, #tpu.memory_space<hbm>>) target(%arg12 : memref<256x128xbf16, #tpu.memory_space<vmem>>) offsets(%dma_start3A_94 : memref<256xi32, #tpu.memory_space<vmem>>) semaphore(%arg16 : memref<!tpu.dma_semaphore, #tpu.memory_space<semaphore_mem>>)
      %mul3A_98 = arith.constant 256 : i32
      %mul3A_99 = arith.muli %add3A_84, %mul3A_98 : i32
      %dma_wait3A_100 = tpu.memref_slice %arg7[%mul3A_99] : memref<10240xi32, #tpu.memory_space<vmem>> -> memref<256xi32, #tpu.memory_space<vmem>>
      %dma_wait3A_101 = arith.constant 0 : i32
      %dma_wait3A_102 = arith.constant 0 : i32
      %dma_wait3A_103 = tpu.memref_slice %arg2[%dma_wait3A_101, %dma_wait3A_102] : memref<10000x128xbf16, #tpu.memory_space<hbm>> -> memref<10000x128xbf16, #tpu.memory_space<hbm>>
      tpu.wait_indirect_dma semaphore(%arg14 : memref<!tpu.dma_semaphore, #tpu.memory_space<semaphore_mem>>) src(%dma_wait3A_103 : memref<10000x128xbf16, #tpu.memory_space<hbm>>) dst(%arg10 : memref<256x128xbf16, #tpu.memory_space<vmem>>)
      %mul3A_104 = arith.constant 256 : i32
      %mul3A_105 = arith.muli %add3A_84, %mul3A_104 : i32
      %dma_start3A_106 = tpu.memref_slice %arg8[%mul3A_105] : memref<10240xi32, #tpu.memory_space<vmem>> -> memref<256xi32, #tpu.memory_space<vmem>>
      %dma_start3A_107 = arith.constant 0 : i32
      %dma_start3A_108 = arith.constant 0 : i32
      %dma_start3A_109 = tpu.memref_slice %arg21[%dma_start3A_107, %dma_start3A_108] : memref<10240x128xbf16, #tpu.memory_space<vmem_shared>> -> memref<10240x128xbf16, #tpu.memory_space<vmem_shared>>
      tpu.enqueue_indirect_dma source(%arg10 : memref<256x128xbf16, #tpu.memory_space<vmem>>) target(%dma_start3A_109 : memref<10240x128xbf16, #tpu.memory_space<vmem_shared>>) offsets(%dma_start3A_106 : memref<256xi32, #tpu.memory_space<vmem>>) semaphore(%arg18 : memref<!tpu.dma_semaphore, #tpu.memory_space<semaphore_mem>>) {add = true}
      %mul3A_110 = arith.constant 4 : i32
      %mul3A_111 = arith.muli %add3A_54, %mul3A_110 : i32
      %add3A_112 = arith.constant 2 : i32
      %add3A_113 = arith.addi %mul3A_111, %add3A_112 : i32
      %lt3A = arith.constant 9 : i32
      %lt3A_114 = arith.cmpi slt, %add3A_54, %lt3A : i32
      %convert_element_type3A_115 = arith.extui %lt3A_114 : i1 to i32
      %cond3A_116 = arith.constant 0 : i32
      %cond3A_117 = arith.cmpi ne, %convert_element_type3A_115, %cond3A_116 : i32
      scf.if %cond3A_117 {
        %add3A_151 = arith.constant 2 : i32
        %add3A_152 = arith.addi %add3A_113, %add3A_151 : i32
        %sub3A = arith.constant 4 : i32
        %sub3A_153 = arith.subi %add3A_152, %sub3A : i32
        %mul3A_154 = arith.constant 256 : i32
        %mul3A_155 = arith.muli %sub3A_153, %mul3A_154 : i32
        %dma_wait3A_156 = tpu.memref_slice %arg8[%mul3A_155] : memref<10240xi32, #tpu.memory_space<vmem>> -> memref<256xi32, #tpu.memory_space<vmem>>
        %dma_wait3A_157 = arith.constant 0 : i32
        %dma_wait3A_158 = arith.constant 0 : i32
        %dma_wait3A_159 = tpu.memref_slice %arg21[%dma_wait3A_157, %dma_wait3A_158] : memref<10240x128xbf16, #tpu.memory_space<vmem_shared>> -> memref<10240x128xbf16, #tpu.memory_space<vmem_shared>>
        tpu.wait_indirect_dma semaphore(%arg17 : memref<!tpu.dma_semaphore, #tpu.memory_space<semaphore_mem>>) src(%arg9 : memref<256x128xbf16, #tpu.memory_space<vmem>>) dst(%dma_wait3A_159 : memref<10240x128xbf16, #tpu.memory_space<vmem_shared>>)
        %mul3A_160 = arith.constant 256 : i32
        %mul3A_161 = arith.muli %add3A_152, %mul3A_160 : i32
        %dma_start3A_162 = tpu.memref_slice %arg7[%mul3A_161] : memref<10240xi32, #tpu.memory_space<vmem>> -> memref<256xi32, #tpu.memory_space<vmem>>
        %dma_start3A_163 = arith.constant 0 : i32
        %dma_start3A_164 = arith.constant 0 : i32
        %dma_start3A_165 = tpu.memref_slice %arg2[%dma_start3A_163, %dma_start3A_164] : memref<10000x128xbf16, #tpu.memory_space<hbm>> -> memref<10000x128xbf16, #tpu.memory_space<hbm>>
        tpu.enqueue_indirect_dma source(%dma_start3A_165 : memref<10000x128xbf16, #tpu.memory_space<hbm>>) target(%arg9 : memref<256x128xbf16, #tpu.memory_space<vmem>>) offsets(%dma_start3A_162 : memref<256xi32, #tpu.memory_space<vmem>>) semaphore(%arg13 : memref<!tpu.dma_semaphore, #tpu.memory_space<semaphore_mem>>)
      } else {
      }
      %mul3A_118 = arith.constant 256 : i32
      %mul3A_119 = arith.muli %add3A_113, %mul3A_118 : i32
      %dma_wait3A_120 = tpu.memref_slice %arg7[%mul3A_119] : memref<10240xi32, #tpu.memory_space<vmem>> -> memref<256xi32, #tpu.memory_space<vmem>>
      %dma_wait3A_121 = arith.constant 0 : i32
      %dma_wait3A_122 = arith.constant 0 : i32
      %dma_wait3A_123 = tpu.memref_slice %arg2[%dma_wait3A_121, %dma_wait3A_122] : memref<10000x128xbf16, #tpu.memory_space<hbm>> -> memref<10000x128xbf16, #tpu.memory_space<hbm>>
      tpu.wait_indirect_dma semaphore(%arg15 : memref<!tpu.dma_semaphore, #tpu.memory_space<semaphore_mem>>) src(%dma_wait3A_123 : memref<10000x128xbf16, #tpu.memory_space<hbm>>) dst(%arg11 : memref<256x128xbf16, #tpu.memory_space<vmem>>)
      %mul3A_124 = arith.constant 256 : i32
      %mul3A_125 = arith.muli %add3A_113, %mul3A_124 : i32
      %dma_start3A_126 = tpu.memref_slice %arg8[%mul3A_125] : memref<10240xi32, #tpu.memory_space<vmem>> -> memref<256xi32, #tpu.memory_space<vmem>>
      %dma_start3A_127 = arith.constant 0 : i32
      %dma_start3A_128 = arith.constant 0 : i32
      %dma_start3A_129 = tpu.memref_slice %arg21[%dma_start3A_127, %dma_start3A_128] : memref<10240x128xbf16, #tpu.memory_space<vmem_shared>> -> memref<10240x128xbf16, #tpu.memory_space<vmem_shared>>
      tpu.enqueue_indirect_dma source(%arg11 : memref<256x128xbf16, #tpu.memory_space<vmem>>) target(%dma_start3A_129 : memref<10240x128xbf16, #tpu.memory_space<vmem_shared>>) offsets(%dma_start3A_126 : memref<256xi32, #tpu.memory_space<vmem>>) semaphore(%arg19 : memref<!tpu.dma_semaphore, #tpu.memory_space<semaphore_mem>>) {add = true}
      %mul3A_130 = arith.constant 4 : i32
      %mul3A_131 = arith.muli %add3A_54, %mul3A_130 : i32
      %add3A_132 = arith.constant 3 : i32
      %add3A_133 = arith.addi %mul3A_131, %add3A_132 : i32
      %lt3A_134 = arith.constant 9 : i32
      %lt3A_135 = arith.cmpi slt, %add3A_54, %lt3A_134 : i32
      %convert_element_type3A_136 = arith.extui %lt3A_135 : i1 to i32
      %cond3A_137 = arith.constant 0 : i32
      %cond3A_138 = arith.cmpi ne, %convert_element_type3A_136, %cond3A_137 : i32
      scf.if %cond3A_138 {
        %add3A_151 = arith.constant 2 : i32
        %add3A_152 = arith.addi %add3A_133, %add3A_151 : i32
        %sub3A = arith.constant 4 : i32
        %sub3A_153 = arith.subi %add3A_152, %sub3A : i32
        %mul3A_154 = arith.constant 256 : i32
        %mul3A_155 = arith.muli %sub3A_153, %mul3A_154 : i32
        %dma_wait3A_156 = tpu.memref_slice %arg8[%mul3A_155] : memref<10240xi32, #tpu.memory_space<vmem>> -> memref<256xi32, #tpu.memory_space<vmem>>
        %dma_wait3A_157 = arith.constant 0 : i32
        %dma_wait3A_158 = arith.constant 0 : i32
        %dma_wait3A_159 = tpu.memref_slice %arg21[%dma_wait3A_157, %dma_wait3A_158] : memref<10240x128xbf16, #tpu.memory_space<vmem_shared>> -> memref<10240x128xbf16, #tpu.memory_space<vmem_shared>>
        tpu.wait_indirect_dma semaphore(%arg18 : memref<!tpu.dma_semaphore, #tpu.memory_space<semaphore_mem>>) src(%arg10 : memref<256x128xbf16, #tpu.memory_space<vmem>>) dst(%dma_wait3A_159 : memref<10240x128xbf16, #tpu.memory_space<vmem_shared>>)
        %mul3A_160 = arith.constant 256 : i32
        %mul3A_161 = arith.muli %add3A_152, %mul3A_160 : i32
        %dma_start3A_162 = tpu.memref_slice %arg7[%mul3A_161] : memref<10240xi32, #tpu.memory_space<vmem>> -> memref<256xi32, #tpu.memory_space<vmem>>
        %dma_start3A_163 = arith.constant 0 : i32
        %dma_start3A_164 = arith.constant 0 : i32
        %dma_start3A_165 = tpu.memref_slice %arg2[%dma_start3A_163, %dma_start3A_164] : memref<10000x128xbf16, #tpu.memory_space<hbm>> -> memref<10000x128xbf16, #tpu.memory_space<hbm>>
        tpu.enqueue_indirect_dma source(%dma_start3A_165 : memref<10000x128xbf16, #tpu.memory_space<hbm>>) target(%arg10 : memref<256x128xbf16, #tpu.memory_space<vmem>>) offsets(%dma_start3A_162 : memref<256xi32, #tpu.memory_space<vmem>>) semaphore(%arg14 : memref<!tpu.dma_semaphore, #tpu.memory_space<semaphore_mem>>)
      } else {
      }
      %mul3A_139 = arith.constant 256 : i32
      %mul3A_140 = arith.muli %add3A_133, %mul3A_139 : i32
      %dma_wait3A_141 = tpu.memref_slice %arg7[%mul3A_140] : memref<10240xi32, #tpu.memory_space<vmem>> -> memref<256xi32, #tpu.memory_space<vmem>>
      %dma_wait3A_142 = arith.constant 0 : i32
      %dma_wait3A_143 = arith.constant 0 : i32
      %dma_wait3A_144 = tpu.memref_slice %arg2[%dma_wait3A_142, %dma_wait3A_143] : memref<10000x128xbf16, #tpu.memory_space<hbm>> -> memref<10000x128xbf16, #tpu.memory_space<hbm>>
      tpu.wait_indirect_dma semaphore(%arg16 : memref<!tpu.dma_semaphore, #tpu.memory_space<semaphore_mem>>) src(%dma_wait3A_144 : memref<10000x128xbf16, #tpu.memory_space<hbm>>) dst(%arg12 : memref<256x128xbf16, #tpu.memory_space<vmem>>)
      %mul3A_145 = arith.constant 256 : i32
      %mul3A_146 = arith.muli %add3A_133, %mul3A_145 : i32
      %dma_start3A_147 = tpu.memref_slice %arg8[%mul3A_146] : memref<10240xi32, #tpu.memory_space<vmem>> -> memref<256xi32, #tpu.memory_space<vmem>>
      %dma_start3A_148 = arith.constant 0 : i32
      %dma_start3A_149 = arith.constant 0 : i32
      %dma_start3A_150 = tpu.memref_slice %arg21[%dma_start3A_148, %dma_start3A_149] : memref<10240x128xbf16, #tpu.memory_space<vmem_shared>> -> memref<10240x128xbf16, #tpu.memory_space<vmem_shared>>
      tpu.enqueue_indirect_dma source(%arg12 : memref<256x128xbf16, #tpu.memory_space<vmem>>) target(%dma_start3A_150 : memref<10240x128xbf16, #tpu.memory_space<vmem_shared>>) offsets(%dma_start3A_147 : memref<256xi32, #tpu.memory_space<vmem>>) semaphore(%arg20 : memref<!tpu.dma_semaphore, #tpu.memory_space<semaphore_mem>>) {add = true}
    }
    %scan3A_24 = arith.constant 10 : i32
    %dma_wait3A = arith.constant 9216 : i32
    %dma_wait3A_25 = tpu.memref_slice %arg8[%dma_wait3A] : memref<10240xi32, #tpu.memory_space<vmem>> -> memref<256xi32, #tpu.memory_space<vmem>>
    %dma_wait3A_26 = arith.constant 0 : i32
    %dma_wait3A_27 = arith.constant 0 : i32
    %dma_wait3A_28 = tpu.memref_slice %arg21[%dma_wait3A_26, %dma_wait3A_27] : memref<10240x128xbf16, #tpu.memory_space<vmem_shared>> -> memref<10240x128xbf16, #tpu.memory_space<vmem_shared>>
    tpu.wait_indirect_dma semaphore(%arg17 : memref<!tpu.dma_semaphore, #tpu.memory_space<semaphore_mem>>) src(%arg9 : memref<256x128xbf16, #tpu.memory_space<vmem>>) dst(%dma_wait3A_28 : memref<10240x128xbf16, #tpu.memory_space<vmem_shared>>)
    %dma_wait3A_29 = arith.constant 9472 : i32
    %dma_wait3A_30 = tpu.memref_slice %arg8[%dma_wait3A_29] : memref<10240xi32, #tpu.memory_space<vmem>> -> memref<256xi32, #tpu.memory_space<vmem>>
    %dma_wait3A_31 = arith.constant 0 : i32
    %dma_wait3A_32 = arith.constant 0 : i32
    %dma_wait3A_33 = tpu.memref_slice %arg21[%dma_wait3A_31, %dma_wait3A_32] : memref<10240x128xbf16, #tpu.memory_space<vmem_shared>> -> memref<10240x128xbf16, #tpu.memory_space<vmem_shared>>
    tpu.wait_indirect_dma semaphore(%arg18 : memref<!tpu.dma_semaphore, #tpu.memory_space<semaphore_mem>>) src(%arg10 : memref<256x128xbf16, #tpu.memory_space<vmem>>) dst(%dma_wait3A_33 : memref<10240x128xbf16, #tpu.memory_space<vmem_shared>>)
    %dma_wait3A_34 = arith.constant 9728 : i32
    %dma_wait3A_35 = tpu.memref_slice %arg8[%dma_wait3A_34] : memref<10240xi32, #tpu.memory_space<vmem>> -> memref<256xi32, #tpu.memory_space<vmem>>
    %dma_wait3A_36 = arith.constant 0 : i32
    %dma_wait3A_37 = arith.constant 0 : i32
    %dma_wait3A_38 = tpu.memref_slice %arg21[%dma_wait3A_36, %dma_wait3A_37] : memref<10240x128xbf16, #tpu.memory_space<vmem_shared>> -> memref<10240x128xbf16, #tpu.memory_space<vmem_shared>>
    tpu.wait_indirect_dma semaphore(%arg19 : memref<!tpu.dma_semaphore, #tpu.memory_space<semaphore_mem>>) src(%arg11 : memref<256x128xbf16, #tpu.memory_space<vmem>>) dst(%dma_wait3A_38 : memref<10240x128xbf16, #tpu.memory_space<vmem_shared>>)
    %dma_wait3A_39 = arith.constant 9984 : i32
    %dma_wait3A_40 = tpu.memref_slice %arg8[%dma_wait3A_39] : memref<10240xi32, #tpu.memory_space<vmem>> -> memref<256xi32, #tpu.memory_space<vmem>>
    %dma_wait3A_41 = arith.constant 0 : i32
    %dma_wait3A_42 = arith.constant 0 : i32
    %dma_wait3A_43 = tpu.memref_slice %arg21[%dma_wait3A_41, %dma_wait3A_42] : memref<10240x128xbf16, #tpu.memory_space<vmem_shared>> -> memref<10240x128xbf16, #tpu.memory_space<vmem_shared>>
    tpu.wait_indirect_dma semaphore(%arg20 : memref<!tpu.dma_semaphore, #tpu.memory_space<semaphore_mem>>) src(%arg12 : memref<256x128xbf16, #tpu.memory_space<vmem>>) dst(%dma_wait3A_43 : memref<10240x128xbf16, #tpu.memory_space<vmem_shared>>)
    %barrier3A_44 = arith.constant 0 : index
    tpu.barrier barrier_id(%barrier3A_44)
    %scan3A_45 = arith.constant 0 : i32
    %scan3A_46 = arith.constant 5 : i32
    %scan3A_47 = arith.addi %scan3A_45, %scan3A_46 : i32
    %scan3A_48 = arith.constant 1 : i32
    scf.for %scan3A_50 = %scan3A_45 to %scan3A_47 step %scan3A_48  : i32 {
      %mul3A_51 = arith.constant 1 : i32
      %mul3A_52 = arith.muli %scan3A_50, %mul3A_51 : i32
      %add3A_53 = arith.constant 0 : i32
      %add3A_54 = arith.addi %add3A_53, %mul3A_52 : i32
      %mul3A_55 = arith.constant 128 : i32
      %mul3A_56 = arith.muli %add3A_54, %mul3A_55 : i32
      %add3A_57 = arith.addi %mul3A_2, %mul3A_56 : i32
      "tpu.region"() ({
        %run_scoped3A = tpu.sem_alloc : memref<!tpu.dma_semaphore, #tpu.memory_space<semaphore_mem>>
        %dma_start3A_58 = arith.constant 0 : i32
        %dma_start3A_59 = arith.constant 0 : i32
        %dma_start3A_60 = tpu.memref_slice %arg9[%dma_start3A_58, %dma_start3A_59] : memref<256x128xbf16, #tpu.memory_space<vmem>> -> memref<128x128xbf16, #tpu.memory_space<vmem>>
        %dma_start3A_61 = arith.constant 0 : i32
        %dma_start3A_62 = tpu.memref_slice %arg21[%add3A_57, %dma_start3A_61] : memref<10240x128xbf16, #tpu.memory_space<vmem_shared>> -> memref<128x128xbf16, #tpu.memory_space<vmem_shared>>
        %dma_start3A_63 = arith.constant 0 : i32
        %dma_start3A_64 = arith.constant 0 : i32
        %dma_start3A_65 = tpu.memref_slice %arg9[%dma_start3A_63, %dma_start3A_64] : memref<256x128xbf16, #tpu.memory_space<vmem>> -> memref<128x128xbf16, #tpu.memory_space<vmem>>
        %dma_start3A_66 = arith.constant 0 : i32
        %dma_start3A_67 = tpu.memref_slice %arg21[%add3A_57, %dma_start3A_66] : memref<10240x128xbf16, #tpu.memory_space<vmem_shared>> -> memref<128x128xbf16, #tpu.memory_space<vmem_shared>>
        tpu.enqueue_dma source(%dma_start3A_67 : memref<128x128xbf16, #tpu.memory_space<vmem_shared>>) target(%dma_start3A_65 : memref<128x128xbf16, #tpu.memory_space<vmem>>) target_semaphore(%run_scoped3A : memref<!tpu.dma_semaphore, #tpu.memory_space<semaphore_mem>>)
        %dma_wait3A_68 = arith.constant 0 : i32
        %dma_wait3A_69 = arith.constant 0 : i32
        %dma_wait3A_70 = tpu.memref_slice %arg9[%dma_wait3A_68, %dma_wait3A_69] : memref<256x128xbf16, #tpu.memory_space<vmem>> -> memref<128x128xbf16, #tpu.memory_space<vmem>>
        %dma_wait3A_71 = arith.constant 0 : i32
        %dma_wait3A_72 = tpu.memref_slice %arg21[%add3A_57, %dma_wait3A_71] : memref<10240x128xbf16, #tpu.memory_space<vmem_shared>> -> memref<128x128xbf16, #tpu.memory_space<vmem_shared>>
        %dma_wait3A_73 = arith.constant 0 : i32
        %dma_wait3A_74 = arith.constant 0 : i32
        %dma_wait3A_75 = tpu.memref_slice %arg9[%dma_wait3A_73, %dma_wait3A_74] : memref<256x128xbf16, #tpu.memory_space<vmem>> -> memref<128x128xbf16, #tpu.memory_space<vmem>>
        %dma_wait3A_76 = arith.constant 0 : i32
        %dma_wait3A_77 = tpu.memref_slice %arg21[%add3A_57, %dma_wait3A_76] : memref<10240x128xbf16, #tpu.memory_space<vmem_shared>> -> memref<128x128xbf16, #tpu.memory_space<vmem_shared>>
        tpu.wait_dma2 semaphore(%run_scoped3A : memref<!tpu.dma_semaphore, #tpu.memory_space<semaphore_mem>>) src(%dma_wait3A_77 : memref<128x128xbf16, #tpu.memory_space<vmem_shared>>) dst(%dma_wait3A_75 : memref<128x128xbf16, #tpu.memory_space<vmem>>)
        tpu.yield
      }) : () -> ()
      "tpu.region"() ({
        %run_scoped3A = tpu.sem_alloc : memref<!tpu.dma_semaphore, #tpu.memory_space<semaphore_mem>>
        %dma_start3A_58 = arith.constant 0 : i32
        %dma_start3A_59 = arith.constant 0 : i32
        %dma_start3A_60 = tpu.memref_slice %arg9[%dma_start3A_58, %dma_start3A_59] : memref<256x128xbf16, #tpu.memory_space<vmem>> -> memref<128x128xbf16, #tpu.memory_space<vmem>>
        %dma_start3A_61 = arith.constant 0 : i32
        %dma_start3A_62 = tpu.memref_slice %arg6[%arg0, %add3A_57, %dma_start3A_61] : memref<2x10240x128xbf16, #tpu.memory_space<hbm>> -> memref<1x128x128xbf16, #tpu.memory_space<hbm>>
        %dma_start3A_63 = tpu.memref_squeeze %dma_start3A_62 : memref<1x128x128xbf16, #tpu.memory_space<hbm>> -> memref<128x128xbf16, #tpu.memory_space<hbm>>
        %dma_start3A_64 = arith.constant 0 : i32
        %dma_start3A_65 = tpu.memref_slice %arg6[%arg0, %add3A_57, %dma_start3A_64] : memref<2x10240x128xbf16, #tpu.memory_space<hbm>> -> memref<1x128x128xbf16, #tpu.memory_space<hbm>>
        %dma_start3A_66 = tpu.memref_squeeze %dma_start3A_65 : memref<1x128x128xbf16, #tpu.memory_space<hbm>> -> memref<128x128xbf16, #tpu.memory_space<hbm>>
        %dma_start3A_67 = arith.constant 0 : i32
        %dma_start3A_68 = arith.constant 0 : i32
        %dma_start3A_69 = tpu.memref_slice %arg9[%dma_start3A_67, %dma_start3A_68] : memref<256x128xbf16, #tpu.memory_space<vmem>> -> memref<128x128xbf16, #tpu.memory_space<vmem>>
        tpu.enqueue_dma source(%dma_start3A_69 : memref<128x128xbf16, #tpu.memory_space<vmem>>) target(%dma_start3A_66 : memref<128x128xbf16, #tpu.memory_space<hbm>>) target_semaphore(%run_scoped3A : memref<!tpu.dma_semaphore, #tpu.memory_space<semaphore_mem>>)
        %dma_wait3A_70 = arith.constant 0 : i32
        %dma_wait3A_71 = arith.constant 0 : i32
        %dma_wait3A_72 = tpu.memref_slice %arg9[%dma_wait3A_70, %dma_wait3A_71] : memref<256x128xbf16, #tpu.memory_space<vmem>> -> memref<128x128xbf16, #tpu.memory_space<vmem>>
        %dma_wait3A_73 = arith.constant 0 : i32
        %dma_wait3A_74 = tpu.memref_slice %arg6[%arg0, %add3A_57, %dma_wait3A_73] : memref<2x10240x128xbf16, #tpu.memory_space<hbm>> -> memref<1x128x128xbf16, #tpu.memory_space<hbm>>
        %dma_wait3A_75 = tpu.memref_squeeze %dma_wait3A_74 : memref<1x128x128xbf16, #tpu.memory_space<hbm>> -> memref<128x128xbf16, #tpu.memory_space<hbm>>
        %dma_wait3A_76 = arith.constant 0 : i32
        %dma_wait3A_77 = tpu.memref_slice %arg6[%arg0, %add3A_57, %dma_wait3A_76] : memref<2x10240x128xbf16, #tpu.memory_space<hbm>> -> memref<1x128x128xbf16, #tpu.memory_space<hbm>>
        %dma_wait3A_78 = tpu.memref_squeeze %dma_wait3A_77 : memref<1x128x128xbf16, #tpu.memory_space<hbm>> -> memref<128x128xbf16, #tpu.memory_space<hbm>>
        %dma_wait3A_79 = arith.constant 0 : i32
        %dma_wait3A_80 = arith.constant 0 : i32
        %dma_wait3A_81 = tpu.memref_slice %arg9[%dma_wait3A_79, %dma_wait3A_80] : memref<256x128xbf16, #tpu.memory_space<vmem>> -> memref<128x128xbf16, #tpu.memory_space<vmem>>
        tpu.wait_dma2 semaphore(%run_scoped3A : memref<!tpu.dma_semaphore, #tpu.memory_space<semaphore_mem>>) src(%dma_wait3A_81 : memref<128x128xbf16, #tpu.memory_space<vmem>>) dst(%dma_wait3A_78 : memref<128x128xbf16, #tpu.memory_space<hbm>>)
        tpu.yield
      }) : () -> ()
    }
    %scan3A_49 = arith.constant 5 : i32
    return
  }
}

#map = affine_map<(d0, d1) -> (0, 0)>
#map1 = affine_map<(d0, d1) -> (0)>
#map2 = affine_map<(d0, d1) -> (0, 0, 0)>
module attributes {stable_mosaic.version = 14 : i64} {
  func.func @body(%arg0: i32, %arg1: i32, %arg2: memref<10000x128xbf16, #tpu.memory_space<hbm>>, %arg3: memref<327680xi32, #tpu.memory_space<hbm>>, %arg4: memref<327680xi32, #tpu.memory_space<hbm>>, %arg5: memref<256x128xbf16, #tpu.memory_space<hbm>>, %arg6: memref<2x10240x128xbf16, #tpu.memory_space<hbm>>, %arg7: memref<10240xi32, #tpu.memory_space<vmem>>, %arg8: memref<10240xi32, #tpu.memory_space<vmem>>, %arg9: memref<256x128xbf16, #tpu.memory_space<vmem>>, %arg10: memref<256x128xbf16, #tpu.memory_space<vmem>>, %arg11: memref<256x128xbf16, #tpu.memory_space<vmem>>, %arg12: memref<256x128xbf16, #tpu.memory_space<vmem>>, %arg13: memref<!tpu.dma_semaphore, #tpu.memory_space<semaphore_mem>>, %arg14: memref<!tpu.dma_semaphore, #tpu.memory_space<semaphore_mem>>, %arg15: memref<!tpu.dma_semaphore, #tpu.memory_space<semaphore_mem>>, %arg16: memref<!tpu.dma_semaphore, #tpu.memory_space<semaphore_mem>>, %arg17: memref<!tpu.dma_semaphore, #tpu.memory_space<semaphore_mem>>, %arg18: memref<!tpu.dma_semaphore, #tpu.memory_space<semaphore_mem>>, %arg19: memref<!tpu.dma_semaphore, #tpu.memory_space<semaphore_mem>>, %arg20: memref<!tpu.dma_semaphore, #tpu.memory_space<semaphore_mem>>, %arg21: memref<10240x128xbf16, #tpu.memory_space<vmem_shared>>) attributes {dimension_semantics = [#tpu.dimension_semantics<core_parallel>, #tpu.dimension_semantics<subcore_parallel>], iteration_bounds = array<i64: 2, 16>, scalar_prefetch = 0 : i64, scratch_operands = 15 : i64, tpu.core_type = #tpu.core_type<sc_vector_subcore>, window_params = [{transform_indices = #map}, {transform_indices = #map1}, {transform_indices = #map1}, {transform_indices = #map}, {transform_indices = #map2}]} {
    %mul3A = arith.constant 16 : i32
    %mul3A_0 = arith.muli %arg0, %mul3A : i32
    %add3A = arith.addi %mul3A_0, %arg1 : i32
    "tpu.region"() ({
      %run_scoped3A = tpu.sem_alloc : memref<!tpu.dma_semaphore, #tpu.memory_space<semaphore_mem>>
      tpu.enqueue_dma source(%arg5 : memref<256x128xbf16, #tpu.memory_space<hbm>>) target(%arg9 : memref<256x128xbf16, #tpu.memory_space<vmem>>) target_semaphore(%run_scoped3A : memref<!tpu.dma_semaphore, #tpu.memory_space<semaphore_mem>>)
      tpu.wait_dma2 semaphore(%run_scoped3A : memref<!tpu.dma_semaphore, #tpu.memory_space<semaphore_mem>>) src(%arg5 : memref<256x128xbf16, #tpu.memory_space<hbm>>) dst(%arg9 : memref<256x128xbf16, #tpu.memory_space<vmem>>)
      tpu.yield
    }) : () -> ()
    %mul3A_1 = arith.constant 640 : i32
    %mul3A_2 = arith.muli %arg1, %mul3A_1 : i32
    %scan3A = arith.constant 0 : i32
    %scan3A_3 = arith.constant 5 : i32
    %scan3A_4 = arith.addi %scan3A, %scan3A_3 : i32
    %scan3A_5 = arith.constant 1 : i32
    scf.for %scan3A_50 = %scan3A to %scan3A_4 step %scan3A_5  : i32 {
      %mul3A_51 = arith.constant 1 : i32
      %mul3A_52 = arith.muli %scan3A_50, %mul3A_51 : i32
      %add3A_53 = arith.constant 0 : i32
      %add3A_54 = arith.addi %add3A_53, %mul3A_52 : i32
      %mul3A_55 = arith.constant 128 : i32
      %mul3A_56 = arith.muli %add3A_54, %mul3A_55 : i32
      %add3A_57 = arith.addi %mul3A_2, %mul3A_56 : i32
      "tpu.region"() ({
        %run_scoped3A = tpu.sem_alloc : memref<!tpu.dma_semaphore, #tpu.memory_space<semaphore_mem>>
        %dma_start3A_58 = arith.constant 0 : i32
        %dma_start3A_59 = arith.constant 0 : i32
        %dma_start3A_60 = tpu.memref_slice %arg9[%dma_start3A_58, %dma_start3A_59] : memref<256x128xbf16, #tpu.memory_space<vmem>> -> memref<128x128xbf16, #tpu.memory_space<vmem>>
        %dma_start3A_61 = arith.constant 0 : i32
        %dma_start3A_62 = tpu.memref_slice %arg21[%add3A_57, %dma_start3A_61] : memref<10240x128xbf16, #tpu.memory_space<vmem_shared>> -> memref<128x128xbf16, #tpu.memory_space<vmem_shared>>
        %dma_start3A_63 = arith.constant 0 : i32
        %dma_start3A_64 = tpu.memref_slice %arg21[%add3A_57, %dma_start3A_63] : memref<10240x128xbf16, #tpu.memory_space<vmem_shared>> -> memref<128x128xbf16, #tpu.memory_space<vmem_shared>>
        %dma_start3A_65 = arith.constant 0 : i32
        %dma_start3A_66 = arith.constant 0 : i32
        %dma_start3A_67 = tpu.memref_slice %arg9[%dma_start3A_65, %dma_start3A_66] : memref<256x128xbf16, #tpu.memory_space<vmem>> -> memref<128x128xbf16, #tpu.memory_space<vmem>>
        tpu.enqueue_dma source(%dma_start3A_67 : memref<128x128xbf16, #tpu.memory_space<vmem>>) target(%dma_start3A_64 : memref<128x128xbf16, #tpu.memory_space<vmem_shared>>) target_semaphore(%run_scoped3A : memref<!tpu.dma_semaphore, #tpu.memory_space<semaphore_mem>>)
        %dma_wait3A_68 = arith.constant 0 : i32
        %dma_wait3A_69 = arith.constant 0 : i32
        %dma_wait3A_70 = tpu.memref_slice %arg9[%dma_wait3A_68, %dma_wait3A_69] : memref<256x128xbf16, #tpu.memory_space<vmem>> -> memref<128x128xbf16, #tpu.memory_space<vmem>>
        %dma_wait3A_71 = arith.constant 0 : i32
        %dma_wait3A_72 = tpu.memref_slice %arg21[%add3A_57, %dma_wait3A_71] : memref<10240x128xbf16, #tpu.memory_space<vmem_shared>> -> memref<128x128xbf16, #tpu.memory_space<vmem_shared>>
        %dma_wait3A_73 = arith.constant 0 : i32
        %dma_wait3A_74 = tpu.memref_slice %arg21[%add3A_57, %dma_wait3A_73] : memref<10240x128xbf16, #tpu.memory_space<vmem_shared>> -> memref<128x128xbf16, #tpu.memory_space<vmem_shared>>
        %dma_wait3A_75 = arith.constant 0 : i32
        %dma_wait3A_76 = arith.constant 0 : i32
        %dma_wait3A_77 = tpu.memref_slice %arg9[%dma_wait3A_75, %dma_wait3A_76] : memref<256x128xbf16, #tpu.memory_space<vmem>> -> memref<128x128xbf16, #tpu.memory_space<vmem>>
        tpu.wait_dma2 semaphore(%run_scoped3A : memref<!tpu.dma_semaphore, #tpu.memory_space<semaphore_mem>>) src(%dma_wait3A_77 : memref<128x128xbf16, #tpu.memory_space<vmem>>) dst(%dma_wait3A_74 : memref<128x128xbf16, #tpu.memory_space<vmem_shared>>)
        tpu.yield
      }) : () -> ()
    }
    %scan3A_6 = arith.constant 5 : i32
    %mul3A_7 = arith.constant 10240 : i32
    %mul3A_8 = arith.muli %add3A, %mul3A_7 : i32
    "tpu.region"() ({
      %run_scoped3A = tpu.sem_alloc : memref<!tpu.dma_semaphore, #tpu.memory_space<semaphore_mem>>
      %dma_start3A_50 = tpu.memref_slice %arg3[%mul3A_8] : memref<327680xi32, #tpu.memory_space<hbm>> -> memref<10240xi32, #tpu.memory_space<hbm>>
      %dma_start3A_51 = tpu.memref_slice %arg3[%mul3A_8] : memref<327680xi32, #tpu.memory_space<hbm>> -> memref<10240xi32, #tpu.memory_space<hbm>>
      tpu.enqueue_dma source(%dma_start3A_51 : memref<10240xi32, #tpu.memory_space<hbm>>) target(%arg7 : memref<10240xi32, #tpu.memory_space<vmem>>) target_semaphore(%run_scoped3A : memref<!tpu.dma_semaphore, #tpu.memory_space<semaphore_mem>>)
      %dma_wait3A_52 = tpu.memref_slice %arg3[%mul3A_8] : memref<327680xi32, #tpu.memory_space<hbm>> -> memref<10240xi32, #tpu.memory_space<hbm>>
      %dma_wait3A_53 = tpu.memref_slice %arg3[%mul3A_8] : memref<327680xi32, #tpu.memory_space<hbm>> -> memref<10240xi32, #tpu.memory_space<hbm>>
      tpu.wait_dma2 semaphore(%run_scoped3A : memref<!tpu.dma_semaphore, #tpu.memory_space<semaphore_mem>>) src(%dma_wait3A_53 : memref<10240xi32, #tpu.memory_space<hbm>>) dst(%arg7 : memref<10240xi32, #tpu.memory_space<vmem>>)
      tpu.yield
    }) : () -> ()
    %mul3A_9 = arith.constant 10240 : i32
    %mul3A_10 = arith.muli %add3A, %mul3A_9 : i32
    "tpu.region"() ({
      %run_scoped3A = tpu.sem_alloc : memref<!tpu.dma_semaphore, #tpu.memory_space<semaphore_mem>>
      %dma_start3A_50 = tpu.memref_slice %arg4[%mul3A_10] : memref<327680xi32, #tpu.memory_space<hbm>> -> memref<10240xi32, #tpu.memory_space<hbm>>
      %dma_start3A_51 = tpu.memref_slice %arg4[%mul3A_10] : memref<327680xi32, #tpu.memory_space<hbm>> -> memref<10240xi32, #tpu.memory_space<hbm>>
      tpu.enqueue_dma source(%dma_start3A_51 : memref<10240xi32, #tpu.memory_space<hbm>>) target(%arg8 : memref<10240xi32, #tpu.memory_space<vmem>>) target_semaphore(%run_scoped3A : memref<!tpu.dma_semaphore, #tpu.memory_space<semaphore_mem>>)
      %dma_wait3A_52 = tpu.memref_slice %arg4[%mul3A_10] : memref<327680xi32, #tpu.memory_space<hbm>> -> memref<10240xi32, #tpu.memory_space<hbm>>
      %dma_wait3A_53 = tpu.memref_slice %arg4[%mul3A_10] : memref<327680xi32, #tpu.memory_space<hbm>> -> memref<10240xi32, #tpu.memory_space<hbm>>
      tpu.wait_dma2 semaphore(%run_scoped3A : memref<!tpu.dma_semaphore, #tpu.memory_space<semaphore_mem>>) src(%dma_wait3A_53 : memref<10240xi32, #tpu.memory_space<hbm>>) dst(%arg8 : memref<10240xi32, #tpu.memory_space<vmem>>)
      tpu.yield
    }) : () -> ()
    %barrier3A = arith.constant 0 : index
    tpu.barrier barrier_id(%barrier3A)
    %dma_start3A = arith.constant 0 : i32
    %dma_start3A_11 = tpu.memref_slice %arg7[%dma_start3A] : memref<10240xi32, #tpu.memory_space<vmem>> -> memref<256xi32, #tpu.memory_space<vmem>>
    %dma_start3A_12 = arith.constant 0 : i32
    %dma_start3A_13 = arith.constant 0 : i32
    %dma_start3A_14 = tpu.memref_slice %arg2[%dma_start3A_12, %dma_start3A_13] : memref<10000x128xbf16, #tpu.memory_space<hbm>> -> memref<10000x128xbf16, #tpu.memory_space<hbm>>
    tpu.enqueue_indirect_dma source(%dma_start3A_14 : memref<10000x128xbf16, #tpu.memory_space<hbm>>) target(%arg9 : memref<256x128xbf16, #tpu.memory_space<vmem>>) offsets(%dma_start3A_11 : memref<256xi32, #tpu.memory_space<vmem>>) semaphore(%arg13 : memref<!tpu.dma_semaphore, #tpu.memory_space<semaphore_mem>>)
    %dma_start3A_15 = arith.constant 256 : i32
    %dma_start3A_16 = tpu.memref_slice %arg7[%dma_start3A_15] : memref<10240xi32, #tpu.memory_space<vmem>> -> memref<256xi32, #tpu.memory_space<vmem>>
    %dma_start3A_17 = arith.constant 0 : i32
    %dma_start3A_18 = arith.constant 0 : i32
    %dma_start3A_19 = tpu.memref_slice %arg2[%dma_start3A_17, %dma_start3A_18] : memref<10000x128xbf16, #tpu.memory_space<hbm>> -> memref<10000x128xbf16, #tpu.memory_space<hbm>>
    tpu.enqueue_indirect_dma source(%dma_start3A_19 : memref<10000x128xbf16, #tpu.memory_space<hbm>>) target(%arg10 : memref<256x128xbf16, #tpu.memory_space<vmem>>) offsets(%dma_start3A_16 : memref<256xi32, #tpu.memory_space<vmem>>) semaphore(%arg14 : memref<!tpu.dma_semaphore, #tpu.memory_space<semaphore_mem>>)
    %scan3A_20 = arith.constant 0 : i32
    %scan3A_21 = arith.constant 10 : i32
    %scan3A_22 = arith.addi %scan3A_20, %scan3A_21 : i32
    %scan3A_23 = arith.constant 1 : i32
    scf.for %scan3A_50 = %scan3A_20 to %scan3A_22 step %scan3A_23  : i32 {
      %mul3A_51 = arith.constant 1 : i32
      %mul3A_52 = arith.muli %scan3A_50, %mul3A_51 : i32
      %add3A_53 = arith.constant 0 : i32
      %add3A_54 = arith.addi %add3A_53, %mul3A_52 : i32
      %mul3A_55 = arith.constant 4 : i32
      %mul3A_56 = arith.muli %add3A_54, %mul3A_55 : i32
      %add3A_57 = arith.constant 0 : i32
      %add3A_58 = arith.addi %mul3A_56, %add3A_57 : i32
      %add3A_59 = arith.constant 2 : i32
      %add3A_60 = arith.addi %add3A_58, %add3A_59 : i32
      %ge3A = arith.constant 1 : i32
      %ge3A_61 = arith.cmpi sge, %add3A_54, %ge3A : i32
      %convert_element_type3A = arith.extui %ge3A_61 : i1 to i32
      %cond3A = arith.constant 0 : i32
      %cond3A_62 = arith.cmpi ne, %convert_element_type3A, %cond3A : i32
      scf.if %cond3A_62 {
        %sub3A = arith.constant 4 : i32
        %sub3A_151 = arith.subi %add3A_60, %sub3A : i32
        %mul3A_152 = arith.constant 256 : i32
        %mul3A_153 = arith.muli %sub3A_151, %mul3A_152 : i32
        %dma_wait3A_154 = tpu.memref_slice %arg8[%mul3A_153] : memref<10240xi32, #tpu.memory_space<vmem>> -> memref<256xi32, #tpu.memory_space<vmem>>
        %dma_wait3A_155 = arith.constant 0 : i32
        %dma_wait3A_156 = arith.constant 0 : i32
        %dma_wait3A_157 = tpu.memref_slice %arg21[%dma_wait3A_155, %dma_wait3A_156] : memref<10240x128xbf16, #tpu.memory_space<vmem_shared>> -> memref<10240x128xbf16, #tpu.memory_space<vmem_shared>>
        tpu.wait_indirect_dma semaphore(%arg19 : memref<!tpu.dma_semaphore, #tpu.memory_space<semaphore_mem>>) src(%arg11 : memref<256x128xbf16, #tpu.memory_space<vmem>>) dst(%dma_wait3A_157 : memref<10240x128xbf16, #tpu.memory_space<vmem_shared>>)
      } else {
      }
      %mul3A_63 = arith.constant 256 : i32
      %mul3A_64 = arith.muli %add3A_60, %mul3A_63 : i32
      %dma_start3A_65 = tpu.memref_slice %arg7[%mul3A_64] : memref<10240xi32, #tpu.memory_space<vmem>> -> memref<256xi32, #tpu.memory_space<vmem>>
      %dma_start3A_66 = arith.constant 0 : i32
      %dma_start3A_67 = arith.constant 0 : i32
      %dma_start3A_68 = tpu.memref_slice %arg2[%dma_start3A_66, %dma_start3A_67] : memref<10000x128xbf16, #tpu.memory_space<hbm>> -> memref<10000x128xbf16, #tpu.memory_space<hbm>>
      tpu.enqueue_indirect_dma source(%dma_start3A_68 : memref<10000x128xbf16, #tpu.memory_space<hbm>>) target(%arg11 : memref<256x128xbf16, #tpu.memory_space<vmem>>) offsets(%dma_start3A_65 : memref<256xi32, #tpu.memory_space<vmem>>) semaphore(%arg15 : memref<!tpu.dma_semaphore, #tpu.memory_space<semaphore_mem>>)
      %mul3A_69 = arith.constant 256 : i32
      %mul3A_70 = arith.muli %add3A_58, %mul3A_69 : i32
      %dma_wait3A_71 = tpu.memref_slice %arg7[%mul3A_70] : memref<10240xi32, #tpu.memory_space<vmem>> -> memref<256xi32, #tpu.memory_space<vmem>>
      %dma_wait3A_72 = arith.constant 0 : i32
      %dma_wait3A_73 = arith.constant 0 : i32
      %dma_wait3A_74 = tpu.memref_slice %arg2[%dma_wait3A_72, %dma_wait3A_73] : memref<10000x128xbf16, #tpu.memory_space<hbm>> -> memref<10000x128xbf16, #tpu.memory_space<hbm>>
      tpu.wait_indirect_dma semaphore(%arg13 : memref<!tpu.dma_semaphore, #tpu.memory_space<semaphore_mem>>) src(%dma_wait3A_74 : memref<10000x128xbf16, #tpu.memory_space<hbm>>) dst(%arg9 : memref<256x128xbf16, #tpu.memory_space<vmem>>)
      %mul3A_75 = arith.constant 256 : i32
      %mul3A_76 = arith.muli %add3A_58, %mul3A_75 : i32
      %dma_start3A_77 = tpu.memref_slice %arg8[%mul3A_76] : memref<10240xi32, #tpu.memory_space<vmem>> -> memref<256xi32, #tpu.memory_space<vmem>>
      %dma_start3A_78 = arith.constant 0 : i32
      %dma_start3A_79 = arith.constant 0 : i32
      %dma_start3A_80 = tpu.memref_slice %arg21[%dma_start3A_78, %dma_start3A_79] : memref<10240x128xbf16, #tpu.memory_space<vmem_shared>> -> memref<10240x128xbf16, #tpu.memory_space<vmem_shared>>
      tpu.enqueue_indirect_dma source(%arg9 : memref<256x128xbf16, #tpu.memory_space<vmem>>) target(%dma_start3A_80 : memref<10240x128xbf16, #tpu.memory_space<vmem_shared>>) offsets(%dma_start3A_77 : memref<256xi32, #tpu.memory_space<vmem>>) semaphore(%arg17 : memref<!tpu.dma_semaphore, #tpu.memory_space<semaphore_mem>>) {add = true}
      %mul3A_81 = arith.constant 4 : i32
      %mul3A_82 = arith.muli %add3A_54, %mul3A_81 : i32
      %add3A_83 = arith.constant 1 : i32
      %add3A_84 = arith.addi %mul3A_82, %add3A_83 : i32
      %add3A_85 = arith.constant 2 : i32
      %add3A_86 = arith.addi %add3A_84, %add3A_85 : i32
      %ge3A_87 = arith.constant 1 : i32
      %ge3A_88 = arith.cmpi sge, %add3A_54, %ge3A_87 : i32
      %convert_element_type3A_89 = arith.extui %ge3A_88 : i1 to i32
      %cond3A_90 = arith.constant 0 : i32
      %cond3A_91 = arith.cmpi ne, %convert_element_type3A_89, %cond3A_90 : i32
      scf.if %cond3A_91 {
        %sub3A = arith.constant 4 : i32
        %sub3A_151 = arith.subi %add3A_86, %sub3A : i32
        %mul3A_152 = arith.constant 256 : i32
        %mul3A_153 = arith.muli %sub3A_151, %mul3A_152 : i32
        %dma_wait3A_154 = tpu.memref_slice %arg8[%mul3A_153] : memref<10240xi32, #tpu.memory_space<vmem>> -> memref<256xi32, #tpu.memory_space<vmem>>
        %dma_wait3A_155 = arith.constant 0 : i32
        %dma_wait3A_156 = arith.constant 0 : i32
        %dma_wait3A_157 = tpu.memref_slice %arg21[%dma_wait3A_155, %dma_wait3A_156] : memref<10240x128xbf16, #tpu.memory_space<vmem_shared>> -> memref<10240x128xbf16, #tpu.memory_space<vmem_shared>>
        tpu.wait_indirect_dma semaphore(%arg20 : memref<!tpu.dma_semaphore, #tpu.memory_space<semaphore_mem>>) src(%arg12 : memref<256x128xbf16, #tpu.memory_space<vmem>>) dst(%dma_wait3A_157 : memref<10240x128xbf16, #tpu.memory_space<vmem_shared>>)
      } else {
      }
      %mul3A_92 = arith.constant 256 : i32
      %mul3A_93 = arith.muli %add3A_86, %mul3A_92 : i32
      %dma_start3A_94 = tpu.memref_slice %arg7[%mul3A_93] : memref<10240xi32, #tpu.memory_space<vmem>> -> memref<256xi32, #tpu.memory_space<vmem>>
      %dma_start3A_95 = arith.constant 0 : i32
      %dma_start3A_96 = arith.constant 0 : i32
      %dma_start3A_97 = tpu.memref_slice %arg2[%dma_start3A_95, %dma_start3A_96] : memref<10000x128xbf16, #tpu.memory_space<hbm>> -> memref<10000x128xbf16, #tpu.memory_space<hbm>>
      tpu.enqueue_indirect_dma source(%dma_start3A_97 : memref<10000x128xbf16, #tpu.memory_space<hbm>>) target(%arg12 : memref<256x128xbf16, #tpu.memory_space<vmem>>) offsets(%dma_start3A_94 : memref<256xi32, #tpu.memory_space<vmem>>) semaphore(%arg16 : memref<!tpu.dma_semaphore, #tpu.memory_space<semaphore_mem>>)
      %mul3A_98 = arith.constant 256 : i32
      %mul3A_99 = arith.muli %add3A_84, %mul3A_98 : i32
      %dma_wait3A_100 = tpu.memref_slice %arg7[%mul3A_99] : memref<10240xi32, #tpu.memory_space<vmem>> -> memref<256xi32, #tpu.memory_space<vmem>>
      %dma_wait3A_101 = arith.constant 0 : i32
      %dma_wait3A_102 = arith.constant 0 : i32
      %dma_wait3A_103 = tpu.memref_slice %arg2[%dma_wait3A_101, %dma_wait3A_102] : memref<10000x128xbf16, #tpu.memory_space<hbm>> -> memref<10000x128xbf16, #tpu.memory_space<hbm>>
      tpu.wait_indirect_dma semaphore(%arg14 : memref<!tpu.dma_semaphore, #tpu.memory_space<semaphore_mem>>) src(%dma_wait3A_103 : memref<10000x128xbf16, #tpu.memory_space<hbm>>) dst(%arg10 : memref<256x128xbf16, #tpu.memory_space<vmem>>)
      %mul3A_104 = arith.constant 256 : i32
      %mul3A_105 = arith.muli %add3A_84, %mul3A_104 : i32
      %dma_start3A_106 = tpu.memref_slice %arg8[%mul3A_105] : memref<10240xi32, #tpu.memory_space<vmem>> -> memref<256xi32, #tpu.memory_space<vmem>>
      %dma_start3A_107 = arith.constant 0 : i32
      %dma_start3A_108 = arith.constant 0 : i32
      %dma_start3A_109 = tpu.memref_slice %arg21[%dma_start3A_107, %dma_start3A_108] : memref<10240x128xbf16, #tpu.memory_space<vmem_shared>> -> memref<10240x128xbf16, #tpu.memory_space<vmem_shared>>
      tpu.enqueue_indirect_dma source(%arg10 : memref<256x128xbf16, #tpu.memory_space<vmem>>) target(%dma_start3A_109 : memref<10240x128xbf16, #tpu.memory_space<vmem_shared>>) offsets(%dma_start3A_106 : memref<256xi32, #tpu.memory_space<vmem>>) semaphore(%arg18 : memref<!tpu.dma_semaphore, #tpu.memory_space<semaphore_mem>>) {add = true}
      %mul3A_110 = arith.constant 4 : i32
      %mul3A_111 = arith.muli %add3A_54, %mul3A_110 : i32
      %add3A_112 = arith.constant 2 : i32
      %add3A_113 = arith.addi %mul3A_111, %add3A_112 : i32
      %lt3A = arith.constant 9 : i32
      %lt3A_114 = arith.cmpi slt, %add3A_54, %lt3A : i32
      %convert_element_type3A_115 = arith.extui %lt3A_114 : i1 to i32
      %cond3A_116 = arith.constant 0 : i32
      %cond3A_117 = arith.cmpi ne, %convert_element_type3A_115, %cond3A_116 : i32
      scf.if %cond3A_117 {
        %add3A_151 = arith.constant 2 : i32
        %add3A_152 = arith.addi %add3A_113, %add3A_151 : i32
        %sub3A = arith.constant 4 : i32
        %sub3A_153 = arith.subi %add3A_152, %sub3A : i32
        %mul3A_154 = arith.constant 256 : i32
        %mul3A_155 = arith.muli %sub3A_153, %mul3A_154 : i32
        %dma_wait3A_156 = tpu.memref_slice %arg8[%mul3A_155] : memref<10240xi32, #tpu.memory_space<vmem>> -> memref<256xi32, #tpu.memory_space<vmem>>
        %dma_wait3A_157 = arith.constant 0 : i32
        %dma_wait3A_158 = arith.constant 0 : i32
        %dma_wait3A_159 = tpu.memref_slice %arg21[%dma_wait3A_157, %dma_wait3A_158] : memref<10240x128xbf16, #tpu.memory_space<vmem_shared>> -> memref<10240x128xbf16, #tpu.memory_space<vmem_shared>>
        tpu.wait_indirect_dma semaphore(%arg17 : memref<!tpu.dma_semaphore, #tpu.memory_space<semaphore_mem>>) src(%arg9 : memref<256x128xbf16, #tpu.memory_space<vmem>>) dst(%dma_wait3A_159 : memref<10240x128xbf16, #tpu.memory_space<vmem_shared>>)
        %mul3A_160 = arith.constant 256 : i32
        %mul3A_161 = arith.muli %add3A_152, %mul3A_160 : i32
        %dma_start3A_162 = tpu.memref_slice %arg7[%mul3A_161] : memref<10240xi32, #tpu.memory_space<vmem>> -> memref<256xi32, #tpu.memory_space<vmem>>
        %dma_start3A_163 = arith.constant 0 : i32
        %dma_start3A_164 = arith.constant 0 : i32
        %dma_start3A_165 = tpu.memref_slice %arg2[%dma_start3A_163, %dma_start3A_164] : memref<10000x128xbf16, #tpu.memory_space<hbm>> -> memref<10000x128xbf16, #tpu.memory_space<hbm>>
        tpu.enqueue_indirect_dma source(%dma_start3A_165 : memref<10000x128xbf16, #tpu.memory_space<hbm>>) target(%arg9 : memref<256x128xbf16, #tpu.memory_space<vmem>>) offsets(%dma_start3A_162 : memref<256xi32, #tpu.memory_space<vmem>>) semaphore(%arg13 : memref<!tpu.dma_semaphore, #tpu.memory_space<semaphore_mem>>)
      } else {
      }
      %mul3A_118 = arith.constant 256 : i32
      %mul3A_119 = arith.muli %add3A_113, %mul3A_118 : i32
      %dma_wait3A_120 = tpu.memref_slice %arg7[%mul3A_119] : memref<10240xi32, #tpu.memory_space<vmem>> -> memref<256xi32, #tpu.memory_space<vmem>>
      %dma_wait3A_121 = arith.constant 0 : i32
      %dma_wait3A_122 = arith.constant 0 : i32
      %dma_wait3A_123 = tpu.memref_slice %arg2[%dma_wait3A_121, %dma_wait3A_122] : memref<10000x128xbf16, #tpu.memory_space<hbm>> -> memref<10000x128xbf16, #tpu.memory_space<hbm>>
      tpu.wait_indirect_dma semaphore(%arg15 : memref<!tpu.dma_semaphore, #tpu.memory_space<semaphore_mem>>) src(%dma_wait3A_123 : memref<10000x128xbf16, #tpu.memory_space<hbm>>) dst(%arg11 : memref<256x128xbf16, #tpu.memory_space<vmem>>)
      %mul3A_124 = arith.constant 256 : i32
      %mul3A_125 = arith.muli %add3A_113, %mul3A_124 : i32
      %dma_start3A_126 = tpu.memref_slice %arg8[%mul3A_125] : memref<10240xi32, #tpu.memory_space<vmem>> -> memref<256xi32, #tpu.memory_space<vmem>>
      %dma_start3A_127 = arith.constant 0 : i32
      %dma_start3A_128 = arith.constant 0 : i32
      %dma_start3A_129 = tpu.memref_slice %arg21[%dma_start3A_127, %dma_start3A_128] : memref<10240x128xbf16, #tpu.memory_space<vmem_shared>> -> memref<10240x128xbf16, #tpu.memory_space<vmem_shared>>
      tpu.enqueue_indirect_dma source(%arg11 : memref<256x128xbf16, #tpu.memory_space<vmem>>) target(%dma_start3A_129 : memref<10240x128xbf16, #tpu.memory_space<vmem_shared>>) offsets(%dma_start3A_126 : memref<256xi32, #tpu.memory_space<vmem>>) semaphore(%arg19 : memref<!tpu.dma_semaphore, #tpu.memory_space<semaphore_mem>>) {add = true}
      %mul3A_130 = arith.constant 4 : i32
      %mul3A_131 = arith.muli %add3A_54, %mul3A_130 : i32
      %add3A_132 = arith.constant 3 : i32
      %add3A_133 = arith.addi %mul3A_131, %add3A_132 : i32
      %lt3A_134 = arith.constant 9 : i32
      %lt3A_135 = arith.cmpi slt, %add3A_54, %lt3A_134 : i32
      %convert_element_type3A_136 = arith.extui %lt3A_135 : i1 to i32
      %cond3A_137 = arith.constant 0 : i32
      %cond3A_138 = arith.cmpi ne, %convert_element_type3A_136, %cond3A_137 : i32
      scf.if %cond3A_138 {
        %add3A_151 = arith.constant 2 : i32
        %add3A_152 = arith.addi %add3A_133, %add3A_151 : i32
        %sub3A = arith.constant 4 : i32
        %sub3A_153 = arith.subi %add3A_152, %sub3A : i32
        %mul3A_154 = arith.constant 256 : i32
        %mul3A_155 = arith.muli %sub3A_153, %mul3A_154 : i32
        %dma_wait3A_156 = tpu.memref_slice %arg8[%mul3A_155] : memref<10240xi32, #tpu.memory_space<vmem>> -> memref<256xi32, #tpu.memory_space<vmem>>
        %dma_wait3A_157 = arith.constant 0 : i32
        %dma_wait3A_158 = arith.constant 0 : i32
        %dma_wait3A_159 = tpu.memref_slice %arg21[%dma_wait3A_157, %dma_wait3A_158] : memref<10240x128xbf16, #tpu.memory_space<vmem_shared>> -> memref<10240x128xbf16, #tpu.memory_space<vmem_shared>>
        tpu.wait_indirect_dma semaphore(%arg18 : memref<!tpu.dma_semaphore, #tpu.memory_space<semaphore_mem>>) src(%arg10 : memref<256x128xbf16, #tpu.memory_space<vmem>>) dst(%dma_wait3A_159 : memref<10240x128xbf16, #tpu.memory_space<vmem_shared>>)
        %mul3A_160 = arith.constant 256 : i32
        %mul3A_161 = arith.muli %add3A_152, %mul3A_160 : i32
        %dma_start3A_162 = tpu.memref_slice %arg7[%mul3A_161] : memref<10240xi32, #tpu.memory_space<vmem>> -> memref<256xi32, #tpu.memory_space<vmem>>
        %dma_start3A_163 = arith.constant 0 : i32
        %dma_start3A_164 = arith.constant 0 : i32
        %dma_start3A_165 = tpu.memref_slice %arg2[%dma_start3A_163, %dma_start3A_164] : memref<10000x128xbf16, #tpu.memory_space<hbm>> -> memref<10000x128xbf16, #tpu.memory_space<hbm>>
        tpu.enqueue_indirect_dma source(%dma_start3A_165 : memref<10000x128xbf16, #tpu.memory_space<hbm>>) target(%arg10 : memref<256x128xbf16, #tpu.memory_space<vmem>>) offsets(%dma_start3A_162 : memref<256xi32, #tpu.memory_space<vmem>>) semaphore(%arg14 : memref<!tpu.dma_semaphore, #tpu.memory_space<semaphore_mem>>)
      } else {
      }
      %mul3A_139 = arith.constant 256 : i32
      %mul3A_140 = arith.muli %add3A_133, %mul3A_139 : i32
      %dma_wait3A_141 = tpu.memref_slice %arg7[%mul3A_140] : memref<10240xi32, #tpu.memory_space<vmem>> -> memref<256xi32, #tpu.memory_space<vmem>>
      %dma_wait3A_142 = arith.constant 0 : i32
      %dma_wait3A_143 = arith.constant 0 : i32
      %dma_wait3A_144 = tpu.memref_slice %arg2[%dma_wait3A_142, %dma_wait3A_143] : memref<10000x128xbf16, #tpu.memory_space<hbm>> -> memref<10000x128xbf16, #tpu.memory_space<hbm>>
      tpu.wait_indirect_dma semaphore(%arg16 : memref<!tpu.dma_semaphore, #tpu.memory_space<semaphore_mem>>) src(%dma_wait3A_144 : memref<10000x128xbf16, #tpu.memory_space<hbm>>) dst(%arg12 : memref<256x128xbf16, #tpu.memory_space<vmem>>)
      %mul3A_145 = arith.constant 256 : i32
      %mul3A_146 = arith.muli %add3A_133, %mul3A_145 : i32
      %dma_start3A_147 = tpu.memref_slice %arg8[%mul3A_146] : memref<10240xi32, #tpu.memory_space<vmem>> -> memref<256xi32, #tpu.memory_space<vmem>>
      %dma_start3A_148 = arith.constant 0 : i32
      %dma_start3A_149 = arith.constant 0 : i32
      %dma_start3A_150 = tpu.memref_slice %arg21[%dma_start3A_148, %dma_start3A_149] : memref<10240x128xbf16, #tpu.memory_space<vmem_shared>> -> memref<10240x128xbf16, #tpu.memory_space<vmem_shared>>
      tpu.enqueue_indirect_dma source(%arg12 : memref<256x128xbf16, #tpu.memory_space<vmem>>) target(%dma_start3A_150 : memref<10240x128xbf16, #tpu.memory_space<vmem_shared>>) offsets(%dma_start3A_147 : memref<256xi32, #tpu.memory_space<vmem>>) semaphore(%arg20 : memref<!tpu.dma_semaphore, #tpu.memory_space<semaphore_mem>>) {add = true}
    }
    %scan3A_24 = arith.constant 10 : i32
    %dma_wait3A = arith.constant 9216 : i32
    %dma_wait3A_25 = tpu.memref_slice %arg8[%dma_wait3A] : memref<10240xi32, #tpu.memory_space<vmem>> -> memref<256xi32, #tpu.memory_space<vmem>>
    %dma_wait3A_26 = arith.constant 0 : i32
    %dma_wait3A_27 = arith.constant 0 : i32
    %dma_wait3A_28 = tpu.memref_slice %arg21[%dma_wait3A_26, %dma_wait3A_27] : memref<10240x128xbf16, #tpu.memory_space<vmem_shared>> -> memref<10240x128xbf16, #tpu.memory_space<vmem_shared>>
    tpu.wait_indirect_dma semaphore(%arg17 : memref<!tpu.dma_semaphore, #tpu.memory_space<semaphore_mem>>) src(%arg9 : memref<256x128xbf16, #tpu.memory_space<vmem>>) dst(%dma_wait3A_28 : memref<10240x128xbf16, #tpu.memory_space<vmem_shared>>)
    %dma_wait3A_29 = arith.constant 9472 : i32
    %dma_wait3A_30 = tpu.memref_slice %arg8[%dma_wait3A_29] : memref<10240xi32, #tpu.memory_space<vmem>> -> memref<256xi32, #tpu.memory_space<vmem>>
    %dma_wait3A_31 = arith.constant 0 : i32
    %dma_wait3A_32 = arith.constant 0 : i32
    %dma_wait3A_33 = tpu.memref_slice %arg21[%dma_wait3A_31, %dma_wait3A_32] : memref<10240x128xbf16, #tpu.memory_space<vmem_shared>> -> memref<10240x128xbf16, #tpu.memory_space<vmem_shared>>
    tpu.wait_indirect_dma semaphore(%arg18 : memref<!tpu.dma_semaphore, #tpu.memory_space<semaphore_mem>>) src(%arg10 : memref<256x128xbf16, #tpu.memory_space<vmem>>) dst(%dma_wait3A_33 : memref<10240x128xbf16, #tpu.memory_space<vmem_shared>>)
    %dma_wait3A_34 = arith.constant 9728 : i32
    %dma_wait3A_35 = tpu.memref_slice %arg8[%dma_wait3A_34] : memref<10240xi32, #tpu.memory_space<vmem>> -> memref<256xi32, #tpu.memory_space<vmem>>
    %dma_wait3A_36 = arith.constant 0 : i32
    %dma_wait3A_37 = arith.constant 0 : i32
    %dma_wait3A_38 = tpu.memref_slice %arg21[%dma_wait3A_36, %dma_wait3A_37] : memref<10240x128xbf16, #tpu.memory_space<vmem_shared>> -> memref<10240x128xbf16, #tpu.memory_space<vmem_shared>>
    tpu.wait_indirect_dma semaphore(%arg19 : memref<!tpu.dma_semaphore, #tpu.memory_space<semaphore_mem>>) src(%arg11 : memref<256x128xbf16, #tpu.memory_space<vmem>>) dst(%dma_wait3A_38 : memref<10240x128xbf16, #tpu.memory_space<vmem_shared>>)
    %dma_wait3A_39 = arith.constant 9984 : i32
    %dma_wait3A_40 = tpu.memref_slice %arg8[%dma_wait3A_39] : memref<10240xi32, #tpu.memory_space<vmem>> -> memref<256xi32, #tpu.memory_space<vmem>>
    %dma_wait3A_41 = arith.constant 0 : i32
    %dma_wait3A_42 = arith.constant 0 : i32
    %dma_wait3A_43 = tpu.memref_slice %arg21[%dma_wait3A_41, %dma_wait3A_42] : memref<10240x128xbf16, #tpu.memory_space<vmem_shared>> -> memref<10240x128xbf16, #tpu.memory_space<vmem_shared>>
    tpu.wait_indirect_dma semaphore(%arg20 : memref<!tpu.dma_semaphore, #tpu.memory_space<semaphore_mem>>) src(%arg12 : memref<256x128xbf16, #tpu.memory_space<vmem>>) dst(%dma_wait3A_43 : memref<10240x128xbf16, #tpu.memory_space<vmem_shared>>)
    %barrier3A_44 = arith.constant 0 : index
    tpu.barrier barrier_id(%barrier3A_44)
    %scan3A_45 = arith.constant 0 : i32
    %scan3A_46 = arith.constant 5 : i32
    %scan3A_47 = arith.addi %scan3A_45, %scan3A_46 : i32
    %scan3A_48 = arith.constant 1 : i32
    scf.for %scan3A_50 = %scan3A_45 to %scan3A_47 step %scan3A_48  : i32 {
      %mul3A_51 = arith.constant 1 : i32
      %mul3A_52 = arith.muli %scan3A_50, %mul3A_51 : i32
      %add3A_53 = arith.constant 0 : i32
      %add3A_54 = arith.addi %add3A_53, %mul3A_52 : i32
      %mul3A_55 = arith.constant 128 : i32
      %mul3A_56 = arith.muli %add3A_54, %mul3A_55 : i32
      %add3A_57 = arith.addi %mul3A_2, %mul3A_56 : i32
      "tpu.region"() ({
        %run_scoped3A = tpu.sem_alloc : memref<!tpu.dma_semaphore, #tpu.memory_space<semaphore_mem>>
        %dma_start3A_58 = arith.constant 0 : i32
        %dma_start3A_59 = arith.constant 0 : i32
        %dma_start3A_60 = tpu.memref_slice %arg9[%dma_start3A_58, %dma_start3A_59] : memref<256x128xbf16, #tpu.memory_space<vmem>> -> memref<128x128xbf16, #tpu.memory_space<vmem>>
        %dma_start3A_61 = arith.constant 0 : i32
        %dma_start3A_62 = tpu.memref_slice %arg21[%add3A_57, %dma_start3A_61] : memref<10240x128xbf16, #tpu.memory_space<vmem_shared>> -> memref<128x128xbf16, #tpu.memory_space<vmem_shared>>
        %dma_start3A_63 = arith.constant 0 : i32
        %dma_start3A_64 = arith.constant 0 : i32
        %dma_start3A_65 = tpu.memref_slice %arg9[%dma_start3A_63, %dma_start3A_64] : memref<256x128xbf16, #tpu.memory_space<vmem>> -> memref<128x128xbf16, #tpu.memory_space<vmem>>
        %dma_start3A_66 = arith.constant 0 : i32
        %dma_start3A_67 = tpu.memref_slice %arg21[%add3A_57, %dma_start3A_66] : memref<10240x128xbf16, #tpu.memory_space<vmem_shared>> -> memref<128x128xbf16, #tpu.memory_space<vmem_shared>>
        tpu.enqueue_dma source(%dma_start3A_67 : memref<128x128xbf16, #tpu.memory_space<vmem_shared>>) target(%dma_start3A_65 : memref<128x128xbf16, #tpu.memory_space<vmem>>) target_semaphore(%run_scoped3A : memref<!tpu.dma_semaphore, #tpu.memory_space<semaphore_mem>>)
        %dma_wait3A_68 = arith.constant 0 : i32
        %dma_wait3A_69 = arith.constant 0 : i32
        %dma_wait3A_70 = tpu.memref_slice %arg9[%dma_wait3A_68, %dma_wait3A_69] : memref<256x128xbf16, #tpu.memory_space<vmem>> -> memref<128x128xbf16, #tpu.memory_space<vmem>>
        %dma_wait3A_71 = arith.constant 0 : i32
        %dma_wait3A_72 = tpu.memref_slice %arg21[%add3A_57, %dma_wait3A_71] : memref<10240x128xbf16, #tpu.memory_space<vmem_shared>> -> memref<128x128xbf16, #tpu.memory_space<vmem_shared>>
        %dma_wait3A_73 = arith.constant 0 : i32
        %dma_wait3A_74 = arith.constant 0 : i32
        %dma_wait3A_75 = tpu.memref_slice %arg9[%dma_wait3A_73, %dma_wait3A_74] : memref<256x128xbf16, #tpu.memory_space<vmem>> -> memref<128x128xbf16, #tpu.memory_space<vmem>>
        %dma_wait3A_76 = arith.constant 0 : i32
        %dma_wait3A_77 = tpu.memref_slice %arg21[%add3A_57, %dma_wait3A_76] : memref<10240x128xbf16, #tpu.memory_space<vmem_shared>> -> memref<128x128xbf16, #tpu.memory_space<vmem_shared>>
        tpu.wait_dma2 semaphore(%run_scoped3A : memref<!tpu.dma_semaphore, #tpu.memory_space<semaphore_mem>>) src(%dma_wait3A_77 : memref<128x128xbf16, #tpu.memory_space<vmem_shared>>) dst(%dma_wait3A_75 : memref<128x128xbf16, #tpu.memory_space<vmem>>)
        tpu.yield
      }) : () -> ()
      "tpu.region"() ({
        %run_scoped3A = tpu.sem_alloc : memref<!tpu.dma_semaphore, #tpu.memory_space<semaphore_mem>>
        %dma_start3A_58 = arith.constant 0 : i32
        %dma_start3A_59 = arith.constant 0 : i32
        %dma_start3A_60 = tpu.memref_slice %arg9[%dma_start3A_58, %dma_start3A_59] : memref<256x128xbf16, #tpu.memory_space<vmem>> -> memref<128x128xbf16, #tpu.memory_space<vmem>>
        %dma_start3A_61 = arith.constant 0 : i32
        %dma_start3A_62 = tpu.memref_slice %arg6[%arg0, %add3A_57, %dma_start3A_61] : memref<2x10240x128xbf16, #tpu.memory_space<hbm>> -> memref<1x128x128xbf16, #tpu.memory_space<hbm>>
        %dma_start3A_63 = tpu.memref_squeeze %dma_start3A_62 : memref<1x128x128xbf16, #tpu.memory_space<hbm>> -> memref<128x128xbf16, #tpu.memory_space<hbm>>
        %dma_start3A_64 = arith.constant 0 : i32
        %dma_start3A_65 = tpu.memref_slice %arg6[%arg0, %add3A_57, %dma_start3A_64] : memref<2x10240x128xbf16, #tpu.memory_space<hbm>> -> memref<1x128x128xbf16, #tpu.memory_space<hbm>>
        %dma_start3A_66 = tpu.memref_squeeze %dma_start3A_65 : memref<1x128x128xbf16, #tpu.memory_space<hbm>> -> memref<128x128xbf16, #tpu.memory_space<hbm>>
        %dma_start3A_67 = arith.constant 0 : i32
        %dma_start3A_68 = arith.constant 0 : i32
        %dma_start3A_69 = tpu.memref_slice %arg9[%dma_start3A_67, %dma_start3A_68] : memref<256x128xbf16, #tpu.memory_space<vmem>> -> memref<128x128xbf16, #tpu.memory_space<vmem>>
        tpu.enqueue_dma source(%dma_start3A_69 : memref<128x128xbf16, #tpu.memory_space<vmem>>) target(%dma_start3A_66 : memref<128x128xbf16, #tpu.memory_space<hbm>>) target_semaphore(%run_scoped3A : memref<!tpu.dma_semaphore, #tpu.memory_space<semaphore_mem>>)
        %dma_wait3A_70 = arith.constant 0 : i32
        %dma_wait3A_71 = arith.constant 0 : i32
        %dma_wait3A_72 = tpu.memref_slice %arg9[%dma_wait3A_70, %dma_wait3A_71] : memref<256x128xbf16, #tpu.memory_space<vmem>> -> memref<128x128xbf16, #tpu.memory_space<vmem>>
        %dma_wait3A_73 = arith.constant 0 : i32
        %dma_wait3A_74 = tpu.memref_slice %arg6[%arg0, %add3A_57, %dma_wait3A_73] : memref<2x10240x128xbf16, #tpu.memory_space<hbm>> -> memref<1x128x128xbf16, #tpu.memory_space<hbm>>
        %dma_wait3A_75 = tpu.memref_squeeze %dma_wait3A_74 : memref<1x128x128xbf16, #tpu.memory_space<hbm>> -> memref<128x128xbf16, #tpu.memory_space<hbm>>
        %dma_wait3A_76 = arith.constant 0 : i32
        %dma_wait3A_77 = tpu.memref_slice %arg6[%arg0, %add3A_57, %dma_wait3A_76] : memref<2x10240x128xbf16, #tpu.memory_space<hbm>> -> memref<1x128x128xbf16, #tpu.memory_space<hbm>>
        %dma_wait3A_78 = tpu.memref_squeeze %dma_wait3A_77 : memref<1x128x128xbf16, #tpu.memory_space<hbm>> -> memref<128x128xbf16, #tpu.memory_space<hbm>>
        %dma_wait3A_79 = arith.constant 0 : i32
        %dma_wait3A_80 = arith.constant 0 : i32
        %dma_wait3A_81 = tpu.memref_slice %arg9[%dma_wait3A_79, %dma_wait3A_80] : memref<256x128xbf16, #tpu.memory_space<vmem>> -> memref<128x128xbf16, #tpu.memory_space<vmem>>
        tpu.wait_dma2 semaphore(%run_scoped3A : memref<!tpu.dma_semaphore, #tpu.memory_space<semaphore_mem>>) src(%dma_wait3A_81 : memref<128x128xbf16, #tpu.memory_space<vmem>>) dst(%dma_wait3A_78 : memref<128x128xbf16, #tpu.memory_space<hbm>>)
        tpu.yield
      }) : () -> ()
    }
    %scan3A_49 = arith.constant 5 : i32
    return
  }
}

module attributes {stable_mosaic.version = 14 : i64} {
  func.func @body(%arg0: i32, %arg1: memref<2x1000x16xf32, #tpu.memory_space<vmem>>, %arg2: memref<1000x128xf32, #tpu.memory_space<vmem>>, %arg3: memref<1000x1xf32, #tpu.memory_space<vmem>>, %arg4: memref<1000x128xbf16, #tpu.memory_space<vmem>>) attributes {dimension_semantics = [#tpu.dimension_semantics<arbitrary>], iteration_bounds = array<i64: 10>, scalar_prefetch = 0 : i64, scratch_operands = 0 : i64, tpu.core_type = #tpu.core_type<tc>, window_params = [{transform_indices = @transform_0, window_bounds = array<i64: 2, 1000, 16>}, {transform_indices = @transform_1, window_bounds = array<i64: 1000, 128>}, {transform_indices = @transform_2, window_bounds = array<i64: 1000, 1>}, {transform_indices = @transform_3, window_bounds = array<i64: 1000, 128>}]} {
    %get3A = arith.constant 0 : index
    %get3A_0 = arith.constant 0 : index
    %get3A_1 = arith.constant 0 : index
    %get3A_2 = vector.load %arg1[%get3A, %get3A_0, %get3A_1] : memref<2x1000x16xf32, #tpu.memory_space<vmem>>, vector<1x1000x1xf32>
    %get3A_3 = vector.shape_cast %get3A_2 : vector<1x1000x1xf32> to vector<1000x1xf32>
    %get3A_4 = arith.constant 1 : index
    %get3A_5 = arith.constant 0 : index
    %get3A_6 = arith.constant 0 : index
    %get3A_7 = vector.load %arg1[%get3A_4, %get3A_5, %get3A_6] : memref<2x1000x16xf32, #tpu.memory_space<vmem>>, vector<1x1000x1xf32>
    %get3A_8 = vector.shape_cast %get3A_7 : vector<1x1000x1xf32> to vector<1000x1xf32>
    %add3A = arith.addf %get3A_3, %get3A_8 : vector<1000x1xf32>
    %add3A_9 = arith.constant 1.000000e+00 : f32
    %add3A_10 = vector.broadcast %add3A_9 : f32 to vector<1000x1xf32>
    %add3A_11 = arith.addf %add3A, %add3A_10 : vector<1000x1xf32>
    %rsqrt3A = math.rsqrt %add3A_11 : vector<1000x1xf32>
    %swap3A = arith.constant 0 : index
    %swap3A_12 = arith.constant 0 : index
    %swap3A_13 = vector.load %arg3[%swap3A, %swap3A_12] : memref<1000x1xf32, #tpu.memory_space<vmem>>, vector<1000x1xf32>
    tpu.vector_store %arg3[%swap3A, %swap3A_12], %rsqrt3A {strides = array<i32>} : memref<1000x1xf32, #tpu.memory_space<vmem>>, vector<1000x1xf32>,
    %get3A_14 = arith.constant 0 : index
    %get3A_15 = arith.constant 0 : index
    %get3A_16 = vector.load %arg2[%get3A_14, %get3A_15] : memref<1000x128xf32, #tpu.memory_space<vmem>>, vector<1000x128xf32>
    %mul3A = vector.broadcast %rsqrt3A : vector<1000x1xf32> to vector<1000x128xf32>
    %mul3A_17 = arith.mulf %mul3A, %get3A_16 : vector<1000x128xf32>
    %convert_element_type3A = arith.truncf %mul3A_17 : vector<1000x128xf32> to vector<1000x128xbf16>
    %swap3A_18 = arith.constant 0 : index
    %swap3A_19 = arith.constant 0 : index
    %swap3A_20 = vector.load %arg4[%swap3A_18, %swap3A_19] : memref<1000x128xbf16, #tpu.memory_space<vmem>>, vector<1000x128xbf16>
    tpu.vector_store %arg4[%swap3A_18, %swap3A_19], %convert_element_type3A {strides = array<i32>} : memref<1000x128xbf16, #tpu.memory_space<vmem>>, vector<1000x128xbf16>,
    return
  }
  func.func @transform_0(%arg0: i32) -> (i32, i32, i32) {
    %c0_i32 = arith.constant 0 : i32
    %c0_i32_0 = arith.constant 0 : i32
    %c0_i32_1 = arith.constant 0 : i32
    return %c0_i32, %arg0, %c0_i32_0 : i32, i32, i32
  }
  func.func @transform_1(%arg0: i32) -> (i32, i32) {
    %c0_i32 = arith.constant 0 : i32
    %c0_i32_0 = arith.constant 0 : i32
    return %arg0, %c0_i32 : i32, i32
  }
  func.func @transform_2(%arg0: i32) -> (i32, i32) {
    %c0_i32 = arith.constant 0 : i32
    %c0_i32_0 = arith.constant 0 : i32
    return %arg0, %c0_i32 : i32, i32
  }
  func.func @transform_3(%arg0: i32) -> (i32, i32) {
    %c0_i32 = arith.constant 0 : i32
    %c0_i32_0 = arith.constant 0 : i32
    return %arg0, %c0_i32 : i32, i32
  }
}

module attributes {stable_mosaic.version = 14 : i64} {
  func.func @body(%arg0: i32, %arg1: memref<2x1000x128xbf16, #tpu.memory_space<vmem>>, %arg2: memref<1000x128xf32, #tpu.memory_space<vmem>>, %arg3: memref<1000x1xf32, #tpu.memory_space<vmem>>, %arg4: memref<128x256xf32, #tpu.memory_space<vmem>>, %arg5: memref<1x256xf32, #tpu.memory_space<vmem>>, %arg6: memref<1000x256xf32, #tpu.memory_space<vmem>>, %arg7: memref<1000x128xbf16, #tpu.memory_space<vmem>>, %arg8: memref<1000x128xbf16, #tpu.memory_space<vmem>>) attributes {dimension_semantics = [#tpu.dimension_semantics<arbitrary>], iteration_bounds = array<i64: 10>, scalar_prefetch = 0 : i64, scratch_operands = 0 : i64, tpu.core_type = #tpu.core_type<tc>, window_params = [{transform_indices = @transform_0, window_bounds = array<i64: 2, 1000, 128>}, {transform_indices = @transform_1, window_bounds = array<i64: 1000, 128>}, {transform_indices = @transform_2, window_bounds = array<i64: 1000, 1>}, {pipeline_mode = #tpu.pipeline_mode<synchronous>, transform_indices = @transform_3, window_bounds = array<i64: 128, 256>}, {pipeline_mode = #tpu.pipeline_mode<synchronous>, transform_indices = @transform_4, window_bounds = array<i64: 1, 256>}, {transform_indices = @transform_5, window_bounds = array<i64: 1000, 256>}, {transform_indices = @transform_6, window_bounds = array<i64: 1000, 128>}, {transform_indices = @transform_7, window_bounds = array<i64: 1000, 128>}]} {
    %get3A = arith.constant 0 : index
    %get3A_0 = arith.constant 0 : index
    %get3A_1 = vector.load %arg3[%get3A, %get3A_0] : memref<1000x1xf32, #tpu.memory_space<vmem>>, vector<1000x1xf32>
    %get3A_2 = arith.constant 0 : index
    %get3A_3 = arith.constant 0 : index
    %get3A_4 = arith.constant 0 : index
    %get3A_5 = vector.load %arg1[%get3A_2, %get3A_3, %get3A_4] : memref<2x1000x128xbf16, #tpu.memory_space<vmem>>, vector<1x1000x128xbf16>
    %get3A_6 = vector.shape_cast %get3A_5 : vector<1x1000x128xbf16> to vector<1000x128xbf16>
    %convert_element_type3A = arith.extf %get3A_6 : vector<1000x128xbf16> to vector<1000x128xf32>
    %get3A_7 = arith.constant 1 : index
    %get3A_8 = arith.constant 0 : index
    %get3A_9 = arith.constant 0 : index
    %get3A_10 = vector.load %arg1[%get3A_7, %get3A_8, %get3A_9] : memref<2x1000x128xbf16, #tpu.memory_space<vmem>>, vector<1x1000x128xbf16>
    %get3A_11 = vector.shape_cast %get3A_10 : vector<1x1000x128xbf16> to vector<1000x128xbf16>
    %convert_element_type3A_12 = arith.extf %get3A_11 : vector<1000x128xbf16> to vector<1000x128xf32>
    %add3A = arith.addf %convert_element_type3A, %convert_element_type3A_12 : vector<1000x128xf32>
    %mul3A = vector.broadcast %get3A_1 : vector<1000x1xf32> to vector<1000x128xf32>
    %mul3A_13 = arith.mulf %mul3A, %add3A : vector<1000x128xf32>
    %mul3A_14 = arith.mulf %get3A_1, %get3A_1 : vector<1000x1xf32>
    %get3A_15 = arith.constant 0 : index
    %get3A_16 = arith.constant 0 : index
    %get3A_17 = vector.load %arg2[%get3A_15, %get3A_16] : memref<1000x128xf32, #tpu.memory_space<vmem>>, vector<1000x128xf32>
    %mul3A_18 = vector.broadcast %mul3A_14 : vector<1000x1xf32> to vector<1000x128xf32>
    %mul3A_19 = arith.mulf %mul3A_18, %get3A_17 : vector<1000x128xf32>
    %add3A_20 = arith.addf %mul3A_13, %mul3A_19 : vector<1000x128xf32>
    %get3A_21 = arith.constant 0 : index
    %get3A_22 = arith.constant 0 : index
    %get3A_23 = vector.load %arg4[%get3A_21, %get3A_22] : memref<128x256xf32, #tpu.memory_space<vmem>>, vector<128x256xf32>
    %dot_general3A = arith.constant dense<0.000000e+00> : vector<1000x256xf32>
    %dot_general3A_24 = tpu.matmul %add3A_20, %get3A_23, %dot_general3A {dimension_numbers = #tpu.dot_dimension_numbers<[1], [0], [0], [1], [0, 0, 1, 1], [], []>, precision = #tpu.contract_precision<fp32>, transpose_lhs_hint = false} : vector<1000x128xf32>, vector<128x256xf32>, vector<1000x256xf32> -> vector<1000x256xf32>
    %get3A_25 = arith.constant 0 : index
    %get3A_26 = arith.constant 0 : index
    %get3A_27 = vector.load %arg5[%get3A_25, %get3A_26] : memref<1x256xf32, #tpu.memory_space<vmem>>, vector<1x256xf32>
    %add3A_28 = vector.broadcast %get3A_27 : vector<1x256xf32> to vector<1000x256xf32>
    %add3A_29 = arith.addf %dot_general3A_24, %add3A_28 : vector<1000x256xf32>
    %max3A = arith.constant 0.000000e+00 : f32
    %max3A_30 = vector.broadcast %max3A : f32 to vector<1000x256xf32>
    %max3A_31 = arith.maximumf %add3A_29, %max3A_30 : vector<1000x256xf32>
    %swap3A = arith.constant 0 : index
    %swap3A_32 = arith.constant 0 : index
    %swap3A_33 = vector.load %arg6[%swap3A, %swap3A_32] : memref<1000x256xf32, #tpu.memory_space<vmem>>, vector<1000x256xf32>
    tpu.vector_store %arg6[%swap3A, %swap3A_32], %max3A_31 {strides = array<i32>} : memref<1000x256xf32, #tpu.memory_space<vmem>>, vector<1000x256xf32>,
    %slice3A = vector.extract_strided_slice %max3A_31 {offsets = [0, 0], sizes = [1000, 128], strides = [1, 1]} : vector<1000x256xf32> to vector<1000x128xf32>
    %mul3A_34 = vector.broadcast %get3A_1 : vector<1000x1xf32> to vector<1000x128xf32>
    %mul3A_35 = arith.mulf %mul3A_34, %slice3A : vector<1000x128xf32>
    %convert_element_type3A_36 = arith.truncf %mul3A_35 : vector<1000x128xf32> to vector<1000x128xbf16>
    %swap3A_37 = arith.constant 0 : index
    %swap3A_38 = arith.constant 0 : index
    %swap3A_39 = vector.load %arg7[%swap3A_37, %swap3A_38] : memref<1000x128xbf16, #tpu.memory_space<vmem>>, vector<1000x128xbf16>
    tpu.vector_store %arg7[%swap3A_37, %swap3A_38], %convert_element_type3A_36 {strides = array<i32>} : memref<1000x128xbf16, #tpu.memory_space<vmem>>, vector<1000x128xbf16>,
    %slice3A_40 = vector.extract_strided_slice %max3A_31 {offsets = [0, 128], sizes = [1000, 128], strides = [1, 1]} : vector<1000x256xf32> to vector<1000x128xf32>
    %mul3A_41 = vector.broadcast %get3A_1 : vector<1000x1xf32> to vector<1000x128xf32>
    %mul3A_42 = arith.mulf %mul3A_41, %slice3A_40 : vector<1000x128xf32>
    %convert_element_type3A_43 = arith.truncf %mul3A_42 : vector<1000x128xf32> to vector<1000x128xbf16>
    %swap3A_44 = arith.constant 0 : index
    %swap3A_45 = arith.constant 0 : index
    %swap3A_46 = vector.load %arg8[%swap3A_44, %swap3A_45] : memref<1000x128xbf16, #tpu.memory_space<vmem>>, vector<1000x128xbf16>
    tpu.vector_store %arg8[%swap3A_44, %swap3A_45], %convert_element_type3A_43 {strides = array<i32>} : memref<1000x128xbf16, #tpu.memory_space<vmem>>, vector<1000x128xbf16>,
    return
  }
  func.func @transform_0(%arg0: i32) -> (i32, i32, i32) {
    %c0_i32 = arith.constant 0 : i32
    %c0_i32_0 = arith.constant 0 : i32
    %c0_i32_1 = arith.constant 0 : i32
    return %c0_i32, %arg0, %c0_i32_0 : i32, i32, i32
  }
  func.func @transform_1(%arg0: i32) -> (i32, i32) {
    %c0_i32 = arith.constant 0 : i32
    %c0_i32_0 = arith.constant 0 : i32
    return %arg0, %c0_i32 : i32, i32
  }
  func.func @transform_2(%arg0: i32) -> (i32, i32) {
    %c0_i32 = arith.constant 0 : i32
    %c0_i32_0 = arith.constant 0 : i32
    return %arg0, %c0_i32 : i32, i32
  }
  func.func @transform_3(%arg0: i32) -> (i32, i32) {
    %c0_i32 = arith.constant 0 : i32
    %c0_i32_0 = arith.constant 0 : i32
    %c0_i32_1 = arith.constant 0 : i32
    return %c0_i32, %c0_i32_0 : i32, i32
  }
  func.func @transform_4(%arg0: i32) -> (i32, i32) {
    %c0_i32 = arith.constant 0 : i32
    %c0_i32_0 = arith.constant 0 : i32
    %c0_i32_1 = arith.constant 0 : i32
    return %c0_i32, %c0_i32_0 : i32, i32
  }
  func.func @transform_5(%arg0: i32) -> (i32, i32) {
    %c0_i32 = arith.constant 0 : i32
    %c0_i32_0 = arith.constant 0 : i32
    return %arg0, %c0_i32 : i32, i32
  }
  func.func @transform_6(%arg0: i32) -> (i32, i32) {
    %c0_i32 = arith.constant 0 : i32
    %c0_i32_0 = arith.constant 0 : i32
    return %arg0, %c0_i32 : i32, i32
  }
  func.func @transform_7(%arg0: i32) -> (i32, i32) {
    %c0_i32 = arith.constant 0 : i32
    %c0_i32_0 = arith.constant 0 : i32
    return %arg0, %c0_i32 : i32, i32
  }
}

module attributes {stable_mosaic.version = 14 : i64} {
  func.func @body(%arg0: i32, %arg1: memref<2x1000x128xbf16, #tpu.memory_space<vmem>>, %arg2: memref<2x1000x128xbf16, #tpu.memory_space<vmem>>, %arg3: memref<1000x256xf32, #tpu.memory_space<vmem>>, %arg4: memref<1000x1xf32, #tpu.memory_space<vmem>>, %arg5: memref<256x256xf32, #tpu.memory_space<vmem>>, %arg6: memref<1x256xf32, #tpu.memory_space<vmem>>, %arg7: memref<256x128xf32, #tpu.memory_space<vmem>>, %arg8: memref<1000x128xf32, #tpu.memory_space<vmem>>, %arg9: memref<1000x128xbf16, #tpu.memory_space<vmem>>) attributes {dimension_semantics = [#tpu.dimension_semantics<arbitrary>], iteration_bounds = array<i64: 10>, scalar_prefetch = 0 : i64, scratch_operands = 0 : i64, tpu.core_type = #tpu.core_type<tc>, window_params = [{transform_indices = @transform_0, window_bounds = array<i64: 2, 1000, 128>}, {transform_indices = @transform_1, window_bounds = array<i64: 2, 1000, 128>}, {transform_indices = @transform_2, window_bounds = array<i64: 1000, 256>}, {transform_indices = @transform_3, window_bounds = array<i64: 1000, 1>}, {pipeline_mode = #tpu.pipeline_mode<synchronous>, transform_indices = @transform_4, window_bounds = array<i64: 256, 256>}, {pipeline_mode = #tpu.pipeline_mode<synchronous>, transform_indices = @transform_5, window_bounds = array<i64: 1, 256>}, {pipeline_mode = #tpu.pipeline_mode<synchronous>, transform_indices = @transform_6, window_bounds = array<i64: 256, 128>}, {transform_indices = @transform_7, window_bounds = array<i64: 1000, 128>}, {transform_indices = @transform_8, window_bounds = array<i64: 1000, 128>}]} {
    %get3A = arith.constant 0 : index
    %get3A_0 = arith.constant 0 : index
    %get3A_1 = vector.load %arg4[%get3A, %get3A_0] : memref<1000x1xf32, #tpu.memory_space<vmem>>, vector<1000x1xf32>
    %mul3A = arith.mulf %get3A_1, %get3A_1 : vector<1000x1xf32>
    %get3A_2 = arith.constant 0 : index
    %get3A_3 = arith.constant 0 : index
    %get3A_4 = vector.load %arg3[%get3A_2, %get3A_3] : memref<1000x256xf32, #tpu.memory_space<vmem>>, vector<1000x256xf32>
    %get3A_5 = arith.constant 0 : index
    %get3A_6 = arith.constant 0 : index
    %get3A_7 = arith.constant 0 : index
    %get3A_8 = vector.load %arg1[%get3A_5, %get3A_6, %get3A_7] : memref<2x1000x128xbf16, #tpu.memory_space<vmem>>, vector<1x1000x128xbf16>
    %get3A_9 = vector.shape_cast %get3A_8 : vector<1x1000x128xbf16> to vector<1000x128xbf16>
    %convert_element_type3A = arith.extf %get3A_9 : vector<1000x128xbf16> to vector<1000x128xf32>
    %get3A_10 = arith.constant 1 : index
    %get3A_11 = arith.constant 0 : index
    %get3A_12 = arith.constant 0 : index
    %get3A_13 = vector.load %arg1[%get3A_10, %get3A_11, %get3A_12] : memref<2x1000x128xbf16, #tpu.memory_space<vmem>>, vector<1x1000x128xbf16>
    %get3A_14 = vector.shape_cast %get3A_13 : vector<1x1000x128xbf16> to vector<1000x128xbf16>
    %convert_element_type3A_15 = arith.extf %get3A_14 : vector<1000x128xbf16> to vector<1000x128xf32>
    %add3A = arith.addf %convert_element_type3A, %convert_element_type3A_15 : vector<1000x128xf32>
    %mul3A_16 = vector.broadcast %get3A_1 : vector<1000x1xf32> to vector<1000x128xf32>
    %mul3A_17 = arith.mulf %mul3A_16, %add3A : vector<1000x128xf32>
    %slice3A = vector.extract_strided_slice %get3A_4 {offsets = [0, 0], sizes = [1000, 128], strides = [1, 1]} : vector<1000x256xf32> to vector<1000x128xf32>
    %mul3A_18 = vector.broadcast %mul3A : vector<1000x1xf32> to vector<1000x128xf32>
    %mul3A_19 = arith.mulf %mul3A_18, %slice3A : vector<1000x128xf32>
    %add3A_20 = arith.addf %mul3A_17, %mul3A_19 : vector<1000x128xf32>
    %get3A_21 = arith.constant 0 : index
    %get3A_22 = arith.constant 0 : index
    %get3A_23 = arith.constant 0 : index
    %get3A_24 = vector.load %arg2[%get3A_21, %get3A_22, %get3A_23] : memref<2x1000x128xbf16, #tpu.memory_space<vmem>>, vector<1x1000x128xbf16>
    %get3A_25 = vector.shape_cast %get3A_24 : vector<1x1000x128xbf16> to vector<1000x128xbf16>
    %convert_element_type3A_26 = arith.extf %get3A_25 : vector<1000x128xbf16> to vector<1000x128xf32>
    %get3A_27 = arith.constant 1 : index
    %get3A_28 = arith.constant 0 : index
    %get3A_29 = arith.constant 0 : index
    %get3A_30 = vector.load %arg2[%get3A_27, %get3A_28, %get3A_29] : memref<2x1000x128xbf16, #tpu.memory_space<vmem>>, vector<1x1000x128xbf16>
    %get3A_31 = vector.shape_cast %get3A_30 : vector<1x1000x128xbf16> to vector<1000x128xbf16>
    %convert_element_type3A_32 = arith.extf %get3A_31 : vector<1000x128xbf16> to vector<1000x128xf32>
    %add3A_33 = arith.addf %convert_element_type3A_26, %convert_element_type3A_32 : vector<1000x128xf32>
    %mul3A_34 = vector.broadcast %get3A_1 : vector<1000x1xf32> to vector<1000x128xf32>
    %mul3A_35 = arith.mulf %mul3A_34, %add3A_33 : vector<1000x128xf32>
    %slice3A_36 = vector.extract_strided_slice %get3A_4 {offsets = [0, 128], sizes = [1000, 128], strides = [1, 1]} : vector<1000x256xf32> to vector<1000x128xf32>
    %mul3A_37 = vector.broadcast %mul3A : vector<1000x1xf32> to vector<1000x128xf32>
    %mul3A_38 = arith.mulf %mul3A_37, %slice3A_36 : vector<1000x128xf32>
    %add3A_39 = arith.addf %mul3A_35, %mul3A_38 : vector<1000x128xf32>
    %get3A_40 = arith.constant 0 : index
    %get3A_41 = arith.constant 0 : index
    %get3A_42 = vector.load %arg5[%get3A_40, %get3A_41] : memref<256x256xf32, #tpu.memory_space<vmem>>, vector<128x256xf32>
    %dot_general3A = arith.constant dense<0.000000e+00> : vector<1000x256xf32>
    %dot_general3A_43 = tpu.matmul %add3A_20, %get3A_42, %dot_general3A {dimension_numbers = #tpu.dot_dimension_numbers<[1], [0], [0], [1], [0, 0, 1, 1], [], []>, precision = #tpu.contract_precision<fp32>, transpose_lhs_hint = false} : vector<1000x128xf32>, vector<128x256xf32>, vector<1000x256xf32> -> vector<1000x256xf32>
    %get3A_44 = arith.constant 128 : index
    %get3A_45 = arith.constant 0 : index
    %get3A_46 = vector.load %arg5[%get3A_44, %get3A_45] : memref<256x256xf32, #tpu.memory_space<vmem>>, vector<128x256xf32>
    %dot_general3A_47 = arith.constant dense<0.000000e+00> : vector<1000x256xf32>
    %dot_general3A_48 = tpu.matmul %add3A_39, %get3A_46, %dot_general3A_47 {dimension_numbers = #tpu.dot_dimension_numbers<[1], [0], [0], [1], [0, 0, 1, 1], [], []>, precision = #tpu.contract_precision<fp32>, transpose_lhs_hint = false} : vector<1000x128xf32>, vector<128x256xf32>, vector<1000x256xf32> -> vector<1000x256xf32>
    %add3A_49 = arith.addf %dot_general3A_43, %dot_general3A_48 : vector<1000x256xf32>
    %get3A_50 = arith.constant 0 : index
    %get3A_51 = arith.constant 0 : index
    %get3A_52 = vector.load %arg6[%get3A_50, %get3A_51] : memref<1x256xf32, #tpu.memory_space<vmem>>, vector<1x256xf32>
    %add3A_53 = vector.broadcast %get3A_52 : vector<1x256xf32> to vector<1000x256xf32>
    %add3A_54 = arith.addf %add3A_49, %add3A_53 : vector<1000x256xf32>
    %max3A = arith.constant 0.000000e+00 : f32
    %max3A_55 = vector.broadcast %max3A : f32 to vector<1000x256xf32>
    %max3A_56 = arith.maximumf %add3A_54, %max3A_55 : vector<1000x256xf32>
    %get3A_57 = arith.constant 0 : index
    %get3A_58 = arith.constant 0 : index
    %get3A_59 = vector.load %arg7[%get3A_57, %get3A_58] : memref<256x128xf32, #tpu.memory_space<vmem>>, vector<256x128xf32>
    %dot_general3A_60 = arith.constant dense<0.000000e+00> : vector<1000x128xf32>
    %dot_general3A_61 = tpu.matmul %max3A_56, %get3A_59, %dot_general3A_60 {dimension_numbers = #tpu.dot_dimension_numbers<[1], [0], [0], [1], [0, 0, 1, 1], [], []>, precision = #tpu.contract_precision<fp32>, transpose_lhs_hint = false} : vector<1000x256xf32>, vector<256x128xf32>, vector<1000x128xf32> -> vector<1000x128xf32>
    %swap3A = arith.constant 0 : index
    %swap3A_62 = arith.constant 0 : index
    %swap3A_63 = vector.load %arg8[%swap3A, %swap3A_62] : memref<1000x128xf32, #tpu.memory_space<vmem>>, vector<1000x128xf32>
    tpu.vector_store %arg8[%swap3A, %swap3A_62], %dot_general3A_61 {strides = array<i32>} : memref<1000x128xf32, #tpu.memory_space<vmem>>, vector<1000x128xf32>,
    %mul3A_64 = vector.broadcast %get3A_1 : vector<1000x1xf32> to vector<1000x128xf32>
    %mul3A_65 = arith.mulf %mul3A_64, %dot_general3A_61 : vector<1000x128xf32>
    %convert_element_type3A_66 = arith.truncf %mul3A_65 : vector<1000x128xf32> to vector<1000x128xbf16>
    %swap3A_67 = arith.constant 0 : index
    %swap3A_68 = arith.constant 0 : index
    %swap3A_69 = vector.load %arg9[%swap3A_67, %swap3A_68] : memref<1000x128xbf16, #tpu.memory_space<vmem>>, vector<1000x128xbf16>
    tpu.vector_store %arg9[%swap3A_67, %swap3A_68], %convert_element_type3A_66 {strides = array<i32>} : memref<1000x128xbf16, #tpu.memory_space<vmem>>, vector<1000x128xbf16>,
    return
  }
  func.func @transform_0(%arg0: i32) -> (i32, i32, i32) {
    %c0_i32 = arith.constant 0 : i32
    %c0_i32_0 = arith.constant 0 : i32
    %c0_i32_1 = arith.constant 0 : i32
    return %c0_i32, %arg0, %c0_i32_0 : i32, i32, i32
  }
  func.func @transform_1(%arg0: i32) -> (i32, i32, i32) {
    %c0_i32 = arith.constant 0 : i32
    %c0_i32_0 = arith.constant 0 : i32
    %c0_i32_1 = arith.constant 0 : i32
    return %c0_i32, %arg0, %c0_i32_0 : i32, i32, i32
  }
  func.func @transform_2(%arg0: i32) -> (i32, i32) {
    %c0_i32 = arith.constant 0 : i32
    %c0_i32_0 = arith.constant 0 : i32
    return %arg0, %c0_i32 : i32, i32
  }
  func.func @transform_3(%arg0: i32) -> (i32, i32) {
    %c0_i32 = arith.constant 0 : i32
    %c0_i32_0 = arith.constant 0 : i32
    return %arg0, %c0_i32 : i32, i32
  }
  func.func @transform_4(%arg0: i32) -> (i32, i32) {
    %c0_i32 = arith.constant 0 : i32
    %c0_i32_0 = arith.constant 0 : i32
    %c0_i32_1 = arith.constant 0 : i32
    return %c0_i32, %c0_i32_0 : i32, i32
  }
  func.func @transform_5(%arg0: i32) -> (i32, i32) {
    %c0_i32 = arith.constant 0 : i32
    %c0_i32_0 = arith.constant 0 : i32
    %c0_i32_1 = arith.constant 0 : i32
    return %c0_i32, %c0_i32_0 : i32, i32
  }
  func.func @transform_6(%arg0: i32) -> (i32, i32) {
    %c0_i32 = arith.constant 0 : i32
    %c0_i32_0 = arith.constant 0 : i32
    %c0_i32_1 = arith.constant 0 : i32
    return %c0_i32, %c0_i32_0 : i32, i32
  }
  func.func @transform_7(%arg0: i32) -> (i32, i32) {
    %c0_i32 = arith.constant 0 : i32
    %c0_i32_0 = arith.constant 0 : i32
    return %arg0, %c0_i32 : i32, i32
  }
  func.func @transform_8(%arg0: i32) -> (i32, i32) {
    %c0_i32 = arith.constant 0 : i32
    %c0_i32_0 = arith.constant 0 : i32
    return %arg0, %c0_i32 : i32, i32
  }
}

module attributes {stable_mosaic.version = 14 : i64} {
  func.func @body(%arg0: i32, %arg1: memref<2x1000x128xbf16, #tpu.memory_space<vmem>>, %arg2: memref<1000x128xf32, #tpu.memory_space<vmem>>, %arg3: memref<1000x1xf32, #tpu.memory_space<vmem>>, %arg4: memref<1x128xf32, #tpu.memory_space<vmem>>, %arg5: memref<1000x1xi32, #tpu.memory_space<vmem>>, %arg6: memref<128x128xf32, #tpu.memory_space<vmem>>, %arg7: memref<1x128xf32, #tpu.memory_space<vmem>>, %arg8: memref<1000x128xf32, #tpu.memory_space<vmem>>, %arg9: memref<64x128xf32, #tpu.memory_space<vmem>>, %arg10: memref<64x128xf32, #tpu.memory_space<vmem>>, %arg11: memref<64x128xf32, #tpu.memory_space<vmem>>) attributes {dimension_semantics = [#tpu.dimension_semantics<arbitrary>], iteration_bounds = array<i64: 10>, scalar_prefetch = 0 : i64, scratch_operands = 2 : i64, tpu.core_type = #tpu.core_type<tc>, window_params = [{transform_indices = @transform_0, window_bounds = array<i64: 2, 1000, 128>}, {transform_indices = @transform_1, window_bounds = array<i64: 1000, 128>}, {transform_indices = @transform_2, window_bounds = array<i64: 1000, 1>}, {pipeline_mode = #tpu.pipeline_mode<synchronous>, transform_indices = @transform_3, window_bounds = array<i64: 1, 128>}, {transform_indices = @transform_4, window_bounds = array<i64: 1000, 1>}, {pipeline_mode = #tpu.pipeline_mode<synchronous>, transform_indices = @transform_5, window_bounds = array<i64: 128, 128>}, {pipeline_mode = #tpu.pipeline_mode<synchronous>, transform_indices = @transform_6, window_bounds = array<i64: 1, 128>}, {transform_indices = @transform_7, window_bounds = array<i64: 1000, 128>}, {pipeline_mode = #tpu.pipeline_mode<synchronous>, transform_indices = @transform_8, window_bounds = array<i64: 64, 128>}]} {
    %get3A = arith.constant 0 : index
    %get3A_0 = arith.constant 0 : index
    %get3A_1 = vector.load %arg3[%get3A, %get3A_0] : memref<1000x1xf32, #tpu.memory_space<vmem>>, vector<1000x1xf32>
    %get3A_2 = arith.constant 0 : index
    %get3A_3 = arith.constant 0 : index
    %get3A_4 = arith.constant 0 : index
    %get3A_5 = vector.load %arg1[%get3A_2, %get3A_3, %get3A_4] : memref<2x1000x128xbf16, #tpu.memory_space<vmem>>, vector<1x1000x128xbf16>
    %get3A_6 = vector.shape_cast %get3A_5 : vector<1x1000x128xbf16> to vector<1000x128xbf16>
    %convert_element_type3A = arith.extf %get3A_6 : vector<1000x128xbf16> to vector<1000x128xf32>
    %get3A_7 = arith.constant 1 : index
    %get3A_8 = arith.constant 0 : index
    %get3A_9 = arith.constant 0 : index
    %get3A_10 = vector.load %arg1[%get3A_7, %get3A_8, %get3A_9] : memref<2x1000x128xbf16, #tpu.memory_space<vmem>>, vector<1x1000x128xbf16>
    %get3A_11 = vector.shape_cast %get3A_10 : vector<1x1000x128xbf16> to vector<1000x128xbf16>
    %convert_element_type3A_12 = arith.extf %get3A_11 : vector<1000x128xbf16> to vector<1000x128xf32>
    %add3A = arith.addf %convert_element_type3A, %convert_element_type3A_12 : vector<1000x128xf32>
    %mul3A = vector.broadcast %get3A_1 : vector<1000x1xf32> to vector<1000x128xf32>
    %mul3A_13 = arith.mulf %mul3A, %add3A : vector<1000x128xf32>
    %mul3A_14 = arith.mulf %get3A_1, %get3A_1 : vector<1000x1xf32>
    %get3A_15 = arith.constant 0 : index
    %get3A_16 = arith.constant 0 : index
    %get3A_17 = vector.load %arg2[%get3A_15, %get3A_16] : memref<1000x128xf32, #tpu.memory_space<vmem>>, vector<1000x128xf32>
    %mul3A_18 = vector.broadcast %mul3A_14 : vector<1000x1xf32> to vector<1000x128xf32>
    %mul3A_19 = arith.mulf %mul3A_18, %get3A_17 : vector<1000x128xf32>
    %add3A_20 = arith.addf %mul3A_13, %mul3A_19 : vector<1000x128xf32>
    %get3A_21 = arith.constant 0 : index
    %get3A_22 = arith.constant 0 : index
    %get3A_23 = vector.load %arg4[%get3A_21, %get3A_22] : memref<1x128xf32, #tpu.memory_space<vmem>>, vector<1x128xf32>
    %add3A_24 = vector.broadcast %get3A_23 : vector<1x128xf32> to vector<1000x128xf32>
    %add3A_25 = arith.addf %add3A_20, %add3A_24 : vector<1000x128xf32>
    %swap3A = arith.constant 0 : index
    %swap3A_26 = arith.constant 0 : index
    %swap3A_27 = vector.load %arg8[%swap3A, %swap3A_26] : memref<1000x128xf32, #tpu.memory_space<vmem>>, vector<1000x128xf32>
    tpu.vector_store %arg8[%swap3A, %swap3A_26], %add3A_25 {strides = array<i32>} : memref<1000x128xf32, #tpu.memory_space<vmem>>, vector<1000x128xf32>,
    %iota3A = tpu.iota {dimensions = array<i32: 1>} : vector<1000x64xi32>
    %get3A_28 = arith.constant 0 : index
    %get3A_29 = arith.constant 0 : index
    %get3A_30 = vector.load %arg5[%get3A_28, %get3A_29] : memref<1000x1xi32, #tpu.memory_space<vmem>>, vector<1000x1xi32>
    %eq3A = vector.broadcast %get3A_30 : vector<1000x1xi32> to vector<1000x64xi32>
    %eq3A_31 = arith.cmpi eq, %eq3A, %iota3A : vector<1000x64xi32>
    %convert_element_type3A_32 = arith.extui %eq3A_31 : vector<1000x64xi1> to vector<1000x64xi32>
    %convert_element_type3A_33 = arith.sitofp %convert_element_type3A_32 : vector<1000x64xi32> to vector<1000x64xf32>
    %eq3A_34 = arith.constant 0 : i32
    %eq3A_35 = arith.cmpi eq, %arg0, %eq3A_34 : i32
    %convert_element_type3A_36 = arith.extui %eq3A_35 : i1 to i32
    %cond3A = arith.constant 0 : i32
    %cond3A_37 = arith.cmpi ne, %convert_element_type3A_36, %cond3A : i32
    scf.if %cond3A_37 {
      %broadcast_in_dim3A_61 = arith.constant 0.000000e+00 : f32
      %broadcast_in_dim3A_62 = vector.broadcast %broadcast_in_dim3A_61 : f32 to vector<64x128xf32>
      %swap3A_63 = arith.constant 0 : index
      %swap3A_64 = arith.constant 0 : index
      %swap3A_65 = vector.load %arg10[%swap3A_63, %swap3A_64] : memref<64x128xf32, #tpu.memory_space<vmem>>, vector<64x128xf32>
      tpu.vector_store %arg10[%swap3A_63, %swap3A_64], %broadcast_in_dim3A_62 {strides = array<i32>} : memref<64x128xf32, #tpu.memory_space<vmem>>, vector<64x128xf32>,
      %broadcast_in_dim3A_66 = arith.constant 0.000000e+00 : f32
      %broadcast_in_dim3A_67 = vector.broadcast %broadcast_in_dim3A_66 : f32 to vector<64x128xf32>
      %swap3A_68 = arith.constant 0 : index
      %swap3A_69 = arith.constant 0 : index
      %swap3A_70 = vector.load %arg11[%swap3A_68, %swap3A_69] : memref<64x128xf32, #tpu.memory_space<vmem>>, vector<64x128xf32>
      tpu.vector_store %arg11[%swap3A_68, %swap3A_69], %broadcast_in_dim3A_67 {strides = array<i32>} : memref<64x128xf32, #tpu.memory_space<vmem>>, vector<64x128xf32>,
    } else {
    }
    %get3A_38 = arith.constant 0 : index
    %get3A_39 = arith.constant 0 : index
    %get3A_40 = vector.load %arg10[%get3A_38, %get3A_39] : memref<64x128xf32, #tpu.memory_space<vmem>>, vector<64x128xf32>
    %dot_general3A = arith.constant dense<0.000000e+00> : vector<64x128xf32>
    %dot_general3A_41 = tpu.matmul %convert_element_type3A_33, %add3A_25, %dot_general3A {dimension_numbers = #tpu.dot_dimension_numbers<[0], [0], [1], [1], [0, 1, 1, 1], [], []>, precision = #tpu.contract_precision<fp32>, transpose_lhs_hint = false} : vector<1000x64xf32>, vector<1000x128xf32>, vector<64x128xf32> -> vector<64x128xf32>
    %add3A_42 = arith.addf %get3A_40, %dot_general3A_41 : vector<64x128xf32>
    %swap3A_43 = arith.constant 0 : index
    %swap3A_44 = arith.constant 0 : index
    %swap3A_45 = vector.load %arg10[%swap3A_43, %swap3A_44] : memref<64x128xf32, #tpu.memory_space<vmem>>, vector<64x128xf32>
    tpu.vector_store %arg10[%swap3A_43, %swap3A_44], %add3A_42 {strides = array<i32>} : memref<64x128xf32, #tpu.memory_space<vmem>>, vector<64x128xf32>,
    %get3A_46 = arith.constant 0 : index
    %get3A_47 = arith.constant 0 : index
    %get3A_48 = vector.load %arg11[%get3A_46, %get3A_47] : memref<64x128xf32, #tpu.memory_space<vmem>>, vector<64x128xf32>
    %broadcast_in_dim3A = arith.constant 1.000000e+00 : f32
    %broadcast_in_dim3A_49 = vector.broadcast %broadcast_in_dim3A : f32 to vector<1000x128xf32>
    %dot_general3A_50 = arith.constant dense<0.000000e+00> : vector<64x128xf32>
    %dot_general3A_51 = tpu.matmul %convert_element_type3A_33, %broadcast_in_dim3A_49, %dot_general3A_50 {dimension_numbers = #tpu.dot_dimension_numbers<[0], [0], [1], [1], [0, 1, 1, 1], [], []>, precision = #tpu.contract_precision<fp32>, transpose_lhs_hint = false} : vector<1000x64xf32>, vector<1000x128xf32>, vector<64x128xf32> -> vector<64x128xf32>
    %add3A_52 = arith.addf %get3A_48, %dot_general3A_51 : vector<64x128xf32>
    %swap3A_53 = arith.constant 0 : index
    %swap3A_54 = arith.constant 0 : index
    %swap3A_55 = vector.load %arg11[%swap3A_53, %swap3A_54] : memref<64x128xf32, #tpu.memory_space<vmem>>, vector<64x128xf32>
    tpu.vector_store %arg11[%swap3A_53, %swap3A_54], %add3A_52 {strides = array<i32>} : memref<64x128xf32, #tpu.memory_space<vmem>>, vector<64x128xf32>,
    %eq3A_56 = arith.constant 9 : i32
    %eq3A_57 = arith.cmpi eq, %arg0, %eq3A_56 : i32
    %convert_element_type3A_58 = arith.extui %eq3A_57 : i1 to i32
    %cond3A_59 = arith.constant 0 : i32
    %cond3A_60 = arith.cmpi ne, %convert_element_type3A_58, %cond3A_59 : i32
    scf.if %cond3A_60 {
      %get3A_61 = arith.constant 0 : index
      %get3A_62 = arith.constant 0 : index
      %get3A_63 = vector.load %arg10[%get3A_61, %get3A_62] : memref<64x128xf32, #tpu.memory_space<vmem>>, vector<64x128xf32>
      %get3A_64 = arith.constant 0 : index
      %get3A_65 = arith.constant 0 : index
      %get3A_66 = vector.load %arg11[%get3A_64, %get3A_65] : memref<64x128xf32, #tpu.memory_space<vmem>>, vector<64x128xf32>
      %max3A = arith.constant 1.000000e+00 : f32
      %max3A_67 = vector.broadcast %max3A : f32 to vector<64x128xf32>
      %max3A_68 = arith.maximumf %get3A_66, %max3A_67 : vector<64x128xf32>
      %div3A = arith.divf %get3A_63, %max3A_68 : vector<64x128xf32>
      %get3A_69 = arith.constant 0 : index
      %get3A_70 = arith.constant 0 : index
      %get3A_71 = vector.load %arg6[%get3A_69, %get3A_70] : memref<128x128xf32, #tpu.memory_space<vmem>>, vector<128x128xf32>
      %dot_general3A_72 = arith.constant dense<0.000000e+00> : vector<64x128xf32>
      %dot_general3A_73 = tpu.matmul %div3A, %get3A_71, %dot_general3A_72 {dimension_numbers = #tpu.dot_dimension_numbers<[1], [0], [0], [1], [0, 0, 1, 1], [], []>, precision = #tpu.contract_precision<fp32>, transpose_lhs_hint = false} : vector<64x128xf32>, vector<128x128xf32>, vector<64x128xf32> -> vector<64x128xf32>
      %get3A_74 = arith.constant 0 : index
      %get3A_75 = arith.constant 0 : index
      %get3A_76 = vector.load %arg7[%get3A_74, %get3A_75] : memref<1x128xf32, #tpu.memory_space<vmem>>, vector<1x128xf32>
      %add3A_77 = vector.broadcast %get3A_76 : vector<1x128xf32> to vector<64x128xf32>
      %add3A_78 = arith.addf %dot_general3A_73, %add3A_77 : vector<64x128xf32>
      %swap3A_79 = arith.constant 0 : index
      %swap3A_80 = arith.constant 0 : index
      %swap3A_81 = vector.load %arg9[%swap3A_79, %swap3A_80] : memref<64x128xf32, #tpu.memory_space<vmem>>, vector<64x128xf32>
      tpu.vector_store %arg9[%swap3A_79, %swap3A_80], %add3A_78 {strides = array<i32>} : memref<64x128xf32, #tpu.memory_space<vmem>>, vector<64x128xf32>,
    } else {
    }
    return
  }
  func.func @transform_0(%arg0: i32) -> (i32, i32, i32) {
    %c0_i32 = arith.constant 0 : i32
    %c0_i32_0 = arith.constant 0 : i32
    %c0_i32_1 = arith.constant 0 : i32
    return %c0_i32, %arg0, %c0_i32_0 : i32, i32, i32
  }
  func.func @transform_1(%arg0: i32) -> (i32, i32) {
    %c0_i32 = arith.constant 0 : i32
    %c0_i32_0 = arith.constant 0 : i32
    return %arg0, %c0_i32 : i32, i32
  }
  func.func @transform_2(%arg0: i32) -> (i32, i32) {
    %c0_i32 = arith.constant 0 : i32
    %c0_i32_0 = arith.constant 0 : i32
    return %arg0, %c0_i32 : i32, i32
  }
  func.func @transform_3(%arg0: i32) -> (i32, i32) {
    %c0_i32 = arith.constant 0 : i32
    %c0_i32_0 = arith.constant 0 : i32
    %c0_i32_1 = arith.constant 0 : i32
    return %c0_i32, %c0_i32_0 : i32, i32
  }
  func.func @transform_4(%arg0: i32) -> (i32, i32) {
    %c0_i32 = arith.constant 0 : i32
    %c0_i32_0 = arith.constant 0 : i32
    return %arg0, %c0_i32 : i32, i32
  }
  func.func @transform_5(%arg0: i32) -> (i32, i32) {
    %c0_i32 = arith.constant 0 : i32
    %c0_i32_0 = arith.constant 0 : i32
    %c0_i32_1 = arith.constant 0 : i32
    return %c0_i32, %c0_i32_0 : i32, i32
  }
  func.func @transform_6(%arg0: i32) -> (i32, i32) {
    %c0_i32 = arith.constant 0 : i32
    %c0_i32_0 = arith.constant 0 : i32
    %c0_i32_1 = arith.constant 0 : i32
    return %c0_i32, %c0_i32_0 : i32, i32
  }
  func.func @transform_7(%arg0: i32) -> (i32, i32) {
    %c0_i32 = arith.constant 0 : i32
    %c0_i32_0 = arith.constant 0 : i32
    return %arg0, %c0_i32 : i32, i32
  }
  func.func @transform_8(%arg0: i32) -> (i32, i32) {
    %c0_i32 = arith.constant 0 : i32
    %c0_i32_0 = arith.constant 0 : i32
    %c0_i32_1 = arith.constant 0 : i32
    return %c0_i32, %c0_i32_0 : i32, i32
  }
}

</mosaic_0001>

<sc_bundles>
// kernel: kernel.11.cloned.1.call-start
scs
__scs_entry_jumppad:
0x0: {  	(pc) =	sbr.rel $0x88, $3  }
0x1: {  	(tag) =	ssettag $0x0;
	lr =	simm.s32 $0x1  }
0x2: {  	[smem:$0x3F96] =	sst lr;
	_ =	strace $0xD0000000  }
0x3: {  	_ = 	snop  }
0x4: {  	_ = 	snop  }
0x5: {  	_ = 	snop  }
0x6: {  	_ = 	snop  }
0x7: {  	_ = 	snop  }
__scs_overlays_trampoline_lowered:
0x8: {  	[smem:$0x3FA5] =	sst s0  }
0x9: {  	[smem:$0x3FA6] =	sst s1  }
0xa: {  	[smem:$0x3FA7] =	sst s2  }
0xb: {  	[smem:$0x3FA8] =	sst s3  }
0xc: {  	[smem:$0x3FA9] =	sst s4  }
0xd: {  	[smem:$0x3FAA] =	sst s5  }
0xe: {  	[smem:$0x3FAB] =	sst s6  }
0xf: {  	[smem:$0x3FAC] =	sst s7  }
0x10: {  	[smem:$0x3FAD] =	sst s8  }
0x11: {  	[smem:$0x3FAE] =	sst s9;
	s0 =	simm.s32 @!p0 $0x0  }
0x12: {  	s1 =	sld [smem:$0x3F94];
	s0 =	simm.s32 @p0 $0x1  }
0x13: {  	[smem:$0x3FAF] =	sst s0;
	s0 =	simm.s32 @!p1 $0x0  }
0x14: {  	s2 =	sld [smem:$0x3F93];
	s0 =	simm.s32 @p1 $0x1  }
0x15: {  	[smem:$0x3FB0] =	sst s0;
	s0 =	simm.s32 @!p2 $0x0  }
0x16: {  	s3 =	sld [smem:$0x3FDB];
	s0 =	simm.s32 @p2 $0x1  }
0x17: {  	s4 =	simm.s32 $0x1BF5;
	[smem:$0x3FB2] =	sst s0  }
0x18: {  	s0 =	sld [smem:$0x3F95];
	_ =	swait.ge [sflag:s4], $0x0  }
0x19: {  	s7 =	sld [smem:$0x3F96]  }
0x1a: {  	s8 =	sadd.s32 $0xFFFFE003, lr  }
0x1b: {  	s9 =	sadd.s32 $0xFFFFFEF7, lr;
	s5 =	simm.s32 $0xFFFFFFFF;
	p2 =	slt.u32 s8, $0xFFFFF086  }
0x1c: {  	p1 =	slt.u32 s9, $0xF7A;
	s5 =	simm.s32 @!p2 $0x0  }
0x1d: {  	s5 =	simm.s32 @p1 $0x1;
	p0 =	seq.s32 s7, s2  }
0x1e: {  	s7 =	smul.u32 @!p0 $0xF7A, s2;
	p2 =	seq.s32 @!p0 s5, $0x0  }
0x1f: {  	s9 =	smul.u32 $0xF7A, s1;
	s8 =	simm.s32 @!p0 $0x1BF5;
	p2 =	por !p2, p0  }
0x20: {  	[sflag:s8] =	ssyncset.s32 @!p0 $0xFFFFF086;
	s6 =	sadd.s32 @!p0 s3, s7;
	s7 =	simm.s32 @!p0 $0x108  }
0x21: {  	s3 =	sadd.s32 s3, s9;
	s6 =	sadd.s32 @!p0 $0x88, s6;
	s7 =	simm.s32 @p2 $0x1082  }
0x22: {  	[simem:s7], [sflag:s8] =	dma.local @!p0 [hbm:s6], $0xF7A  }
0x23: {  	s9 =	sor.u32 $0xD0000000, s2;
	s6 =	simm.s32 $0x108;
	_ =	swait.ge @!p0 [sflag:s8], $0x0  }
0x24: {  	s3 =	sadd.s32 $0x88, s3;
	s6 =	simm.s32 @!p1 $0x1082;
	[sflag:s4] =	ssyncset.s32 $0xFFFFF086  }
0x25: {  	[simem:s6], [sflag:s4] =	dma.local [hbm:s3], $0xF7A  }
0x26: {  	[smem:$0x3F96] =	sst s1;
	(tag) =	ssettag s2;
	_ =	strace s9  }
0x27: {  	s1 =	sld [smem:$0x3FA6]  }
0x28: {  	s2 =	sld [smem:$0x3FA7]  }
0x29: {  	s4 =	sld [smem:$0x3FA9]  }
0x2a: {  	p0 =	seq.s32 s5, $0x0;
	s5 =	sld [smem:$0x3FAA]  }
0x2b: {  	s6 =	sld [smem:$0x3FAB]  }
0x2c: {  	s7 =	sld [smem:$0x3FAC]  }
0x2d: {  	s3 =	simm.s32 $0x108;
	s8 =	sld [smem:$0x3FAD]  }
0x2e: {  	s3 =	simm.s32 @!p0 $0x1082;
	s9 =	sld [smem:$0x3FAE]  }
0x2f: {  	lr =	sadd.s32 s0, s3;
	s0 =	sld [smem:$0x3FA5]  }
0x30: {  	s3 =	sld [smem:$0x3FA8]  }
0x31: {  	[smem:$0x3FB1] =	sst s10  }
0x32: {  	s10 =	sld [smem:$0x3FAF];
	_ =	sdelay $0x3  }
0x33: {  	p0 =	seq.s32 s10, $0x1;
	s10 =	sld [smem:$0x3FB1];
	_ =	sdelay $0x3  }
0x34: {  	[smem:$0x3FB1] =	sst s10  }
0x35: {  	s10 =	sld [smem:$0x3FB0];
	_ =	sdelay $0x3  }
0x36: {  	p1 =	seq.s32 s10, $0x1;
	s10 =	sld [smem:$0x3FB1];
	_ =	sdelay $0x3  }
0x37: {  	[smem:$0x3FB1] =	sst s10  }
0x38: {  	s10 =	sld [smem:$0x3FB2]  }
0x39: {  	_ = 	snop;
	(pc) =	sbr.ind lr, $3  }
0x3a: {  	_ = 	snop  }
0x3b: {  	_ = 	snop  }
0x3c: {  	p2 =	seq.s32 s10, $0x1;
	s10 =	sld [smem:$0x3FB1]  }
0x3d: {  	_ =	shalt  }
0x3e: {  	_ =	shalt  }
0x3f: {  	_ =	shalt  }
0x40: {  	_ =	shalt  }
0x41: {  	_ =	shalt  }
0x42: {  	_ =	shalt  }
0x43: {  	_ =	shalt  }
0x44: {  	_ =	shalt  }
0x45: {  	_ =	shalt  }
0x46: {  	_ =	shalt  }
0x47: {  	_ =	shalt  }
0x48: {  	_ =	shalt  }
0x49: {  	_ =	shalt  }
0x4a: {  	_ =	shalt  }
0x4b: {  	_ =	shalt  }
0x4c: {  	_ =	shalt  }
0x4d: {  	_ =	shalt  }
0x4e: {  	_ =	shalt  }
0x4f: {  	_ =	shalt  }
0x50: {  	_ =	shalt  }
0x51: {  	_ =	shalt  }
0x52: {  	_ =	shalt  }
0x53: {  	_ =	shalt  }
0x54: {  	_ =	shalt  }
0x55: {  	_ =	shalt  }
0x56: {  	_ =	shalt  }
0x57: {  	_ =	shalt  }
0x58: {  	_ =	shalt  }
0x59: {  	_ =	shalt  }
0x5a: {  	_ =	shalt  }
0x5b: {  	_ =	shalt  }
0x5c: {  	_ =	shalt  }
0x5d: {  	_ =	shalt  }
0x5e: {  	_ =	shalt  }
0x5f: {  	_ =	shalt  }
0x60: {  	_ =	shalt  }
0x61: {  	_ =	shalt  }
0x62: {  	_ =	shalt  }
0x63: {  	_ =	shalt  }
0x64: {  	_ =	shalt  }
0x65: {  	_ =	shalt  }
0x66: {  	_ =	shalt  }
0x67: {  	_ =	shalt  }
0x68: {  	_ =	shalt  }
0x69: {  	_ =	shalt  }
0x6a: {  	_ =	shalt  }
0x6b: {  	_ =	shalt  }
0x6c: {  	_ =	shalt  }
0x6d: {  	_ =	shalt  }
0x6e: {  	_ =	shalt  }
0x6f: {  	_ =	shalt  }
0x70: {  	_ =	shalt  }
0x71: {  	_ =	shalt  }
0x72: {  	_ =	shalt  }
0x73: {  	_ =	shalt  }
0x74: {  	_ =	shalt  }
0x75: {  	_ =	shalt  }
0x76: {  	_ =	shalt  }
0x77: {  	_ =	shalt  }
0x78: {  	_ =	shalt  }
0x79: {  	_ =	shalt  }
0x7a: {  	_ =	shalt  }
0x7b: {  	_ =	shalt  }
0x7c: {  	_ =	shalt  }
0x7d: {  	_ =	shalt  }
0x7e: {  	_ =	shalt  }
0x7f: {  	_ =	shalt  }
0x80: {  	_ =	shalt  }
0x81: {  	_ =	shalt  }
0x82: {  	_ =	shalt  }
0x83: {  	_ =	shalt  }
0x84: {  	_ =	shalt  }
0x85: {  	_ =	shalt  }
0x86: {  	_ =	shalt  }
0x87: {  	_ =	shalt  }
.Lfunc_end0:
.L_simem_size_0:
called_computation_lowered:
.L_overlay_start_0:
0x88: {  	s2 =	sld [smem:$0x3FD9]  }
0x89: {  	s3 =	sld [smem:$0x3FFE];
	_ =	sdelay $0x1  }
0x8a: {  	s1 =	srdreg.scid  }
0x8b: {  	s0 =	sand.u32 $0x1, s1  }
0x8c: {  	s14 =	sshll.u32 s0, $0xA;
	s2 =	sadd.s32 s3, s2  }
0x8d: {  	s2 =	sadd.s32 s2, s14  }
0x8e: {  	[smem:$0x3FBD] =	sst s2  }
0x8f: {  	_ = 	snop  }
0x90: {  	s2 =	sld [smem:$0x3FD0];
	_ =	sdelay $0x2  }
0x91: {  	s15 =	simm.s32 $0xB;
	s4 =	simm.s32 $0x10  }
0x92: {  	[smem:s4], [sflag:s15] =	dma.local [hbm:s2], $0x1  }
0x93: {  	_ =	swait.eq [sflag:s15], $0x1  }
0x94: {  	[sflag:s15] =	ssyncset.done $0x0  }
0x95: {  	s16 =	sld [smem:$0x10];
	[sflag:s15] =	ssyncadd.s32 $0xFFFFFFFF  }
0x96: {  	s17 =	sld [smem:$0x11];
	(tm) =	ssettm $0x1  }
0x97: {  	s18 =	sld [smem:$0x3FFB];
	_ =	sdelay $0x3  }
0x98: {  	_ =	strace s18  }
0x99: {  	s4 =	sld [smem:$0x3FFC];
	_ =	sdelay $0x3  }
0x9a: {  	_ =	strace s4  }
0x9b: {  	s4 =	sld [smem:$0x3FFD];
	_ =	sdelay $0x3  }
0x9c: {  	_ =	strace s4  }
0x9d: {  	_ =	strace $0x8FFFFFFF  }
0x9e: {  	s19 =	sld [smem:$0x3FDB];
	_ =	sdelay $0x1  }
0x9f: {  	s5 =	simm.s32 $_scs_section_size  }
0xa0: {  	s6 =	simm.s32 $_size__tile_overlayer_lowered;
	s7 =	simm.s32 $_tile_overlayer_lowered  }
0xa1: {  	s22 =	simm.s32 $0x1BFF;
	s21 =	sshll.u32 s7, $0x1;
	s4 =	sadd.s32 s5, s19  }
0xa2: {  	s8 =	simm.s32 $0x0;
	s20 =	sshll.u32 s6, $0x1;
	s6 =	sadd.s32 s21, s4  }
0xa3: {  	[timem:s8], [sflag:s22] =	dma.local [hbm:s6], s20  }
0xa4: {  	_ =	swait.ge [sflag:s22], s20  }
0xa5: {  	s5 =	ssub.s32 $0x0, s20;
	[sflag:s22] =	ssyncset.done $0x0  }
0xa6: {  	[sflag:s22] =	ssyncadd.s32 s5;
	_ =	sdelay $0x1  }
0xa7: {  	s23 =	simm.s32 $0x1B8B  }
0xa8: {  	_ =	swait.ge [sflag:s23], $0x1  }
0xa9: {  	[sflag:s23] =	ssyncset.done $0x0  }
0xaa: {  	s25 =	simm.s32 $0x1B8E;
	s24 =	sld [smem:$0x3FFE];
	[sflag:s23] =	ssyncadd.s32 $0xFFFFFFFF  }
0xab: {  	s26 =	simm.s32 $execute0_lowered;
	[smem:$0x3FD2] =	sst s25  }
0xac: {  	s6 =	sshll.u32 s26, $0x1;
	_ =	strace $0x80000046;
	[dreg:$0x1] =	wrdreg $0xFFFFFFFF  }
0xad: {  	s28 =	simm.s32 $_size_execute0_lowered;
	s4 =	sadd.s32 s4, s6;
	[dreg:$0x0] =	wrdreg $0x0  }
0xae: {  	s6 =	sshll.u32 s28, $0x1;
	[dreg:$0x2] =	wrdreg s4  }
0xaf: {  	[dreg:$0x3] =	wrdreg s6  }
0xb0: {  	[dreg:$0x4] =	wrdreg $0xC0  }
0xb1: {  	_ =	task [dreg:s8], $0x5FFFF  }
0xb2: {  	[dreg:$0x1] =	wrdreg $0xFFFFFFFF  }
0xb3: {  	[dreg:$0x0] =	wrdreg $0x60  }
0xb4: {  	[dreg:$0x2] =	wrdreg s24  }
0xb5: {  	[dreg:$0x3] =	wrdreg s16  }
0xb6: {  	[dreg:$0x4] =	wrdreg s17  }
0xb7: {  	[dreg:$0x5] =	wrdreg $0x38000  }
0xb8: {  	[dreg:$0x6] =	wrdreg $0x9  }
0xb9: {  	_ =	task.clear_ibuf [dreg:s8], $0x7FFFF;
	_ =	strace $0x90000046  }
0xba: {  	s29 =	simm.s32 $0x9;
	_ =	strace $0x80000048  }
0xbb: {  	_ =	swait.ge [sflag:s29], $0x1  }
0xbc: {  	[sflag:s29] =	ssyncadd.s32 $0xFFFFFFFF  }
0xbd: {  	_ =	strace $0x90000048  }
0xbe: {  	_ =	sfence  }
0xbf: {  	s30 =	sld [smem:$0x0];
	_ =	sdelay $0x2  }
0xc0: {  	s31 =	sshll.u32 s1, $0xD;
	s1 =	sshrl.u32 s1, $0x2  }
0xc1: {  	s3 =	sand.u32 $0x4000, s31;
	s1 =	sadd.s32 s1, s30  }
0xc2: {  	s0 =	sor.u32 s3, s0;
	s1 =	sshll.u32 s1, $0x11  }
0xc3: {  	s0 =	sor.u32 s1, s0  }
0xc4: {  	s0 =	sadd.s32 $0x8F2B, s0  }
0xc5: {  	[sflag:s0] =	ssyncadd.remote.s32 $0x1  }
0xc6: {  	_ =	sfence.sel $0xFFFF  }
0xc7: {  	[dreg:$0x0] =	wrdreg $0xFFFFFFFF;
	(pc) =	sbr.abs _section_cstart, $3  }
0xc8: {  	[dreg:$0x1] =	wrdreg $0xFFFFFFFF  }
0xc9: {  	_ =	task.clear_ibuf [dreg:s8], $0x2FFFF;
	_ =	strace $0x9FFFFFFF  }
0xca: {  	(tm) =	ssettm $0x7FFFFFFF  }
0xcb: {  	_ =	shalt  }
tec
execute0_lowered:
.L_overlay_start_1:
0x0: {  	(tag) =	ssettag $0x1  }
0x1: {  	s0 =	rddreg [dreg:$0x0]  }
0x2: {  	s1 =	srdreg.scid;
	s2 =	rddreg [dreg:$0x2]  }
0x3: {  	s3 =	rddreg [dreg:$0x3];
	s9 =	stileid.u32  }
0x4: {  	s4 =	simm.s32 $0x0;
	s28 =	simm.s32 $0x2300;
	s29 =	simm.s32 $0x2400  }
0x5: {  	s30 =	simm.s32 $0x2500;
	s31 =	simm.s32 $0x2600;
	s7 =	smul.u32 $0xA000, s9  }
0x6: {  	s1 =	sand.u32 $0x1, s1;
	[smem:$0x7FF] =	sst s4;
	s18 =	smul.u32 $0x2800, s9  }
0x7: {  	s5 =	sshll.u32 s1, $0x4;
	_ =	strace $0x80000047;
	s6 =	ssub.s32 $0x2, s1  }
0x8: {  	s1 =	smul.u32 $0x28000, s1;
	s5 =	sor.u32 s9, s5;
	s20 =	sshrl.u32 s6, $0x1  }
0x9: {  	s21 =	sshrl.u32 s7, $0x2;
	s15 =	sadd.s32 $0x800, s18;
	s24 =	sadd.s32 $0x1000, s18  }
0xa: {  	s19 =	sadd.s32 $0x1800, s18;
	s5 =	smul.u32 $0x500, s5;
	s22 =	sadd.s32 s1, s18  }
0xb: {  	s16 =	sadd.s32 s1, s15;
	s15 =	sadd.s32 s15, s3;
	s17 =	sadd.s32 s24, s3  }
0xc: {  	s23 =	sshrl.u32 s16, $0x3;
	s8 =	sadd.s32 s5, s0;
	s5 =	sadd.s32 $0xCE00, s0  }
0xd: {  	s0 =	ssub.s32 s6, s20;
	s6 =	sadd.s32 s21, s3;
	s16 =	sadd.s32 s2, s23  }
0xe: {  	s20 =	sadd.s32 s1, s19;
	s21 =	sadd.s32 $0x2000, s18;
	s19 =	sadd.s32 s19, s3  }
0xf: {  	s23 =	simm.s32 $0x2800;
	s7 =	sadd.s32 $0x2E00, s8;
	s8 =	sadd.s32 s18, s3  }
0x10: {  	s9 =	smax.u32 s0, $0x1;
	s10 =	sadd.s32 $0x800, s6;
	s11 =	sadd.s32 $0x1000, s6  }
0x11: {  	s12 =	sadd.s32 $0x1800, s6;
	s0 =	sshrl.u32 s22, $0x3;
	s13 =	sadd.s32 $0x2000, s6  }
0x12: {  	s25 =	sshrl.u32 s20, $0x3;
	s14 =	sadd.s32 s2, s0;
	s0 =	sadd.s32 s1, s24  }
0x13: {  	s1 =	sadd.s32 s1, s21;
	s20 =	sadd.s32 s2, s25;
	s21 =	sadd.s32 s21, s3  }
0x14: {  	s24 =	simm.s32 $0x2;
	s25 =	simm.s32 $0x100;
	s0 =	sshrl.u32 s0, $0x3  }
0x15: {  	s26 =	sshrl.u32 s1, $0x3;
	s1 =	simm.s32 $0x2700;
	s18 =	sadd.s32 s2, s0  }
0x16: {  	s22 =	sadd.s32 s2, s26;
	s2 =	simm.s32 $0x1;
	s0 =	simm.s32 $0x0  }
.LBB2_1:
0x17: {  	[tilespmem:s23], [sflag:$0x2] =	stream.linear.gather [hbm4b:s5+s4], $0x1000, $0x38;
	[tilespmem:$0x6000] =	vst v63  }
0x18: {  	_ =	swait.ge [sflag:s24], $0x1000  }
0x19: {  	[sflag:s24] =	ssyncset.done $0x0  }
0x1a: {  	[sflag:s24] =	ssyncadd.s32 $0xFFFFF000  }
0x1b: {  	[spmem:s6] =	stream.linear.scatter [tilespmem:s23], [sflag:$0x2], $0x800, $0x38;
	[tilespmem:$0x6000] =	vst v63  }
0x1c: {  	_ =	swait.ge [sflag:s24], $0x800  }
0x1d: {  	[sflag:s24] =	ssyncset.done $0x0  }
0x1e: {  	[sflag:s24] =	ssyncadd.s32 $0xFFFFF800  }
0x1f: {  	[spmem:s10] =	stream.linear.scatter [tilespmem:s23], [sflag:$0x2], $0x800, $0x38;
	[tilespmem:$0x6000] =	vst v63  }
0x20: {  	_ =	swait.ge [sflag:s24], $0x800  }
0x21: {  	[sflag:s24] =	ssyncset.done $0x0  }
0x22: {  	[sflag:s24] =	ssyncadd.s32 $0xFFFFF800  }
0x23: {  	[spmem:s11] =	stream.linear.scatter [tilespmem:s23], [sflag:$0x2], $0x800, $0x38;
	[tilespmem:$0x6000] =	vst v63  }
0x24: {  	_ =	swait.ge [sflag:s24], $0x800  }
0x25: {  	[sflag:s24] =	ssyncset.done $0x0  }
0x26: {  	[sflag:s24] =	ssyncadd.s32 $0xFFFFF800  }
0x27: {  	[spmem:s12] =	stream.linear.scatter [tilespmem:s23], [sflag:$0x2], $0x800, $0x38;
	[tilespmem:$0x6000] =	vst v63  }
0x28: {  	_ =	swait.ge [sflag:s24], $0x800  }
0x29: {  	[sflag:s24] =	ssyncset.done $0x0  }
0x2a: {  	[sflag:s24] =	ssyncadd.s32 $0xFFFFF800  }
0x2b: {  	[spmem:s13] =	stream.linear.scatter [tilespmem:s23], [sflag:$0x2], $0x800, $0x38;
	[tilespmem:$0x6000] =	vst v63  }
0x2c: {  	_ =	swait.ge [sflag:s24], $0x800  }
0x2d: {  	[sflag:s24] =	ssyncset.done $0x0  }
0x2e: {  	[sflag:s24] =	ssyncadd.s32 $0xFFFFF800  }
0x2f: {  	s26 =	rddreg [dreg:$0x1]  }
0x30: {  	[tilespmem:s23], [sflag:$0x2] =	stream.linear.gather [hbm4b:s26+s4], $0x1000, $0x38;
	[tilespmem:$0x6000] =	vst v63  }
0x31: {  	_ =	swait.ge [sflag:s24], $0x1000  }
0x32: {  	[sflag:s24] =	ssyncset.done $0x0  }
0x33: {  	[sflag:s24] =	ssyncadd.s32 $0xFFFFF000  }
0x34: {  	[tilespmem:s4], [sflag:$0x2] =	stream.linear.gather [hbm4b:s7+s4], $0x2800, $0x38;
	[tilespmem:$0x6000] =	vst v63  }
0x35: {  	_ =	swait.ge [sflag:s24], $0x2800  }
0x36: {  	[sflag:s24] =	ssyncset.done $0x0  }
0x37: {  	[sflag:s24] =	ssyncadd.s32 $0xFFFFD800  }
0x38: {  	[bflag:$0x0] =	sbarrier.arrive $0xFFFF  }
0x39: {  	[spmem:s3] =	stream.indirect.scatter.add.f32 [tilespmem:s23], [sflag:$0x1], $0x10, s4, s25, $0xb8;
	[tilespmem:$0x6000] =	vst v63  }
0x3a: {  	_ = 	snop  }
0x3b: {  	[spmem:s3] =	stream.indirect.scatter.add.f32 [tilespmem:s23], [sflag:$0x1], $0x10, s25, s25, $0xb8;
	[tilespmem:$0x6000] =	vst v63  }
0x3c: {  	s26 =	simm.s32 $0x200  }
0x3d: {  	[spmem:s3] =	stream.indirect.scatter.add.f32 [tilespmem:s23], [sflag:$0x1], $0x10, s26, s25, $0xb8;
	[tilespmem:$0x6000] =	vst v63  }
0x3e: {  	s26 =	simm.s32 $0x300  }
0x3f: {  	[spmem:s3] =	stream.indirect.scatter.add.f32 [tilespmem:s23], [sflag:$0x1], $0x10, s26, s25, $0xb8;
	[tilespmem:$0x6000] =	vst v63  }
0x40: {  	s26 =	simm.s32 $0x400  }
0x41: {  	[spmem:s3] =	stream.indirect.scatter.add.f32 [tilespmem:s23], [sflag:$0x1], $0x10, s26, s25, $0xb8;
	[tilespmem:$0x6000] =	vst v63  }
0x42: {  	s26 =	simm.s32 $0x500  }
0x43: {  	[spmem:s3] =	stream.indirect.scatter.add.f32 [tilespmem:s23], [sflag:$0x1], $0x10, s26, s25, $0xb8;
	[tilespmem:$0x6000] =	vst v63  }
0x44: {  	s26 =	simm.s32 $0x600  }
0x45: {  	[spmem:s3] =	stream.indirect.scatter.add.f32 [tilespmem:s23], [sflag:$0x1], $0x10, s26, s25, $0xb8;
	[tilespmem:$0x6000] =	vst v63  }
0x46: {  	s26 =	simm.s32 $0x700  }
0x47: {  	[spmem:s3] =	stream.indirect.scatter.add.f32 [tilespmem:s23], [sflag:$0x1], $0x10, s26, s25, $0xb8;
	[tilespmem:$0x6000] =	vst v63  }
0x48: {  	s26 =	simm.s32 $0x800  }
0x49: {  	[spmem:s3] =	stream.indirect.scatter.add.f32 [tilespmem:s23], [sflag:$0x1], $0x10, s26, s25, $0xb8;
	[tilespmem:$0x6000] =	vst v63  }
0x4a: {  	s26 =	simm.s32 $0x900  }
0x4b: {  	[spmem:s3] =	stream.indirect.scatter.add.f32 [tilespmem:s23], [sflag:$0x1], $0x10, s26, s25, $0xb8;
	[tilespmem:$0x6000] =	vst v63  }
0x4c: {  	s26 =	simm.s32 $0xA00  }
0x4d: {  	[spmem:s3] =	stream.indirect.scatter.add.f32 [tilespmem:s23], [sflag:$0x1], $0x10, s26, s25, $0xb8;
	[tilespmem:$0x6000] =	vst v63  }
0x4e: {  	s26 =	simm.s32 $0xB00  }
0x4f: {  	[spmem:s3] =	stream.indirect.scatter.add.f32 [tilespmem:s23], [sflag:$0x1], $0x10, s26, s25, $0xb8;
	[tilespmem:$0x6000] =	vst v63  }
0x50: {  	s26 =	simm.s32 $0xC00  }
0x51: {  	[spmem:s3] =	stream.indirect.scatter.add.f32 [tilespmem:s23], [sflag:$0x1], $0x10, s26, s25, $0xb8;
	[tilespmem:$0x6000] =	vst v63  }
0x52: {  	s26 =	simm.s32 $0xD00  }
0x53: {  	[spmem:s3] =	stream.indirect.scatter.add.f32 [tilespmem:s23], [sflag:$0x1], $0x10, s26, s25, $0xb8;
	[tilespmem:$0x6000] =	vst v63  }
0x54: {  	s26 =	simm.s32 $0xE00  }
0x55: {  	[spmem:s3] =	stream.indirect.scatter.add.f32 [tilespmem:s23], [sflag:$0x1], $0x10, s26, s25, $0xb8;
	[tilespmem:$0x6000] =	vst v63  }
0x56: {  	s26 =	simm.s32 $0xF00  }
0x57: {  	[spmem:s3] =	stream.indirect.scatter.add.f32 [tilespmem:s23], [sflag:$0x1], $0x10, s26, s25, $0xb8;
	[tilespmem:$0x6000] =	vst v63  }
0x58: {  	s26 =	simm.s32 $0x1000  }
0x59: {  	[spmem:s3] =	stream.indirect.scatter.add.f32 [tilespmem:s23], [sflag:$0x1], $0x10, s26, s25, $0xb8;
	[tilespmem:$0x6000] =	vst v63  }
0x5a: {  	s26 =	simm.s32 $0x1100  }
0x5b: {  	[spmem:s3] =	stream.indirect.scatter.add.f32 [tilespmem:s23], [sflag:$0x1], $0x10, s26, s25, $0xb8;
	[tilespmem:$0x6000] =	vst v63  }
0x5c: {  	s26 =	simm.s32 $0x1200  }
0x5d: {  	[spmem:s3] =	stream.indirect.scatter.add.f32 [tilespmem:s23], [sflag:$0x1], $0x10, s26, s25, $0xb8;
	[tilespmem:$0x6000] =	vst v63  }
0x5e: {  	s26 =	simm.s32 $0x1300  }
0x5f: {  	[spmem:s3] =	stream.indirect.scatter.add.f32 [tilespmem:s23], [sflag:$0x1], $0x10, s26, s25, $0xb8;
	[tilespmem:$0x6000] =	vst v63  }
0x60: {  	s26 =	simm.s32 $0x1400  }
0x61: {  	[spmem:s3] =	stream.indirect.scatter.add.f32 [tilespmem:s23], [sflag:$0x1], $0x10, s26, s25, $0xb8;
	[tilespmem:$0x6000] =	vst v63  }
0x62: {  	s26 =	simm.s32 $0x1500  }
0x63: {  	[spmem:s3] =	stream.indirect.scatter.add.f32 [tilespmem:s23], [sflag:$0x1], $0x10, s26, s25, $0xb8;
	[tilespmem:$0x6000] =	vst v63  }
0x64: {  	s26 =	simm.s32 $0x1600  }
0x65: {  	[spmem:s3] =	stream.indirect.scatter.add.f32 [tilespmem:s23], [sflag:$0x1], $0x10, s26, s25, $0xb8;
	[tilespmem:$0x6000] =	vst v63  }
0x66: {  	s26 =	simm.s32 $0x1700  }
0x67: {  	[spmem:s3] =	stream.indirect.scatter.add.f32 [tilespmem:s23], [sflag:$0x1], $0x10, s26, s25, $0xb8;
	[tilespmem:$0x6000] =	vst v63  }
0x68: {  	s26 =	simm.s32 $0x1800  }
0x69: {  	[spmem:s3] =	stream.indirect.scatter.add.f32 [tilespmem:s23], [sflag:$0x1], $0x10, s26, s25, $0xb8;
	[tilespmem:$0x6000] =	vst v63  }
0x6a: {  	s26 =	simm.s32 $0x1900  }
0x6b: {  	[spmem:s3] =	stream.indirect.scatter.add.f32 [tilespmem:s23], [sflag:$0x1], $0x10, s26, s25, $0xb8;
	[tilespmem:$0x6000] =	vst v63  }
0x6c: {  	s26 =	simm.s32 $0x1A00  }
0x6d: {  	[spmem:s3] =	stream.indirect.scatter.add.f32 [tilespmem:s23], [sflag:$0x1], $0x10, s26, s25, $0xb8;
	[tilespmem:$0x6000] =	vst v63  }
0x6e: {  	s26 =	simm.s32 $0x1B00  }
0x6f: {  	[spmem:s3] =	stream.indirect.scatter.add.f32 [tilespmem:s23], [sflag:$0x1], $0x10, s26, s25, $0xb8;
	[tilespmem:$0x6000] =	vst v63  }
0x70: {  	s26 =	simm.s32 $0x1C00  }
0x71: {  	[spmem:s3] =	stream.indirect.scatter.add.f32 [tilespmem:s23], [sflag:$0x1], $0x10, s26, s25, $0xb8;
	[tilespmem:$0x6000] =	vst v63  }
0x72: {  	s26 =	simm.s32 $0x1D00  }
0x73: {  	[spmem:s3] =	stream.indirect.scatter.add.f32 [tilespmem:s23], [sflag:$0x1], $0x10, s26, s25, $0xb8;
	[tilespmem:$0x6000] =	vst v63  }
0x74: {  	s26 =	simm.s32 $0x1E00  }
0x75: {  	[spmem:s3] =	stream.indirect.scatter.add.f32 [tilespmem:s23], [sflag:$0x1], $0x10, s26, s25, $0xb8;
	[tilespmem:$0x6000] =	vst v63  }
0x76: {  	s26 =	simm.s32 $0x1F00  }
0x77: {  	[spmem:s3] =	stream.indirect.scatter.add.f32 [tilespmem:s23], [sflag:$0x1], $0x10, s26, s25, $0xb8;
	[tilespmem:$0x6000] =	vst v63  }
0x78: {  	s26 =	simm.s32 $0x2000  }
0x79: {  	[spmem:s3] =	stream.indirect.scatter.add.f32 [tilespmem:s23], [sflag:$0x1], $0x10, s26, s25, $0xb8;
	[tilespmem:$0x6000] =	vst v63  }
0x7a: {  	s26 =	simm.s32 $0x2100  }
0x7b: {  	[spmem:s3] =	stream.indirect.scatter.add.f32 [tilespmem:s23], [sflag:$0x1], $0x10, s26, s25, $0xb8;
	[tilespmem:$0x6000] =	vst v63  }
0x7c: {  	s26 =	simm.s32 $0x2200  }
0x7d: {  	[spmem:s3] =	stream.indirect.scatter.add.f32 [tilespmem:s23], [sflag:$0x1], $0x10, s26, s25, $0xb8;
	[tilespmem:$0x6000] =	vst v63  }
0x7e: {  	_ = 	snop  }
0x7f: {  	[spmem:s3] =	stream.indirect.scatter.add.f32 [tilespmem:s23], [sflag:$0x1], $0x10, s28, s25, $0xb8;
	[tilespmem:$0x6000] =	vst v63  }
0x80: {  	_ = 	snop  }
0x81: {  	[spmem:s3] =	stream.indirect.scatter.add.f32 [tilespmem:s23], [sflag:$0x1], $0x10, s29, s25, $0xb8;
	[tilespmem:$0x6000] =	vst v63  }
0x82: {  	_ = 	snop  }
0x83: {  	[spmem:s3] =	stream.indirect.scatter.add.f32 [tilespmem:s23], [sflag:$0x1], $0x10, s30, s25, $0xb8;
	[tilespmem:$0x6000] =	vst v63  }
0x84: {  	_ = 	snop  }
0x85: {  	[spmem:s3] =	stream.indirect.scatter.add.f32 [tilespmem:s23], [sflag:$0x1], $0x10, s31, s25, $0xb8;
	[tilespmem:$0x6000] =	vst v63  }
0x86: {  	_ = 	snop  }
0x87: {  	[spmem:s3] =	stream.indirect.scatter.add.f32 [tilespmem:s23], [sflag:$0x1], $0x10, s1, s25, $0xb8;
	[tilespmem:$0x6000] =	vst v63  }
0x88: {  	_ =	swait.ge [sflag:s2], $0x1000  }
0x89: {  	s26 =	simm.s32 $0x27;
	[sflag:s2] =	ssyncset.done $0x0  }
.LBB2_2:
0x8a: {  	p0 =	sne.s32 s26, $0x1;
	s26 =	sadd.s32 $0xFFFFFFFF, s26;
	[sflag:s2] =	ssyncadd.s32 $0xFFFFF000  }
.Ltmp0:
0x8b: {  	(pc) =	sbr.rel @p0 .LBB2_2-.Ltmp0, $3  }
0x8c: {  	_ =	sdelay $0x1  }
0x8d: {  	_ =	swait.ge [sflag:s2], $0x1000  }
0x8e: {  	[sflag:s2] =	ssyncset.done $0x0  }
0x8f: {  	[sflag:s2] =	ssyncadd.s32 $0xFFFFF000  }
0x90: {  	[bflag:$0x0] =	sbarrier.arrive $0xFFFF  }
0x91: {  	[tilespmem:s23], [sflag:$0x2] =	stream.linear.gather [spmem:s8], $0x800, $0x38;
	[tilespmem:$0x6000] =	vst v63  }
0x92: {  	_ =	swait.ge [sflag:s24], $0x800  }
0x93: {  	[sflag:s24] =	ssyncset.done $0x0  }
0x94: {  	[sflag:s24] =	ssyncadd.s32 $0xFFFFF800  }
0x95: {  	[hbm4b:s14+s4] =	stream.linear.scatter [tilespmem:s23], [sflag:$0x2], $0x800, $0x38;
	[tilespmem:$0x6000] =	vst v63  }
0x96: {  	_ =	swait.ge [sflag:s24], $0x800  }
0x97: {  	[sflag:s24] =	ssyncset.done $0x0  }
0x98: {  	[sflag:s24] =	ssyncadd.s32 $0xFFFFF800  }
0x99: {  	[tilespmem:s23], [sflag:$0x2] =	stream.linear.gather [spmem:s15], $0x800, $0x38;
	[tilespmem:$0x6000] =	vst v63  }
0x9a: {  	_ =	swait.ge [sflag:s24], $0x800  }
0x9b: {  	[sflag:s24] =	ssyncset.done $0x0  }
0x9c: {  	[sflag:s24] =	ssyncadd.s32 $0xFFFFF800  }
0x9d: {  	[hbm4b:s16+s4] =	stream.linear.scatter [tilespmem:s23], [sflag:$0x2], $0x800, $0x38;
	[tilespmem:$0x6000] =	vst v63  }
0x9e: {  	_ =	swait.ge [sflag:s24], $0x800  }
0x9f: {  	[sflag:s24] =	ssyncset.done $0x0  }
0xa0: {  	[sflag:s24] =	ssyncadd.s32 $0xFFFFF800  }
0xa1: {  	[tilespmem:s23], [sflag:$0x2] =	stream.linear.gather [spmem:s17], $0x800, $0x38;
	[tilespmem:$0x6000] =	vst v63  }
0xa2: {  	_ =	swait.ge [sflag:s24], $0x800  }
0xa3: {  	[sflag:s24] =	ssyncset.done $0x0  }
0xa4: {  	[sflag:s24] =	ssyncadd.s32 $0xFFFFF800  }
0xa5: {  	[hbm4b:s18+s4] =	stream.linear.scatter [tilespmem:s23], [sflag:$0x2], $0x800, $0x38;
	[tilespmem:$0x6000] =	vst v63  }
0xa6: {  	_ =	swait.ge [sflag:s24], $0x800  }
0xa7: {  	[sflag:s24] =	ssyncset.done $0x0  }
0xa8: {  	[sflag:s24] =	ssyncadd.s32 $0xFFFFF800  }
0xa9: {  	[tilespmem:s23], [sflag:$0x2] =	stream.linear.gather [spmem:s19], $0x800, $0x38;
	[tilespmem:$0x6000] =	vst v63  }
0xaa: {  	_ =	swait.ge [sflag:s24], $0x800  }
0xab: {  	[sflag:s24] =	ssyncset.done $0x0  }
0xac: {  	[sflag:s24] =	ssyncadd.s32 $0xFFFFF800  }
0xad: {  	[hbm4b:s20+s4] =	stream.linear.scatter [tilespmem:s23], [sflag:$0x2], $0x800, $0x38;
	[tilespmem:$0x6000] =	vst v63  }
0xae: {  	_ =	swait.ge [sflag:s24], $0x800  }
0xaf: {  	[sflag:s24] =	ssyncset.done $0x0  }
0xb0: {  	[sflag:s24] =	ssyncadd.s32 $0xFFFFF800  }
0xb1: {  	[tilespmem:s23], [sflag:$0x2] =	stream.linear.gather [spmem:s21], $0x800, $0x38;
	[tilespmem:$0x6000] =	vst v63  }
0xb2: {  	s0 =	sadd.s32 $0x1, s0;
	_ =	swait.ge [sflag:s24], $0x800  }
0xb3: {  	p0 =	sne.s32 s0, s9;
	[sflag:s24] =	ssyncset.done $0x0  }
.Ltmp1:
0xb4: {  	[sflag:s24] =	ssyncadd.s32 $0xFFFFF800;
	(pc) =	sbr.rel @p0 .LBB2_1-.Ltmp1, $4  }
0xb5: {  	[hbm4b:s22+s4] =	stream.linear.scatter [tilespmem:s23], [sflag:$0x2], $0x800, $0x38;
	[tilespmem:$0x6000] =	vst v63  }
0xb6: {  	_ =	swait.ge [sflag:s24], $0x800  }
0xb7: {  	[sflag:s24] =	ssyncset.done $0x0  }
0xb8: {  	[sflag:s24] =	ssyncadd.s32 $0xFFFFF800  }
0xb9: {  	_ =	sfence.sel $0x180000  }
0xba: {  	[bflag:$0x0] =	sbarrier.arrive $0xFFFF  }
0xbb: {  	_ =	strace $0x90000047  }
0xbc: {  	s0 =	stileid.u32;
	[bflag:$0x2] =	sbarrier.arrive $0xFFFF  }
0xbd: {  	p0 =	sne.s32 s0, $0x0;
	s0 =	rddreg [dreg:$0x4]  }
0xbe: {  	s0 =	sadd.s32 @!p0 $0x100000, s0  }
0xbf: {  	[sflag:s0] =	ssyncadd.tile.s32 @!p0 $0x1;
	_ =	shalt  }
.Lfunc_end2:
_tile_overlayer_lowered:
.L_overlay_start_2:
0xc0: {  	(tag) =	ssettag $0x2  }
0xc1: {  	s0 =	rddreg [dreg:$0x0];
	s2 =	stileid.u32  }
0xc2: {  	s1 =	rddreg [dreg:$0x1];
	p0 =	sne.s32 s2, $0x0  }
0xc3: {  	s3 =	rddreg [dreg:$0x2];
	[bflag:$0x3] =	sbarrier.arrive $0xFFFF;
	s2 =	simm.s32 @!p0 $0x1C02  }
0xc4: {  	[timem:s3], [sflag:s2] =	dma.local @!p0 [hbm:s0], s1  }
0xc5: {  	s0 =	simm.s32 @!p0 $0x2  }
0xc6: {  	_ =	swait.ge @!p0 [sflag:s0], s1  }
0xc7: {  	s1 =	ssub.s32 @!p0 $0x0, s1;
	[sflag:s0] =	ssyncset.done @!p0 $0x0  }
0xc8: {  	[sflag:s0] =	ssyncadd.s32 @!p0 s1  }
0xc9: {  	[bflag:$0x3] =	sbarrier.arrive $0xFFFF  }
0xca: {  	_ =	shalt  }

// kernel: kernel.14.cloned.1.call-start
scs
__scs_entry_jumppad:
0x0: {  	(pc) =	sbr.rel $0x88, $3  }
0x1: {  	(tag) =	ssettag $0x0;
	lr =	simm.s32 $0x1  }
0x2: {  	[smem:$0x3F96] =	sst lr;
	_ =	strace $0xD0000000  }
0x3: {  	_ = 	snop  }
0x4: {  	_ = 	snop  }
0x5: {  	_ = 	snop  }
0x6: {  	_ = 	snop  }
0x7: {  	_ = 	snop  }
__scs_overlays_trampoline_lowered:
0x8: {  	[smem:$0x3FA5] =	sst s0  }
0x9: {  	[smem:$0x3FA6] =	sst s1  }
0xa: {  	[smem:$0x3FA7] =	sst s2  }
0xb: {  	[smem:$0x3FA8] =	sst s3  }
0xc: {  	[smem:$0x3FA9] =	sst s4  }
0xd: {  	[smem:$0x3FAA] =	sst s5  }
0xe: {  	[smem:$0x3FAB] =	sst s6  }
0xf: {  	[smem:$0x3FAC] =	sst s7  }
0x10: {  	[smem:$0x3FAD] =	sst s8  }
0x11: {  	[smem:$0x3FAE] =	sst s9;
	s0 =	simm.s32 @!p0 $0x0  }
0x12: {  	s1 =	sld [smem:$0x3F94];
	s0 =	simm.s32 @p0 $0x1  }
0x13: {  	[smem:$0x3FAF] =	sst s0;
	s0 =	simm.s32 @!p1 $0x0  }
0x14: {  	s2 =	sld [smem:$0x3F93];
	s0 =	simm.s32 @p1 $0x1  }
0x15: {  	[smem:$0x3FB0] =	sst s0;
	s0 =	simm.s32 @!p2 $0x0  }
0x16: {  	s3 =	sld [smem:$0x3FDB];
	s0 =	simm.s32 @p2 $0x1  }
0x17: {  	s4 =	simm.s32 $0x1BF5;
	[smem:$0x3FB2] =	sst s0  }
0x18: {  	s0 =	sld [smem:$0x3F95];
	_ =	swait.ge [sflag:s4], $0x0  }
0x19: {  	s7 =	sld [smem:$0x3F96]  }
0x1a: {  	s8 =	sadd.s32 $0xFFFFE003, lr  }
0x1b: {  	s9 =	sadd.s32 $0xFFFFFEF7, lr;
	s5 =	simm.s32 $0xFFFFFFFF;
	p2 =	slt.u32 s8, $0xFFFFF086  }
0x1c: {  	p1 =	slt.u32 s9, $0xF7A;
	s5 =	simm.s32 @!p2 $0x0  }
0x1d: {  	s5 =	simm.s32 @p1 $0x1;
	p0 =	seq.s32 s7, s2  }
0x1e: {  	s7 =	smul.u32 @!p0 $0xF7A, s2;
	p2 =	seq.s32 @!p0 s5, $0x0  }
0x1f: {  	s9 =	smul.u32 $0xF7A, s1;
	s8 =	simm.s32 @!p0 $0x1BF5;
	p2 =	por !p2, p0  }
0x20: {  	[sflag:s8] =	ssyncset.s32 @!p0 $0xFFFFF086;
	s6 =	sadd.s32 @!p0 s3, s7;
	s7 =	simm.s32 @!p0 $0x108  }
0x21: {  	s3 =	sadd.s32 s3, s9;
	s6 =	sadd.s32 @!p0 $0x88, s6;
	s7 =	simm.s32 @p2 $0x1082  }
0x22: {  	[simem:s7], [sflag:s8] =	dma.local @!p0 [hbm:s6], $0xF7A  }
0x23: {  	s9 =	sor.u32 $0xD0000000, s2;
	s6 =	simm.s32 $0x108;
	_ =	swait.ge @!p0 [sflag:s8], $0x0  }
0x24: {  	s3 =	sadd.s32 $0x88, s3;
	s6 =	simm.s32 @!p1 $0x1082;
	[sflag:s4] =	ssyncset.s32 $0xFFFFF086  }
0x25: {  	[simem:s6], [sflag:s4] =	dma.local [hbm:s3], $0xF7A  }
0x26: {  	[smem:$0x3F96] =	sst s1;
	(tag) =	ssettag s2;
	_ =	strace s9  }
0x27: {  	s1 =	sld [smem:$0x3FA6]  }
0x28: {  	s2 =	sld [smem:$0x3FA7]  }
0x29: {  	s4 =	sld [smem:$0x3FA9]  }
0x2a: {  	p0 =	seq.s32 s5, $0x0;
	s5 =	sld [smem:$0x3FAA]  }
0x2b: {  	s6 =	sld [smem:$0x3FAB]  }
0x2c: {  	s7 =	sld [smem:$0x3FAC]  }
0x2d: {  	s3 =	simm.s32 $0x108;
	s8 =	sld [smem:$0x3FAD]  }
0x2e: {  	s3 =	simm.s32 @!p0 $0x1082;
	s9 =	sld [smem:$0x3FAE]  }
0x2f: {  	lr =	sadd.s32 s0, s3;
	s0 =	sld [smem:$0x3FA5]  }
0x30: {  	s3 =	sld [smem:$0x3FA8]  }
0x31: {  	[smem:$0x3FB1] =	sst s10  }
0x32: {  	s10 =	sld [smem:$0x3FAF];
	_ =	sdelay $0x3  }
0x33: {  	p0 =	seq.s32 s10, $0x1;
	s10 =	sld [smem:$0x3FB1];
	_ =	sdelay $0x3  }
0x34: {  	[smem:$0x3FB1] =	sst s10  }
0x35: {  	s10 =	sld [smem:$0x3FB0];
	_ =	sdelay $0x3  }
0x36: {  	p1 =	seq.s32 s10, $0x1;
	s10 =	sld [smem:$0x3FB1];
	_ =	sdelay $0x3  }
0x37: {  	[smem:$0x3FB1] =	sst s10  }
0x38: {  	s10 =	sld [smem:$0x3FB2]  }
0x39: {  	_ = 	snop;
	(pc) =	sbr.ind lr, $3  }
0x3a: {  	_ = 	snop  }
0x3b: {  	_ = 	snop  }
0x3c: {  	p2 =	seq.s32 s10, $0x1;
	s10 =	sld [smem:$0x3FB1]  }
0x3d: {  	_ =	shalt  }
0x3e: {  	_ =	shalt  }
0x3f: {  	_ =	shalt  }
0x40: {  	_ =	shalt  }
0x41: {  	_ =	shalt  }
0x42: {  	_ =	shalt  }
0x43: {  	_ =	shalt  }
0x44: {  	_ =	shalt  }
0x45: {  	_ =	shalt  }
0x46: {  	_ =	shalt  }
0x47: {  	_ =	shalt  }
0x48: {  	_ =	shalt  }
0x49: {  	_ =	shalt  }
0x4a: {  	_ =	shalt  }
0x4b: {  	_ =	shalt  }
0x4c: {  	_ =	shalt  }
0x4d: {  	_ =	shalt  }
0x4e: {  	_ =	shalt  }
0x4f: {  	_ =	shalt  }
0x50: {  	_ =	shalt  }
0x51: {  	_ =	shalt  }
0x52: {  	_ =	shalt  }
0x53: {  	_ =	shalt  }
0x54: {  	_ =	shalt  }
0x55: {  	_ =	shalt  }
0x56: {  	_ =	shalt  }
0x57: {  	_ =	shalt  }
0x58: {  	_ =	shalt  }
0x59: {  	_ =	shalt  }
0x5a: {  	_ =	shalt  }
0x5b: {  	_ =	shalt  }
0x5c: {  	_ =	shalt  }
0x5d: {  	_ =	shalt  }
0x5e: {  	_ =	shalt  }
0x5f: {  	_ =	shalt  }
0x60: {  	_ =	shalt  }
0x61: {  	_ =	shalt  }
0x62: {  	_ =	shalt  }
0x63: {  	_ =	shalt  }
0x64: {  	_ =	shalt  }
0x65: {  	_ =	shalt  }
0x66: {  	_ =	shalt  }
0x67: {  	_ =	shalt  }
0x68: {  	_ =	shalt  }
0x69: {  	_ =	shalt  }
0x6a: {  	_ =	shalt  }
0x6b: {  	_ =	shalt  }
0x6c: {  	_ =	shalt  }
0x6d: {  	_ =	shalt  }
0x6e: {  	_ =	shalt  }
0x6f: {  	_ =	shalt  }
0x70: {  	_ =	shalt  }
0x71: {  	_ =	shalt  }
0x72: {  	_ =	shalt  }
0x73: {  	_ =	shalt  }
0x74: {  	_ =	shalt  }
0x75: {  	_ =	shalt  }
0x76: {  	_ =	shalt  }
0x77: {  	_ =	shalt  }
0x78: {  	_ =	shalt  }
0x79: {  	_ =	shalt  }
0x7a: {  	_ =	shalt  }
0x7b: {  	_ =	shalt  }
0x7c: {  	_ =	shalt  }
0x7d: {  	_ =	shalt  }
0x7e: {  	_ =	shalt  }
0x7f: {  	_ =	shalt  }
0x80: {  	_ =	shalt  }
0x81: {  	_ =	shalt  }
0x82: {  	_ =	shalt  }
0x83: {  	_ =	shalt  }
0x84: {  	_ =	shalt  }
0x85: {  	_ =	shalt  }
0x86: {  	_ =	shalt  }
0x87: {  	_ =	shalt  }
.Lfunc_end0:
.L_simem_size_0:
called_computation.1_lowered:
.L_overlay_start_0:
0x88: {  	s2 =	sld [smem:$0x3FD9]  }
0x89: {  	s3 =	sld [smem:$0x3FFE];
	_ =	sdelay $0x1  }
0x8a: {  	s1 =	srdreg.scid  }
0x8b: {  	s0 =	sand.u32 $0x1, s1  }
0x8c: {  	s14 =	sshll.u32 s0, $0xA;
	s2 =	sadd.s32 s3, s2  }
0x8d: {  	s2 =	sadd.s32 s2, s14  }
0x8e: {  	[smem:$0x3FBD] =	sst s2  }
0x8f: {  	_ = 	snop  }
0x90: {  	s2 =	sld [smem:$0x3FD0];
	_ =	sdelay $0x2  }
0x91: {  	s15 =	simm.s32 $0xB;
	s4 =	simm.s32 $0x10  }
0x92: {  	[smem:s4], [sflag:s15] =	dma.local [hbm:s2], $0x1  }
0x93: {  	_ =	swait.eq [sflag:s15], $0x1  }
0x94: {  	[sflag:s15] =	ssyncset.done $0x0  }
0x95: {  	[sflag:s15] =	ssyncadd.s32 $0xFFFFFFFF  }
0x96: {  	s16 =	sld [smem:$0x11];
	(tm) =	ssettm $0x1  }
0x97: {  	s17 =	sld [smem:$0x3FFB];
	_ =	sdelay $0x3  }
0x98: {  	_ =	strace s17  }
0x99: {  	s3 =	sld [smem:$0x3FFC];
	_ =	sdelay $0x3  }
0x9a: {  	_ =	strace s3  }
0x9b: {  	s3 =	sld [smem:$0x3FFD];
	_ =	sdelay $0x3  }
0x9c: {  	_ =	strace s3  }
0x9d: {  	_ =	strace $0x8FFFFFFF  }
0x9e: {  	s18 =	sld [smem:$0x3FDB];
	_ =	sdelay $0x1  }
0x9f: {  	s19 =	simm.s32 $_scs_section_size  }
0xa0: {  	s5 =	simm.s32 $_size__tile_overlayer_lowered;
	s6 =	simm.s32 $_tile_overlayer_lowered  }
0xa1: {  	s22 =	simm.s32 $0x1BFF;
	s21 =	sshll.u32 s6, $0x1;
	s3 =	sadd.s32 s19, s18  }
0xa2: {  	s7 =	simm.s32 $0x0;
	s20 =	sshll.u32 s5, $0x1;
	s5 =	sadd.s32 s21, s3  }
0xa3: {  	[timem:s7], [sflag:s22] =	dma.local [hbm:s5], s20  }
0xa4: {  	_ =	swait.ge [sflag:s22], s20  }
0xa5: {  	s4 =	ssub.s32 $0x0, s20;
	[sflag:s22] =	ssyncset.done $0x0  }
0xa6: {  	[sflag:s22] =	ssyncadd.s32 s4;
	_ =	sdelay $0x1  }
0xa7: {  	s23 =	simm.s32 $0x1B8B  }
0xa8: {  	_ =	swait.ge [sflag:s23], $0x1  }
0xa9: {  	[sflag:s23] =	ssyncset.done $0x0  }
0xaa: {  	s25 =	simm.s32 $0x1B8E;
	s24 =	sld [smem:$0x3FFE];
	[sflag:s23] =	ssyncadd.s32 $0xFFFFFFFF  }
0xab: {  	s26 =	simm.s32 $execute0_lowered;
	[smem:$0x3FD2] =	sst s25  }
0xac: {  	s5 =	sshll.u32 s26, $0x1;
	_ =	strace $0x80000049;
	[dreg:$0x1] =	wrdreg $0xFFFFFFFF  }
0xad: {  	s28 =	simm.s32 $_size_execute0_lowered;
	s3 =	sadd.s32 s3, s5;
	[dreg:$0x0] =	wrdreg $0x0  }
0xae: {  	s5 =	sshll.u32 s28, $0x1;
	[dreg:$0x2] =	wrdreg s3  }
0xaf: {  	[dreg:$0x3] =	wrdreg s5  }
0xb0: {  	[dreg:$0x4] =	wrdreg $0xC0  }
0xb1: {  	_ =	task [dreg:s7], $0x5FFFF  }
0xb2: {  	[dreg:$0x1] =	wrdreg $0xFFFFFFFF  }
0xb3: {  	[dreg:$0x0] =	wrdreg $0x60  }
0xb4: {  	[dreg:$0x2] =	wrdreg s16  }
0xb5: {  	[dreg:$0x3] =	wrdreg s24  }
0xb6: {  	[dreg:$0x4] =	wrdreg $0x150000  }
0xb7: {  	[dreg:$0x5] =	wrdreg $0x9  }
0xb8: {  	_ =	task.clear_ibuf [dreg:s7], $0x6FFFF;
	_ =	strace $0x90000049  }
0xb9: {  	s29 =	simm.s32 $0x9;
	_ =	strace $0x8000004B  }
0xba: {  	_ =	swait.ge [sflag:s29], $0x1  }
0xbb: {  	[sflag:s29] =	ssyncadd.s32 $0xFFFFFFFF  }
0xbc: {  	_ =	strace $0x9000004B  }
0xbd: {  	_ =	sfence  }
0xbe: {  	s30 =	sld [smem:$0x0];
	_ =	sdelay $0x2  }
0xbf: {  	s31 =	sshll.u32 s1, $0xD;
	s1 =	sshrl.u32 s1, $0x2  }
0xc0: {  	s3 =	sand.u32 $0x4000, s31;
	s1 =	sadd.s32 s1, s30  }
0xc1: {  	s0 =	sor.u32 s3, s0;
	s1 =	sshll.u32 s1, $0x11  }
0xc2: {  	s0 =	sor.u32 s1, s0  }
0xc3: {  	s0 =	sadd.s32 $0x8F2B, s0  }
0xc4: {  	[sflag:s0] =	ssyncadd.remote.s32 $0x1  }
0xc5: {  	_ =	sfence.sel $0xFFFF  }
0xc6: {  	[dreg:$0x0] =	wrdreg $0xFFFFFFFF;
	(pc) =	sbr.abs _section_cstart, $3  }
0xc7: {  	[dreg:$0x1] =	wrdreg $0xFFFFFFFF  }
0xc8: {  	_ =	task.clear_ibuf [dreg:s7], $0x2FFFF;
	_ =	strace $0x9FFFFFFF  }
0xc9: {  	(tm) =	ssettm $0x7FFFFFFF  }
tec
execute0_lowered:
.L_overlay_start_1:
0x0: {  	(tag) =	ssettag $0x1  }
0x1: {  	s0 =	rddreg [dreg:$0x0]  }
0x2: {  	s2 =	rddreg [dreg:$0x1]  }
0x3: {  	s1 =	srdreg.scid;
	s3 =	rddreg [dreg:$0x2]  }
0x4: {  	s9 =	stileid.u32;
	s4 =	simm.s32 $0x0;
	s28 =	simm.s32 $0x100  }
0x5: {  	s29 =	simm.s32 $0x9000;
	s31 =	simm.s32 $0xD000;
	s30 =	simm.s32 $0x11000  }
0x6: {  	s1 =	sand.u32 $0x1, s1;
	[smem:$0x7FF] =	sst s4;
	s6 =	smul.u32 $0x28000, s9  }
0x7: {  	s7 =	sadd.s32 $0xD000, s2;
	s5 =	sshll.u32 s1, $0x4;
	_ =	strace $0x8000004A  }
0x8: {  	[dreg:$0x4] =	wrdreg s7;
	s24 =	ssub.s32 $0x2, s1;
	s1 =	smul.u32 $0x140000, s1  }
0x9: {  	s5 =	sor.u32 s9, s5;
	s8 =	sshrl.u32 s24, $0x1;
	s9 =	smul.u32 $0x14000, s9  }
0xa: {  	s6 =	sshrl.u32 s6, $0x2;
	s5 =	smul.u32 $0x500, s5;
	s7 =	ssub.s32 s24, s8  }
0xb: {  	s6 =	sadd.s32 s6, s3;
	s8 =	simm.s32 $0x6;
	s26 =	sshrl.u32 s9, $0x1  }
0xc: {  	s11 =	smax.u32 s7, $0x1;
	s12 =	sadd.s32 $0x2000, s6;
	s13 =	sadd.s32 $0x4000, s6  }
0xd: {  	s14 =	sadd.s32 s1, s9;
	s15 =	sadd.s32 $0x6000, s6;
	[dreg:$0x8] =	wrdreg s11  }
0xe: {  	s16 =	sadd.s32 $0x4000, s9;
	s17 =	sadd.s32 $0x8000, s6;
	[dreg:$0x9] =	wrdreg s12  }
0xf: {  	s19 =	sadd.s32 $0x8000, s9;
	s22 =	sadd.s32 $0xC000, s9;
	[dreg:$0xa] =	wrdreg s13  }
0x10: {  	s5 =	sadd.s32 s5, s2;
	s2 =	sadd.s32 $0x17800, s2;
	[dreg:$0xb] =	wrdreg s15  }
0x11: {  	s10 =	sadd.s32 s26, s3;
	[dreg:$0xc] =	wrdreg s17;
	s18 =	sadd.s32 s1, s16  }
0x12: {  	s7 =	sshrl.u32 s16, $0x1;
	s20 =	sadd.s32 s1, s19;
	s21 =	sshrl.u32 s19, $0x1  }
0x13: {  	s23 =	sshrl.u32 s22, $0x1;
	s24 =	sadd.s32 s1, s22;
	s11 =	simm.s32 $0x8  }
0x14: {  	s12 =	simm.s32 $0x0;
	s25 =	sadd.s32 $0xD800, s5;
	[dreg:$0x7] =	wrdreg s10  }
0x15: {  	s5 =	sadd.s32 $0x2E00, s5;
	s16 =	sadd.s32 s7, s3;
	[dreg:$0x5] =	wrdreg s25  }
0x16: {  	s7 =	simm.s32 $0x3;
	s10 =	simm.s32 $0x7;
	[dreg:$0x6] =	wrdreg s5  }
0x17: {  	s5 =	sshrl.u32 s14, $0x4;
	s25 =	sadd.s32 $0x10000, s9;
	s9 =	simm.s32 $0x4  }
0x18: {  	s5 =	sadd.s32 s2, s5;
	s26 =	sshrl.u32 s25, $0x1;
	s1 =	sadd.s32 s1, s25  }
0x19: {  	s25 =	simm.s32 $0x9;
	[dreg:$0xd] =	wrdreg s5;
	s5 =	sshrl.u32 s18, $0x4  }
0x1a: {  	s18 =	sadd.s32 s21, s3;
	s22 =	sadd.s32 s26, s3;
	s1 =	sshrl.u32 s1, $0x4  }
0x1b: {  	s26 =	simm.s32 $0x2800;
	s17 =	sadd.s32 s2, s5;
	s5 =	sshrl.u32 s20, $0x4  }
0x1c: {  	s20 =	sadd.s32 s23, s3;
	s23 =	sadd.s32 s2, s1;
	s1 =	simm.s32 $0x1  }
0x1d: {  	s19 =	sadd.s32 s2, s5;
	s5 =	sshrl.u32 s24, $0x4;
	s24 =	simm.s32 $0x5000  }
0x1e: {  	s21 =	sadd.s32 s2, s5;
	s2 =	simm.s32 $0x2;
	s5 =	simm.s32 $0x5  }
.LBB2_1:
0x1f: {  	s13 =	rddreg [dreg:$0x4]  }
0x20: {  	[tilespmem:s24], [sflag:$0x9] =	stream.linear.gather [hbm4b:s13+s4], $0x4000, $0x38;
	[tilespmem:$0x1F000] =	vst v63  }
0x21: {  	_ =	swait.ge [sflag:s25], $0x4000  }
0x22: {  	[sflag:s25] =	ssyncset.done $0x0  }
0x23: {  	[sflag:s25] =	ssyncadd.s32 $0xFFFFC000  }
0x24: {  	[spmem:s6] =	stream.linear.scatter [tilespmem:s24], [sflag:$0x9], $0x2000, $0x38;
	[tilespmem:$0x1F000] =	vst v63  }
0x25: {  	_ =	swait.ge [sflag:s25], $0x2000  }
0x26: {  	[sflag:s25] =	ssyncset.done $0x0  }
0x27: {  	s14 =	rddreg [dreg:$0x9];
	[sflag:s25] =	ssyncadd.s32 $0xFFFFE000  }
0x28: {  	[spmem:s14] =	stream.linear.scatter [tilespmem:s24], [sflag:$0x9], $0x2000, $0x38;
	[tilespmem:$0x1F000] =	vst v63  }
0x29: {  	_ =	swait.ge [sflag:s25], $0x2000  }
0x2a: {  	[sflag:s25] =	ssyncset.done $0x0  }
0x2b: {  	s15 =	rddreg [dreg:$0xa];
	[sflag:s25] =	ssyncadd.s32 $0xFFFFE000  }
0x2c: {  	[spmem:s15] =	stream.linear.scatter [tilespmem:s24], [sflag:$0x9], $0x2000, $0x38;
	[tilespmem:$0x1F000] =	vst v63  }
0x2d: {  	_ =	swait.ge [sflag:s25], $0x2000  }
0x2e: {  	[sflag:s25] =	ssyncset.done $0x0  }
0x2f: {  	s14 =	rddreg [dreg:$0xb];
	[sflag:s25] =	ssyncadd.s32 $0xFFFFE000  }
0x30: {  	[spmem:s14] =	stream.linear.scatter [tilespmem:s24], [sflag:$0x9], $0x2000, $0x38;
	[tilespmem:$0x1F000] =	vst v63  }
0x31: {  	_ =	swait.ge [sflag:s25], $0x2000  }
0x32: {  	[sflag:s25] =	ssyncset.done $0x0  }
0x33: {  	s15 =	rddreg [dreg:$0xc];
	[sflag:s25] =	ssyncadd.s32 $0xFFFFE000  }
0x34: {  	[spmem:s15] =	stream.linear.scatter [tilespmem:s24], [sflag:$0x9], $0x2000, $0x38;
	[tilespmem:$0x1F000] =	vst v63  }
0x35: {  	_ =	swait.ge [sflag:s25], $0x2000  }
0x36: {  	[sflag:s25] =	ssyncset.done $0x0  }
0x37: {  	s14 =	rddreg [dreg:$0x5];
	[sflag:s25] =	ssyncadd.s32 $0xFFFFE000  }
0x38: {  	[tilespmem:s4], [sflag:$0x9] =	stream.linear.gather [hbm4b:s14+s4], $0x2800, $0x38;
	[tilespmem:$0x1F000] =	vst v63  }
0x39: {  	_ =	swait.ge [sflag:s25], $0x2800  }
0x3a: {  	[sflag:s25] =	ssyncset.done $0x0  }
0x3b: {  	s15 =	rddreg [dreg:$0x6];
	[sflag:s25] =	ssyncadd.s32 $0xFFFFD800  }
0x3c: {  	[tilespmem:s26], [sflag:$0x9] =	stream.linear.gather [hbm4b:s15+s4], $0x2800, $0x38;
	[tilespmem:$0x1F000] =	vst v63  }
0x3d: {  	_ =	swait.ge [sflag:s25], $0x2800  }
0x3e: {  	[sflag:s25] =	ssyncset.done $0x0  }
0x3f: {  	[sflag:s25] =	ssyncadd.s32 $0xFFFFD800  }
0x40: {  	[bflag:$0x0] =	sbarrier.arrive $0xFFFF  }
0x41: {  	[tilespmem:s24], [sflag:$0x1] =	stream.indirect.gather [hbm4b:s0+s28], $0x40, s4, s28, $0xb8;
	[tilespmem:$0x1F000] =	vst v63  }
0x42: {  	_ = 	snop  }
0x43: {  	[tilespmem:s29], [sflag:$0x2] =	stream.indirect.gather [hbm4b:s0+s28], $0x40, s28, s28, $0xb8;
	[tilespmem:$0x1F000] =	vst v63  }
0x44: {  	s14 =	simm.s32 $0x200  }
0x45: {  	[tilespmem:s31], [sflag:$0x3] =	stream.indirect.gather [hbm4b:s0+s28], $0x40, s14, s28, $0xb8;
	[tilespmem:$0x1F000] =	vst v63  }
0x46: {  	_ =	swait.ge [sflag:s1], $0x4000  }
0x47: {  	[sflag:s1] =	ssyncset.done $0x0  }
0x48: {  	[sflag:s1] =	ssyncadd.s32 $0xFFFFC000  }
0x49: {  	[spmem:s3] =	stream.indirect.scatter.add.bf16 [tilespmem:s24], [sflag:$0x5], $0x40, s26, s28, $0xb8;
	[tilespmem:$0x1F000] =	vst v63  }
0x4a: {  	s15 =	simm.s32 $0x300  }
0x4b: {  	[tilespmem:s30], [sflag:$0x4] =	stream.indirect.gather [hbm4b:s0+s28], $0x40, s15, s28, $0xb8;
	[tilespmem:$0x1F000] =	vst v63  }
0x4c: {  	_ =	swait.ge [sflag:s2], $0x4000  }
0x4d: {  	[sflag:s2] =	ssyncset.done $0x0  }
0x4e: {  	s14 =	simm.s32 $0x2900;
	[sflag:s2] =	ssyncadd.s32 $0xFFFFC000  }
0x4f: {  	[spmem:s3] =	stream.indirect.scatter.add.bf16 [tilespmem:s29], [sflag:$0x6], $0x40, s14, s28, $0xb8;
	[tilespmem:$0x1F000] =	vst v63  }
0x50: {  	_ =	swait.ge [sflag:s5], $0x4000  }
0x51: {  	[sflag:s5] =	ssyncset.done $0x0  }
0x52: {  	s15 =	simm.s32 $0x400;
	[sflag:s5] =	ssyncadd.s32 $0xFFFFC000  }
0x53: {  	[tilespmem:s24], [sflag:$0x1] =	stream.indirect.gather [hbm4b:s0+s28], $0x40, s15, s28, $0xb8;
	[tilespmem:$0x1F000] =	vst v63  }
0x54: {  	_ =	swait.ge [sflag:s7], $0x4000  }
0x55: {  	[sflag:s7] =	ssyncset.done $0x0  }
0x56: {  	s14 =	simm.s32 $0x2A00;
	[sflag:s7] =	ssyncadd.s32 $0xFFFFC000  }
0x57: {  	[spmem:s3] =	stream.indirect.scatter.add.bf16 [tilespmem:s31], [sflag:$0x7], $0x40, s14, s28, $0xb8;
	[tilespmem:$0x1F000] =	vst v63  }
0x58: {  	_ =	swait.ge [sflag:s8], $0x4000  }
0x59: {  	[sflag:s8] =	ssyncset.done $0x0  }
0x5a: {  	s15 =	simm.s32 $0x500;
	[sflag:s8] =	ssyncadd.s32 $0xFFFFC000  }
0x5b: {  	[tilespmem:s29], [sflag:$0x2] =	stream.indirect.gather [hbm4b:s0+s28], $0x40, s15, s28, $0xb8;
	[tilespmem:$0x1F000] =	vst v63  }
0x5c: {  	_ =	swait.ge [sflag:s9], $0x4000  }
0x5d: {  	[sflag:s9] =	ssyncset.done $0x0  }
0x5e: {  	s14 =	simm.s32 $0x2B00;
	[sflag:s9] =	ssyncadd.s32 $0xFFFFC000  }
0x5f: {  	[spmem:s3] =	stream.indirect.scatter.add.bf16 [tilespmem:s30], [sflag:$0x8], $0x40, s14, s28, $0xb8;
	[tilespmem:$0x1F000] =	vst v63  }
0x60: {  	_ =	swait.ge [sflag:s10], $0x4000  }
0x61: {  	[sflag:s10] =	ssyncset.done $0x0  }
0x62: {  	s15 =	simm.s32 $0x600;
	[sflag:s10] =	ssyncadd.s32 $0xFFFFC000  }
0x63: {  	[tilespmem:s31], [sflag:$0x3] =	stream.indirect.gather [hbm4b:s0+s28], $0x40, s15, s28, $0xb8;
	[tilespmem:$0x1F000] =	vst v63  }
0x64: {  	_ =	swait.ge [sflag:s1], $0x4000  }
0x65: {  	[sflag:s1] =	ssyncset.done $0x0  }
0x66: {  	s14 =	simm.s32 $0x2C00;
	[sflag:s1] =	ssyncadd.s32 $0xFFFFC000  }
0x67: {  	[spmem:s3] =	stream.indirect.scatter.add.bf16 [tilespmem:s24], [sflag:$0x5], $0x40, s14, s28, $0xb8;
	[tilespmem:$0x1F000] =	vst v63  }
0x68: {  	_ =	swait.ge [sflag:s11], $0x4000  }
0x69: {  	[sflag:s11] =	ssyncset.done $0x0  }
0x6a: {  	s15 =	simm.s32 $0x700;
	[sflag:s11] =	ssyncadd.s32 $0xFFFFC000  }
0x6b: {  	[tilespmem:s30], [sflag:$0x4] =	stream.indirect.gather [hbm4b:s0+s28], $0x40, s15, s28, $0xb8;
	[tilespmem:$0x1F000] =	vst v63  }
0x6c: {  	_ =	swait.ge [sflag:s2], $0x4000  }
0x6d: {  	[sflag:s2] =	ssyncset.done $0x0  }
0x6e: {  	s14 =	simm.s32 $0x2D00;
	[sflag:s2] =	ssyncadd.s32 $0xFFFFC000  }
0x6f: {  	[spmem:s3] =	stream.indirect.scatter.add.bf16 [tilespmem:s29], [sflag:$0x6], $0x40, s14, s28, $0xb8;
	[tilespmem:$0x1F000] =	vst v63  }
0x70: {  	_ =	swait.ge [sflag:s5], $0x4000  }
0x71: {  	[sflag:s5] =	ssyncset.done $0x0  }
0x72: {  	s15 =	simm.s32 $0x800;
	[sflag:s5] =	ssyncadd.s32 $0xFFFFC000  }
0x73: {  	[tilespmem:s24], [sflag:$0x1] =	stream.indirect.gather [hbm4b:s0+s28], $0x40, s15, s28, $0xb8;
	[tilespmem:$0x1F000] =	vst v63  }
0x74: {  	_ =	swait.ge [sflag:s7], $0x4000  }
0x75: {  	[sflag:s7] =	ssyncset.done $0x0  }
0x76: {  	s14 =	simm.s32 $0x2E00;
	[sflag:s7] =	ssyncadd.s32 $0xFFFFC000  }
0x77: {  	[spmem:s3] =	stream.indirect.scatter.add.bf16 [tilespmem:s31], [sflag:$0x7], $0x40, s14, s28, $0xb8;
	[tilespmem:$0x1F000] =	vst v63  }
0x78: {  	_ =	swait.ge [sflag:s8], $0x4000  }
0x79: {  	[sflag:s8] =	ssyncset.done $0x0  }
0x7a: {  	s15 =	simm.s32 $0x900;
	[sflag:s8] =	ssyncadd.s32 $0xFFFFC000  }
0x7b: {  	[tilespmem:s29], [sflag:$0x2] =	stream.indirect.gather [hbm4b:s0+s28], $0x40, s15, s28, $0xb8;
	[tilespmem:$0x1F000] =	vst v63  }
0x7c: {  	_ =	swait.ge [sflag:s9], $0x4000  }
0x7d: {  	[sflag:s9] =	ssyncset.done $0x0  }
0x7e: {  	s13 =	simm.s32 $0x1000;
	s14 =	simm.s32 $0x2F00;
	[sflag:s9] =	ssyncadd.s32 $0xFFFFC000  }
.LBB2_2:
0x7f: {  	[spmem:s3] =	stream.indirect.scatter.add.bf16 [tilespmem:s30], [sflag:$0x8], $0x40, s14, s28, $0xb8;
	[tilespmem:$0x1F000] =	vst v63  }
0x80: {  	s14 =	smov.u32 s13  }
0x81: {  	p0 =	sne.s32 s13, $0x7000;
	s13 =	sadd.s32 $0x1000, s13;
	_ =	swait.ge [sflag:s10], $0x4000  }
0x82: {  	s14 =	sshra.s32 s14, $0x2;
	[sflag:s10] =	ssyncset.done $0x0  }
0x83: {  	s15 =	sadd.s32 $0x600, s14;
	[sflag:s10] =	ssyncadd.s32 $0xFFFFC000  }
0x84: {  	[tilespmem:s31], [sflag:$0x3] =	stream.indirect.gather [hbm4b:s0+s28], $0x40, s15, s28, $0xb8;
	[tilespmem:$0x1F000] =	vst v63  }
0x85: {  	_ =	swait.ge [sflag:s1], $0x4000  }
0x86: {  	[sflag:s1] =	ssyncset.done $0x0  }
0x87: {  	s15 =	sadd.s32 $0x2C00, s14;
	[sflag:s1] =	ssyncadd.s32 $0xFFFFC000  }
0x88: {  	[spmem:s3] =	stream.indirect.scatter.add.bf16 [tilespmem:s24], [sflag:$0x5], $0x40, s15, s28, $0xb8;
	[tilespmem:$0x1F000] =	vst v63  }
0x89: {  	_ =	swait.ge [sflag:s11], $0x4000  }
0x8a: {  	[sflag:s11] =	ssyncset.done $0x0  }
0x8b: {  	s15 =	sadd.s32 $0x700, s14;
	[sflag:s11] =	ssyncadd.s32 $0xFFFFC000  }
0x8c: {  	[tilespmem:s30], [sflag:$0x4] =	stream.indirect.gather [hbm4b:s0+s28], $0x40, s15, s28, $0xb8;
	[tilespmem:$0x1F000] =	vst v63  }
0x8d: {  	_ =	swait.ge [sflag:s2], $0x4000  }
0x8e: {  	[sflag:s2] =	ssyncset.done $0x0  }
0x8f: {  	s15 =	sadd.s32 $0x2D00, s14;
	[sflag:s2] =	ssyncadd.s32 $0xFFFFC000  }
0x90: {  	[spmem:s3] =	stream.indirect.scatter.add.bf16 [tilespmem:s29], [sflag:$0x6], $0x40, s15, s28, $0xb8;
	[tilespmem:$0x1F000] =	vst v63  }
0x91: {  	_ =	swait.ge [sflag:s5], $0x4000  }
0x92: {  	[sflag:s5] =	ssyncset.done $0x0  }
0x93: {  	s15 =	sadd.s32 $0x800, s14;
	[sflag:s5] =	ssyncadd.s32 $0xFFFFC000  }
0x94: {  	[tilespmem:s24], [sflag:$0x1] =	stream.indirect.gather [hbm4b:s0+s28], $0x40, s15, s28, $0xb8;
	[tilespmem:$0x1F000] =	vst v63  }
0x95: {  	_ =	swait.ge [sflag:s7], $0x4000  }
0x96: {  	[sflag:s7] =	ssyncset.done $0x0  }
0x97: {  	s15 =	sadd.s32 $0x2E00, s14;
	[sflag:s7] =	ssyncadd.s32 $0xFFFFC000  }
0x98: {  	[spmem:s3] =	stream.indirect.scatter.add.bf16 [tilespmem:s31], [sflag:$0x7], $0x40, s15, s28, $0xb8;
	[tilespmem:$0x1F000] =	vst v63  }
0x99: {  	_ =	swait.ge [sflag:s8], $0x4000  }
0x9a: {  	[sflag:s8] =	ssyncset.done $0x0  }
.Ltmp0:
0x9b: {  	s15 =	sadd.s32 $0x900, s14;
	[sflag:s8] =	ssyncadd.s32 $0xFFFFC000;
	(pc) =	sbr.rel @p0 .LBB2_2-.Ltmp0, $4  }
0x9c: {  	[tilespmem:s29], [sflag:$0x2] =	stream.indirect.gather [hbm4b:s0+s28], $0x40, s15, s28, $0xb8;
	[tilespmem:$0x1F000] =	vst v63  }
0x9d: {  	_ =	swait.ge [sflag:s9], $0x4000  }
0x9e: {  	[sflag:s9] =	ssyncset.done $0x0  }
0x9f: {  	s14 =	sadd.s32 $0x2F00, s14;
	[sflag:s9] =	ssyncadd.s32 $0xFFFFC000  }
0xa0: {  	[spmem:s3] =	stream.indirect.scatter.add.bf16 [tilespmem:s30], [sflag:$0x8], $0x40, s14, s28, $0xb8;
	[tilespmem:$0x1F000] =	vst v63  }
0xa1: {  	_ =	swait.ge [sflag:s10], $0x4000  }
0xa2: {  	[sflag:s10] =	ssyncset.done $0x0  }
0xa3: {  	s13 =	simm.s32 $0x2600;
	[sflag:s10] =	ssyncadd.s32 $0xFFFFC000  }
0xa4: {  	[tilespmem:s31], [sflag:$0x3] =	stream.indirect.gather [hbm4b:s0+s28], $0x40, s13, s28, $0xb8;
	[tilespmem:$0x1F000] =	vst v63  }
0xa5: {  	_ =	swait.ge [sflag:s1], $0x4000  }
0xa6: {  	[sflag:s1] =	ssyncset.done $0x0  }
0xa7: {  	s14 =	simm.s32 $0x4C00;
	[sflag:s1] =	ssyncadd.s32 $0xFFFFC000  }
0xa8: {  	[spmem:s3] =	stream.indirect.scatter.add.bf16 [tilespmem:s24], [sflag:$0x5], $0x40, s14, s28, $0xb8;
	[tilespmem:$0x1F000] =	vst v63  }
0xa9: {  	_ =	swait.ge [sflag:s11], $0x4000  }
0xaa: {  	[sflag:s11] =	ssyncset.done $0x0  }
0xab: {  	s15 =	simm.s32 $0x2700;
	[sflag:s11] =	ssyncadd.s32 $0xFFFFC000  }
0xac: {  	[tilespmem:s30], [sflag:$0x4] =	stream.indirect.gather [hbm4b:s0+s28], $0x40, s15, s28, $0xb8;
	[tilespmem:$0x1F000] =	vst v63  }
0xad: {  	_ =	swait.ge [sflag:s2], $0x4000  }
0xae: {  	[sflag:s2] =	ssyncset.done $0x0  }
0xaf: {  	s14 =	simm.s32 $0x4D00;
	[sflag:s2] =	ssyncadd.s32 $0xFFFFC000  }
0xb0: {  	[spmem:s3] =	stream.indirect.scatter.add.bf16 [tilespmem:s29], [sflag:$0x6], $0x40, s14, s28, $0xb8;
	[tilespmem:$0x1F000] =	vst v63  }
0xb1: {  	_ =	swait.ge [sflag:s7], $0x4000  }
0xb2: {  	[sflag:s7] =	ssyncset.done $0x0  }
0xb3: {  	s15 =	simm.s32 $0x4E00;
	[sflag:s7] =	ssyncadd.s32 $0xFFFFC000  }
0xb4: {  	[spmem:s3] =	stream.indirect.scatter.add.bf16 [tilespmem:s31], [sflag:$0x7], $0x40, s15, s28, $0xb8;
	[tilespmem:$0x1F000] =	vst v63  }
0xb5: {  	_ =	swait.ge [sflag:s9], $0x4000  }
0xb6: {  	[sflag:s9] =	ssyncset.done $0x0  }
0xb7: {  	s14 =	simm.s32 $0x4F00;
	[sflag:s9] =	ssyncadd.s32 $0xFFFFC000  }
0xb8: {  	[spmem:s3] =	stream.indirect.scatter.add.bf16 [tilespmem:s30], [sflag:$0x8], $0x40, s14, s28, $0xb8;
	[tilespmem:$0x1F000] =	vst v63  }
0xb9: {  	_ =	swait.ge [sflag:s5], $0x4000  }
0xba: {  	[sflag:s5] =	ssyncset.done $0x0  }
0xbb: {  	[sflag:s5] =	ssyncadd.s32 $0xFFFFC000  }
0xbc: {  	_ =	swait.ge [sflag:s8], $0x4000  }
0xbd: {  	[sflag:s8] =	ssyncset.done $0x0  }
0xbe: {  	[sflag:s8] =	ssyncadd.s32 $0xFFFFC000  }
0xbf: {  	_ =	swait.ge [sflag:s10], $0x4000  }
0xc0: {  	[sflag:s10] =	ssyncset.done $0x0  }
0xc1: {  	[sflag:s10] =	ssyncadd.s32 $0xFFFFC000  }
0xc2: {  	_ =	swait.ge [sflag:s11], $0x4000  }
0xc3: {  	[sflag:s11] =	ssyncset.done $0x0  }
0xc4: {  	[sflag:s11] =	ssyncadd.s32 $0xFFFFC000  }
0xc5: {  	[bflag:$0x0] =	sbarrier.arrive $0xFFFF  }
0xc6: {  	s15 =	rddreg [dreg:$0x7]  }
0xc7: {  	[tilespmem:s24], [sflag:$0x9] =	stream.linear.gather [spmem:s15], $0x2000, $0x38;
	[tilespmem:$0x1F000] =	vst v63  }
0xc8: {  	_ =	swait.ge [sflag:s25], $0x2000  }
0xc9: {  	[sflag:s25] =	ssyncset.done $0x0  }
0xca: {  	s14 =	rddreg [dreg:$0xd];
	[sflag:s25] =	ssyncadd.s32 $0xFFFFE000  }
0xcb: {  	[hbm4b:s14+s4] =	stream.linear.scatter [tilespmem:s24], [sflag:$0x9], $0x2000, $0x38;
	[tilespmem:$0x1F000] =	vst v63  }
0xcc: {  	_ =	swait.ge [sflag:s25], $0x2000  }
0xcd: {  	[sflag:s25] =	ssyncset.done $0x0  }
0xce: {  	[sflag:s25] =	ssyncadd.s32 $0xFFFFE000  }
0xcf: {  	[tilespmem:s24], [sflag:$0x9] =	stream.linear.gather [spmem:s16], $0x2000, $0x38;
	[tilespmem:$0x1F000] =	vst v63  }
0xd0: {  	_ =	swait.ge [sflag:s25], $0x2000  }
0xd1: {  	[sflag:s25] =	ssyncset.done $0x0  }
0xd2: {  	[sflag:s25] =	ssyncadd.s32 $0xFFFFE000  }
0xd3: {  	[hbm4b:s17+s4] =	stream.linear.scatter [tilespmem:s24], [sflag:$0x9], $0x2000, $0x38;
	[tilespmem:$0x1F000] =	vst v63  }
0xd4: {  	_ =	swait.ge [sflag:s25], $0x2000  }
0xd5: {  	[sflag:s25] =	ssyncset.done $0x0  }
0xd6: {  	[sflag:s25] =	ssyncadd.s32 $0xFFFFE000  }
0xd7: {  	[tilespmem:s24], [sflag:$0x9] =	stream.linear.gather [spmem:s18], $0x2000, $0x38;
	[tilespmem:$0x1F000] =	vst v63  }
0xd8: {  	_ =	swait.ge [sflag:s25], $0x2000  }
0xd9: {  	[sflag:s25] =	ssyncset.done $0x0  }
0xda: {  	[sflag:s25] =	ssyncadd.s32 $0xFFFFE000  }
0xdb: {  	[hbm4b:s19+s4] =	stream.linear.scatter [tilespmem:s24], [sflag:$0x9], $0x2000, $0x38;
	[tilespmem:$0x1F000] =	vst v63  }
0xdc: {  	_ =	swait.ge [sflag:s25], $0x2000  }
0xdd: {  	[sflag:s25] =	ssyncset.done $0x0  }
0xde: {  	[sflag:s25] =	ssyncadd.s32 $0xFFFFE000  }
0xdf: {  	[tilespmem:s24], [sflag:$0x9] =	stream.linear.gather [spmem:s20], $0x2000, $0x38;
	[tilespmem:$0x1F000] =	vst v63  }
0xe0: {  	_ =	swait.ge [sflag:s25], $0x2000  }
0xe1: {  	[sflag:s25] =	ssyncset.done $0x0  }
0xe2: {  	[sflag:s25] =	ssyncadd.s32 $0xFFFFE000  }
0xe3: {  	[hbm4b:s21+s4] =	stream.linear.scatter [tilespmem:s24], [sflag:$0x9], $0x2000, $0x38;
	[tilespmem:$0x1F000] =	vst v63  }
0xe4: {  	_ =	swait.ge [sflag:s25], $0x2000  }
0xe5: {  	[sflag:s25] =	ssyncset.done $0x0  }
0xe6: {  	[sflag:s25] =	ssyncadd.s32 $0xFFFFE000  }
0xe7: {  	[tilespmem:s24], [sflag:$0x9] =	stream.linear.gather [spmem:s22], $0x2000, $0x38;
	[tilespmem:$0x1F000] =	vst v63  }
0xe8: {  	_ =	swait.ge [sflag:s25], $0x2000  }
0xe9: {  	[sflag:s25] =	ssyncset.done $0x0  }
0xea: {  	[sflag:s25] =	ssyncadd.s32 $0xFFFFE000  }
0xeb: {  	[hbm4b:s23+s4] =	stream.linear.scatter [tilespmem:s24], [sflag:$0x9], $0x2000, $0x38;
	[tilespmem:$0x1F000] =	vst v63  }
0xec: {  	_ =	swait.ge [sflag:s25], $0x2000  }
0xed: {  	s12 =	sadd.s32 $0x1, s12;
	s15 =	rddreg [dreg:$0x8]  }
0xee: {  	p0 =	sne.s32 s12, s15  }
.Ltmp1:
0xef: {  	_ = 	snop;
	(pc) =	sbr.rel @p0 .LBB2_1-.Ltmp1, $3  }
0xf0: {  	_ =	sdelay $0x1  }
0xf1: {  	[sflag:s25] =	ssyncset.done $0x0  }
0xf2: {  	[sflag:s25] =	ssyncadd.s32 $0xFFFFE000  }
0xf3: {  	_ =	sfence.sel $0x180000  }
0xf4: {  	[bflag:$0x0] =	sbarrier.arrive $0xFFFF  }
0xf5: {  	_ =	strace $0x9000004A  }
0xf6: {  	s0 =	stileid.u32;
	[bflag:$0x2] =	sbarrier.arrive $0xFFFF  }
0xf7: {  	p0 =	sne.s32 s0, $0x0;
	s0 =	rddreg [dreg:$0x3]  }
0xf8: {  	s0 =	sadd.s32 @!p0 $0x100000, s0  }
0xf9: {  	[sflag:s0] =	ssyncadd.tile.s32 @!p0 $0x1;
	_ =	shalt  }
.Lfunc_end2:
_tile_overlayer_lowered:
.L_overlay_start_2:
0xfa: {  	(tag) =	ssettag $0x2  }
0xfb: {  	s0 =	rddreg [dreg:$0x0];
	s2 =	stileid.u32  }
0xfc: {  	s1 =	rddreg [dreg:$0x1];
	p0 =	sne.s32 s2, $0x0  }
0xfd: {  	s3 =	rddreg [dreg:$0x2];
	[bflag:$0x3] =	sbarrier.arrive $0xFFFF;
	s2 =	simm.s32 @!p0 $0x1C09  }
0xfe: {  	[timem:s3], [sflag:s2] =	dma.local @!p0 [hbm:s0], s1  }
0xff: {  	s0 =	simm.s32 @!p0 $0x9  }
0x100: {  	_ =	swait.ge @!p0 [sflag:s0], s1  }
0x101: {  	s1 =	ssub.s32 @!p0 $0x0, s1;
	[sflag:s0] =	ssyncset.done @!p0 $0x0  }
0x102: {  	[sflag:s0] =	ssyncadd.s32 @!p0 s1  }
0x103: {  	[bflag:$0x3] =	sbarrier.arrive $0xFFFF  }
0x104: {  	_ =	shalt  }

// kernel: kernel.17.cloned.1.call-start
scs
__scs_entry_jumppad:
0x0: {  	(pc) =	sbr.rel $0x88, $3  }
0x1: {  	(tag) =	ssettag $0x0;
	lr =	simm.s32 $0x1  }
0x2: {  	[smem:$0x3F96] =	sst lr;
	_ =	strace $0xD0000000  }
0x3: {  	_ = 	snop  }
0x4: {  	_ = 	snop  }
0x5: {  	_ = 	snop  }
0x6: {  	_ = 	snop  }
0x7: {  	_ = 	snop  }
__scs_overlays_trampoline_lowered:
0x8: {  	[smem:$0x3FA5] =	sst s0  }
0x9: {  	[smem:$0x3FA6] =	sst s1  }
0xa: {  	[smem:$0x3FA7] =	sst s2  }
0xb: {  	[smem:$0x3FA8] =	sst s3  }
0xc: {  	[smem:$0x3FA9] =	sst s4  }
0xd: {  	[smem:$0x3FAA] =	sst s5  }
0xe: {  	[smem:$0x3FAB] =	sst s6  }
0xf: {  	[smem:$0x3FAC] =	sst s7  }
0x10: {  	[smem:$0x3FAD] =	sst s8  }
0x11: {  	[smem:$0x3FAE] =	sst s9;
	s0 =	simm.s32 @!p0 $0x0  }
0x12: {  	s1 =	sld [smem:$0x3F94];
	s0 =	simm.s32 @p0 $0x1  }
0x13: {  	[smem:$0x3FAF] =	sst s0;
	s0 =	simm.s32 @!p1 $0x0  }
0x14: {  	s2 =	sld [smem:$0x3F93];
	s0 =	simm.s32 @p1 $0x1  }
0x15: {  	[smem:$0x3FB0] =	sst s0;
	s0 =	simm.s32 @!p2 $0x0  }
0x16: {  	s3 =	sld [smem:$0x3FDB];
	s0 =	simm.s32 @p2 $0x1  }
0x17: {  	s4 =	simm.s32 $0x1BF5;
	[smem:$0x3FB2] =	sst s0  }
0x18: {  	s0 =	sld [smem:$0x3F95];
	_ =	swait.ge [sflag:s4], $0x0  }
0x19: {  	s7 =	sld [smem:$0x3F96]  }
0x1a: {  	s8 =	sadd.s32 $0xFFFFE003, lr  }
0x1b: {  	s9 =	sadd.s32 $0xFFFFFEF7, lr;
	s5 =	simm.s32 $0xFFFFFFFF;
	p2 =	slt.u32 s8, $0xFFFFF086  }
0x1c: {  	p1 =	slt.u32 s9, $0xF7A;
	s5 =	simm.s32 @!p2 $0x0  }
0x1d: {  	s5 =	simm.s32 @p1 $0x1;
	p0 =	seq.s32 s7, s2  }
0x1e: {  	s7 =	smul.u32 @!p0 $0xF7A, s2;
	p2 =	seq.s32 @!p0 s5, $0x0  }
0x1f: {  	s9 =	smul.u32 $0xF7A, s1;
	s8 =	simm.s32 @!p0 $0x1BF5;
	p2 =	por !p2, p0  }
0x20: {  	[sflag:s8] =	ssyncset.s32 @!p0 $0xFFFFF086;
	s6 =	sadd.s32 @!p0 s3, s7;
	s7 =	simm.s32 @!p0 $0x108  }
0x21: {  	s3 =	sadd.s32 s3, s9;
	s6 =	sadd.s32 @!p0 $0x88, s6;
	s7 =	simm.s32 @p2 $0x1082  }
0x22: {  	[simem:s7], [sflag:s8] =	dma.local @!p0 [hbm:s6], $0xF7A  }
0x23: {  	s9 =	sor.u32 $0xD0000000, s2;
	s6 =	simm.s32 $0x108;
	_ =	swait.ge @!p0 [sflag:s8], $0x0  }
0x24: {  	s3 =	sadd.s32 $0x88, s3;
	s6 =	simm.s32 @!p1 $0x1082;
	[sflag:s4] =	ssyncset.s32 $0xFFFFF086  }
0x25: {  	[simem:s6], [sflag:s4] =	dma.local [hbm:s3], $0xF7A  }
0x26: {  	[smem:$0x3F96] =	sst s1;
	(tag) =	ssettag s2;
	_ =	strace s9  }
0x27: {  	s1 =	sld [smem:$0x3FA6]  }
0x28: {  	s2 =	sld [smem:$0x3FA7]  }
0x29: {  	s4 =	sld [smem:$0x3FA9]  }
0x2a: {  	p0 =	seq.s32 s5, $0x0;
	s5 =	sld [smem:$0x3FAA]  }
0x2b: {  	s6 =	sld [smem:$0x3FAB]  }
0x2c: {  	s7 =	sld [smem:$0x3FAC]  }
0x2d: {  	s3 =	simm.s32 $0x108;
	s8 =	sld [smem:$0x3FAD]  }
0x2e: {  	s3 =	simm.s32 @!p0 $0x1082;
	s9 =	sld [smem:$0x3FAE]  }
0x2f: {  	lr =	sadd.s32 s0, s3;
	s0 =	sld [smem:$0x3FA5]  }
0x30: {  	s3 =	sld [smem:$0x3FA8]  }
0x31: {  	[smem:$0x3FB1] =	sst s10  }
0x32: {  	s10 =	sld [smem:$0x3FAF];
	_ =	sdelay $0x3  }
0x33: {  	p0 =	seq.s32 s10, $0x1;
	s10 =	sld [smem:$0x3FB1];
	_ =	sdelay $0x3  }
0x34: {  	[smem:$0x3FB1] =	sst s10  }
0x35: {  	s10 =	sld [smem:$0x3FB0];
	_ =	sdelay $0x3  }
0x36: {  	p1 =	seq.s32 s10, $0x1;
	s10 =	sld [smem:$0x3FB1];
	_ =	sdelay $0x3  }
0x37: {  	[smem:$0x3FB1] =	sst s10  }
0x38: {  	s10 =	sld [smem:$0x3FB2]  }
0x39: {  	_ = 	snop;
	(pc) =	sbr.ind lr, $3  }
0x3a: {  	_ = 	snop  }
0x3b: {  	_ = 	snop  }
0x3c: {  	p2 =	seq.s32 s10, $0x1;
	s10 =	sld [smem:$0x3FB1]  }
0x3d: {  	_ =	shalt  }
0x3e: {  	_ =	shalt  }
0x3f: {  	_ =	shalt  }
0x40: {  	_ =	shalt  }
0x41: {  	_ =	shalt  }
0x42: {  	_ =	shalt  }
0x43: {  	_ =	shalt  }
0x44: {  	_ =	shalt  }
0x45: {  	_ =	shalt  }
0x46: {  	_ =	shalt  }
0x47: {  	_ =	shalt  }
0x48: {  	_ =	shalt  }
0x49: {  	_ =	shalt  }
0x4a: {  	_ =	shalt  }
0x4b: {  	_ =	shalt  }
0x4c: {  	_ =	shalt  }
0x4d: {  	_ =	shalt  }
0x4e: {  	_ =	shalt  }
0x4f: {  	_ =	shalt  }
0x50: {  	_ =	shalt  }
0x51: {  	_ =	shalt  }
0x52: {  	_ =	shalt  }
0x53: {  	_ =	shalt  }
0x54: {  	_ =	shalt  }
0x55: {  	_ =	shalt  }
0x56: {  	_ =	shalt  }
0x57: {  	_ =	shalt  }
0x58: {  	_ =	shalt  }
0x59: {  	_ =	shalt  }
0x5a: {  	_ =	shalt  }
0x5b: {  	_ =	shalt  }
0x5c: {  	_ =	shalt  }
0x5d: {  	_ =	shalt  }
0x5e: {  	_ =	shalt  }
0x5f: {  	_ =	shalt  }
0x60: {  	_ =	shalt  }
0x61: {  	_ =	shalt  }
0x62: {  	_ =	shalt  }
0x63: {  	_ =	shalt  }
0x64: {  	_ =	shalt  }
0x65: {  	_ =	shalt  }
0x66: {  	_ =	shalt  }
0x67: {  	_ =	shalt  }
0x68: {  	_ =	shalt  }
0x69: {  	_ =	shalt  }
0x6a: {  	_ =	shalt  }
0x6b: {  	_ =	shalt  }
0x6c: {  	_ =	shalt  }
0x6d: {  	_ =	shalt  }
0x6e: {  	_ =	shalt  }
0x6f: {  	_ =	shalt  }
0x70: {  	_ =	shalt  }
0x71: {  	_ =	shalt  }
0x72: {  	_ =	shalt  }
0x73: {  	_ =	shalt  }
0x74: {  	_ =	shalt  }
0x75: {  	_ =	shalt  }
0x76: {  	_ =	shalt  }
0x77: {  	_ =	shalt  }
0x78: {  	_ =	shalt  }
0x79: {  	_ =	shalt  }
0x7a: {  	_ =	shalt  }
0x7b: {  	_ =	shalt  }
0x7c: {  	_ =	shalt  }
0x7d: {  	_ =	shalt  }
0x7e: {  	_ =	shalt  }
0x7f: {  	_ =	shalt  }
0x80: {  	_ =	shalt  }
0x81: {  	_ =	shalt  }
0x82: {  	_ =	shalt  }
0x83: {  	_ =	shalt  }
0x84: {  	_ =	shalt  }
0x85: {  	_ =	shalt  }
0x86: {  	_ =	shalt  }
0x87: {  	_ =	shalt  }
.Lfunc_end0:
.L_simem_size_0:
called_computation.2_lowered:
.L_overlay_start_0:
0x88: {  	s2 =	sld [smem:$0x3FD9]  }
0x89: {  	s3 =	sld [smem:$0x3FFE];
	_ =	sdelay $0x1  }
0x8a: {  	s1 =	srdreg.scid  }
0x8b: {  	s0 =	sand.u32 $0x1, s1  }
0x8c: {  	s15 =	sshll.u32 s0, $0xA;
	s2 =	sadd.s32 s3, s2  }
0x8d: {  	s2 =	sadd.s32 s2, s15  }
0x8e: {  	[smem:$0x3FBD] =	sst s2  }
0x8f: {  	_ = 	snop  }
0x90: {  	s2 =	sld [smem:$0x3FD0];
	_ =	sdelay $0x2  }
0x91: {  	s16 =	simm.s32 $0xB;
	s4 =	simm.s32 $0x10  }
0x92: {  	[smem:s4], [sflag:s16] =	dma.local [hbm:s2], $0x1  }
0x93: {  	_ =	swait.eq [sflag:s16], $0x1  }
0x94: {  	[sflag:s16] =	ssyncset.done $0x0  }
0x95: {  	[sflag:s16] =	ssyncadd.s32 $0xFFFFFFFF  }
0x96: {  	s17 =	sld [smem:$0x11];
	(tm) =	ssettm $0x1  }
0x97: {  	s18 =	sld [smem:$0x3FFB];
	_ =	sdelay $0x3  }
0x98: {  	_ =	strace s18  }
0x99: {  	s2 =	sld [smem:$0x3FFC];
	_ =	sdelay $0x3  }
0x9a: {  	_ =	strace s2  }
0x9b: {  	s2 =	sld [smem:$0x3FFD];
	_ =	sdelay $0x3  }
0x9c: {  	_ =	strace s2  }
0x9d: {  	_ =	strace $0x8FFFFFFF  }
0x9e: {  	s19 =	sld [smem:$0x3FDB];
	_ =	sdelay $0x1  }
0x9f: {  	s20 =	simm.s32 $_scs_section_size  }
0xa0: {  	s5 =	simm.s32 $_size__tile_overlayer_lowered;
	s6 =	simm.s32 $_tile_overlayer_lowered  }
0xa1: {  	s7 =	simm.s32 $0x1BFF;
	s21 =	sshll.u32 s6, $0x1;
	s4 =	sadd.s32 s20, s19  }
0xa2: {  	s22 =	simm.s32 $0x0;
	s5 =	sshll.u32 s5, $0x1;
	s6 =	sadd.s32 s21, s4  }
0xa3: {  	[timem:s22], [sflag:s7] =	dma.local [hbm:s6], s5  }
0xa4: {  	_ =	swait.ge [sflag:s7], s5  }
0xa5: {  	s5 =	ssub.s32 $0x0, s5;
	[sflag:s7] =	ssyncset.done $0x0  }
0xa6: {  	[sflag:s7] =	ssyncadd.s32 s5;
	_ =	sdelay $0x1  }
0xa7: {  	s23 =	simm.s32 $0x1B8B  }
0xa8: {  	_ =	swait.ge [sflag:s23], $0x1  }
0xa9: {  	[sflag:s23] =	ssyncset.done $0x0  }
0xaa: {  	[sflag:s23] =	ssyncadd.s32 $0xFFFFFFFF  }
0xab: {  	s5 =	sld [smem:$0x0]  }
0xac: {  	s6 =	sand.u32 $0xFFFFFFFE, s1  }
0xad: {  	p0 =	sne.s32 s1, s6  }
0xae: {  	s6 =	sshll.u32 @p0 s6, $0xE  }
0xaf: {  	s6 =	sadd.s32 @p0 $0x11B8D, s6;
	s7 =	sshll.u32 @p0 s5, $0x11  }
0xb0: {  	s6 =	sor.u32 @p0 s7, s6  }
0xb1: {  	[sflag:s6] =	ssyncadd.remote.s32 @p0 $0x1;
	_ =	sdelay $0x1  }
0xb2: {  	s6 =	simm.s32 @p0 $0x1B8D  }
0xb3: {  	_ =	swait.eq @p0 [sflag:s6], $0x1  }
0xb4: {  	[sflag:s6] =	ssyncadd.s32 @p0 $0xFFFFFFFF  }
0xb5: {  	s7 =	sshll.u32 @!p0 s1, $0xE  }
0xb6: {  	s7 =	sor.u32 @!p0 $0x4000, s7;
	s6 =	simm.s32 @!p0 $0x1B8D  }
0xb7: {  	s5 =	sshll.u32 @!p0 s5, $0x11;
	s7 =	sadd.s32 @!p0 $0x11B8D, s7;
	_ =	swait.eq @!p0 [sflag:s6], $0x1  }
0xb8: {  	s5 =	sor.u32 @!p0 s5, s7;
	[sflag:s6] =	ssyncadd.s32 @!p0 $0xFFFFFFFF  }
0xb9: {  	s25 =	simm.s32 $0x1B8E;
	s24 =	sld [smem:$0x3FFE];
	[sflag:s5] =	ssyncadd.remote.s32 @!p0 $0x1  }
0xba: {  	s26 =	simm.s32 $execute0_lowered;
	[smem:$0x3FD2] =	sst s25  }
0xbb: {  	s6 =	sshll.u32 s26, $0x1;
	_ =	strace $0x8000004F;
	[dreg:$0x1] =	wrdreg $0xFFFFFFFF  }
0xbc: {  	s28 =	simm.s32 $_size_execute0_lowered;
	s4 =	sadd.s32 s4, s6;
	[dreg:$0x0] =	wrdreg $0x0  }
0xbd: {  	s6 =	sshll.u32 s28, $0x1;
	[dreg:$0x2] =	wrdreg s4  }
0xbe: {  	[dreg:$0x3] =	wrdreg s6  }
0xbf: {  	[dreg:$0x4] =	wrdreg $0xC0  }
0xc0: {  	_ =	task [dreg:s22], $0x5FFFF  }
0xc1: {  	[dreg:$0x1] =	wrdreg $0xFFFFFFFF  }
0xc2: {  	[dreg:$0x0] =	wrdreg $0x60  }
0xc3: {  	[dreg:$0x2] =	wrdreg s17  }
0xc4: {  	[dreg:$0x3] =	wrdreg s24  }
0xc5: {  	[dreg:$0x4] =	wrdreg $0x150000  }
0xc6: {  	[dreg:$0x5] =	wrdreg $0x9  }
0xc7: {  	_ =	task.clear_ibuf [dreg:s22], $0x6FFFF;
	_ =	strace $0x9000004F  }
0xc8: {  	s29 =	simm.s32 $0x9;
	_ =	strace $0x80000051  }
0xc9: {  	_ =	swait.ge [sflag:s29], $0x1  }
0xca: {  	[sflag:s29] =	ssyncadd.s32 $0xFFFFFFFF  }
0xcb: {  	_ =	strace $0x90000051  }
0xcc: {  	_ =	sfence  }
0xcd: {  	s30 =	sld [smem:$0x0];
	_ =	sdelay $0x2  }
0xce: {  	s31 =	sshll.u32 s1, $0xD;
	s1 =	sshrl.u32 s1, $0x2  }
0xcf: {  	s4 =	sand.u32 $0x4000, s31;
	s1 =	sadd.s32 s1, s30  }
0xd0: {  	s0 =	sor.u32 s4, s0;
	s1 =	sshll.u32 s1, $0x11  }
0xd1: {  	s0 =	sor.u32 s1, s0  }
0xd2: {  	s0 =	sadd.s32 $0x8F2B, s0  }
0xd3: {  	[sflag:s0] =	ssyncadd.remote.s32 $0x1  }
0xd4: {  	_ =	sfence.sel $0xFFFF  }
0xd5: {  	[dreg:$0x0] =	wrdreg $0xFFFFFFFF;
	(pc) =	sbr.abs _section_cstart, $3  }
0xd6: {  	[dreg:$0x1] =	wrdreg $0xFFFFFFFF  }
0xd7: {  	_ =	task.clear_ibuf [dreg:s22], $0x2FFFF;
	_ =	strace $0x9FFFFFFF  }
0xd8: {  	(tm) =	ssettm $0x7FFFFFFF  }
0xd9: {  	_ =	shalt  }
tec
execute0_lowered:
.L_overlay_start_1:
0x0: {  	(tag) =	ssettag $0x1  }
0x1: {  	s0 =	rddreg [dreg:$0x0]  }
0x2: {  	s2 =	rddreg [dreg:$0x1]  }
0x3: {  	s1 =	srdreg.scid;
	s3 =	rddreg [dreg:$0x2]  }
0x4: {  	s9 =	stileid.u32;
	s4 =	simm.s32 $0x0;
	s28 =	simm.s32 $0x100  }
0x5: {  	s29 =	simm.s32 $0x9000;
	s31 =	simm.s32 $0xD000;
	s30 =	simm.s32 $0x11000  }
0x6: {  	s1 =	sand.u32 $0x1, s1;
	[smem:$0x7FF] =	sst s4;
	s6 =	smul.u32 $0x28000, s9  }
0x7: {  	s7 =	sadd.s32 $0xD000, s2;
	s5 =	sshll.u32 s1, $0x4;
	_ =	strace $0x80000050  }
0x8: {  	[dreg:$0x4] =	wrdreg s7;
	s24 =	ssub.s32 $0x2, s1;
	s1 =	smul.u32 $0x140000, s1  }
0x9: {  	s5 =	sor.u32 s9, s5;
	s8 =	sshrl.u32 s24, $0x1;
	s9 =	smul.u32 $0x14000, s9  }
0xa: {  	s6 =	sshrl.u32 s6, $0x2;
	s5 =	smul.u32 $0x500, s5;
	s7 =	ssub.s32 s24, s8  }
0xb: {  	s6 =	sadd.s32 s6, s3;
	s8 =	simm.s32 $0x6;
	s26 =	sshrl.u32 s9, $0x1  }
0xc: {  	s11 =	smax.u32 s7, $0x1;
	s12 =	sadd.s32 $0x2000, s6;
	s13 =	sadd.s32 $0x4000, s6  }
0xd: {  	s14 =	sadd.s32 s1, s9;
	s15 =	sadd.s32 $0x6000, s6;
	[dreg:$0x8] =	wrdreg s11  }
0xe: {  	s16 =	sadd.s32 $0x4000, s9;
	s17 =	sadd.s32 $0x8000, s6;
	[dreg:$0x9] =	wrdreg s12  }
0xf: {  	s19 =	sadd.s32 $0x8000, s9;
	s22 =	sadd.s32 $0xC000, s9;
	[dreg:$0xa] =	wrdreg s13  }
0x10: {  	s5 =	sadd.s32 s5, s2;
	s2 =	sadd.s32 $0xA1400, s2;
	[dreg:$0xb] =	wrdreg s15  }
0x11: {  	s10 =	sadd.s32 s26, s3;
	[dreg:$0xc] =	wrdreg s17;
	s18 =	sadd.s32 s1, s16  }
0x12: {  	s7 =	sshrl.u32 s16, $0x1;
	s20 =	sadd.s32 s1, s19;
	s21 =	sshrl.u32 s19, $0x1  }
0x13: {  	s23 =	sshrl.u32 s22, $0x1;
	s24 =	sadd.s32 s1, s22;
	s11 =	simm.s32 $0x8  }
0x14: {  	s12 =	simm.s32 $0x0;
	s25 =	sadd.s32 $0xD800, s5;
	[dreg:$0x7] =	wrdreg s10  }
0x15: {  	s5 =	sadd.s32 $0x2E00, s5;
	s16 =	sadd.s32 s7, s3;
	[dreg:$0x5] =	wrdreg s25  }
0x16: {  	s7 =	simm.s32 $0x3;
	s10 =	simm.s32 $0x7;
	[dreg:$0x6] =	wrdreg s5  }
0x17: {  	s5 =	sshrl.u32 s14, $0x4;
	s25 =	sadd.s32 $0x10000, s9;
	s9 =	simm.s32 $0x4  }
0x18: {  	s5 =	sadd.s32 s2, s5;
	s26 =	sshrl.u32 s25, $0x1;
	s1 =	sadd.s32 s1, s25  }
0x19: {  	s25 =	simm.s32 $0x9;
	[dreg:$0xd] =	wrdreg s5;
	s5 =	sshrl.u32 s18, $0x4  }
0x1a: {  	s18 =	sadd.s32 s21, s3;
	s22 =	sadd.s32 s26, s3;
	s1 =	sshrl.u32 s1, $0x4  }
0x1b: {  	s26 =	simm.s32 $0x2800;
	s17 =	sadd.s32 s2, s5;
	s5 =	sshrl.u32 s20, $0x4  }
0x1c: {  	s20 =	sadd.s32 s23, s3;
	s23 =	sadd.s32 s2, s1;
	s1 =	simm.s32 $0x1  }
0x1d: {  	s19 =	sadd.s32 s2, s5;
	s5 =	sshrl.u32 s24, $0x4;
	s24 =	simm.s32 $0x5000  }
0x1e: {  	s21 =	sadd.s32 s2, s5;
	s2 =	simm.s32 $0x2;
	s5 =	simm.s32 $0x5  }
.LBB2_1:
0x1f: {  	s13 =	rddreg [dreg:$0x4]  }
0x20: {  	[tilespmem:s24], [sflag:$0x9] =	stream.linear.gather [hbm4b:s13+s4], $0x4000, $0x38;
	[tilespmem:$0x1F000] =	vst v63  }
0x21: {  	_ =	swait.ge [sflag:s25], $0x4000  }
0x22: {  	[sflag:s25] =	ssyncset.done $0x0  }
0x23: {  	[sflag:s25] =	ssyncadd.s32 $0xFFFFC000  }
0x24: {  	[spmem:s6] =	stream.linear.scatter [tilespmem:s24], [sflag:$0x9], $0x2000, $0x38;
	[tilespmem:$0x1F000] =	vst v63  }
0x25: {  	_ =	swait.ge [sflag:s25], $0x2000  }
0x26: {  	[sflag:s25] =	ssyncset.done $0x0  }
0x27: {  	s14 =	rddreg [dreg:$0x9];
	[sflag:s25] =	ssyncadd.s32 $0xFFFFE000  }
0x28: {  	[spmem:s14] =	stream.linear.scatter [tilespmem:s24], [sflag:$0x9], $0x2000, $0x38;
	[tilespmem:$0x1F000] =	vst v63  }
0x29: {  	_ =	swait.ge [sflag:s25], $0x2000  }
0x2a: {  	[sflag:s25] =	ssyncset.done $0x0  }
0x2b: {  	s15 =	rddreg [dreg:$0xa];
	[sflag:s25] =	ssyncadd.s32 $0xFFFFE000  }
0x2c: {  	[spmem:s15] =	stream.linear.scatter [tilespmem:s24], [sflag:$0x9], $0x2000, $0x38;
	[tilespmem:$0x1F000] =	vst v63  }
0x2d: {  	_ =	swait.ge [sflag:s25], $0x2000  }
0x2e: {  	[sflag:s25] =	ssyncset.done $0x0  }
0x2f: {  	s14 =	rddreg [dreg:$0xb];
	[sflag:s25] =	ssyncadd.s32 $0xFFFFE000  }
0x30: {  	[spmem:s14] =	stream.linear.scatter [tilespmem:s24], [sflag:$0x9], $0x2000, $0x38;
	[tilespmem:$0x1F000] =	vst v63  }
0x31: {  	_ =	swait.ge [sflag:s25], $0x2000  }
0x32: {  	[sflag:s25] =	ssyncset.done $0x0  }
0x33: {  	s15 =	rddreg [dreg:$0xc];
	[sflag:s25] =	ssyncadd.s32 $0xFFFFE000  }
0x34: {  	[spmem:s15] =	stream.linear.scatter [tilespmem:s24], [sflag:$0x9], $0x2000, $0x38;
	[tilespmem:$0x1F000] =	vst v63  }
0x35: {  	_ =	swait.ge [sflag:s25], $0x2000  }
0x36: {  	[sflag:s25] =	ssyncset.done $0x0  }
0x37: {  	s14 =	rddreg [dreg:$0x5];
	[sflag:s25] =	ssyncadd.s32 $0xFFFFE000  }
0x38: {  	[tilespmem:s4], [sflag:$0x9] =	stream.linear.gather [hbm4b:s14+s4], $0x2800, $0x38;
	[tilespmem:$0x1F000] =	vst v63  }
0x39: {  	_ =	swait.ge [sflag:s25], $0x2800  }
0x3a: {  	[sflag:s25] =	ssyncset.done $0x0  }
0x3b: {  	s15 =	rddreg [dreg:$0x6];
	[sflag:s25] =	ssyncadd.s32 $0xFFFFD800  }
0x3c: {  	[tilespmem:s26], [sflag:$0x9] =	stream.linear.gather [hbm4b:s15+s4], $0x2800, $0x38;
	[tilespmem:$0x1F000] =	vst v63  }
0x3d: {  	_ =	swait.ge [sflag:s25], $0x2800  }
0x3e: {  	[sflag:s25] =	ssyncset.done $0x0  }
0x3f: {  	[sflag:s25] =	ssyncadd.s32 $0xFFFFD800  }
0x40: {  	[bflag:$0x0] =	sbarrier.arrive $0xFFFF  }
0x41: {  	[tilespmem:s24], [sflag:$0x1] =	stream.indirect.gather [hbm4b:s0+s28], $0x40, s4, s28, $0xb8;
	[tilespmem:$0x1F000] =	vst v63  }
0x42: {  	_ = 	snop  }
0x43: {  	[tilespmem:s29], [sflag:$0x2] =	stream.indirect.gather [hbm4b:s0+s28], $0x40, s28, s28, $0xb8;
	[tilespmem:$0x1F000] =	vst v63  }
0x44: {  	s14 =	simm.s32 $0x200  }
0x45: {  	[tilespmem:s31], [sflag:$0x3] =	stream.indirect.gather [hbm4b:s0+s28], $0x40, s14, s28, $0xb8;
	[tilespmem:$0x1F000] =	vst v63  }
0x46: {  	_ =	swait.ge [sflag:s1], $0x4000  }
0x47: {  	[sflag:s1] =	ssyncset.done $0x0  }
0x48: {  	[sflag:s1] =	ssyncadd.s32 $0xFFFFC000  }
0x49: {  	[spmem:s3] =	stream.indirect.scatter.add.bf16 [tilespmem:s24], [sflag:$0x5], $0x40, s26, s28, $0xb8;
	[tilespmem:$0x1F000] =	vst v63  }
0x4a: {  	s15 =	simm.s32 $0x300  }
0x4b: {  	[tilespmem:s30], [sflag:$0x4] =	stream.indirect.gather [hbm4b:s0+s28], $0x40, s15, s28, $0xb8;
	[tilespmem:$0x1F000] =	vst v63  }
0x4c: {  	_ =	swait.ge [sflag:s2], $0x4000  }
0x4d: {  	[sflag:s2] =	ssyncset.done $0x0  }
0x4e: {  	s14 =	simm.s32 $0x2900;
	[sflag:s2] =	ssyncadd.s32 $0xFFFFC000  }
0x4f: {  	[spmem:s3] =	stream.indirect.scatter.add.bf16 [tilespmem:s29], [sflag:$0x6], $0x40, s14, s28, $0xb8;
	[tilespmem:$0x1F000] =	vst v63  }
0x50: {  	_ =	swait.ge [sflag:s5], $0x4000  }
0x51: {  	[sflag:s5] =	ssyncset.done $0x0  }
0x52: {  	s15 =	simm.s32 $0x400;
	[sflag:s5] =	ssyncadd.s32 $0xFFFFC000  }
0x53: {  	[tilespmem:s24], [sflag:$0x1] =	stream.indirect.gather [hbm4b:s0+s28], $0x40, s15, s28, $0xb8;
	[tilespmem:$0x1F000] =	vst v63  }
0x54: {  	_ =	swait.ge [sflag:s7], $0x4000  }
0x55: {  	[sflag:s7] =	ssyncset.done $0x0  }
0x56: {  	s14 =	simm.s32 $0x2A00;
	[sflag:s7] =	ssyncadd.s32 $0xFFFFC000  }
0x57: {  	[spmem:s3] =	stream.indirect.scatter.add.bf16 [tilespmem:s31], [sflag:$0x7], $0x40, s14, s28, $0xb8;
	[tilespmem:$0x1F000] =	vst v63  }
0x58: {  	_ =	swait.ge [sflag:s8], $0x4000  }
0x59: {  	[sflag:s8] =	ssyncset.done $0x0  }
0x5a: {  	s15 =	simm.s32 $0x500;
	[sflag:s8] =	ssyncadd.s32 $0xFFFFC000  }
0x5b: {  	[tilespmem:s29], [sflag:$0x2] =	stream.indirect.gather [hbm4b:s0+s28], $0x40, s15, s28, $0xb8;
	[tilespmem:$0x1F000] =	vst v63  }
0x5c: {  	_ =	swait.ge [sflag:s9], $0x4000  }
0x5d: {  	[sflag:s9] =	ssyncset.done $0x0  }
0x5e: {  	s14 =	simm.s32 $0x2B00;
	[sflag:s9] =	ssyncadd.s32 $0xFFFFC000  }
0x5f: {  	[spmem:s3] =	stream.indirect.scatter.add.bf16 [tilespmem:s30], [sflag:$0x8], $0x40, s14, s28, $0xb8;
	[tilespmem:$0x1F000] =	vst v63  }
0x60: {  	_ =	swait.ge [sflag:s10], $0x4000  }
0x61: {  	[sflag:s10] =	ssyncset.done $0x0  }
0x62: {  	s15 =	simm.s32 $0x600;
	[sflag:s10] =	ssyncadd.s32 $0xFFFFC000  }
0x63: {  	[tilespmem:s31], [sflag:$0x3] =	stream.indirect.gather [hbm4b:s0+s28], $0x40, s15, s28, $0xb8;
	[tilespmem:$0x1F000] =	vst v63  }
0x64: {  	_ =	swait.ge [sflag:s1], $0x4000  }
0x65: {  	[sflag:s1] =	ssyncset.done $0x0  }
0x66: {  	s14 =	simm.s32 $0x2C00;
	[sflag:s1] =	ssyncadd.s32 $0xFFFFC000  }
0x67: {  	[spmem:s3] =	stream.indirect.scatter.add.bf16 [tilespmem:s24], [sflag:$0x5], $0x40, s14, s28, $0xb8;
	[tilespmem:$0x1F000] =	vst v63  }
0x68: {  	_ =	swait.ge [sflag:s11], $0x4000  }
0x69: {  	[sflag:s11] =	ssyncset.done $0x0  }
0x6a: {  	s15 =	simm.s32 $0x700;
	[sflag:s11] =	ssyncadd.s32 $0xFFFFC000  }
0x6b: {  	[tilespmem:s30], [sflag:$0x4] =	stream.indirect.gather [hbm4b:s0+s28], $0x40, s15, s28, $0xb8;
	[tilespmem:$0x1F000] =	vst v63  }
0x6c: {  	_ =	swait.ge [sflag:s2], $0x4000  }
0x6d: {  	[sflag:s2] =	ssyncset.done $0x0  }
0x6e: {  	s14 =	simm.s32 $0x2D00;
	[sflag:s2] =	ssyncadd.s32 $0xFFFFC000  }
0x6f: {  	[spmem:s3] =	stream.indirect.scatter.add.bf16 [tilespmem:s29], [sflag:$0x6], $0x40, s14, s28, $0xb8;
	[tilespmem:$0x1F000] =	vst v63  }
0x70: {  	_ =	swait.ge [sflag:s5], $0x4000  }
0x71: {  	[sflag:s5] =	ssyncset.done $0x0  }
0x72: {  	s15 =	simm.s32 $0x800;
	[sflag:s5] =	ssyncadd.s32 $0xFFFFC000  }
0x73: {  	[tilespmem:s24], [sflag:$0x1] =	stream.indirect.gather [hbm4b:s0+s28], $0x40, s15, s28, $0xb8;
	[tilespmem:$0x1F000] =	vst v63  }
0x74: {  	_ =	swait.ge [sflag:s7], $0x4000  }
0x75: {  	[sflag:s7] =	ssyncset.done $0x0  }
0x76: {  	s14 =	simm.s32 $0x2E00;
	[sflag:s7] =	ssyncadd.s32 $0xFFFFC000  }
0x77: {  	[spmem:s3] =	stream.indirect.scatter.add.bf16 [tilespmem:s31], [sflag:$0x7], $0x40, s14, s28, $0xb8;
	[tilespmem:$0x1F000] =	vst v63  }
0x78: {  	_ =	swait.ge [sflag:s8], $0x4000  }
0x79: {  	[sflag:s8] =	ssyncset.done $0x0  }
0x7a: {  	s15 =	simm.s32 $0x900;
	[sflag:s8] =	ssyncadd.s32 $0xFFFFC000  }
0x7b: {  	[tilespmem:s29], [sflag:$0x2] =	stream.indirect.gather [hbm4b:s0+s28], $0x40, s15, s28, $0xb8;
	[tilespmem:$0x1F000] =	vst v63  }
0x7c: {  	_ =	swait.ge [sflag:s9], $0x4000  }
0x7d: {  	[sflag:s9] =	ssyncset.done $0x0  }
0x7e: {  	s13 =	simm.s32 $0x1000;
	s14 =	simm.s32 $0x2F00;
	[sflag:s9] =	ssyncadd.s32 $0xFFFFC000  }
.LBB2_2:
0x7f: {  	[spmem:s3] =	stream.indirect.scatter.add.bf16 [tilespmem:s30], [sflag:$0x8], $0x40, s14, s28, $0xb8;
	[tilespmem:$0x1F000] =	vst v63  }
0x80: {  	s14 =	smov.u32 s13  }
0x81: {  	p0 =	sne.s32 s13, $0x7000;
	s13 =	sadd.s32 $0x1000, s13;
	_ =	swait.ge [sflag:s10], $0x4000  }
0x82: {  	s14 =	sshra.s32 s14, $0x2;
	[sflag:s10] =	ssyncset.done $0x0  }
0x83: {  	s15 =	sadd.s32 $0x600, s14;
	[sflag:s10] =	ssyncadd.s32 $0xFFFFC000  }
0x84: {  	[tilespmem:s31], [sflag:$0x3] =	stream.indirect.gather [hbm4b:s0+s28], $0x40, s15, s28, $0xb8;
	[tilespmem:$0x1F000] =	vst v63  }
0x85: {  	_ =	swait.ge [sflag:s1], $0x4000  }
0x86: {  	[sflag:s1] =	ssyncset.done $0x0  }
0x87: {  	s15 =	sadd.s32 $0x2C00, s14;
	[sflag:s1] =	ssyncadd.s32 $0xFFFFC000  }
0x88: {  	[spmem:s3] =	stream.indirect.scatter.add.bf16 [tilespmem:s24], [sflag:$0x5], $0x40, s15, s28, $0xb8;
	[tilespmem:$0x1F000] =	vst v63  }
0x89: {  	_ =	swait.ge [sflag:s11], $0x4000  }
0x8a: {  	[sflag:s11] =	ssyncset.done $0x0  }
0x8b: {  	s15 =	sadd.s32 $0x700, s14;
	[sflag:s11] =	ssyncadd.s32 $0xFFFFC000  }
0x8c: {  	[tilespmem:s30], [sflag:$0x4] =	stream.indirect.gather [hbm4b:s0+s28], $0x40, s15, s28, $0xb8;
	[tilespmem:$0x1F000] =	vst v63  }
0x8d: {  	_ =	swait.ge [sflag:s2], $0x4000  }
0x8e: {  	[sflag:s2] =	ssyncset.done $0x0  }
0x8f: {  	s15 =	sadd.s32 $0x2D00, s14;
	[sflag:s2] =	ssyncadd.s32 $0xFFFFC000  }
0x90: {  	[spmem:s3] =	stream.indirect.scatter.add.bf16 [tilespmem:s29], [sflag:$0x6], $0x40, s15, s28, $0xb8;
	[tilespmem:$0x1F000] =	vst v63  }
0x91: {  	_ =	swait.ge [sflag:s5], $0x4000  }
0x92: {  	[sflag:s5] =	ssyncset.done $0x0  }
0x93: {  	s15 =	sadd.s32 $0x800, s14;
	[sflag:s5] =	ssyncadd.s32 $0xFFFFC000  }
0x94: {  	[tilespmem:s24], [sflag:$0x1] =	stream.indirect.gather [hbm4b:s0+s28], $0x40, s15, s28, $0xb8;
	[tilespmem:$0x1F000] =	vst v63  }
0x95: {  	_ =	swait.ge [sflag:s7], $0x4000  }
0x96: {  	[sflag:s7] =	ssyncset.done $0x0  }
0x97: {  	s15 =	sadd.s32 $0x2E00, s14;
	[sflag:s7] =	ssyncadd.s32 $0xFFFFC000  }
0x98: {  	[spmem:s3] =	stream.indirect.scatter.add.bf16 [tilespmem:s31], [sflag:$0x7], $0x40, s15, s28, $0xb8;
	[tilespmem:$0x1F000] =	vst v63  }
0x99: {  	_ =	swait.ge [sflag:s8], $0x4000  }
0x9a: {  	[sflag:s8] =	ssyncset.done $0x0  }
.Ltmp0:
0x9b: {  	s15 =	sadd.s32 $0x900, s14;
	[sflag:s8] =	ssyncadd.s32 $0xFFFFC000;
	(pc) =	sbr.rel @p0 .LBB2_2-.Ltmp0, $4  }
0x9c: {  	[tilespmem:s29], [sflag:$0x2] =	stream.indirect.gather [hbm4b:s0+s28], $0x40, s15, s28, $0xb8;
	[tilespmem:$0x1F000] =	vst v63  }
0x9d: {  	_ =	swait.ge [sflag:s9], $0x4000  }
0x9e: {  	[sflag:s9] =	ssyncset.done $0x0  }
0x9f: {  	s14 =	sadd.s32 $0x2F00, s14;
	[sflag:s9] =	ssyncadd.s32 $0xFFFFC000  }
0xa0: {  	[spmem:s3] =	stream.indirect.scatter.add.bf16 [tilespmem:s30], [sflag:$0x8], $0x40, s14, s28, $0xb8;
	[tilespmem:$0x1F000] =	vst v63  }
0xa1: {  	_ =	swait.ge [sflag:s10], $0x4000  }
0xa2: {  	[sflag:s10] =	ssyncset.done $0x0  }
0xa3: {  	s13 =	simm.s32 $0x2600;
	[sflag:s10] =	ssyncadd.s32 $0xFFFFC000  }
0xa4: {  	[tilespmem:s31], [sflag:$0x3] =	stream.indirect.gather [hbm4b:s0+s28], $0x40, s13, s28, $0xb8;
	[tilespmem:$0x1F000] =	vst v63  }
0xa5: {  	_ =	swait.ge [sflag:s1], $0x4000  }
0xa6: {  	[sflag:s1] =	ssyncset.done $0x0  }
0xa7: {  	s14 =	simm.s32 $0x4C00;
	[sflag:s1] =	ssyncadd.s32 $0xFFFFC000  }
0xa8: {  	[spmem:s3] =	stream.indirect.scatter.add.bf16 [tilespmem:s24], [sflag:$0x5], $0x40, s14, s28, $0xb8;
	[tilespmem:$0x1F000] =	vst v63  }
0xa9: {  	_ =	swait.ge [sflag:s11], $0x4000  }
0xaa: {  	[sflag:s11] =	ssyncset.done $0x0  }
0xab: {  	s15 =	simm.s32 $0x2700;
	[sflag:s11] =	ssyncadd.s32 $0xFFFFC000  }
0xac: {  	[tilespmem:s30], [sflag:$0x4] =	stream.indirect.gather [hbm4b:s0+s28], $0x40, s15, s28, $0xb8;
	[tilespmem:$0x1F000] =	vst v63  }
0xad: {  	_ =	swait.ge [sflag:s2], $0x4000  }
0xae: {  	[sflag:s2] =	ssyncset.done $0x0  }
0xaf: {  	s14 =	simm.s32 $0x4D00;
	[sflag:s2] =	ssyncadd.s32 $0xFFFFC000  }
0xb0: {  	[spmem:s3] =	stream.indirect.scatter.add.bf16 [tilespmem:s29], [sflag:$0x6], $0x40, s14, s28, $0xb8;
	[tilespmem:$0x1F000] =	vst v63  }
0xb1: {  	_ =	swait.ge [sflag:s7], $0x4000  }
0xb2: {  	[sflag:s7] =	ssyncset.done $0x0  }
0xb3: {  	s15 =	simm.s32 $0x4E00;
	[sflag:s7] =	ssyncadd.s32 $0xFFFFC000  }
0xb4: {  	[spmem:s3] =	stream.indirect.scatter.add.bf16 [tilespmem:s31], [sflag:$0x7], $0x40, s15, s28, $0xb8;
	[tilespmem:$0x1F000] =	vst v63  }
0xb5: {  	_ =	swait.ge [sflag:s9], $0x4000  }
0xb6: {  	[sflag:s9] =	ssyncset.done $0x0  }
0xb7: {  	s14 =	simm.s32 $0x4F00;
	[sflag:s9] =	ssyncadd.s32 $0xFFFFC000  }
0xb8: {  	[spmem:s3] =	stream.indirect.scatter.add.bf16 [tilespmem:s30], [sflag:$0x8], $0x40, s14, s28, $0xb8;
	[tilespmem:$0x1F000] =	vst v63  }
0xb9: {  	_ =	swait.ge [sflag:s5], $0x4000  }
0xba: {  	[sflag:s5] =	ssyncset.done $0x0  }
0xbb: {  	[sflag:s5] =	ssyncadd.s32 $0xFFFFC000  }
0xbc: {  	_ =	swait.ge [sflag:s8], $0x4000  }
0xbd: {  	[sflag:s8] =	ssyncset.done $0x0  }
0xbe: {  	[sflag:s8] =	ssyncadd.s32 $0xFFFFC000  }
0xbf: {  	_ =	swait.ge [sflag:s10], $0x4000  }
0xc0: {  	[sflag:s10] =	ssyncset.done $0x0  }
0xc1: {  	[sflag:s10] =	ssyncadd.s32 $0xFFFFC000  }
0xc2: {  	_ =	swait.ge [sflag:s11], $0x4000  }
0xc3: {  	[sflag:s11] =	ssyncset.done $0x0  }
0xc4: {  	[sflag:s11] =	ssyncadd.s32 $0xFFFFC000  }
0xc5: {  	[bflag:$0x0] =	sbarrier.arrive $0xFFFF  }
0xc6: {  	s15 =	rddreg [dreg:$0x7]  }
0xc7: {  	[tilespmem:s24], [sflag:$0x9] =	stream.linear.gather [spmem:s15], $0x2000, $0x38;
	[tilespmem:$0x1F000] =	vst v63  }
0xc8: {  	_ =	swait.ge [sflag:s25], $0x2000  }
0xc9: {  	[sflag:s25] =	ssyncset.done $0x0  }
0xca: {  	s14 =	rddreg [dreg:$0xd];
	[sflag:s25] =	ssyncadd.s32 $0xFFFFE000  }
0xcb: {  	[hbm4b:s14+s4] =	stream.linear.scatter [tilespmem:s24], [sflag:$0x9], $0x2000, $0x38;
	[tilespmem:$0x1F000] =	vst v63  }
0xcc: {  	_ =	swait.ge [sflag:s25], $0x2000  }
0xcd: {  	[sflag:s25] =	ssyncset.done $0x0  }
0xce: {  	[sflag:s25] =	ssyncadd.s32 $0xFFFFE000  }
0xcf: {  	[tilespmem:s24], [sflag:$0x9] =	stream.linear.gather [spmem:s16], $0x2000, $0x38;
	[tilespmem:$0x1F000] =	vst v63  }
0xd0: {  	_ =	swait.ge [sflag:s25], $0x2000  }
0xd1: {  	[sflag:s25] =	ssyncset.done $0x0  }
0xd2: {  	[sflag:s25] =	ssyncadd.s32 $0xFFFFE000  }
0xd3: {  	[hbm4b:s17+s4] =	stream.linear.scatter [tilespmem:s24], [sflag:$0x9], $0x2000, $0x38;
	[tilespmem:$0x1F000] =	vst v63  }
0xd4: {  	_ =	swait.ge [sflag:s25], $0x2000  }
0xd5: {  	[sflag:s25] =	ssyncset.done $0x0  }
0xd6: {  	[sflag:s25] =	ssyncadd.s32 $0xFFFFE000  }
0xd7: {  	[tilespmem:s24], [sflag:$0x9] =	stream.linear.gather [spmem:s18], $0x2000, $0x38;
	[tilespmem:$0x1F000] =	vst v63  }
0xd8: {  	_ =	swait.ge [sflag:s25], $0x2000  }
0xd9: {  	[sflag:s25] =	ssyncset.done $0x0  }
0xda: {  	[sflag:s25] =	ssyncadd.s32 $0xFFFFE000  }
0xdb: {  	[hbm4b:s19+s4] =	stream.linear.scatter [tilespmem:s24], [sflag:$0x9], $0x2000, $0x38;
	[tilespmem:$0x1F000] =	vst v63  }
0xdc: {  	_ =	swait.ge [sflag:s25], $0x2000  }
0xdd: {  	[sflag:s25] =	ssyncset.done $0x0  }
0xde: {  	[sflag:s25] =	ssyncadd.s32 $0xFFFFE000  }
0xdf: {  	[tilespmem:s24], [sflag:$0x9] =	stream.linear.gather [spmem:s20], $0x2000, $0x38;
	[tilespmem:$0x1F000] =	vst v63  }
0xe0: {  	_ =	swait.ge [sflag:s25], $0x2000  }
0xe1: {  	[sflag:s25] =	ssyncset.done $0x0  }
0xe2: {  	[sflag:s25] =	ssyncadd.s32 $0xFFFFE000  }
0xe3: {  	[hbm4b:s21+s4] =	stream.linear.scatter [tilespmem:s24], [sflag:$0x9], $0x2000, $0x38;
	[tilespmem:$0x1F000] =	vst v63  }
0xe4: {  	_ =	swait.ge [sflag:s25], $0x2000  }
0xe5: {  	[sflag:s25] =	ssyncset.done $0x0  }
0xe6: {  	[sflag:s25] =	ssyncadd.s32 $0xFFFFE000  }
0xe7: {  	[tilespmem:s24], [sflag:$0x9] =	stream.linear.gather [spmem:s22], $0x2000, $0x38;
	[tilespmem:$0x1F000] =	vst v63  }
0xe8: {  	_ =	swait.ge [sflag:s25], $0x2000  }
0xe9: {  	[sflag:s25] =	ssyncset.done $0x0  }
0xea: {  	[sflag:s25] =	ssyncadd.s32 $0xFFFFE000  }
0xeb: {  	[hbm4b:s23+s4] =	stream.linear.scatter [tilespmem:s24], [sflag:$0x9], $0x2000, $0x38;
	[tilespmem:$0x1F000] =	vst v63  }
0xec: {  	_ =	swait.ge [sflag:s25], $0x2000  }
0xed: {  	s12 =	sadd.s32 $0x1, s12;
	s15 =	rddreg [dreg:$0x8]  }
0xee: {  	p0 =	sne.s32 s12, s15  }
.Ltmp1:
0xef: {  	_ = 	snop;
	(pc) =	sbr.rel @p0 .LBB2_1-.Ltmp1, $3  }
0xf0: {  	_ =	sdelay $0x1  }
0xf1: {  	[sflag:s25] =	ssyncset.done $0x0  }
0xf2: {  	[sflag:s25] =	ssyncadd.s32 $0xFFFFE000  }
0xf3: {  	_ =	sfence.sel $0x180000  }
0xf4: {  	[bflag:$0x0] =	sbarrier.arrive $0xFFFF  }
0xf5: {  	_ =	strace $0x90000050  }
0xf6: {  	s0 =	stileid.u32;
	[bflag:$0x2] =	sbarrier.arrive $0xFFFF  }
0xf7: {  	p0 =	sne.s32 s0, $0x0;
	s0 =	rddreg [dreg:$0x3]  }
0xf8: {  	s0 =	sadd.s32 @!p0 $0x100000, s0  }
0xf9: {  	[sflag:s0] =	ssyncadd.tile.s32 @!p0 $0x1;
	_ =	shalt  }
.Lfunc_end2:
_tile_overlayer_lowered:
.L_overlay_start_2:
0xfa: {  	(tag) =	ssettag $0x2  }
0xfb: {  	s0 =	rddreg [dreg:$0x0];
	s2 =	stileid.u32  }
0xfc: {  	s1 =	rddreg [dreg:$0x1];
	p0 =	sne.s32 s2, $0x0  }
0xfd: {  	s3 =	rddreg [dreg:$0x2];
	[bflag:$0x3] =	sbarrier.arrive $0xFFFF;
	s2 =	simm.s32 @!p0 $0x1C09  }
0xfe: {  	[timem:s3], [sflag:s2] =	dma.local @!p0 [hbm:s0], s1  }
0xff: {  	s0 =	simm.s32 @!p0 $0x9  }
0x100: {  	_ =	swait.ge @!p0 [sflag:s0], s1  }
0x101: {  	s1 =	ssub.s32 @!p0 $0x0, s1;
	[sflag:s0] =	ssyncset.done @!p0 $0x0  }
0x102: {  	[sflag:s0] =	ssyncadd.s32 @!p0 s1  }
0x103: {  	[bflag:$0x3] =	sbarrier.arrive $0xFFFF  }
0x104: {  	_ =	shalt  }

// kernel: kernel.20.cloned.1.call-start
scs
__scs_entry_jumppad:
0x0: {  	(pc) =	sbr.rel $0x88, $3  }
0x1: {  	(tag) =	ssettag $0x0;
	lr =	simm.s32 $0x1  }
0x2: {  	[smem:$0x3F96] =	sst lr;
	_ =	strace $0xD0000000  }
0x3: {  	_ = 	snop  }
0x4: {  	_ = 	snop  }
0x5: {  	_ = 	snop  }
0x6: {  	_ = 	snop  }
0x7: {  	_ = 	snop  }
__scs_overlays_trampoline_lowered:
0x8: {  	[smem:$0x3FA5] =	sst s0  }
0x9: {  	[smem:$0x3FA6] =	sst s1  }
0xa: {  	[smem:$0x3FA7] =	sst s2  }
0xb: {  	[smem:$0x3FA8] =	sst s3  }
0xc: {  	[smem:$0x3FA9] =	sst s4  }
0xd: {  	[smem:$0x3FAA] =	sst s5  }
0xe: {  	[smem:$0x3FAB] =	sst s6  }
0xf: {  	[smem:$0x3FAC] =	sst s7  }
0x10: {  	[smem:$0x3FAD] =	sst s8  }
0x11: {  	[smem:$0x3FAE] =	sst s9;
	s0 =	simm.s32 @!p0 $0x0  }
0x12: {  	s1 =	sld [smem:$0x3F94];
	s0 =	simm.s32 @p0 $0x1  }
0x13: {  	[smem:$0x3FAF] =	sst s0;
	s0 =	simm.s32 @!p1 $0x0  }
0x14: {  	s2 =	sld [smem:$0x3F93];
	s0 =	simm.s32 @p1 $0x1  }
0x15: {  	[smem:$0x3FB0] =	sst s0;
	s0 =	simm.s32 @!p2 $0x0  }
0x16: {  	s3 =	sld [smem:$0x3FDB];
	s0 =	simm.s32 @p2 $0x1  }
0x17: {  	s4 =	simm.s32 $0x1BF5;
	[smem:$0x3FB2] =	sst s0  }
0x18: {  	s0 =	sld [smem:$0x3F95];
	_ =	swait.ge [sflag:s4], $0x0  }
0x19: {  	s7 =	sld [smem:$0x3F96]  }
0x1a: {  	s8 =	sadd.s32 $0xFFFFE003, lr  }
0x1b: {  	s9 =	sadd.s32 $0xFFFFFEF7, lr;
	s5 =	simm.s32 $0xFFFFFFFF;
	p2 =	slt.u32 s8, $0xFFFFF086  }
0x1c: {  	p1 =	slt.u32 s9, $0xF7A;
	s5 =	simm.s32 @!p2 $0x0  }
0x1d: {  	s5 =	simm.s32 @p1 $0x1;
	p0 =	seq.s32 s7, s2  }
0x1e: {  	s7 =	smul.u32 @!p0 $0xF7A, s2;
	p2 =	seq.s32 @!p0 s5, $0x0  }
0x1f: {  	s9 =	smul.u32 $0xF7A, s1;
	s8 =	simm.s32 @!p0 $0x1BF5;
	p2 =	por !p2, p0  }
0x20: {  	[sflag:s8] =	ssyncset.s32 @!p0 $0xFFFFF086;
	s6 =	sadd.s32 @!p0 s3, s7;
	s7 =	simm.s32 @!p0 $0x108  }
0x21: {  	s3 =	sadd.s32 s3, s9;
	s6 =	sadd.s32 @!p0 $0x88, s6;
	s7 =	simm.s32 @p2 $0x1082  }
0x22: {  	[simem:s7], [sflag:s8] =	dma.local @!p0 [hbm:s6], $0xF7A  }
0x23: {  	s9 =	sor.u32 $0xD0000000, s2;
	s6 =	simm.s32 $0x108;
	_ =	swait.ge @!p0 [sflag:s8], $0x0  }
0x24: {  	s3 =	sadd.s32 $0x88, s3;
	s6 =	simm.s32 @!p1 $0x1082;
	[sflag:s4] =	ssyncset.s32 $0xFFFFF086  }
0x25: {  	[simem:s6], [sflag:s4] =	dma.local [hbm:s3], $0xF7A  }
0x26: {  	[smem:$0x3F96] =	sst s1;
	(tag) =	ssettag s2;
	_ =	strace s9  }
0x27: {  	s1 =	sld [smem:$0x3FA6]  }
0x28: {  	s2 =	sld [smem:$0x3FA7]  }
0x29: {  	s4 =	sld [smem:$0x3FA9]  }
0x2a: {  	p0 =	seq.s32 s5, $0x0;
	s5 =	sld [smem:$0x3FAA]  }
0x2b: {  	s6 =	sld [smem:$0x3FAB]  }
0x2c: {  	s7 =	sld [smem:$0x3FAC]  }
0x2d: {  	s3 =	simm.s32 $0x108;
	s8 =	sld [smem:$0x3FAD]  }
0x2e: {  	s3 =	simm.s32 @!p0 $0x1082;
	s9 =	sld [smem:$0x3FAE]  }
0x2f: {  	lr =	sadd.s32 s0, s3;
	s0 =	sld [smem:$0x3FA5]  }
0x30: {  	s3 =	sld [smem:$0x3FA8]  }
0x31: {  	[smem:$0x3FB1] =	sst s10  }
0x32: {  	s10 =	sld [smem:$0x3FAF];
	_ =	sdelay $0x3  }
0x33: {  	p0 =	seq.s32 s10, $0x1;
	s10 =	sld [smem:$0x3FB1];
	_ =	sdelay $0x3  }
0x34: {  	[smem:$0x3FB1] =	sst s10  }
0x35: {  	s10 =	sld [smem:$0x3FB0];
	_ =	sdelay $0x3  }
0x36: {  	p1 =	seq.s32 s10, $0x1;
	s10 =	sld [smem:$0x3FB1];
	_ =	sdelay $0x3  }
0x37: {  	[smem:$0x3FB1] =	sst s10  }
0x38: {  	s10 =	sld [smem:$0x3FB2]  }
0x39: {  	_ = 	snop;
	(pc) =	sbr.ind lr, $3  }
0x3a: {  	_ = 	snop  }
0x3b: {  	_ = 	snop  }
0x3c: {  	p2 =	seq.s32 s10, $0x1;
	s10 =	sld [smem:$0x3FB1]  }
0x3d: {  	_ =	shalt  }
0x3e: {  	_ =	shalt  }
0x3f: {  	_ =	shalt  }
0x40: {  	_ =	shalt  }
0x41: {  	_ =	shalt  }
0x42: {  	_ =	shalt  }
0x43: {  	_ =	shalt  }
0x44: {  	_ =	shalt  }
0x45: {  	_ =	shalt  }
0x46: {  	_ =	shalt  }
0x47: {  	_ =	shalt  }
0x48: {  	_ =	shalt  }
0x49: {  	_ =	shalt  }
0x4a: {  	_ =	shalt  }
0x4b: {  	_ =	shalt  }
0x4c: {  	_ =	shalt  }
0x4d: {  	_ =	shalt  }
0x4e: {  	_ =	shalt  }
0x4f: {  	_ =	shalt  }
0x50: {  	_ =	shalt  }
0x51: {  	_ =	shalt  }
0x52: {  	_ =	shalt  }
0x53: {  	_ =	shalt  }
0x54: {  	_ =	shalt  }
0x55: {  	_ =	shalt  }
0x56: {  	_ =	shalt  }
0x57: {  	_ =	shalt  }
0x58: {  	_ =	shalt  }
0x59: {  	_ =	shalt  }
0x5a: {  	_ =	shalt  }
0x5b: {  	_ =	shalt  }
0x5c: {  	_ =	shalt  }
0x5d: {  	_ =	shalt  }
0x5e: {  	_ =	shalt  }
0x5f: {  	_ =	shalt  }
0x60: {  	_ =	shalt  }
0x61: {  	_ =	shalt  }
0x62: {  	_ =	shalt  }
0x63: {  	_ =	shalt  }
0x64: {  	_ =	shalt  }
0x65: {  	_ =	shalt  }
0x66: {  	_ =	shalt  }
0x67: {  	_ =	shalt  }
0x68: {  	_ =	shalt  }
0x69: {  	_ =	shalt  }
0x6a: {  	_ =	shalt  }
0x6b: {  	_ =	shalt  }
0x6c: {  	_ =	shalt  }
0x6d: {  	_ =	shalt  }
0x6e: {  	_ =	shalt  }
0x6f: {  	_ =	shalt  }
0x70: {  	_ =	shalt  }
0x71: {  	_ =	shalt  }
0x72: {  	_ =	shalt  }
0x73: {  	_ =	shalt  }
0x74: {  	_ =	shalt  }
0x75: {  	_ =	shalt  }
0x76: {  	_ =	shalt  }
0x77: {  	_ =	shalt  }
0x78: {  	_ =	shalt  }
0x79: {  	_ =	shalt  }
0x7a: {  	_ =	shalt  }
0x7b: {  	_ =	shalt  }
0x7c: {  	_ =	shalt  }
0x7d: {  	_ =	shalt  }
0x7e: {  	_ =	shalt  }
0x7f: {  	_ =	shalt  }
0x80: {  	_ =	shalt  }
0x81: {  	_ =	shalt  }
0x82: {  	_ =	shalt  }
0x83: {  	_ =	shalt  }
0x84: {  	_ =	shalt  }
0x85: {  	_ =	shalt  }
0x86: {  	_ =	shalt  }
0x87: {  	_ =	shalt  }
.Lfunc_end0:
.L_simem_size_0:
called_computation.3_lowered:
.L_overlay_start_0:
0x88: {  	s2 =	sld [smem:$0x3FD9]  }
0x89: {  	s3 =	sld [smem:$0x3FFE];
	_ =	sdelay $0x1  }
0x8a: {  	s1 =	srdreg.scid  }
0x8b: {  	s0 =	sand.u32 $0x1, s1  }
0x8c: {  	s16 =	sshll.u32 s0, $0xA;
	s2 =	sadd.s32 s3, s2  }
0x8d: {  	s2 =	sadd.s32 s2, s16  }
0x8e: {  	[smem:$0x3FBD] =	sst s2  }
0x8f: {  	_ = 	snop  }
0x90: {  	(tm) =	ssettm $0x1  }
0x91: {  	s17 =	sld [smem:$0x3FFB];
	_ =	sdelay $0x3  }
0x92: {  	_ =	strace s17  }
0x93: {  	s2 =	sld [smem:$0x3FFC];
	_ =	sdelay $0x3  }
0x94: {  	_ =	strace s2  }
0x95: {  	s2 =	sld [smem:$0x3FFD];
	_ =	sdelay $0x3  }
0x96: {  	_ =	strace s2  }
0x97: {  	_ =	strace $0x8FFFFFFF  }
0x98: {  	s18 =	sld [smem:$0x3FDB];
	_ =	sdelay $0x1  }
0x99: {  	s19 =	simm.s32 $_scs_section_size  }
0x9a: {  	s4 =	simm.s32 $_size__tile_overlayer_lowered;
	s5 =	simm.s32 $_tile_overlayer_lowered  }
0x9b: {  	s22 =	simm.s32 $0x1BFF;
	s21 =	sshll.u32 s5, $0x1;
	s2 =	sadd.s32 s19, s18  }
0x9c: {  	s6 =	simm.s32 $0x0;
	s20 =	sshll.u32 s4, $0x1;
	s4 =	sadd.s32 s21, s2  }
0x9d: {  	[timem:s6], [sflag:s22] =	dma.local [hbm:s4], s20  }
0x9e: {  	_ =	swait.ge [sflag:s22], s20  }
0x9f: {  	s3 =	ssub.s32 $0x0, s20;
	[sflag:s22] =	ssyncset.done $0x0  }
0xa0: {  	[sflag:s22] =	ssyncadd.s32 s3;
	_ =	sdelay $0x1  }
0xa1: {  	s23 =	simm.s32 $0x1B8B  }
0xa2: {  	_ =	swait.ge [sflag:s23], $0x1  }
0xa3: {  	[sflag:s23] =	ssyncset.done $0x0  }
0xa4: {  	s25 =	simm.s32 $0x1B8E;
	s24 =	sld [smem:$0x3FFE];
	[sflag:s23] =	ssyncadd.s32 $0xFFFFFFFF  }
0xa5: {  	s26 =	simm.s32 $execute0_lowered;
	[smem:$0x3FD2] =	sst s25  }
0xa6: {  	s4 =	sshll.u32 s26, $0x1;
	_ =	strace $0x8000004C;
	[dreg:$0x1] =	wrdreg $0xFFFFFFFF  }
0xa7: {  	s28 =	simm.s32 $_size_execute0_lowered;
	s2 =	sadd.s32 s2, s4;
	[dreg:$0x0] =	wrdreg $0x0  }
0xa8: {  	s4 =	sshll.u32 s28, $0x1;
	[dreg:$0x2] =	wrdreg s2  }
0xa9: {  	[dreg:$0x3] =	wrdreg s4  }
0xaa: {  	[dreg:$0x4] =	wrdreg $0xC0  }
0xab: {  	_ =	task [dreg:s6], $0x5FFFF  }
0xac: {  	[dreg:$0x1] =	wrdreg $0xFFFFFFFF  }
0xad: {  	[dreg:$0x0] =	wrdreg $0x60  }
0xae: {  	[dreg:$0x2] =	wrdreg s24  }
0xaf: {  	[dreg:$0x3] =	wrdreg $0x150000  }
0xb0: {  	[dreg:$0x4] =	wrdreg $0xA  }
0xb1: {  	_ =	task.clear_ibuf [dreg:s6], $0x5FFFF;
	_ =	strace $0x9000004C  }
0xb2: {  	s29 =	simm.s32 $0xA;
	_ =	strace $0x8000004E  }
0xb3: {  	_ =	swait.ge [sflag:s29], $0x1  }
0xb4: {  	[sflag:s29] =	ssyncadd.s32 $0xFFFFFFFF  }
0xb5: {  	_ =	strace $0x9000004E  }
0xb6: {  	_ =	sfence  }
0xb7: {  	s30 =	sld [smem:$0x0];
	_ =	sdelay $0x2  }
0xb8: {  	s31 =	sshll.u32 s1, $0xD;
	s1 =	sshrl.u32 s1, $0x2  }
0xb9: {  	s3 =	sand.u32 $0x4000, s31;
	s1 =	sadd.s32 s1, s30  }
0xba: {  	s0 =	sor.u32 s3, s0;
	s1 =	sshll.u32 s1, $0x11  }
0xbb: {  	s0 =	sor.u32 s1, s0  }
0xbc: {  	s0 =	sadd.s32 $0x8F2B, s0  }
0xbd: {  	[sflag:s0] =	ssyncadd.remote.s32 $0x1  }
0xbe: {  	_ =	sfence.sel $0xFFFF  }
0xbf: {  	[dreg:$0x0] =	wrdreg $0xFFFFFFFF;
	(pc) =	sbr.abs _section_cstart, $3  }
0xc0: {  	[dreg:$0x1] =	wrdreg $0xFFFFFFFF  }
0xc1: {  	_ =	task.clear_ibuf [dreg:s6], $0x2FFFF;
	_ =	strace $0x9FFFFFFF  }
0xc2: {  	(tm) =	ssettm $0x7FFFFFFF  }
0xc3: {  	_ =	shalt  }
tec
execute0_lowered:
.L_overlay_start_1:
0x0: {  	(tag) =	ssettag $0x1  }
0x1: {  	s0 =	srdreg.scid;
	s1 =	rddreg [dreg:$0x0]  }
0x2: {  	s2 =	rddreg [dreg:$0x1];
	s9 =	stileid.u32  }
0x3: {  	s3 =	simm.s32 $0x0;
	s28 =	simm.s32 $0x100;
	s29 =	simm.s32 $0x9000  }
0x4: {  	s31 =	simm.s32 $0xD000;
	s30 =	simm.s32 $0x11000;
	s0 =	sand.u32 $0x1, s0  }
0x5: {  	[smem:$0x7FF] =	sst s3;
	s6 =	smul.u32 $0x28000, s9;
	s7 =	sadd.s32 $0xD000, s1  }
0x6: {  	s4 =	sshll.u32 s0, $0x4;
	_ =	strace $0x8000004D;
	[dreg:$0x3] =	wrdreg s7  }
0x7: {  	s24 =	ssub.s32 $0x2, s0;
	s0 =	smul.u32 $0x140000, s0;
	s4 =	sor.u32 s9, s4  }
0x8: {  	s8 =	sshrl.u32 s24, $0x1;
	s6 =	sshrl.u32 s6, $0x2;
	s9 =	smul.u32 $0x14000, s9  }
0x9: {  	s5 =	smul.u32 $0x500, s4;
	s4 =	sadd.s32 $0x65A00, s1;
	s7 =	ssub.s32 s24, s8  }
0xa: {  	s6 =	sadd.s32 s6, s2;
	s8 =	simm.s32 $0x6;
	s26 =	sshrl.u32 s9, $0x1  }
0xb: {  	s11 =	smax.u32 s7, $0x1;
	s12 =	sadd.s32 $0x2000, s6;
	s13 =	sadd.s32 $0x4000, s6  }
0xc: {  	s14 =	sadd.s32 s0, s9;
	s15 =	sadd.s32 $0x6000, s6;
	[dreg:$0x7] =	wrdreg s11  }
0xd: {  	s16 =	sadd.s32 $0x4000, s9;
	s17 =	sadd.s32 $0x8000, s6;
	[dreg:$0x8] =	wrdreg s12  }
0xe: {  	s19 =	sadd.s32 $0x8000, s9;
	s22 =	sadd.s32 $0xC000, s9;
	[dreg:$0x9] =	wrdreg s13  }
0xf: {  	s5 =	sadd.s32 s5, s1;
	s1 =	sadd.s32 $0x79400, s1;
	[dreg:$0xa] =	wrdreg s15  }
0x10: {  	s10 =	sadd.s32 s26, s2;
	[dreg:$0xb] =	wrdreg s17;
	s18 =	sadd.s32 s0, s16  }
0x11: {  	s7 =	sshrl.u32 s16, $0x1;
	s20 =	sadd.s32 s0, s19;
	s21 =	sshrl.u32 s19, $0x1  }
0x12: {  	s23 =	sshrl.u32 s22, $0x1;
	s24 =	sadd.s32 s0, s22;
	s11 =	simm.s32 $0x8  }
0x13: {  	s12 =	simm.s32 $0x0;
	s25 =	sadd.s32 $0xD800, s5;
	[dreg:$0x6] =	wrdreg s10  }
0x14: {  	s5 =	sadd.s32 $0x2E00, s5;
	s16 =	sadd.s32 s7, s2;
	[dreg:$0x4] =	wrdreg s25  }
0x15: {  	s7 =	simm.s32 $0x3;
	s10 =	simm.s32 $0x7;
	[dreg:$0x5] =	wrdreg s5  }
0x16: {  	s5 =	sshrl.u32 s14, $0x4;
	s25 =	sadd.s32 $0x10000, s9;
	s9 =	simm.s32 $0x4  }
0x17: {  	s5 =	sadd.s32 s1, s5;
	s26 =	sshrl.u32 s25, $0x1;
	s0 =	sadd.s32 s0, s25  }
0x18: {  	s25 =	simm.s32 $0x9;
	[dreg:$0xc] =	wrdreg s5;
	s5 =	sshrl.u32 s18, $0x4  }
0x19: {  	s18 =	sadd.s32 s21, s2;
	s22 =	sadd.s32 s26, s2;
	s0 =	sshrl.u32 s0, $0x4  }
0x1a: {  	s26 =	simm.s32 $0x2800;
	s17 =	sadd.s32 s1, s5;
	s5 =	sshrl.u32 s20, $0x4  }
0x1b: {  	s20 =	sadd.s32 s23, s2;
	s23 =	sadd.s32 s1, s0;
	s0 =	simm.s32 $0x1  }
0x1c: {  	s19 =	sadd.s32 s1, s5;
	s5 =	sshrl.u32 s24, $0x4;
	s24 =	simm.s32 $0x5000  }
0x1d: {  	s21 =	sadd.s32 s1, s5;
	s1 =	simm.s32 $0x2;
	s5 =	simm.s32 $0x5  }
.LBB2_1:
0x1e: {  	s13 =	rddreg [dreg:$0x3]  }
0x1f: {  	[tilespmem:s24], [sflag:$0x9] =	stream.linear.gather [hbm4b:s13+s3], $0x4000, $0x38;
	[tilespmem:$0x1F000] =	vst v63  }
0x20: {  	_ =	swait.ge [sflag:s25], $0x4000  }
0x21: {  	[sflag:s25] =	ssyncset.done $0x0  }
0x22: {  	[sflag:s25] =	ssyncadd.s32 $0xFFFFC000  }
0x23: {  	[spmem:s6] =	stream.linear.scatter [tilespmem:s24], [sflag:$0x9], $0x2000, $0x38;
	[tilespmem:$0x1F000] =	vst v63  }
0x24: {  	_ =	swait.ge [sflag:s25], $0x2000  }
0x25: {  	[sflag:s25] =	ssyncset.done $0x0  }
0x26: {  	s14 =	rddreg [dreg:$0x8];
	[sflag:s25] =	ssyncadd.s32 $0xFFFFE000  }
0x27: {  	[spmem:s14] =	stream.linear.scatter [tilespmem:s24], [sflag:$0x9], $0x2000, $0x38;
	[tilespmem:$0x1F000] =	vst v63  }
0x28: {  	_ =	swait.ge [sflag:s25], $0x2000  }
0x29: {  	[sflag:s25] =	ssyncset.done $0x0  }
0x2a: {  	s15 =	rddreg [dreg:$0x9];
	[sflag:s25] =	ssyncadd.s32 $0xFFFFE000  }
0x2b: {  	[spmem:s15] =	stream.linear.scatter [tilespmem:s24], [sflag:$0x9], $0x2000, $0x38;
	[tilespmem:$0x1F000] =	vst v63  }
0x2c: {  	_ =	swait.ge [sflag:s25], $0x2000  }
0x2d: {  	[sflag:s25] =	ssyncset.done $0x0  }
0x2e: {  	s14 =	rddreg [dreg:$0xa];
	[sflag:s25] =	ssyncadd.s32 $0xFFFFE000  }
0x2f: {  	[spmem:s14] =	stream.linear.scatter [tilespmem:s24], [sflag:$0x9], $0x2000, $0x38;
	[tilespmem:$0x1F000] =	vst v63  }
0x30: {  	_ =	swait.ge [sflag:s25], $0x2000  }
0x31: {  	[sflag:s25] =	ssyncset.done $0x0  }
0x32: {  	s15 =	rddreg [dreg:$0xb];
	[sflag:s25] =	ssyncadd.s32 $0xFFFFE000  }
0x33: {  	[spmem:s15] =	stream.linear.scatter [tilespmem:s24], [sflag:$0x9], $0x2000, $0x38;
	[tilespmem:$0x1F000] =	vst v63  }
0x34: {  	_ =	swait.ge [sflag:s25], $0x2000  }
0x35: {  	[sflag:s25] =	ssyncset.done $0x0  }
0x36: {  	s14 =	rddreg [dreg:$0x4];
	[sflag:s25] =	ssyncadd.s32 $0xFFFFE000  }
0x37: {  	[tilespmem:s3], [sflag:$0x9] =	stream.linear.gather [hbm4b:s14+s3], $0x2800, $0x38;
	[tilespmem:$0x1F000] =	vst v63  }
0x38: {  	_ =	swait.ge [sflag:s25], $0x2800  }
0x39: {  	[sflag:s25] =	ssyncset.done $0x0  }
0x3a: {  	s15 =	rddreg [dreg:$0x5];
	[sflag:s25] =	ssyncadd.s32 $0xFFFFD800  }
0x3b: {  	[tilespmem:s26], [sflag:$0x9] =	stream.linear.gather [hbm4b:s15+s3], $0x2800, $0x38;
	[tilespmem:$0x1F000] =	vst v63  }
0x3c: {  	_ =	swait.ge [sflag:s25], $0x2800  }
0x3d: {  	[sflag:s25] =	ssyncset.done $0x0  }
0x3e: {  	[sflag:s25] =	ssyncadd.s32 $0xFFFFD800  }
0x3f: {  	[bflag:$0x0] =	sbarrier.arrive $0xFFFF  }
0x40: {  	[tilespmem:s24], [sflag:$0x1] =	stream.indirect.gather [hbm4b:s4+s28], $0x40, s3, s28, $0xb8;
	[tilespmem:$0x1F000] =	vst v63  }
0x41: {  	_ = 	snop  }
0x42: {  	[tilespmem:s29], [sflag:$0x2] =	stream.indirect.gather [hbm4b:s4+s28], $0x40, s28, s28, $0xb8;
	[tilespmem:$0x1F000] =	vst v63  }
0x43: {  	s14 =	simm.s32 $0x200  }
0x44: {  	[tilespmem:s31], [sflag:$0x3] =	stream.indirect.gather [hbm4b:s4+s28], $0x40, s14, s28, $0xb8;
	[tilespmem:$0x1F000] =	vst v63  }
0x45: {  	_ =	swait.ge [sflag:s0], $0x4000  }
0x46: {  	[sflag:s0] =	ssyncset.done $0x0  }
0x47: {  	[sflag:s0] =	ssyncadd.s32 $0xFFFFC000  }
0x48: {  	[spmem:s2] =	stream.indirect.scatter.add.bf16 [tilespmem:s24], [sflag:$0x5], $0x40, s26, s28, $0xb8;
	[tilespmem:$0x1F000] =	vst v63  }
0x49: {  	s15 =	simm.s32 $0x300  }
0x4a: {  	[tilespmem:s30], [sflag:$0x4] =	stream.indirect.gather [hbm4b:s4+s28], $0x40, s15, s28, $0xb8;
	[tilespmem:$0x1F000] =	vst v63  }
0x4b: {  	_ =	swait.ge [sflag:s1], $0x4000  }
0x4c: {  	[sflag:s1] =	ssyncset.done $0x0  }
0x4d: {  	s14 =	simm.s32 $0x2900;
	[sflag:s1] =	ssyncadd.s32 $0xFFFFC000  }
0x4e: {  	[spmem:s2] =	stream.indirect.scatter.add.bf16 [tilespmem:s29], [sflag:$0x6], $0x40, s14, s28, $0xb8;
	[tilespmem:$0x1F000] =	vst v63  }
0x4f: {  	_ =	swait.ge [sflag:s5], $0x4000  }
0x50: {  	[sflag:s5] =	ssyncset.done $0x0  }
0x51: {  	s15 =	simm.s32 $0x400;
	[sflag:s5] =	ssyncadd.s32 $0xFFFFC000  }
0x52: {  	[tilespmem:s24], [sflag:$0x1] =	stream.indirect.gather [hbm4b:s4+s28], $0x40, s15, s28, $0xb8;
	[tilespmem:$0x1F000] =	vst v63  }
0x53: {  	_ =	swait.ge [sflag:s7], $0x4000  }
0x54: {  	[sflag:s7] =	ssyncset.done $0x0  }
0x55: {  	s14 =	simm.s32 $0x2A00;
	[sflag:s7] =	ssyncadd.s32 $0xFFFFC000  }
0x56: {  	[spmem:s2] =	stream.indirect.scatter.add.bf16 [tilespmem:s31], [sflag:$0x7], $0x40, s14, s28, $0xb8;
	[tilespmem:$0x1F000] =	vst v63  }
0x57: {  	_ =	swait.ge [sflag:s8], $0x4000  }
0x58: {  	[sflag:s8] =	ssyncset.done $0x0  }
0x59: {  	s15 =	simm.s32 $0x500;
	[sflag:s8] =	ssyncadd.s32 $0xFFFFC000  }
0x5a: {  	[tilespmem:s29], [sflag:$0x2] =	stream.indirect.gather [hbm4b:s4+s28], $0x40, s15, s28, $0xb8;
	[tilespmem:$0x1F000] =	vst v63  }
0x5b: {  	_ =	swait.ge [sflag:s9], $0x4000  }
0x5c: {  	[sflag:s9] =	ssyncset.done $0x0  }
0x5d: {  	s14 =	simm.s32 $0x2B00;
	[sflag:s9] =	ssyncadd.s32 $0xFFFFC000  }
0x5e: {  	[spmem:s2] =	stream.indirect.scatter.add.bf16 [tilespmem:s30], [sflag:$0x8], $0x40, s14, s28, $0xb8;
	[tilespmem:$0x1F000] =	vst v63  }
0x5f: {  	_ =	swait.ge [sflag:s10], $0x4000  }
0x60: {  	[sflag:s10] =	ssyncset.done $0x0  }
0x61: {  	s15 =	simm.s32 $0x600;
	[sflag:s10] =	ssyncadd.s32 $0xFFFFC000  }
0x62: {  	[tilespmem:s31], [sflag:$0x3] =	stream.indirect.gather [hbm4b:s4+s28], $0x40, s15, s28, $0xb8;
	[tilespmem:$0x1F000] =	vst v63  }
0x63: {  	_ =	swait.ge [sflag:s0], $0x4000  }
0x64: {  	[sflag:s0] =	ssyncset.done $0x0  }
0x65: {  	s14 =	simm.s32 $0x2C00;
	[sflag:s0] =	ssyncadd.s32 $0xFFFFC000  }
0x66: {  	[spmem:s2] =	stream.indirect.scatter.add.bf16 [tilespmem:s24], [sflag:$0x5], $0x40, s14, s28, $0xb8;
	[tilespmem:$0x1F000] =	vst v63  }
0x67: {  	_ =	swait.ge [sflag:s11], $0x4000  }
0x68: {  	[sflag:s11] =	ssyncset.done $0x0  }
0x69: {  	s15 =	simm.s32 $0x700;
	[sflag:s11] =	ssyncadd.s32 $0xFFFFC000  }
0x6a: {  	[tilespmem:s30], [sflag:$0x4] =	stream.indirect.gather [hbm4b:s4+s28], $0x40, s15, s28, $0xb8;
	[tilespmem:$0x1F000] =	vst v63  }
0x6b: {  	_ =	swait.ge [sflag:s1], $0x4000  }
0x6c: {  	[sflag:s1] =	ssyncset.done $0x0  }
0x6d: {  	s14 =	simm.s32 $0x2D00;
	[sflag:s1] =	ssyncadd.s32 $0xFFFFC000  }
0x6e: {  	[spmem:s2] =	stream.indirect.scatter.add.bf16 [tilespmem:s29], [sflag:$0x6], $0x40, s14, s28, $0xb8;
	[tilespmem:$0x1F000] =	vst v63  }
0x6f: {  	_ =	swait.ge [sflag:s5], $0x4000  }
0x70: {  	[sflag:s5] =	ssyncset.done $0x0  }
0x71: {  	s15 =	simm.s32 $0x800;
	[sflag:s5] =	ssyncadd.s32 $0xFFFFC000  }
0x72: {  	[tilespmem:s24], [sflag:$0x1] =	stream.indirect.gather [hbm4b:s4+s28], $0x40, s15, s28, $0xb8;
	[tilespmem:$0x1F000] =	vst v63  }
0x73: {  	_ =	swait.ge [sflag:s7], $0x4000  }
0x74: {  	[sflag:s7] =	ssyncset.done $0x0  }
0x75: {  	s14 =	simm.s32 $0x2E00;
	[sflag:s7] =	ssyncadd.s32 $0xFFFFC000  }
0x76: {  	[spmem:s2] =	stream.indirect.scatter.add.bf16 [tilespmem:s31], [sflag:$0x7], $0x40, s14, s28, $0xb8;
	[tilespmem:$0x1F000] =	vst v63  }
0x77: {  	_ =	swait.ge [sflag:s8], $0x4000  }
0x78: {  	[sflag:s8] =	ssyncset.done $0x0  }
0x79: {  	s15 =	simm.s32 $0x900;
	[sflag:s8] =	ssyncadd.s32 $0xFFFFC000  }
0x7a: {  	[tilespmem:s29], [sflag:$0x2] =	stream.indirect.gather [hbm4b:s4+s28], $0x40, s15, s28, $0xb8;
	[tilespmem:$0x1F000] =	vst v63  }
0x7b: {  	_ =	swait.ge [sflag:s9], $0x4000  }
0x7c: {  	[sflag:s9] =	ssyncset.done $0x0  }
0x7d: {  	s13 =	simm.s32 $0x1000;
	s14 =	simm.s32 $0x2F00;
	[sflag:s9] =	ssyncadd.s32 $0xFFFFC000  }
.LBB2_2:
0x7e: {  	[spmem:s2] =	stream.indirect.scatter.add.bf16 [tilespmem:s30], [sflag:$0x8], $0x40, s14, s28, $0xb8;
	[tilespmem:$0x1F000] =	vst v63  }
0x7f: {  	s14 =	smov.u32 s13  }
0x80: {  	p0 =	sne.s32 s13, $0x7000;
	s13 =	sadd.s32 $0x1000, s13;
	_ =	swait.ge [sflag:s10], $0x4000  }
0x81: {  	s14 =	sshra.s32 s14, $0x2;
	[sflag:s10] =	ssyncset.done $0x0  }
0x82: {  	s15 =	sadd.s32 $0x600, s14;
	[sflag:s10] =	ssyncadd.s32 $0xFFFFC000  }
0x83: {  	[tilespmem:s31], [sflag:$0x3] =	stream.indirect.gather [hbm4b:s4+s28], $0x40, s15, s28, $0xb8;
	[tilespmem:$0x1F000] =	vst v63  }
0x84: {  	_ =	swait.ge [sflag:s0], $0x4000  }
0x85: {  	[sflag:s0] =	ssyncset.done $0x0  }
0x86: {  	s15 =	sadd.s32 $0x2C00, s14;
	[sflag:s0] =	ssyncadd.s32 $0xFFFFC000  }
0x87: {  	[spmem:s2] =	stream.indirect.scatter.add.bf16 [tilespmem:s24], [sflag:$0x5], $0x40, s15, s28, $0xb8;
	[tilespmem:$0x1F000] =	vst v63  }
0x88: {  	_ =	swait.ge [sflag:s11], $0x4000  }
0x89: {  	[sflag:s11] =	ssyncset.done $0x0  }
0x8a: {  	s15 =	sadd.s32 $0x700, s14;
	[sflag:s11] =	ssyncadd.s32 $0xFFFFC000  }
0x8b: {  	[tilespmem:s30], [sflag:$0x4] =	stream.indirect.gather [hbm4b:s4+s28], $0x40, s15, s28, $0xb8;
	[tilespmem:$0x1F000] =	vst v63  }
0x8c: {  	_ =	swait.ge [sflag:s1], $0x4000  }
0x8d: {  	[sflag:s1] =	ssyncset.done $0x0  }
0x8e: {  	s15 =	sadd.s32 $0x2D00, s14;
	[sflag:s1] =	ssyncadd.s32 $0xFFFFC000  }
0x8f: {  	[spmem:s2] =	stream.indirect.scatter.add.bf16 [tilespmem:s29], [sflag:$0x6], $0x40, s15, s28, $0xb8;
	[tilespmem:$0x1F000] =	vst v63  }
0x90: {  	_ =	swait.ge [sflag:s5], $0x4000  }
0x91: {  	[sflag:s5] =	ssyncset.done $0x0  }
0x92: {  	s15 =	sadd.s32 $0x800, s14;
	[sflag:s5] =	ssyncadd.s32 $0xFFFFC000  }
0x93: {  	[tilespmem:s24], [sflag:$0x1] =	stream.indirect.gather [hbm4b:s4+s28], $0x40, s15, s28, $0xb8;
	[tilespmem:$0x1F000] =	vst v63  }
0x94: {  	_ =	swait.ge [sflag:s7], $0x4000  }
0x95: {  	[sflag:s7] =	ssyncset.done $0x0  }
0x96: {  	s15 =	sadd.s32 $0x2E00, s14;
	[sflag:s7] =	ssyncadd.s32 $0xFFFFC000  }
0x97: {  	[spmem:s2] =	stream.indirect.scatter.add.bf16 [tilespmem:s31], [sflag:$0x7], $0x40, s15, s28, $0xb8;
	[tilespmem:$0x1F000] =	vst v63  }
0x98: {  	_ =	swait.ge [sflag:s8], $0x4000  }
0x99: {  	[sflag:s8] =	ssyncset.done $0x0  }
.Ltmp0:
0x9a: {  	s15 =	sadd.s32 $0x900, s14;
	[sflag:s8] =	ssyncadd.s32 $0xFFFFC000;
	(pc) =	sbr.rel @p0 .LBB2_2-.Ltmp0, $4  }
0x9b: {  	[tilespmem:s29], [sflag:$0x2] =	stream.indirect.gather [hbm4b:s4+s28], $0x40, s15, s28, $0xb8;
	[tilespmem:$0x1F000] =	vst v63  }
0x9c: {  	_ =	swait.ge [sflag:s9], $0x4000  }
0x9d: {  	[sflag:s9] =	ssyncset.done $0x0  }
0x9e: {  	s14 =	sadd.s32 $0x2F00, s14;
	[sflag:s9] =	ssyncadd.s32 $0xFFFFC000  }
0x9f: {  	[spmem:s2] =	stream.indirect.scatter.add.bf16 [tilespmem:s30], [sflag:$0x8], $0x40, s14, s28, $0xb8;
	[tilespmem:$0x1F000] =	vst v63  }
0xa0: {  	_ =	swait.ge [sflag:s10], $0x4000  }
0xa1: {  	[sflag:s10] =	ssyncset.done $0x0  }
0xa2: {  	s13 =	simm.s32 $0x2600;
	[sflag:s10] =	ssyncadd.s32 $0xFFFFC000  }
0xa3: {  	[tilespmem:s31], [sflag:$0x3] =	stream.indirect.gather [hbm4b:s4+s28], $0x40, s13, s28, $0xb8;
	[tilespmem:$0x1F000] =	vst v63  }
0xa4: {  	_ =	swait.ge [sflag:s0], $0x4000  }
0xa5: {  	[sflag:s0] =	ssyncset.done $0x0  }
0xa6: {  	s14 =	simm.s32 $0x4C00;
	[sflag:s0] =	ssyncadd.s32 $0xFFFFC000  }
0xa7: {  	[spmem:s2] =	stream.indirect.scatter.add.bf16 [tilespmem:s24], [sflag:$0x5], $0x40, s14, s28, $0xb8;
	[tilespmem:$0x1F000] =	vst v63  }
0xa8: {  	_ =	swait.ge [sflag:s11], $0x4000  }
0xa9: {  	[sflag:s11] =	ssyncset.done $0x0  }
0xaa: {  	s15 =	simm.s32 $0x2700;
	[sflag:s11] =	ssyncadd.s32 $0xFFFFC000  }
0xab: {  	[tilespmem:s30], [sflag:$0x4] =	stream.indirect.gather [hbm4b:s4+s28], $0x40, s15, s28, $0xb8;
	[tilespmem:$0x1F000] =	vst v63  }
0xac: {  	_ =	swait.ge [sflag:s1], $0x4000  }
0xad: {  	[sflag:s1] =	ssyncset.done $0x0  }
0xae: {  	s14 =	simm.s32 $0x4D00;
	[sflag:s1] =	ssyncadd.s32 $0xFFFFC000  }
0xaf: {  	[spmem:s2] =	stream.indirect.scatter.add.bf16 [tilespmem:s29], [sflag:$0x6], $0x40, s14, s28, $0xb8;
	[tilespmem:$0x1F000] =	vst v63  }
0xb0: {  	_ =	swait.ge [sflag:s7], $0x4000  }
0xb1: {  	[sflag:s7] =	ssyncset.done $0x0  }
0xb2: {  	s15 =	simm.s32 $0x4E00;
	[sflag:s7] =	ssyncadd.s32 $0xFFFFC000  }
0xb3: {  	[spmem:s2] =	stream.indirect.scatter.add.bf16 [tilespmem:s31], [sflag:$0x7], $0x40, s15, s28, $0xb8;
	[tilespmem:$0x1F000] =	vst v63  }
0xb4: {  	_ =	swait.ge [sflag:s9], $0x4000  }
0xb5: {  	[sflag:s9] =	ssyncset.done $0x0  }
0xb6: {  	s14 =	simm.s32 $0x4F00;
	[sflag:s9] =	ssyncadd.s32 $0xFFFFC000  }
0xb7: {  	[spmem:s2] =	stream.indirect.scatter.add.bf16 [tilespmem:s30], [sflag:$0x8], $0x40, s14, s28, $0xb8;
	[tilespmem:$0x1F000] =	vst v63  }
0xb8: {  	_ =	swait.ge [sflag:s5], $0x4000  }
0xb9: {  	[sflag:s5] =	ssyncset.done $0x0  }
0xba: {  	[sflag:s5] =	ssyncadd.s32 $0xFFFFC000  }
0xbb: {  	_ =	swait.ge [sflag:s8], $0x4000  }
0xbc: {  	[sflag:s8] =	ssyncset.done $0x0  }
0xbd: {  	[sflag:s8] =	ssyncadd.s32 $0xFFFFC000  }
0xbe: {  	_ =	swait.ge [sflag:s10], $0x4000  }
0xbf: {  	[sflag:s10] =	ssyncset.done $0x0  }
0xc0: {  	[sflag:s10] =	ssyncadd.s32 $0xFFFFC000  }
0xc1: {  	_ =	swait.ge [sflag:s11], $0x4000  }
0xc2: {  	[sflag:s11] =	ssyncset.done $0x0  }
0xc3: {  	[sflag:s11] =	ssyncadd.s32 $0xFFFFC000  }
0xc4: {  	[bflag:$0x0] =	sbarrier.arrive $0xFFFF  }
0xc5: {  	s15 =	rddreg [dreg:$0x6]  }
0xc6: {  	[tilespmem:s24], [sflag:$0x9] =	stream.linear.gather [spmem:s15], $0x2000, $0x38;
	[tilespmem:$0x1F000] =	vst v63  }
0xc7: {  	_ =	swait.ge [sflag:s25], $0x2000  }
0xc8: {  	[sflag:s25] =	ssyncset.done $0x0  }
0xc9: {  	s14 =	rddreg [dreg:$0xc];
	[sflag:s25] =	ssyncadd.s32 $0xFFFFE000  }
0xca: {  	[hbm4b:s14+s3] =	stream.linear.scatter [tilespmem:s24], [sflag:$0x9], $0x2000, $0x38;
	[tilespmem:$0x1F000] =	vst v63  }
0xcb: {  	_ =	swait.ge [sflag:s25], $0x2000  }
0xcc: {  	[sflag:s25] =	ssyncset.done $0x0  }
0xcd: {  	[sflag:s25] =	ssyncadd.s32 $0xFFFFE000  }
0xce: {  	[tilespmem:s24], [sflag:$0x9] =	stream.linear.gather [spmem:s16], $0x2000, $0x38;
	[tilespmem:$0x1F000] =	vst v63  }
0xcf: {  	_ =	swait.ge [sflag:s25], $0x2000  }
0xd0: {  	[sflag:s25] =	ssyncset.done $0x0  }
0xd1: {  	[sflag:s25] =	ssyncadd.s32 $0xFFFFE000  }
0xd2: {  	[hbm4b:s17+s3] =	stream.linear.scatter [tilespmem:s24], [sflag:$0x9], $0x2000, $0x38;
	[tilespmem:$0x1F000] =	vst v63  }
0xd3: {  	_ =	swait.ge [sflag:s25], $0x2000  }
0xd4: {  	[sflag:s25] =	ssyncset.done $0x0  }
0xd5: {  	[sflag:s25] =	ssyncadd.s32 $0xFFFFE000  }
0xd6: {  	[tilespmem:s24], [sflag:$0x9] =	stream.linear.gather [spmem:s18], $0x2000, $0x38;
	[tilespmem:$0x1F000] =	vst v63  }
0xd7: {  	_ =	swait.ge [sflag:s25], $0x2000  }
0xd8: {  	[sflag:s25] =	ssyncset.done $0x0  }
0xd9: {  	[sflag:s25] =	ssyncadd.s32 $0xFFFFE000  }
0xda: {  	[hbm4b:s19+s3] =	stream.linear.scatter [tilespmem:s24], [sflag:$0x9], $0x2000, $0x38;
	[tilespmem:$0x1F000] =	vst v63  }
0xdb: {  	_ =	swait.ge [sflag:s25], $0x2000  }
0xdc: {  	[sflag:s25] =	ssyncset.done $0x0  }
0xdd: {  	[sflag:s25] =	ssyncadd.s32 $0xFFFFE000  }
0xde: {  	[tilespmem:s24], [sflag:$0x9] =	stream.linear.gather [spmem:s20], $0x2000, $0x38;
	[tilespmem:$0x1F000] =	vst v63  }
0xdf: {  	_ =	swait.ge [sflag:s25], $0x2000  }
0xe0: {  	[sflag:s25] =	ssyncset.done $0x0  }
0xe1: {  	[sflag:s25] =	ssyncadd.s32 $0xFFFFE000  }
0xe2: {  	[hbm4b:s21+s3] =	stream.linear.scatter [tilespmem:s24], [sflag:$0x9], $0x2000, $0x38;
	[tilespmem:$0x1F000] =	vst v63  }
0xe3: {  	_ =	swait.ge [sflag:s25], $0x2000  }
0xe4: {  	[sflag:s25] =	ssyncset.done $0x0  }
0xe5: {  	[sflag:s25] =	ssyncadd.s32 $0xFFFFE000  }
0xe6: {  	[tilespmem:s24], [sflag:$0x9] =	stream.linear.gather [spmem:s22], $0x2000, $0x38;
	[tilespmem:$0x1F000] =	vst v63  }
0xe7: {  	_ =	swait.ge [sflag:s25], $0x2000  }
0xe8: {  	[sflag:s25] =	ssyncset.done $0x0  }
0xe9: {  	[sflag:s25] =	ssyncadd.s32 $0xFFFFE000  }
0xea: {  	[hbm4b:s23+s3] =	stream.linear.scatter [tilespmem:s24], [sflag:$0x9], $0x2000, $0x38;
	[tilespmem:$0x1F000] =	vst v63  }
0xeb: {  	_ =	swait.ge [sflag:s25], $0x2000  }
0xec: {  	s12 =	sadd.s32 $0x1, s12;
	s15 =	rddreg [dreg:$0x7]  }
0xed: {  	p0 =	sne.s32 s12, s15  }
.Ltmp1:
0xee: {  	_ = 	snop;
	(pc) =	sbr.rel @p0 .LBB2_1-.Ltmp1, $3  }
0xef: {  	_ =	sdelay $0x1  }
0xf0: {  	[sflag:s25] =	ssyncset.done $0x0  }
0xf1: {  	[sflag:s25] =	ssyncadd.s32 $0xFFFFE000  }
0xf2: {  	_ =	sfence.sel $0x180000  }
0xf3: {  	[bflag:$0x0] =	sbarrier.arrive $0xFFFF  }
0xf4: {  	_ =	strace $0x9000004D  }
0xf5: {  	s0 =	stileid.u32;
	[bflag:$0x2] =	sbarrier.arrive $0xFFFF  }
0xf6: {  	p0 =	sne.s32 s0, $0x0;
	s0 =	rddreg [dreg:$0x2]  }
0xf7: {  	s0 =	sadd.s32 @!p0 $0x100000, s0  }
0xf8: {  	[sflag:s0] =	ssyncadd.tile.s32 @!p0 $0x1;
	_ =	shalt  }
.Lfunc_end2:
_tile_overlayer_lowered:
.L_overlay_start_2:
0xf9: {  	(tag) =	ssettag $0x2  }
0xfa: {  	s0 =	rddreg [dreg:$0x0];
	s2 =	stileid.u32  }
0xfb: {  	s1 =	rddreg [dreg:$0x1];
	p0 =	sne.s32 s2, $0x0  }
0xfc: {  	s3 =	rddreg [dreg:$0x2];
	[bflag:$0x3] =	sbarrier.arrive $0xFFFF;
	s2 =	simm.s32 @!p0 $0x1C09  }
0xfd: {  	[timem:s3], [sflag:s2] =	dma.local @!p0 [hbm:s0], s1  }
0xfe: {  	s0 =	simm.s32 @!p0 $0x9  }
0xff: {  	_ =	swait.ge @!p0 [sflag:s0], s1  }
0x100: {  	s1 =	ssub.s32 @!p0 $0x0, s1;
	[sflag:s0] =	ssyncset.done @!p0 $0x0  }
0x101: {  	[sflag:s0] =	ssyncadd.s32 @!p0 s1  }
0x102: {  	[bflag:$0x3] =	sbarrier.arrive $0xFFFF  }
0x103: {  	_ =	shalt  }

// kernel: kernel.23.cloned.1.call-start
scs
__scs_entry_jumppad:
0x0: {  	(pc) =	sbr.rel $0x88, $3  }
0x1: {  	(tag) =	ssettag $0x0;
	lr =	simm.s32 $0x1  }
0x2: {  	[smem:$0x3F96] =	sst lr;
	_ =	strace $0xD0000000  }
0x3: {  	_ = 	snop  }
0x4: {  	_ = 	snop  }
0x5: {  	_ = 	snop  }
0x6: {  	_ = 	snop  }
0x7: {  	_ = 	snop  }
__scs_overlays_trampoline_lowered:
0x8: {  	[smem:$0x3FA5] =	sst s0  }
0x9: {  	[smem:$0x3FA6] =	sst s1  }
0xa: {  	[smem:$0x3FA7] =	sst s2  }
0xb: {  	[smem:$0x3FA8] =	sst s3  }
0xc: {  	[smem:$0x3FA9] =	sst s4  }
0xd: {  	[smem:$0x3FAA] =	sst s5  }
0xe: {  	[smem:$0x3FAB] =	sst s6  }
0xf: {  	[smem:$0x3FAC] =	sst s7  }
0x10: {  	[smem:$0x3FAD] =	sst s8  }
0x11: {  	[smem:$0x3FAE] =	sst s9;
	s0 =	simm.s32 @!p0 $0x0  }
0x12: {  	s1 =	sld [smem:$0x3F94];
	s0 =	simm.s32 @p0 $0x1  }
0x13: {  	[smem:$0x3FAF] =	sst s0;
	s0 =	simm.s32 @!p1 $0x0  }
0x14: {  	s2 =	sld [smem:$0x3F93];
	s0 =	simm.s32 @p1 $0x1  }
0x15: {  	[smem:$0x3FB0] =	sst s0;
	s0 =	simm.s32 @!p2 $0x0  }
0x16: {  	s3 =	sld [smem:$0x3FDB];
	s0 =	simm.s32 @p2 $0x1  }
0x17: {  	s4 =	simm.s32 $0x1BF5;
	[smem:$0x3FB2] =	sst s0  }
0x18: {  	s0 =	sld [smem:$0x3F95];
	_ =	swait.ge [sflag:s4], $0x0  }
0x19: {  	s7 =	sld [smem:$0x3F96]  }
0x1a: {  	s8 =	sadd.s32 $0xFFFFE003, lr  }
0x1b: {  	s9 =	sadd.s32 $0xFFFFFEF7, lr;
	s5 =	simm.s32 $0xFFFFFFFF;
	p2 =	slt.u32 s8, $0xFFFFF086  }
0x1c: {  	p1 =	slt.u32 s9, $0xF7A;
	s5 =	simm.s32 @!p2 $0x0  }
0x1d: {  	s5 =	simm.s32 @p1 $0x1;
	p0 =	seq.s32 s7, s2  }
0x1e: {  	s7 =	smul.u32 @!p0 $0xF7A, s2;
	p2 =	seq.s32 @!p0 s5, $0x0  }
0x1f: {  	s9 =	smul.u32 $0xF7A, s1;
	s8 =	simm.s32 @!p0 $0x1BF5;
	p2 =	por !p2, p0  }
0x20: {  	[sflag:s8] =	ssyncset.s32 @!p0 $0xFFFFF086;
	s6 =	sadd.s32 @!p0 s3, s7;
	s7 =	simm.s32 @!p0 $0x108  }
0x21: {  	s3 =	sadd.s32 s3, s9;
	s6 =	sadd.s32 @!p0 $0x88, s6;
	s7 =	simm.s32 @p2 $0x1082  }
0x22: {  	[simem:s7], [sflag:s8] =	dma.local @!p0 [hbm:s6], $0xF7A  }
0x23: {  	s9 =	sor.u32 $0xD0000000, s2;
	s6 =	simm.s32 $0x108;
	_ =	swait.ge @!p0 [sflag:s8], $0x0  }
0x24: {  	s3 =	sadd.s32 $0x88, s3;
	s6 =	simm.s32 @!p1 $0x1082;
	[sflag:s4] =	ssyncset.s32 $0xFFFFF086  }
0x25: {  	[simem:s6], [sflag:s4] =	dma.local [hbm:s3], $0xF7A  }
0x26: {  	[smem:$0x3F96] =	sst s1;
	(tag) =	ssettag s2;
	_ =	strace s9  }
0x27: {  	s1 =	sld [smem:$0x3FA6]  }
0x28: {  	s2 =	sld [smem:$0x3FA7]  }
0x29: {  	s4 =	sld [smem:$0x3FA9]  }
0x2a: {  	p0 =	seq.s32 s5, $0x0;
	s5 =	sld [smem:$0x3FAA]  }
0x2b: {  	s6 =	sld [smem:$0x3FAB]  }
0x2c: {  	s7 =	sld [smem:$0x3FAC]  }
0x2d: {  	s3 =	simm.s32 $0x108;
	s8 =	sld [smem:$0x3FAD]  }
0x2e: {  	s3 =	simm.s32 @!p0 $0x1082;
	s9 =	sld [smem:$0x3FAE]  }
0x2f: {  	lr =	sadd.s32 s0, s3;
	s0 =	sld [smem:$0x3FA5]  }
0x30: {  	s3 =	sld [smem:$0x3FA8]  }
0x31: {  	[smem:$0x3FB1] =	sst s10  }
0x32: {  	s10 =	sld [smem:$0x3FAF];
	_ =	sdelay $0x3  }
0x33: {  	p0 =	seq.s32 s10, $0x1;
	s10 =	sld [smem:$0x3FB1];
	_ =	sdelay $0x3  }
0x34: {  	[smem:$0x3FB1] =	sst s10  }
0x35: {  	s10 =	sld [smem:$0x3FB0];
	_ =	sdelay $0x3  }
0x36: {  	p1 =	seq.s32 s10, $0x1;
	s10 =	sld [smem:$0x3FB1];
	_ =	sdelay $0x3  }
0x37: {  	[smem:$0x3FB1] =	sst s10  }
0x38: {  	s10 =	sld [smem:$0x3FB2]  }
0x39: {  	_ = 	snop;
	(pc) =	sbr.ind lr, $3  }
0x3a: {  	_ = 	snop  }
0x3b: {  	_ = 	snop  }
0x3c: {  	p2 =	seq.s32 s10, $0x1;
	s10 =	sld [smem:$0x3FB1]  }
0x3d: {  	_ =	shalt  }
0x3e: {  	_ =	shalt  }
0x3f: {  	_ =	shalt  }
0x40: {  	_ =	shalt  }
0x41: {  	_ =	shalt  }
0x42: {  	_ =	shalt  }
0x43: {  	_ =	shalt  }
0x44: {  	_ =	shalt  }
0x45: {  	_ =	shalt  }
0x46: {  	_ =	shalt  }
0x47: {  	_ =	shalt  }
0x48: {  	_ =	shalt  }
0x49: {  	_ =	shalt  }
0x4a: {  	_ =	shalt  }
0x4b: {  	_ =	shalt  }
0x4c: {  	_ =	shalt  }
0x4d: {  	_ =	shalt  }
0x4e: {  	_ =	shalt  }
0x4f: {  	_ =	shalt  }
0x50: {  	_ =	shalt  }
0x51: {  	_ =	shalt  }
0x52: {  	_ =	shalt  }
0x53: {  	_ =	shalt  }
0x54: {  	_ =	shalt  }
0x55: {  	_ =	shalt  }
0x56: {  	_ =	shalt  }
0x57: {  	_ =	shalt  }
0x58: {  	_ =	shalt  }
0x59: {  	_ =	shalt  }
0x5a: {  	_ =	shalt  }
0x5b: {  	_ =	shalt  }
0x5c: {  	_ =	shalt  }
0x5d: {  	_ =	shalt  }
0x5e: {  	_ =	shalt  }
0x5f: {  	_ =	shalt  }
0x60: {  	_ =	shalt  }
0x61: {  	_ =	shalt  }
0x62: {  	_ =	shalt  }
0x63: {  	_ =	shalt  }
0x64: {  	_ =	shalt  }
0x65: {  	_ =	shalt  }
0x66: {  	_ =	shalt  }
0x67: {  	_ =	shalt  }
0x68: {  	_ =	shalt  }
0x69: {  	_ =	shalt  }
0x6a: {  	_ =	shalt  }
0x6b: {  	_ =	shalt  }
0x6c: {  	_ =	shalt  }
0x6d: {  	_ =	shalt  }
0x6e: {  	_ =	shalt  }
0x6f: {  	_ =	shalt  }
0x70: {  	_ =	shalt  }
0x71: {  	_ =	shalt  }
0x72: {  	_ =	shalt  }
0x73: {  	_ =	shalt  }
0x74: {  	_ =	shalt  }
0x75: {  	_ =	shalt  }
0x76: {  	_ =	shalt  }
0x77: {  	_ =	shalt  }
0x78: {  	_ =	shalt  }
0x79: {  	_ =	shalt  }
0x7a: {  	_ =	shalt  }
0x7b: {  	_ =	shalt  }
0x7c: {  	_ =	shalt  }
0x7d: {  	_ =	shalt  }
0x7e: {  	_ =	shalt  }
0x7f: {  	_ =	shalt  }
0x80: {  	_ =	shalt  }
0x81: {  	_ =	shalt  }
0x82: {  	_ =	shalt  }
0x83: {  	_ =	shalt  }
0x84: {  	_ =	shalt  }
0x85: {  	_ =	shalt  }
0x86: {  	_ =	shalt  }
0x87: {  	_ =	shalt  }
.Lfunc_end0:
.L_simem_size_0:
called_computation.4_lowered:
.L_overlay_start_0:
0x88: {  	s2 =	sld [smem:$0x3FD9]  }
0x89: {  	s3 =	sld [smem:$0x3FFE];
	_ =	sdelay $0x1  }
0x8a: {  	s1 =	srdreg.scid  }
0x8b: {  	s0 =	sand.u32 $0x1, s1  }
0x8c: {  	s14 =	sshll.u32 s0, $0xA;
	s2 =	sadd.s32 s3, s2  }
0x8d: {  	s2 =	sadd.s32 s2, s14  }
0x8e: {  	[smem:$0x3FBD] =	sst s2  }
0x8f: {  	_ = 	snop  }
0x90: {  	s2 =	sld [smem:$0x3FD0];
	_ =	sdelay $0x2  }
0x91: {  	s15 =	simm.s32 $0xB;
	s4 =	simm.s32 $0x10  }
0x92: {  	[smem:s4], [sflag:s15] =	dma.local [hbm:s2], $0x1  }
0x93: {  	_ =	swait.eq [sflag:s15], $0x1  }
0x94: {  	[sflag:s15] =	ssyncset.done $0x0  }
0x95: {  	[sflag:s15] =	ssyncadd.s32 $0xFFFFFFFF  }
0x96: {  	s16 =	sld [smem:$0x11];
	(tm) =	ssettm $0x1  }
0x97: {  	s17 =	sld [smem:$0x3FFB];
	_ =	sdelay $0x3  }
0x98: {  	_ =	strace s17  }
0x99: {  	s3 =	sld [smem:$0x3FFC];
	_ =	sdelay $0x3  }
0x9a: {  	_ =	strace s3  }
0x9b: {  	s3 =	sld [smem:$0x3FFD];
	_ =	sdelay $0x3  }
0x9c: {  	_ =	strace s3  }
0x9d: {  	_ =	strace $0x8FFFFFFF  }
0x9e: {  	s18 =	sld [smem:$0x3FDB];
	_ =	sdelay $0x1  }
0x9f: {  	s19 =	simm.s32 $_scs_section_size  }
0xa0: {  	s5 =	simm.s32 $_size__tile_overlayer_lowered;
	s6 =	simm.s32 $_tile_overlayer_lowered  }
0xa1: {  	s22 =	simm.s32 $0x1BFF;
	s21 =	sshll.u32 s6, $0x1;
	s3 =	sadd.s32 s19, s18  }
0xa2: {  	s7 =	simm.s32 $0x0;
	s20 =	sshll.u32 s5, $0x1;
	s5 =	sadd.s32 s21, s3  }
0xa3: {  	[timem:s7], [sflag:s22] =	dma.local [hbm:s5], s20  }
0xa4: {  	_ =	swait.ge [sflag:s22], s20  }
0xa5: {  	s4 =	ssub.s32 $0x0, s20;
	[sflag:s22] =	ssyncset.done $0x0  }
0xa6: {  	[sflag:s22] =	ssyncadd.s32 s4;
	_ =	sdelay $0x1  }
0xa7: {  	s23 =	simm.s32 $0x1B8B  }
0xa8: {  	_ =	swait.ge [sflag:s23], $0x1  }
0xa9: {  	[sflag:s23] =	ssyncset.done $0x0  }
0xaa: {  	s25 =	simm.s32 $0x1B8E;
	s24 =	sld [smem:$0x3FFE];
	[sflag:s23] =	ssyncadd.s32 $0xFFFFFFFF  }
0xab: {  	s26 =	simm.s32 $execute0_lowered;
	[smem:$0x3FD2] =	sst s25  }
0xac: {  	s5 =	sshll.u32 s26, $0x1;
	_ =	strace $0x80000052;
	[dreg:$0x1] =	wrdreg $0xFFFFFFFF  }
0xad: {  	s28 =	simm.s32 $_size_execute0_lowered;
	s3 =	sadd.s32 s3, s5;
	[dreg:$0x0] =	wrdreg $0x0  }
0xae: {  	s5 =	sshll.u32 s28, $0x1;
	[dreg:$0x2] =	wrdreg s3  }
0xaf: {  	[dreg:$0x3] =	wrdreg s5  }
0xb0: {  	[dreg:$0x4] =	wrdreg $0xC0  }
0xb1: {  	_ =	task [dreg:s7], $0x5FFFF  }
0xb2: {  	[dreg:$0x1] =	wrdreg $0xFFFFFFFF  }
0xb3: {  	[dreg:$0x0] =	wrdreg $0x60  }
0xb4: {  	[dreg:$0x2] =	wrdreg s16  }
0xb5: {  	[dreg:$0x3] =	wrdreg s24  }
0xb6: {  	[dreg:$0x4] =	wrdreg $0x150000  }
0xb7: {  	[dreg:$0x5] =	wrdreg $0x9  }
0xb8: {  	_ =	task.clear_ibuf [dreg:s7], $0x6FFFF;
	_ =	strace $0x90000052  }
0xb9: {  	s29 =	simm.s32 $0x9;
	_ =	strace $0x80000054  }
0xba: {  	_ =	swait.ge [sflag:s29], $0x1  }
0xbb: {  	[sflag:s29] =	ssyncadd.s32 $0xFFFFFFFF  }
0xbc: {  	_ =	strace $0x90000054  }
0xbd: {  	_ =	sfence  }
0xbe: {  	s30 =	sld [smem:$0x0];
	_ =	sdelay $0x2  }
0xbf: {  	s31 =	sshll.u32 s1, $0xD;
	s1 =	sshrl.u32 s1, $0x2  }
0xc0: {  	s3 =	sand.u32 $0x4000, s31;
	s1 =	sadd.s32 s1, s30  }
0xc1: {  	s0 =	sor.u32 s3, s0;
	s1 =	sshll.u32 s1, $0x11  }
0xc2: {  	s0 =	sor.u32 s1, s0  }
0xc3: {  	s0 =	sadd.s32 $0x8F2B, s0  }
0xc4: {  	[sflag:s0] =	ssyncadd.remote.s32 $0x1  }
0xc5: {  	_ =	sfence.sel $0xFFFF  }
0xc6: {  	[dreg:$0x0] =	wrdreg $0xFFFFFFFF;
	(pc) =	sbr.abs _section_cstart, $3  }
0xc7: {  	[dreg:$0x1] =	wrdreg $0xFFFFFFFF  }
0xc8: {  	_ =	task.clear_ibuf [dreg:s7], $0x2FFFF;
	_ =	strace $0x9FFFFFFF  }
0xc9: {  	(tm) =	ssettm $0x7FFFFFFF  }
tec
execute0_lowered:
.L_overlay_start_1:
0x0: {  	(tag) =	ssettag $0x1  }
0x1: {  	s0 =	rddreg [dreg:$0x0]  }
0x2: {  	s2 =	rddreg [dreg:$0x1]  }
0x3: {  	s1 =	srdreg.scid;
	s3 =	rddreg [dreg:$0x2]  }
0x4: {  	s9 =	stileid.u32;
	s4 =	simm.s32 $0x0;
	s28 =	simm.s32 $0x100  }
0x5: {  	s29 =	simm.s32 $0x9000;
	s31 =	simm.s32 $0xD000;
	s30 =	simm.s32 $0x11000  }
0x6: {  	s1 =	sand.u32 $0x1, s1;
	[smem:$0x7FF] =	sst s4;
	s6 =	smul.u32 $0x28000, s9  }
0x7: {  	s7 =	sadd.s32 $0xD000, s2;
	s5 =	sshll.u32 s1, $0x4;
	_ =	strace $0x80000053  }
0x8: {  	[dreg:$0x4] =	wrdreg s7;
	s24 =	ssub.s32 $0x2, s1;
	s1 =	smul.u32 $0x140000, s1  }
0x9: {  	s5 =	sor.u32 s9, s5;
	s8 =	sshrl.u32 s24, $0x1;
	s9 =	smul.u32 $0x14000, s9  }
0xa: {  	s6 =	sshrl.u32 s6, $0x2;
	s5 =	smul.u32 $0x500, s5;
	s7 =	ssub.s32 s24, s8  }
0xb: {  	s6 =	sadd.s32 s6, s3;
	s8 =	simm.s32 $0x6;
	s26 =	sshrl.u32 s9, $0x1  }
0xc: {  	s11 =	smax.u32 s7, $0x1;
	s12 =	sadd.s32 $0x2000, s6;
	s13 =	sadd.s32 $0x4000, s6  }
0xd: {  	s14 =	sadd.s32 s1, s9;
	s15 =	sadd.s32 $0x6000, s6;
	[dreg:$0x8] =	wrdreg s11  }
0xe: {  	s16 =	sadd.s32 $0x4000, s9;
	s17 =	sadd.s32 $0x8000, s6;
	[dreg:$0x9] =	wrdreg s12  }
0xf: {  	s19 =	sadd.s32 $0x8000, s9;
	s22 =	sadd.s32 $0xC000, s9;
	[dreg:$0xa] =	wrdreg s13  }
0x10: {  	s5 =	sadd.s32 s5, s2;
	s2 =	sadd.s32 $0x17800, s2;
	[dreg:$0xb] =	wrdreg s15  }
0x11: {  	s10 =	sadd.s32 s26, s3;
	[dreg:$0xc] =	wrdreg s17;
	s18 =	sadd.s32 s1, s16  }
0x12: {  	s7 =	sshrl.u32 s16, $0x1;
	s20 =	sadd.s32 s1, s19;
	s21 =	sshrl.u32 s19, $0x1  }
0x13: {  	s23 =	sshrl.u32 s22, $0x1;
	s24 =	sadd.s32 s1, s22;
	s11 =	simm.s32 $0x8  }
0x14: {  	s12 =	simm.s32 $0x0;
	s25 =	sadd.s32 $0xD800, s5;
	[dreg:$0x7] =	wrdreg s10  }
0x15: {  	s5 =	sadd.s32 $0x2E00, s5;
	s16 =	sadd.s32 s7, s3;
	[dreg:$0x5] =	wrdreg s25  }
0x16: {  	s7 =	simm.s32 $0x3;
	s10 =	simm.s32 $0x7;
	[dreg:$0x6] =	wrdreg s5  }
0x17: {  	s5 =	sshrl.u32 s14, $0x4;
	s25 =	sadd.s32 $0x10000, s9;
	s9 =	simm.s32 $0x4  }
0x18: {  	s5 =	sadd.s32 s2, s5;
	s26 =	sshrl.u32 s25, $0x1;
	s1 =	sadd.s32 s1, s25  }
0x19: {  	s25 =	simm.s32 $0x9;
	[dreg:$0xd] =	wrdreg s5;
	s5 =	sshrl.u32 s18, $0x4  }
0x1a: {  	s18 =	sadd.s32 s21, s3;
	s22 =	sadd.s32 s26, s3;
	s1 =	sshrl.u32 s1, $0x4  }
0x1b: {  	s26 =	simm.s32 $0x2800;
	s17 =	sadd.s32 s2, s5;
	s5 =	sshrl.u32 s20, $0x4  }
0x1c: {  	s20 =	sadd.s32 s23, s3;
	s23 =	sadd.s32 s2, s1;
	s1 =	simm.s32 $0x1  }
0x1d: {  	s19 =	sadd.s32 s2, s5;
	s5 =	sshrl.u32 s24, $0x4;
	s24 =	simm.s32 $0x5000  }
0x1e: {  	s21 =	sadd.s32 s2, s5;
	s2 =	simm.s32 $0x2;
	s5 =	simm.s32 $0x5  }
.LBB2_1:
0x1f: {  	s13 =	rddreg [dreg:$0x4]  }
0x20: {  	[tilespmem:s24], [sflag:$0x9] =	stream.linear.gather [hbm4b:s13+s4], $0x4000, $0x38;
	[tilespmem:$0x1F000] =	vst v63  }
0x21: {  	_ =	swait.ge [sflag:s25], $0x4000  }
0x22: {  	[sflag:s25] =	ssyncset.done $0x0  }
0x23: {  	[sflag:s25] =	ssyncadd.s32 $0xFFFFC000  }
0x24: {  	[spmem:s6] =	stream.linear.scatter [tilespmem:s24], [sflag:$0x9], $0x2000, $0x38;
	[tilespmem:$0x1F000] =	vst v63  }
0x25: {  	_ =	swait.ge [sflag:s25], $0x2000  }
0x26: {  	[sflag:s25] =	ssyncset.done $0x0  }
0x27: {  	s14 =	rddreg [dreg:$0x9];
	[sflag:s25] =	ssyncadd.s32 $0xFFFFE000  }
0x28: {  	[spmem:s14] =	stream.linear.scatter [tilespmem:s24], [sflag:$0x9], $0x2000, $0x38;
	[tilespmem:$0x1F000] =	vst v63  }
0x29: {  	_ =	swait.ge [sflag:s25], $0x2000  }
0x2a: {  	[sflag:s25] =	ssyncset.done $0x0  }
0x2b: {  	s15 =	rddreg [dreg:$0xa];
	[sflag:s25] =	ssyncadd.s32 $0xFFFFE000  }
0x2c: {  	[spmem:s15] =	stream.linear.scatter [tilespmem:s24], [sflag:$0x9], $0x2000, $0x38;
	[tilespmem:$0x1F000] =	vst v63  }
0x2d: {  	_ =	swait.ge [sflag:s25], $0x2000  }
0x2e: {  	[sflag:s25] =	ssyncset.done $0x0  }
0x2f: {  	s14 =	rddreg [dreg:$0xb];
	[sflag:s25] =	ssyncadd.s32 $0xFFFFE000  }
0x30: {  	[spmem:s14] =	stream.linear.scatter [tilespmem:s24], [sflag:$0x9], $0x2000, $0x38;
	[tilespmem:$0x1F000] =	vst v63  }
0x31: {  	_ =	swait.ge [sflag:s25], $0x2000  }
0x32: {  	[sflag:s25] =	ssyncset.done $0x0  }
0x33: {  	s15 =	rddreg [dreg:$0xc];
	[sflag:s25] =	ssyncadd.s32 $0xFFFFE000  }
0x34: {  	[spmem:s15] =	stream.linear.scatter [tilespmem:s24], [sflag:$0x9], $0x2000, $0x38;
	[tilespmem:$0x1F000] =	vst v63  }
0x35: {  	_ =	swait.ge [sflag:s25], $0x2000  }
0x36: {  	[sflag:s25] =	ssyncset.done $0x0  }
0x37: {  	s14 =	rddreg [dreg:$0x5];
	[sflag:s25] =	ssyncadd.s32 $0xFFFFE000  }
0x38: {  	[tilespmem:s4], [sflag:$0x9] =	stream.linear.gather [hbm4b:s14+s4], $0x2800, $0x38;
	[tilespmem:$0x1F000] =	vst v63  }
0x39: {  	_ =	swait.ge [sflag:s25], $0x2800  }
0x3a: {  	[sflag:s25] =	ssyncset.done $0x0  }
0x3b: {  	s15 =	rddreg [dreg:$0x6];
	[sflag:s25] =	ssyncadd.s32 $0xFFFFD800  }
0x3c: {  	[tilespmem:s26], [sflag:$0x9] =	stream.linear.gather [hbm4b:s15+s4], $0x2800, $0x38;
	[tilespmem:$0x1F000] =	vst v63  }
0x3d: {  	_ =	swait.ge [sflag:s25], $0x2800  }
0x3e: {  	[sflag:s25] =	ssyncset.done $0x0  }
0x3f: {  	[sflag:s25] =	ssyncadd.s32 $0xFFFFD800  }
0x40: {  	[bflag:$0x0] =	sbarrier.arrive $0xFFFF  }
0x41: {  	[tilespmem:s24], [sflag:$0x1] =	stream.indirect.gather [hbm4b:s0+s28], $0x40, s4, s28, $0xb8;
	[tilespmem:$0x1F000] =	vst v63  }
0x42: {  	_ = 	snop  }
0x43: {  	[tilespmem:s29], [sflag:$0x2] =	stream.indirect.gather [hbm4b:s0+s28], $0x40, s28, s28, $0xb8;
	[tilespmem:$0x1F000] =	vst v63  }
0x44: {  	s14 =	simm.s32 $0x200  }
0x45: {  	[tilespmem:s31], [sflag:$0x3] =	stream.indirect.gather [hbm4b:s0+s28], $0x40, s14, s28, $0xb8;
	[tilespmem:$0x1F000] =	vst v63  }
0x46: {  	_ =	swait.ge [sflag:s1], $0x4000  }
0x47: {  	[sflag:s1] =	ssyncset.done $0x0  }
0x48: {  	[sflag:s1] =	ssyncadd.s32 $0xFFFFC000  }
0x49: {  	[spmem:s3] =	stream.indirect.scatter.add.bf16 [tilespmem:s24], [sflag:$0x5], $0x40, s26, s28, $0xb8;
	[tilespmem:$0x1F000] =	vst v63  }
0x4a: {  	s15 =	simm.s32 $0x300  }
0x4b: {  	[tilespmem:s30], [sflag:$0x4] =	stream.indirect.gather [hbm4b:s0+s28], $0x40, s15, s28, $0xb8;
	[tilespmem:$0x1F000] =	vst v63  }
0x4c: {  	_ =	swait.ge [sflag:s2], $0x4000  }
0x4d: {  	[sflag:s2] =	ssyncset.done $0x0  }
0x4e: {  	s14 =	simm.s32 $0x2900;
	[sflag:s2] =	ssyncadd.s32 $0xFFFFC000  }
0x4f: {  	[spmem:s3] =	stream.indirect.scatter.add.bf16 [tilespmem:s29], [sflag:$0x6], $0x40, s14, s28, $0xb8;
	[tilespmem:$0x1F000] =	vst v63  }
0x50: {  	_ =	swait.ge [sflag:s5], $0x4000  }
0x51: {  	[sflag:s5] =	ssyncset.done $0x0  }
0x52: {  	s15 =	simm.s32 $0x400;
	[sflag:s5] =	ssyncadd.s32 $0xFFFFC000  }
0x53: {  	[tilespmem:s24], [sflag:$0x1] =	stream.indirect.gather [hbm4b:s0+s28], $0x40, s15, s28, $0xb8;
	[tilespmem:$0x1F000] =	vst v63  }
0x54: {  	_ =	swait.ge [sflag:s7], $0x4000  }
0x55: {  	[sflag:s7] =	ssyncset.done $0x0  }
0x56: {  	s14 =	simm.s32 $0x2A00;
	[sflag:s7] =	ssyncadd.s32 $0xFFFFC000  }
0x57: {  	[spmem:s3] =	stream.indirect.scatter.add.bf16 [tilespmem:s31], [sflag:$0x7], $0x40, s14, s28, $0xb8;
	[tilespmem:$0x1F000] =	vst v63  }
0x58: {  	_ =	swait.ge [sflag:s8], $0x4000  }
0x59: {  	[sflag:s8] =	ssyncset.done $0x0  }
0x5a: {  	s15 =	simm.s32 $0x500;
	[sflag:s8] =	ssyncadd.s32 $0xFFFFC000  }
0x5b: {  	[tilespmem:s29], [sflag:$0x2] =	stream.indirect.gather [hbm4b:s0+s28], $0x40, s15, s28, $0xb8;
	[tilespmem:$0x1F000] =	vst v63  }
0x5c: {  	_ =	swait.ge [sflag:s9], $0x4000  }
0x5d: {  	[sflag:s9] =	ssyncset.done $0x0  }
0x5e: {  	s14 =	simm.s32 $0x2B00;
	[sflag:s9] =	ssyncadd.s32 $0xFFFFC000  }
0x5f: {  	[spmem:s3] =	stream.indirect.scatter.add.bf16 [tilespmem:s30], [sflag:$0x8], $0x40, s14, s28, $0xb8;
	[tilespmem:$0x1F000] =	vst v63  }
0x60: {  	_ =	swait.ge [sflag:s10], $0x4000  }
0x61: {  	[sflag:s10] =	ssyncset.done $0x0  }
0x62: {  	s15 =	simm.s32 $0x600;
	[sflag:s10] =	ssyncadd.s32 $0xFFFFC000  }
0x63: {  	[tilespmem:s31], [sflag:$0x3] =	stream.indirect.gather [hbm4b:s0+s28], $0x40, s15, s28, $0xb8;
	[tilespmem:$0x1F000] =	vst v63  }
0x64: {  	_ =	swait.ge [sflag:s1], $0x4000  }
0x65: {  	[sflag:s1] =	ssyncset.done $0x0  }
0x66: {  	s14 =	simm.s32 $0x2C00;
	[sflag:s1] =	ssyncadd.s32 $0xFFFFC000  }
0x67: {  	[spmem:s3] =	stream.indirect.scatter.add.bf16 [tilespmem:s24], [sflag:$0x5], $0x40, s14, s28, $0xb8;
	[tilespmem:$0x1F000] =	vst v63  }
0x68: {  	_ =	swait.ge [sflag:s11], $0x4000  }
0x69: {  	[sflag:s11] =	ssyncset.done $0x0  }
0x6a: {  	s15 =	simm.s32 $0x700;
	[sflag:s11] =	ssyncadd.s32 $0xFFFFC000  }
0x6b: {  	[tilespmem:s30], [sflag:$0x4] =	stream.indirect.gather [hbm4b:s0+s28], $0x40, s15, s28, $0xb8;
	[tilespmem:$0x1F000] =	vst v63  }
0x6c: {  	_ =	swait.ge [sflag:s2], $0x4000  }
0x6d: {  	[sflag:s2] =	ssyncset.done $0x0  }
0x6e: {  	s14 =	simm.s32 $0x2D00;
	[sflag:s2] =	ssyncadd.s32 $0xFFFFC000  }
0x6f: {  	[spmem:s3] =	stream.indirect.scatter.add.bf16 [tilespmem:s29], [sflag:$0x6], $0x40, s14, s28, $0xb8;
	[tilespmem:$0x1F000] =	vst v63  }
0x70: {  	_ =	swait.ge [sflag:s5], $0x4000  }
0x71: {  	[sflag:s5] =	ssyncset.done $0x0  }
0x72: {  	s15 =	simm.s32 $0x800;
	[sflag:s5] =	ssyncadd.s32 $0xFFFFC000  }
0x73: {  	[tilespmem:s24], [sflag:$0x1] =	stream.indirect.gather [hbm4b:s0+s28], $0x40, s15, s28, $0xb8;
	[tilespmem:$0x1F000] =	vst v63  }
0x74: {  	_ =	swait.ge [sflag:s7], $0x4000  }
0x75: {  	[sflag:s7] =	ssyncset.done $0x0  }
0x76: {  	s14 =	simm.s32 $0x2E00;
	[sflag:s7] =	ssyncadd.s32 $0xFFFFC000  }
0x77: {  	[spmem:s3] =	stream.indirect.scatter.add.bf16 [tilespmem:s31], [sflag:$0x7], $0x40, s14, s28, $0xb8;
	[tilespmem:$0x1F000] =	vst v63  }
0x78: {  	_ =	swait.ge [sflag:s8], $0x4000  }
0x79: {  	[sflag:s8] =	ssyncset.done $0x0  }
0x7a: {  	s15 =	simm.s32 $0x900;
	[sflag:s8] =	ssyncadd.s32 $0xFFFFC000  }
0x7b: {  	[tilespmem:s29], [sflag:$0x2] =	stream.indirect.gather [hbm4b:s0+s28], $0x40, s15, s28, $0xb8;
	[tilespmem:$0x1F000] =	vst v63  }
0x7c: {  	_ =	swait.ge [sflag:s9], $0x4000  }
0x7d: {  	[sflag:s9] =	ssyncset.done $0x0  }
0x7e: {  	s13 =	simm.s32 $0x1000;
	s14 =	simm.s32 $0x2F00;
	[sflag:s9] =	ssyncadd.s32 $0xFFFFC000  }
.LBB2_2:
0x7f: {  	[spmem:s3] =	stream.indirect.scatter.add.bf16 [tilespmem:s30], [sflag:$0x8], $0x40, s14, s28, $0xb8;
	[tilespmem:$0x1F000] =	vst v63  }
0x80: {  	s14 =	smov.u32 s13  }
0x81: {  	p0 =	sne.s32 s13, $0x7000;
	s13 =	sadd.s32 $0x1000, s13;
	_ =	swait.ge [sflag:s10], $0x4000  }
0x82: {  	s14 =	sshra.s32 s14, $0x2;
	[sflag:s10] =	ssyncset.done $0x0  }
0x83: {  	s15 =	sadd.s32 $0x600, s14;
	[sflag:s10] =	ssyncadd.s32 $0xFFFFC000  }
0x84: {  	[tilespmem:s31], [sflag:$0x3] =	stream.indirect.gather [hbm4b:s0+s28], $0x40, s15, s28, $0xb8;
	[tilespmem:$0x1F000] =	vst v63  }
0x85: {  	_ =	swait.ge [sflag:s1], $0x4000  }
0x86: {  	[sflag:s1] =	ssyncset.done $0x0  }
0x87: {  	s15 =	sadd.s32 $0x2C00, s14;
	[sflag:s1] =	ssyncadd.s32 $0xFFFFC000  }
0x88: {  	[spmem:s3] =	stream.indirect.scatter.add.bf16 [tilespmem:s24], [sflag:$0x5], $0x40, s15, s28, $0xb8;
	[tilespmem:$0x1F000] =	vst v63  }
0x89: {  	_ =	swait.ge [sflag:s11], $0x4000  }
0x8a: {  	[sflag:s11] =	ssyncset.done $0x0  }
0x8b: {  	s15 =	sadd.s32 $0x700, s14;
	[sflag:s11] =	ssyncadd.s32 $0xFFFFC000  }
0x8c: {  	[tilespmem:s30], [sflag:$0x4] =	stream.indirect.gather [hbm4b:s0+s28], $0x40, s15, s28, $0xb8;
	[tilespmem:$0x1F000] =	vst v63  }
0x8d: {  	_ =	swait.ge [sflag:s2], $0x4000  }
0x8e: {  	[sflag:s2] =	ssyncset.done $0x0  }
0x8f: {  	s15 =	sadd.s32 $0x2D00, s14;
	[sflag:s2] =	ssyncadd.s32 $0xFFFFC000  }
0x90: {  	[spmem:s3] =	stream.indirect.scatter.add.bf16 [tilespmem:s29], [sflag:$0x6], $0x40, s15, s28, $0xb8;
	[tilespmem:$0x1F000] =	vst v63  }
0x91: {  	_ =	swait.ge [sflag:s5], $0x4000  }
0x92: {  	[sflag:s5] =	ssyncset.done $0x0  }
0x93: {  	s15 =	sadd.s32 $0x800, s14;
	[sflag:s5] =	ssyncadd.s32 $0xFFFFC000  }
0x94: {  	[tilespmem:s24], [sflag:$0x1] =	stream.indirect.gather [hbm4b:s0+s28], $0x40, s15, s28, $0xb8;
	[tilespmem:$0x1F000] =	vst v63  }
0x95: {  	_ =	swait.ge [sflag:s7], $0x4000  }
0x96: {  	[sflag:s7] =	ssyncset.done $0x0  }
0x97: {  	s15 =	sadd.s32 $0x2E00, s14;
	[sflag:s7] =	ssyncadd.s32 $0xFFFFC000  }
0x98: {  	[spmem:s3] =	stream.indirect.scatter.add.bf16 [tilespmem:s31], [sflag:$0x7], $0x40, s15, s28, $0xb8;
	[tilespmem:$0x1F000] =	vst v63  }
0x99: {  	_ =	swait.ge [sflag:s8], $0x4000  }
0x9a: {  	[sflag:s8] =	ssyncset.done $0x0  }
.Ltmp0:
0x9b: {  	s15 =	sadd.s32 $0x900, s14;
	[sflag:s8] =	ssyncadd.s32 $0xFFFFC000;
	(pc) =	sbr.rel @p0 .LBB2_2-.Ltmp0, $4  }
0x9c: {  	[tilespmem:s29], [sflag:$0x2] =	stream.indirect.gather [hbm4b:s0+s28], $0x40, s15, s28, $0xb8;
	[tilespmem:$0x1F000] =	vst v63  }
0x9d: {  	_ =	swait.ge [sflag:s9], $0x4000  }
0x9e: {  	[sflag:s9] =	ssyncset.done $0x0  }
0x9f: {  	s14 =	sadd.s32 $0x2F00, s14;
	[sflag:s9] =	ssyncadd.s32 $0xFFFFC000  }
0xa0: {  	[spmem:s3] =	stream.indirect.scatter.add.bf16 [tilespmem:s30], [sflag:$0x8], $0x40, s14, s28, $0xb8;
	[tilespmem:$0x1F000] =	vst v63  }
0xa1: {  	_ =	swait.ge [sflag:s10], $0x4000  }
0xa2: {  	[sflag:s10] =	ssyncset.done $0x0  }
0xa3: {  	s13 =	simm.s32 $0x2600;
	[sflag:s10] =	ssyncadd.s32 $0xFFFFC000  }
0xa4: {  	[tilespmem:s31], [sflag:$0x3] =	stream.indirect.gather [hbm4b:s0+s28], $0x40, s13, s28, $0xb8;
	[tilespmem:$0x1F000] =	vst v63  }
0xa5: {  	_ =	swait.ge [sflag:s1], $0x4000  }
0xa6: {  	[sflag:s1] =	ssyncset.done $0x0  }
0xa7: {  	s14 =	simm.s32 $0x4C00;
	[sflag:s1] =	ssyncadd.s32 $0xFFFFC000  }
0xa8: {  	[spmem:s3] =	stream.indirect.scatter.add.bf16 [tilespmem:s24], [sflag:$0x5], $0x40, s14, s28, $0xb8;
	[tilespmem:$0x1F000] =	vst v63  }
0xa9: {  	_ =	swait.ge [sflag:s11], $0x4000  }
0xaa: {  	[sflag:s11] =	ssyncset.done $0x0  }
0xab: {  	s15 =	simm.s32 $0x2700;
	[sflag:s11] =	ssyncadd.s32 $0xFFFFC000  }
0xac: {  	[tilespmem:s30], [sflag:$0x4] =	stream.indirect.gather [hbm4b:s0+s28], $0x40, s15, s28, $0xb8;
	[tilespmem:$0x1F000] =	vst v63  }
0xad: {  	_ =	swait.ge [sflag:s2], $0x4000  }
0xae: {  	[sflag:s2] =	ssyncset.done $0x0  }
0xaf: {  	s14 =	simm.s32 $0x4D00;
	[sflag:s2] =	ssyncadd.s32 $0xFFFFC000  }
0xb0: {  	[spmem:s3] =	stream.indirect.scatter.add.bf16 [tilespmem:s29], [sflag:$0x6], $0x40, s14, s28, $0xb8;
	[tilespmem:$0x1F000] =	vst v63  }
0xb1: {  	_ =	swait.ge [sflag:s7], $0x4000  }
0xb2: {  	[sflag:s7] =	ssyncset.done $0x0  }
0xb3: {  	s15 =	simm.s32 $0x4E00;
	[sflag:s7] =	ssyncadd.s32 $0xFFFFC000  }
0xb4: {  	[spmem:s3] =	stream.indirect.scatter.add.bf16 [tilespmem:s31], [sflag:$0x7], $0x40, s15, s28, $0xb8;
	[tilespmem:$0x1F000] =	vst v63  }
0xb5: {  	_ =	swait.ge [sflag:s9], $0x4000  }
0xb6: {  	[sflag:s9] =	ssyncset.done $0x0  }
0xb7: {  	s14 =	simm.s32 $0x4F00;
	[sflag:s9] =	ssyncadd.s32 $0xFFFFC000  }
0xb8: {  	[spmem:s3] =	stream.indirect.scatter.add.bf16 [tilespmem:s30], [sflag:$0x8], $0x40, s14, s28, $0xb8;
	[tilespmem:$0x1F000] =	vst v63  }
0xb9: {  	_ =	swait.ge [sflag:s5], $0x4000  }
0xba: {  	[sflag:s5] =	ssyncset.done $0x0  }
0xbb: {  	[sflag:s5] =	ssyncadd.s32 $0xFFFFC000  }
0xbc: {  	_ =	swait.ge [sflag:s8], $0x4000  }
0xbd: {  	[sflag:s8] =	ssyncset.done $0x0  }
0xbe: {  	[sflag:s8] =	ssyncadd.s32 $0xFFFFC000  }
0xbf: {  	_ =	swait.ge [sflag:s10], $0x4000  }
0xc0: {  	[sflag:s10] =	ssyncset.done $0x0  }
0xc1: {  	[sflag:s10] =	ssyncadd.s32 $0xFFFFC000  }
0xc2: {  	_ =	swait.ge [sflag:s11], $0x4000  }
0xc3: {  	[sflag:s11] =	ssyncset.done $0x0  }
0xc4: {  	[sflag:s11] =	ssyncadd.s32 $0xFFFFC000  }
0xc5: {  	[bflag:$0x0] =	sbarrier.arrive $0xFFFF  }
0xc6: {  	s15 =	rddreg [dreg:$0x7]  }
0xc7: {  	[tilespmem:s24], [sflag:$0x9] =	stream.linear.gather [spmem:s15], $0x2000, $0x38;
	[tilespmem:$0x1F000] =	vst v63  }
0xc8: {  	_ =	swait.ge [sflag:s25], $0x2000  }
0xc9: {  	[sflag:s25] =	ssyncset.done $0x0  }
0xca: {  	s14 =	rddreg [dreg:$0xd];
	[sflag:s25] =	ssyncadd.s32 $0xFFFFE000  }
0xcb: {  	[hbm4b:s14+s4] =	stream.linear.scatter [tilespmem:s24], [sflag:$0x9], $0x2000, $0x38;
	[tilespmem:$0x1F000] =	vst v63  }
0xcc: {  	_ =	swait.ge [sflag:s25], $0x2000  }
0xcd: {  	[sflag:s25] =	ssyncset.done $0x0  }
0xce: {  	[sflag:s25] =	ssyncadd.s32 $0xFFFFE000  }
0xcf: {  	[tilespmem:s24], [sflag:$0x9] =	stream.linear.gather [spmem:s16], $0x2000, $0x38;
	[tilespmem:$0x1F000] =	vst v63  }
0xd0: {  	_ =	swait.ge [sflag:s25], $0x2000  }
0xd1: {  	[sflag:s25] =	ssyncset.done $0x0  }
0xd2: {  	[sflag:s25] =	ssyncadd.s32 $0xFFFFE000  }
0xd3: {  	[hbm4b:s17+s4] =	stream.linear.scatter [tilespmem:s24], [sflag:$0x9], $0x2000, $0x38;
	[tilespmem:$0x1F000] =	vst v63  }
0xd4: {  	_ =	swait.ge [sflag:s25], $0x2000  }
0xd5: {  	[sflag:s25] =	ssyncset.done $0x0  }
0xd6: {  	[sflag:s25] =	ssyncadd.s32 $0xFFFFE000  }
0xd7: {  	[tilespmem:s24], [sflag:$0x9] =	stream.linear.gather [spmem:s18], $0x2000, $0x38;
	[tilespmem:$0x1F000] =	vst v63  }
0xd8: {  	_ =	swait.ge [sflag:s25], $0x2000  }
0xd9: {  	[sflag:s25] =	ssyncset.done $0x0  }
0xda: {  	[sflag:s25] =	ssyncadd.s32 $0xFFFFE000  }
0xdb: {  	[hbm4b:s19+s4] =	stream.linear.scatter [tilespmem:s24], [sflag:$0x9], $0x2000, $0x38;
	[tilespmem:$0x1F000] =	vst v63  }
0xdc: {  	_ =	swait.ge [sflag:s25], $0x2000  }
0xdd: {  	[sflag:s25] =	ssyncset.done $0x0  }
0xde: {  	[sflag:s25] =	ssyncadd.s32 $0xFFFFE000  }
0xdf: {  	[tilespmem:s24], [sflag:$0x9] =	stream.linear.gather [spmem:s20], $0x2000, $0x38;
	[tilespmem:$0x1F000] =	vst v63  }
0xe0: {  	_ =	swait.ge [sflag:s25], $0x2000  }
0xe1: {  	[sflag:s25] =	ssyncset.done $0x0  }
0xe2: {  	[sflag:s25] =	ssyncadd.s32 $0xFFFFE000  }
0xe3: {  	[hbm4b:s21+s4] =	stream.linear.scatter [tilespmem:s24], [sflag:$0x9], $0x2000, $0x38;
	[tilespmem:$0x1F000] =	vst v63  }
0xe4: {  	_ =	swait.ge [sflag:s25], $0x2000  }
0xe5: {  	[sflag:s25] =	ssyncset.done $0x0  }
0xe6: {  	[sflag:s25] =	ssyncadd.s32 $0xFFFFE000  }
0xe7: {  	[tilespmem:s24], [sflag:$0x9] =	stream.linear.gather [spmem:s22], $0x2000, $0x38;
	[tilespmem:$0x1F000] =	vst v63  }
0xe8: {  	_ =	swait.ge [sflag:s25], $0x2000  }
0xe9: {  	[sflag:s25] =	ssyncset.done $0x0  }
0xea: {  	[sflag:s25] =	ssyncadd.s32 $0xFFFFE000  }
0xeb: {  	[hbm4b:s23+s4] =	stream.linear.scatter [tilespmem:s24], [sflag:$0x9], $0x2000, $0x38;
	[tilespmem:$0x1F000] =	vst v63  }
0xec: {  	_ =	swait.ge [sflag:s25], $0x2000  }
0xed: {  	s12 =	sadd.s32 $0x1, s12;
	s15 =	rddreg [dreg:$0x8]  }
0xee: {  	p0 =	sne.s32 s12, s15  }
.Ltmp1:
0xef: {  	_ = 	snop;
	(pc) =	sbr.rel @p0 .LBB2_1-.Ltmp1, $3  }
0xf0: {  	_ =	sdelay $0x1  }
0xf1: {  	[sflag:s25] =	ssyncset.done $0x0  }
0xf2: {  	[sflag:s25] =	ssyncadd.s32 $0xFFFFE000  }
0xf3: {  	_ =	sfence.sel $0x180000  }
0xf4: {  	[bflag:$0x0] =	sbarrier.arrive $0xFFFF  }
0xf5: {  	_ =	strace $0x90000053  }
0xf6: {  	s0 =	stileid.u32;
	[bflag:$0x2] =	sbarrier.arrive $0xFFFF  }
0xf7: {  	p0 =	sne.s32 s0, $0x0;
	s0 =	rddreg [dreg:$0x3]  }
0xf8: {  	s0 =	sadd.s32 @!p0 $0x100000, s0  }
0xf9: {  	[sflag:s0] =	ssyncadd.tile.s32 @!p0 $0x1;
	_ =	shalt  }
.Lfunc_end2:
_tile_overlayer_lowered:
.L_overlay_start_2:
0xfa: {  	(tag) =	ssettag $0x2  }
0xfb: {  	s0 =	rddreg [dreg:$0x0];
	s2 =	stileid.u32  }
0xfc: {  	s1 =	rddreg [dreg:$0x1];
	p0 =	sne.s32 s2, $0x0  }
0xfd: {  	s3 =	rddreg [dreg:$0x2];
	[bflag:$0x3] =	sbarrier.arrive $0xFFFF;
	s2 =	simm.s32 @!p0 $0x1C09  }
0xfe: {  	[timem:s3], [sflag:s2] =	dma.local @!p0 [hbm:s0], s1  }
0xff: {  	s0 =	simm.s32 @!p0 $0x9  }
0x100: {  	_ =	swait.ge @!p0 [sflag:s0], s1  }
0x101: {  	s1 =	ssub.s32 @!p0 $0x0, s1;
	[sflag:s0] =	ssyncset.done @!p0 $0x0  }
0x102: {  	[sflag:s0] =	ssyncadd.s32 @!p0 s1  }
0x103: {  	[bflag:$0x3] =	sbarrier.arrive $0xFFFF  }
0x104: {  	_ =	shalt  }

</sc_bundles>
